<compile_context>
chip_gen: v7x
topology: tpu7x:2x2x1
jax: 0.10.2.dev20260603
libtpu: 0.0.44.dev20260713+nightly
codegen_flags: <defaults>
</compile_context>

<pallas_src>
import functools

import jax
import jax.numpy as jnp
from jax import lax
from jax.experimental import pallas as pl
from jax.experimental.pallas import tpu as pltpu
from jax.experimental.pallas import tpu_sc as plsc

LIMIT = 7.0
ACT_ALPHA = 1.702
TBL = 128
NC = 2
NS = 16
NW = NC * NS


def _group_body(te_ref, x_ref, w1_ref, w2_ref, p_ref, b1_ref, b2_ref, out_ref):
    x = x_ref[...].astype(jnp.bfloat16)
    gu = jnp.dot(x, w1_ref[0], preferred_element_type=jnp.float32) + b1_ref[0]
    gur = pltpu.roll(gu, gu.shape[1] - 1, 1)
    gate = jnp.minimum(gu, LIMIT)
    glu = gate * (1.0 / (1.0 + jnp.exp(-ACT_ALPHA * gate)))
    up1 = jnp.clip(gur, -LIMIT, LIMIT) + 1.0
    gated = (glu * up1).astype(jnp.bfloat16)
    gated_c = jnp.dot(gated, p_ref[...],
                      preferred_element_type=jnp.float32).astype(jnp.bfloat16)
    out_ref[...] = (jnp.dot(gated_c, w2_ref[0],
                            preferred_element_type=jnp.float32) + b2_ref[0])


def kernel(hidden_states, routing_weights, gate_up_proj, gate_up_proj_bias,
           down_proj, down_proj_bias, lora_gate_up_A, lora_gate_up_B,
           lora_down_A, lora_down_B, router_indices):
    B_SZ, S, H = hidden_states.shape
    E, _, D = gate_up_proj.shape
    F = D // 2
    R = lora_gate_up_A.shape[1] // H
    scaling = 1.0 / R
    T = B_SZ * S
    TOPK = router_indices.shape[1]
    NA = T * TOPK
    NTILES = NA // TBL + E
    NPAD = NTILES * TBL
    H2 = H // 2

    flat_e = router_indices.reshape(NA)
    onehot = (flat_e[:, None] == jnp.arange(E, dtype=jnp.int32)[None, :]
              ).astype(jnp.float32)
    counts = jnp.sum(onehot, axis=0)
    csum = jnp.cumsum(onehot, axis=0)
    rank = jnp.sum((csum - onehot) * onehot, axis=1)
    padded_counts = jnp.ceil(counts / TBL) * TBL
    ends = jnp.cumsum(padded_counts)
    padded_off = ends - padded_counts
    dest = (onehot @ padded_off + rank).astype(jnp.int32)
    dest2 = dest.reshape(T, TOPK)
    d0 = dest2[:, 0]
    d1 = dest2[:, 1]
    rw0 = routing_weights[:, 0]
    rw1 = routing_weights[:, 1]
    tile_start = jnp.arange(NTILES, dtype=jnp.float32)[:, None] * TBL
    tile_expert = jnp.minimum(
        jnp.sum((tile_start >= ends[None, :]).astype(jnp.int32), axis=1),
        E - 1).astype(jnp.int32)

    A1 = lora_gate_up_A.reshape(E, H, R)
    B1 = lora_gate_up_B.reshape(E, R, D)
    w1_eff = (gate_up_proj + jnp.einsum('ehr,erd->ehd', A1, B1,
                                        preferred_element_type=jnp.float32)
              * scaling).astype(jnp.bfloat16)
    A2 = lora_down_A.reshape(E, F, R)
    B2 = lora_down_B.reshape(E, R, H)
    w2_eff = (down_proj + jnp.einsum('efr,erh->efh', A2, B2,
                                     preferred_element_type=jnp.float32)
              * scaling).astype(jnp.bfloat16)
    psel = (jnp.arange(D, dtype=jnp.int32)[:, None]
            == 2 * jnp.arange(F, dtype=jnp.int32)[None, :]).astype(jnp.bfloat16)
    b1 = gate_up_proj_bias.reshape(E, 1, D)
    b2 = down_proj_bias.reshape(E, 1, H)
    xf = hidden_states.reshape(T, H)

    mesh = plsc.VectorSubcoreMesh(core_axis_name="c", subcore_axis_name="s",
                                  num_cores=NC, num_subcores=NS)
    rows_w = T // NW

    @functools.partial(
        pl.kernel,
        out_type=jax.ShapeDtypeStruct((NPAD, H), jnp.float32),
        mesh=mesh,
        scratch_types=[
            pltpu.VMEM((rows_w, H), jnp.float32),
            pltpu.VMEM((rows_w,), jnp.int32),
            pltpu.VMEM((rows_w,), jnp.int32),
            pltpu.SemaphoreType.DMA,
        ],
    )
    def scatter_rows(x_hbm, d0_hbm, d1_hbm, out_hbm, rows_v, i0_v, i1_v, sem):
        wid = lax.axis_index("s") * NC + lax.axis_index("c")
        base = wid * rows_w
        pltpu.sync_copy(x_hbm.at[pl.ds(base, rows_w)], rows_v)
        pltpu.sync_copy(d0_hbm.at[pl.ds(base, rows_w)], i0_v)
        pltpu.sync_copy(d1_hbm.at[pl.ds(base, rows_w)], i1_v)
        c0 = pltpu.async_copy(rows_v, out_hbm.at[i0_v], sem)
        c1 = pltpu.async_copy(rows_v, out_hbm.at[i1_v], sem)
        c0.wait()
        c1.wait()

    xs = scatter_rows(xf, d0, d1)

    grid_spec = pltpu.PrefetchScalarGridSpec(
        num_scalar_prefetch=1,
        grid=(NTILES,),
        in_specs=[
            pl.BlockSpec((TBL, H), lambda i, te: (i, 0)),
            pl.BlockSpec((1, H, D), lambda i, te: (te[i], 0, 0)),
            pl.BlockSpec((1, F, H), lambda i, te: (te[i], 0, 0)),
            pl.BlockSpec((D, F), lambda i, te: (0, 0)),
            pl.BlockSpec((1, 1, D), lambda i, te: (te[i], 0, 0)),
            pl.BlockSpec((1, 1, H), lambda i, te: (te[i], 0, 0)),
        ],
        out_specs=pl.BlockSpec((TBL, H), lambda i, te: (i, 0)),
    )
    contrib = pl.pallas_call(
        _group_body,
        grid_spec=grid_spec,
        out_shape=jax.ShapeDtypeStruct((NPAD, H), jnp.float32),
    )(tile_expert, xs, w1_eff, w2_eff, psel, b1, b2)

    CH = min(32, rows_w)

    @functools.partial(
        pl.kernel,
        out_type=jax.ShapeDtypeStruct((T, H), jnp.float32),
        mesh=mesh,
        scratch_types=[
            pltpu.VMEM((CH, H), jnp.float32),
            pltpu.VMEM((CH, H), jnp.float32),
            pltpu.VMEM((CH,), jnp.int32),
            pltpu.VMEM((CH,), jnp.int32),
            pltpu.VMEM((CH,), jnp.float32),
            pltpu.VMEM((CH,), jnp.float32),
            pltpu.SemaphoreType.DMA,
        ],
    )
    def combine(contrib_hbm, d0_hbm, d1_hbm, w0_hbm, w1_hbm, out_hbm,
                r0_v, r1_v, i0_v, i1_v, w0_v, w1_v, sem):
        wid = lax.axis_index("s") * NC + lax.axis_index("c")
        for c in range(rows_w // CH):
            tb = wid * rows_w + c * CH
            pltpu.sync_copy(d0_hbm.at[pl.ds(tb, CH)], i0_v)
            pltpu.sync_copy(d1_hbm.at[pl.ds(tb, CH)], i1_v)
            pltpu.sync_copy(w0_hbm.at[pl.ds(tb, CH)], w0_v)
            pltpu.sync_copy(w1_hbm.at[pl.ds(tb, CH)], w1_v)
            g0 = pltpu.async_copy(contrib_hbm.at[i0_v], r0_v, sem)
            g1 = pltpu.async_copy(contrib_hbm.at[i1_v], r1_v, sem)
            g0.wait()
            g1.wait()

            for g in range(CH // 16):
                wv0 = w0_v[pl.ds(g * 16, 16)]
                wv1 = w1_v[pl.ds(g * 16, 16)]
                for tl in range(16):
                    t = g * 16 + tl
                    wt0 = wv0[tl]
                    wt1 = wv1[tl]

                    def vec_body(j, _, t=t, wt0=wt0, wt1=wt1):
                        sl = pl.ds(j * 16, 16)
                        r0_v[t, sl] = wt0 * r0_v[t, sl] + wt1 * r1_v[t, sl]
                        return 0

                    lax.fori_loop(0, H // 16, vec_body, 0)
            pltpu.sync_copy(r0_v, out_hbm.at[pl.ds(tb, CH)])

    out = combine(contrib, d0, d1, rw0, rw1)
    return out.reshape(B_SZ, S, H)

# --- scband reference (transcript-rebuilt; emitter-appended) ---
"""Pipeline reference for scband-expert-lo-ra-31568009625805 (READ-ONLY COPY).

The authoritative reference and input builder live on the scoring server;
editing this copy changes nothing except your own understanding.
"""

import jax, jax.numpy as jnp
import numpy as np

E = 8
H = 1024
F = 1024
D = 2 * F
R = 4
SCALING = 1.0 / R
LIMIT = 7.0
ACT_ALPHA = 1.702
B_SZ = 1
S = 2048
TOPK = 2


def setup_inputs(seed: int = 0) -> dict:
    key = jax.random.key(seed)
    ks = jax.random.split(key, 12)
    hidden_states = jax.random.normal(ks[0], (B_SZ, S, H), dtype=jnp.float32)
    router_indices = jax.random.randint(ks[1], (B_SZ * S, TOPK), 0, E, dtype=jnp.int32)
    routing_weights = jax.random.uniform(ks[2], (B_SZ * S, TOPK), dtype=jnp.float32)
    gate_up_proj = jax.random.normal(ks[3], (E, H, D), dtype=jnp.float32) * 0.02
    gate_up_proj_bias = jnp.zeros((E, D), dtype=jnp.float32)
    down_proj = jax.random.normal(ks[4], (E, F, H), dtype=jnp.float32) * 0.02
    down_proj_bias = jnp.zeros((E, H), dtype=jnp.float32)
    bound1 = 1.0 / np.sqrt(H * R)
    bound2 = 1.0 / np.sqrt(F * R)
    lora_gate_up_A = jax.random.uniform(ks[5], (E, H * R), minval=-bound1, maxval=bound1, dtype=jnp.float32)
    lora_gate_up_B = jax.random.normal(ks[6], (E, R * D), dtype=jnp.float32) * 0.01
    lora_down_A = jax.random.uniform(ks[7], (E, F * R), minval=-bound2, maxval=bound2, dtype=jnp.float32)
    lora_down_B = jax.random.normal(ks[8], (E, R * H), dtype=jnp.float32) * 0.01
    return {
        'hidden_states': hidden_states,
        'routing_weights': routing_weights,
        'gate_up_proj': gate_up_proj,
        'gate_up_proj_bias': gate_up_proj_bias,
        'down_proj': down_proj,
        'down_proj_bias': down_proj_bias,
        'lora_gate_up_A': lora_gate_up_A,
        'lora_gate_up_B': lora_gate_up_B,
        'lora_down_A': lora_down_A,
        'lora_down_B': lora_down_B,
        'router_indices': router_indices,
    }


def reference(hidden_states, routing_weights, gate_up_proj, gate_up_proj_bias,
              down_proj, down_proj_bias, lora_gate_up_A, lora_gate_up_B,
              lora_down_A, lora_down_B, router_indices):
    batch_size = hidden_states.shape[0]
    x = hidden_states.reshape(-1, H)
    out = jnp.zeros_like(x)
    for e in range(E):
        A = lora_gate_up_A[e].reshape(H, R)
        Bm = lora_gate_up_B[e].reshape(R, D)
        lora_update = (x @ A) @ Bm * SCALING
        gate_up = x @ gate_up_proj[e] + lora_update + gate_up_proj_bias[e]
        gate = gate_up[..., ::2]
        up = gate_up[..., 1::2]
        gate = jnp.minimum(gate, LIMIT)
        up = jnp.clip(up, -LIMIT, LIMIT)
        glu = gate * jax.nn.sigmoid(gate * ACT_ALPHA)
        gated = (up + 1.0) * glu
        A2 = lora_down_A[e].reshape(F, R)
        B2 = lora_down_B[e].reshape(R, H)
        lora_update2 = (gated @ A2) @ B2 * SCALING
        o = gated @ down_proj[e] + lora_update2 + down_proj_bias[e]
        for k in range(TOPK):
            w = jnp.where(router_indices[:, k] == e, routing_weights[:, k], 0.0)
            out = out + o * w[:, None]
    return out.reshape(batch_size, -1, H)

if __name__ == "__main__":
    import jax
    _d = setup_inputs()
    print(jax.jit(kernel)(*tuple(_d.values())))

</pallas_src>

<mosaic_0001>
#map = affine_map<(d0, d1) -> (0, 0)>
#map1 = affine_map<(d0, d1) -> (0)>
module attributes {stable_mosaic.version = 14 : i64} {
  func.func @combine(%arg0: i32, %arg1: i32, %arg2: memref<5120x1024xf32, #tpu.memory_space<hbm>>, %arg3: memref<2048xi32, #tpu.memory_space<hbm>>, %arg4: memref<2048xi32, #tpu.memory_space<hbm>>, %arg5: memref<2048xf32, #tpu.memory_space<hbm>>, %arg6: memref<2048xf32, #tpu.memory_space<hbm>>, %arg7: memref<2048x1024xf32, #tpu.memory_space<hbm>>, %arg8: memref<32x1024xf32, #tpu.memory_space<vmem>>, %arg9: memref<32x1024xf32, #tpu.memory_space<vmem>>, %arg10: memref<32xi32, #tpu.memory_space<vmem>>, %arg11: memref<32xi32, #tpu.memory_space<vmem>>, %arg12: memref<32xf32, #tpu.memory_space<vmem>>, %arg13: memref<32xf32, #tpu.memory_space<vmem>>, %arg14: memref<!tpu.dma_semaphore, #tpu.memory_space<semaphore_mem>>) attributes {dimension_semantics = [#tpu.dimension_semantics<core_parallel>, #tpu.dimension_semantics<subcore_parallel>], iteration_bounds = array<i64: 2, 16>, scalar_prefetch = 0 : i64, scratch_operands = 7 : i64, tpu.core_type = #tpu.core_type<sc_vector_subcore>, window_params = [{transform_indices = #map}, {transform_indices = #map1}, {transform_indices = #map1}, {transform_indices = #map1}, {transform_indices = #map1}, {transform_indices = #map}]} {
    %mul3A = arith.constant 2 : i32
    %mul3A_0 = arith.muli %arg1, %mul3A : i32
    %add3A = arith.addi %mul3A_0, %arg0 : i32
    %mul3A_1 = arith.constant 64 : i32
    %mul3A_2 = arith.muli %add3A, %mul3A_1 : i32
    %add3A_3 = arith.constant 0 : i32
    %add3A_4 = arith.addi %mul3A_2, %add3A_3 : i32
    "tpu.region"() ({
      %run_scoped3A = tpu.sem_alloc : memref<!tpu.dma_semaphore, #tpu.memory_space<semaphore_mem>>
      %dma_start3A_755 = tpu.memref_slice %arg3[%add3A_4] : memref<2048xi32, #tpu.memory_space<hbm>> -> memref<32xi32, #tpu.memory_space<hbm>>
      %dma_start3A_756 = tpu.memref_slice %arg3[%add3A_4] : memref<2048xi32, #tpu.memory_space<hbm>> -> memref<32xi32, #tpu.memory_space<hbm>>
      tpu.enqueue_dma source(%dma_start3A_756 : memref<32xi32, #tpu.memory_space<hbm>>) target(%arg10 : memref<32xi32, #tpu.memory_space<vmem>>) target_semaphore(%run_scoped3A : memref<!tpu.dma_semaphore, #tpu.memory_space<semaphore_mem>>)
      %dma_wait3A_757 = tpu.memref_slice %arg3[%add3A_4] : memref<2048xi32, #tpu.memory_space<hbm>> -> memref<32xi32, #tpu.memory_space<hbm>>
      %dma_wait3A_758 = tpu.memref_slice %arg3[%add3A_4] : memref<2048xi32, #tpu.memory_space<hbm>> -> memref<32xi32, #tpu.memory_space<hbm>>
      tpu.wait_dma2 semaphore(%run_scoped3A : memref<!tpu.dma_semaphore, #tpu.memory_space<semaphore_mem>>) src(%dma_wait3A_758 : memref<32xi32, #tpu.memory_space<hbm>>) dst(%arg10 : memref<32xi32, #tpu.memory_space<vmem>>)
      tpu.yield
    }) : () -> ()
    "tpu.region"() ({
      %run_scoped3A = tpu.sem_alloc : memref<!tpu.dma_semaphore, #tpu.memory_space<semaphore_mem>>
      %dma_start3A_755 = tpu.memref_slice %arg4[%add3A_4] : memref<2048xi32, #tpu.memory_space<hbm>> -> memref<32xi32, #tpu.memory_space<hbm>>
      %dma_start3A_756 = tpu.memref_slice %arg4[%add3A_4] : memref<2048xi32, #tpu.memory_space<hbm>> -> memref<32xi32, #tpu.memory_space<hbm>>
      tpu.enqueue_dma source(%dma_start3A_756 : memref<32xi32, #tpu.memory_space<hbm>>) target(%arg11 : memref<32xi32, #tpu.memory_space<vmem>>) target_semaphore(%run_scoped3A : memref<!tpu.dma_semaphore, #tpu.memory_space<semaphore_mem>>)
      %dma_wait3A_757 = tpu.memref_slice %arg4[%add3A_4] : memref<2048xi32, #tpu.memory_space<hbm>> -> memref<32xi32, #tpu.memory_space<hbm>>
      %dma_wait3A_758 = tpu.memref_slice %arg4[%add3A_4] : memref<2048xi32, #tpu.memory_space<hbm>> -> memref<32xi32, #tpu.memory_space<hbm>>
      tpu.wait_dma2 semaphore(%run_scoped3A : memref<!tpu.dma_semaphore, #tpu.memory_space<semaphore_mem>>) src(%dma_wait3A_758 : memref<32xi32, #tpu.memory_space<hbm>>) dst(%arg11 : memref<32xi32, #tpu.memory_space<vmem>>)
      tpu.yield
    }) : () -> ()
    "tpu.region"() ({
      %run_scoped3A = tpu.sem_alloc : memref<!tpu.dma_semaphore, #tpu.memory_space<semaphore_mem>>
      %dma_start3A_755 = tpu.memref_slice %arg5[%add3A_4] : memref<2048xf32, #tpu.memory_space<hbm>> -> memref<32xf32, #tpu.memory_space<hbm>>
      %dma_start3A_756 = tpu.memref_slice %arg5[%add3A_4] : memref<2048xf32, #tpu.memory_space<hbm>> -> memref<32xf32, #tpu.memory_space<hbm>>
      tpu.enqueue_dma source(%dma_start3A_756 : memref<32xf32, #tpu.memory_space<hbm>>) target(%arg12 : memref<32xf32, #tpu.memory_space<vmem>>) target_semaphore(%run_scoped3A : memref<!tpu.dma_semaphore, #tpu.memory_space<semaphore_mem>>)
      %dma_wait3A_757 = tpu.memref_slice %arg5[%add3A_4] : memref<2048xf32, #tpu.memory_space<hbm>> -> memref<32xf32, #tpu.memory_space<hbm>>
      %dma_wait3A_758 = tpu.memref_slice %arg5[%add3A_4] : memref<2048xf32, #tpu.memory_space<hbm>> -> memref<32xf32, #tpu.memory_space<hbm>>
      tpu.wait_dma2 semaphore(%run_scoped3A : memref<!tpu.dma_semaphore, #tpu.memory_space<semaphore_mem>>) src(%dma_wait3A_758 : memref<32xf32, #tpu.memory_space<hbm>>) dst(%arg12 : memref<32xf32, #tpu.memory_space<vmem>>)
      tpu.yield
    }) : () -> ()
    "tpu.region"() ({
      %run_scoped3A = tpu.sem_alloc : memref<!tpu.dma_semaphore, #tpu.memory_space<semaphore_mem>>
      %dma_start3A_755 = tpu.memref_slice %arg6[%add3A_4] : memref<2048xf32, #tpu.memory_space<hbm>> -> memref<32xf32, #tpu.memory_space<hbm>>
      %dma_start3A_756 = tpu.memref_slice %arg6[%add3A_4] : memref<2048xf32, #tpu.memory_space<hbm>> -> memref<32xf32, #tpu.memory_space<hbm>>
      tpu.enqueue_dma source(%dma_start3A_756 : memref<32xf32, #tpu.memory_space<hbm>>) target(%arg13 : memref<32xf32, #tpu.memory_space<vmem>>) target_semaphore(%run_scoped3A : memref<!tpu.dma_semaphore, #tpu.memory_space<semaphore_mem>>)
      %dma_wait3A_757 = tpu.memref_slice %arg6[%add3A_4] : memref<2048xf32, #tpu.memory_space<hbm>> -> memref<32xf32, #tpu.memory_space<hbm>>
      %dma_wait3A_758 = tpu.memref_slice %arg6[%add3A_4] : memref<2048xf32, #tpu.memory_space<hbm>> -> memref<32xf32, #tpu.memory_space<hbm>>
      tpu.wait_dma2 semaphore(%run_scoped3A : memref<!tpu.dma_semaphore, #tpu.memory_space<semaphore_mem>>) src(%dma_wait3A_758 : memref<32xf32, #tpu.memory_space<hbm>>) dst(%arg13 : memref<32xf32, #tpu.memory_space<vmem>>)
      tpu.yield
    }) : () -> ()
    %dma_start3A = arith.constant 0 : i32
    %dma_start3A_5 = arith.constant 0 : i32
    %dma_start3A_6 = tpu.memref_slice %arg2[%dma_start3A, %dma_start3A_5] : memref<5120x1024xf32, #tpu.memory_space<hbm>> -> memref<5120x1024xf32, #tpu.memory_space<hbm>>
    tpu.enqueue_indirect_dma source(%dma_start3A_6 : memref<5120x1024xf32, #tpu.memory_space<hbm>>) target(%arg8 : memref<32x1024xf32, #tpu.memory_space<vmem>>) offsets(%arg10 : memref<32xi32, #tpu.memory_space<vmem>>) semaphore(%arg14 : memref<!tpu.dma_semaphore, #tpu.memory_space<semaphore_mem>>)
    %dma_start3A_7 = arith.constant 0 : i32
    %dma_start3A_8 = arith.constant 0 : i32
    %dma_start3A_9 = tpu.memref_slice %arg2[%dma_start3A_7, %dma_start3A_8] : memref<5120x1024xf32, #tpu.memory_space<hbm>> -> memref<5120x1024xf32, #tpu.memory_space<hbm>>
    tpu.enqueue_indirect_dma source(%dma_start3A_9 : memref<5120x1024xf32, #tpu.memory_space<hbm>>) target(%arg9 : memref<32x1024xf32, #tpu.memory_space<vmem>>) offsets(%arg11 : memref<32xi32, #tpu.memory_space<vmem>>) semaphore(%arg14 : memref<!tpu.dma_semaphore, #tpu.memory_space<semaphore_mem>>)
    %dma_wait3A = arith.constant 0 : i32
    %dma_wait3A_10 = arith.constant 0 : i32
    %dma_wait3A_11 = tpu.memref_slice %arg2[%dma_wait3A, %dma_wait3A_10] : memref<5120x1024xf32, #tpu.memory_space<hbm>> -> memref<5120x1024xf32, #tpu.memory_space<hbm>>
    tpu.wait_indirect_dma semaphore(%arg14 : memref<!tpu.dma_semaphore, #tpu.memory_space<semaphore_mem>>) src(%dma_wait3A_11 : memref<5120x1024xf32, #tpu.memory_space<hbm>>) dst(%arg8 : memref<32x1024xf32, #tpu.memory_space<vmem>>)
    %dma_wait3A_12 = arith.constant 0 : i32
    %dma_wait3A_13 = arith.constant 0 : i32
    %dma_wait3A_14 = tpu.memref_slice %arg2[%dma_wait3A_12, %dma_wait3A_13] : memref<5120x1024xf32, #tpu.memory_space<hbm>> -> memref<5120x1024xf32, #tpu.memory_space<hbm>>
    tpu.wait_indirect_dma semaphore(%arg14 : memref<!tpu.dma_semaphore, #tpu.memory_space<semaphore_mem>>) src(%dma_wait3A_14 : memref<5120x1024xf32, #tpu.memory_space<hbm>>) dst(%arg9 : memref<32x1024xf32, #tpu.memory_space<vmem>>)
    %get3A = arith.constant 0 : index
    %get3A_15 = tpu.vector_load %arg12[%get3A] {strides = array<i32>} : memref<32xf32, #tpu.memory_space<vmem>>, vector<16xf32>,
    %get3A_16 = vector.shape_cast %get3A_15 : vector<16xf32> to vector<16xf32>
    %get3A_17 = arith.constant 0 : index
    %get3A_18 = tpu.vector_load %arg13[%get3A_17] {strides = array<i32>} : memref<32xf32, #tpu.memory_space<vmem>>, vector<16xf32>,
    %get3A_19 = vector.shape_cast %get3A_18 : vector<16xf32> to vector<16xf32>
    %slice3A = vector.extract_strided_slice %get3A_16 {offsets = [0], sizes = [1], strides = [1]} : vector<16xf32> to vector<1xf32>
    %squeeze3A = vector.extract %slice3A[0] : f32 from vector<1xf32>
    %slice3A_20 = vector.extract_strided_slice %get3A_19 {offsets = [0], sizes = [1], strides = [1]} : vector<16xf32> to vector<1xf32>
    %squeeze3A_21 = vector.extract %slice3A_20[0] : f32 from vector<1xf32>
    %scan3A = arith.constant 0 : i32
    %scan3A_22 = arith.constant 0 : i32
    %scan3A_23 = arith.constant 64 : i32
    %scan3A_24 = arith.addi %scan3A_22, %scan3A_23 : i32
    %scan3A_25 = arith.constant 1 : i32
    %scan3A_26 = scf.for %scan3A_755 = %scan3A_22 to %scan3A_24 step %scan3A_25 iter_args(%scan3A_756 = %scan3A) -> (i32)  : i32 {
      %mul3A_757 = arith.constant 16 : i32
      %mul3A_758 = arith.muli %scan3A_755, %mul3A_757 : i32
      %get3A_759 = arith.constant 0 : i32
      %get3A_760 = arith.index_cast %get3A_759 : i32 to index
      %get3A_761 = arith.index_cast %mul3A_758 : i32 to index
      %get3A_762 = tpu.vector_load %arg8[%get3A_760, %get3A_761] {strides = array<i32>} : memref<32x1024xf32, #tpu.memory_space<vmem>>, vector<1x16xf32>,
      %get3A_763 = vector.shape_cast %get3A_762 : vector<1x16xf32> to vector<16xf32>
      %mul3A_764 = vector.broadcast %squeeze3A : f32 to vector<16xf32>
      %mul3A_765 = arith.mulf %mul3A_764, %get3A_763 : vector<16xf32>
      %get3A_766 = arith.constant 0 : i32
      %get3A_767 = arith.index_cast %get3A_766 : i32 to index
      %get3A_768 = arith.index_cast %mul3A_758 : i32 to index
      %get3A_769 = tpu.vector_load %arg9[%get3A_767, %get3A_768] {strides = array<i32>} : memref<32x1024xf32, #tpu.memory_space<vmem>>, vector<1x16xf32>,
      %get3A_770 = vector.shape_cast %get3A_769 : vector<1x16xf32> to vector<16xf32>
      %mul3A_771 = vector.broadcast %squeeze3A_21 : f32 to vector<16xf32>
      %mul3A_772 = arith.mulf %mul3A_771, %get3A_770 : vector<16xf32>
      %add3A_773 = arith.addf %mul3A_765, %mul3A_772 : vector<16xf32>
      %swap3A = arith.constant 0 : i32
      %swap3A_774 = arith.index_cast %swap3A : i32 to index
      %swap3A_775 = arith.index_cast %mul3A_758 : i32 to index
      %swap3A_776 = tpu.vector_load %arg8[%swap3A_774, %swap3A_775] {strides = array<i32>} : memref<32x1024xf32, #tpu.memory_space<vmem>>, vector<1x16xf32>,
      %swap3A_777 = vector.shape_cast %swap3A_776 : vector<1x16xf32> to vector<16xf32>
      %swap3A_778 = vector.shape_cast %add3A_773 : vector<16xf32> to vector<1x16xf32>
      tpu.vector_store %arg8[%swap3A_774, %swap3A_775], %swap3A_778 {strides = array<i32>} : memref<32x1024xf32, #tpu.memory_space<vmem>>, vector<1x16xf32>,
      %scan3A_779 = arith.constant 0 : i32
      scf.yield %scan3A_779 : i32
    }
    %scan3A_27 = arith.constant 64 : i32
    %slice3A_28 = vector.extract_strided_slice %get3A_16 {offsets = [1], sizes = [1], strides = [1]} : vector<16xf32> to vector<1xf32>
    %squeeze3A_29 = vector.extract %slice3A_28[0] : f32 from vector<1xf32>
    %slice3A_30 = vector.extract_strided_slice %get3A_19 {offsets = [1], sizes = [1], strides = [1]} : vector<16xf32> to vector<1xf32>
    %squeeze3A_31 = vector.extract %slice3A_30[0] : f32 from vector<1xf32>
    %scan3A_32 = arith.constant 0 : i32
    %scan3A_33 = arith.constant 0 : i32
    %scan3A_34 = arith.constant 64 : i32
    %scan3A_35 = arith.addi %scan3A_33, %scan3A_34 : i32
    %scan3A_36 = arith.constant 1 : i32
    %scan3A_37 = scf.for %scan3A_755 = %scan3A_33 to %scan3A_35 step %scan3A_36 iter_args(%scan3A_756 = %scan3A_32) -> (i32)  : i32 {
      %mul3A_757 = arith.constant 16 : i32
      %mul3A_758 = arith.muli %scan3A_755, %mul3A_757 : i32
      %get3A_759 = arith.constant 1 : i32
      %get3A_760 = arith.index_cast %get3A_759 : i32 to index
      %get3A_761 = arith.index_cast %mul3A_758 : i32 to index
      %get3A_762 = tpu.vector_load %arg8[%get3A_760, %get3A_761] {strides = array<i32>} : memref<32x1024xf32, #tpu.memory_space<vmem>>, vector<1x16xf32>,
      %get3A_763 = vector.shape_cast %get3A_762 : vector<1x16xf32> to vector<16xf32>
      %mul3A_764 = vector.broadcast %squeeze3A_29 : f32 to vector<16xf32>
      %mul3A_765 = arith.mulf %mul3A_764, %get3A_763 : vector<16xf32>
      %get3A_766 = arith.constant 1 : i32
      %get3A_767 = arith.index_cast %get3A_766 : i32 to index
      %get3A_768 = arith.index_cast %mul3A_758 : i32 to index
      %get3A_769 = tpu.vector_load %arg9[%get3A_767, %get3A_768] {strides = array<i32>} : memref<32x1024xf32, #tpu.memory_space<vmem>>, vector<1x16xf32>,
      %get3A_770 = vector.shape_cast %get3A_769 : vector<1x16xf32> to vector<16xf32>
      %mul3A_771 = vector.broadcast %squeeze3A_31 : f32 to vector<16xf32>
      %mul3A_772 = arith.mulf %mul3A_771, %get3A_770 : vector<16xf32>
      %add3A_773 = arith.addf %mul3A_765, %mul3A_772 : vector<16xf32>
      %swap3A = arith.constant 1 : i32
      %swap3A_774 = arith.index_cast %swap3A : i32 to index
      %swap3A_775 = arith.index_cast %mul3A_758 : i32 to index
      %swap3A_776 = tpu.vector_load %arg8[%swap3A_774, %swap3A_775] {strides = array<i32>} : memref<32x1024xf32, #tpu.memory_space<vmem>>, vector<1x16xf32>,
      %swap3A_777 = vector.shape_cast %swap3A_776 : vector<1x16xf32> to vector<16xf32>
      %swap3A_778 = vector.shape_cast %add3A_773 : vector<16xf32> to vector<1x16xf32>
      tpu.vector_store %arg8[%swap3A_774, %swap3A_775], %swap3A_778 {strides = array<i32>} : memref<32x1024xf32, #tpu.memory_space<vmem>>, vector<1x16xf32>,
      %scan3A_779 = arith.constant 0 : i32
      scf.yield %scan3A_779 : i32
    }
    %scan3A_38 = arith.constant 64 : i32
    %slice3A_39 = vector.extract_strided_slice %get3A_16 {offsets = [2], sizes = [1], strides = [1]} : vector<16xf32> to vector<1xf32>
    %squeeze3A_40 = vector.extract %slice3A_39[0] : f32 from vector<1xf32>
    %slice3A_41 = vector.extract_strided_slice %get3A_19 {offsets = [2], sizes = [1], strides = [1]} : vector<16xf32> to vector<1xf32>
    %squeeze3A_42 = vector.extract %slice3A_41[0] : f32 from vector<1xf32>
    %scan3A_43 = arith.constant 0 : i32
    %scan3A_44 = arith.constant 0 : i32
    %scan3A_45 = arith.constant 64 : i32
    %scan3A_46 = arith.addi %scan3A_44, %scan3A_45 : i32
    %scan3A_47 = arith.constant 1 : i32
    %scan3A_48 = scf.for %scan3A_755 = %scan3A_44 to %scan3A_46 step %scan3A_47 iter_args(%scan3A_756 = %scan3A_43) -> (i32)  : i32 {
      %mul3A_757 = arith.constant 16 : i32
      %mul3A_758 = arith.muli %scan3A_755, %mul3A_757 : i32
      %get3A_759 = arith.constant 2 : i32
      %get3A_760 = arith.index_cast %get3A_759 : i32 to index
      %get3A_761 = arith.index_cast %mul3A_758 : i32 to index
      %get3A_762 = tpu.vector_load %arg8[%get3A_760, %get3A_761] {strides = array<i32>} : memref<32x1024xf32, #tpu.memory_space<vmem>>, vector<1x16xf32>,
      %get3A_763 = vector.shape_cast %get3A_762 : vector<1x16xf32> to vector<16xf32>
      %mul3A_764 = vector.broadcast %squeeze3A_40 : f32 to vector<16xf32>
      %mul3A_765 = arith.mulf %mul3A_764, %get3A_763 : vector<16xf32>
      %get3A_766 = arith.constant 2 : i32
      %get3A_767 = arith.index_cast %get3A_766 : i32 to index
      %get3A_768 = arith.index_cast %mul3A_758 : i32 to index
      %get3A_769 = tpu.vector_load %arg9[%get3A_767, %get3A_768] {strides = array<i32>} : memref<32x1024xf32, #tpu.memory_space<vmem>>, vector<1x16xf32>,
      %get3A_770 = vector.shape_cast %get3A_769 : vector<1x16xf32> to vector<16xf32>
      %mul3A_771 = vector.broadcast %squeeze3A_42 : f32 to vector<16xf32>
      %mul3A_772 = arith.mulf %mul3A_771, %get3A_770 : vector<16xf32>
      %add3A_773 = arith.addf %mul3A_765, %mul3A_772 : vector<16xf32>
      %swap3A = arith.constant 2 : i32
      %swap3A_774 = arith.index_cast %swap3A : i32 to index
      %swap3A_775 = arith.index_cast %mul3A_758 : i32 to index
      %swap3A_776 = tpu.vector_load %arg8[%swap3A_774, %swap3A_775] {strides = array<i32>} : memref<32x1024xf32, #tpu.memory_space<vmem>>, vector<1x16xf32>,
      %swap3A_777 = vector.shape_cast %swap3A_776 : vector<1x16xf32> to vector<16xf32>
      %swap3A_778 = vector.shape_cast %add3A_773 : vector<16xf32> to vector<1x16xf32>
      tpu.vector_store %arg8[%swap3A_774, %swap3A_775], %swap3A_778 {strides = array<i32>} : memref<32x1024xf32, #tpu.memory_space<vmem>>, vector<1x16xf32>,
      %scan3A_779 = arith.constant 0 : i32
      scf.yield %scan3A_779 : i32
    }
    %scan3A_49 = arith.constant 64 : i32
    %slice3A_50 = vector.extract_strided_slice %get3A_16 {offsets = [3], sizes = [1], strides = [1]} : vector<16xf32> to vector<1xf32>
    %squeeze3A_51 = vector.extract %slice3A_50[0] : f32 from vector<1xf32>
    %slice3A_52 = vector.extract_strided_slice %get3A_19 {offsets = [3], sizes = [1], strides = [1]} : vector<16xf32> to vector<1xf32>
    %squeeze3A_53 = vector.extract %slice3A_52[0] : f32 from vector<1xf32>
    %scan3A_54 = arith.constant 0 : i32
    %scan3A_55 = arith.constant 0 : i32
    %scan3A_56 = arith.constant 64 : i32
    %scan3A_57 = arith.addi %scan3A_55, %scan3A_56 : i32
    %scan3A_58 = arith.constant 1 : i32
    %scan3A_59 = scf.for %scan3A_755 = %scan3A_55 to %scan3A_57 step %scan3A_58 iter_args(%scan3A_756 = %scan3A_54) -> (i32)  : i32 {
      %mul3A_757 = arith.constant 16 : i32
      %mul3A_758 = arith.muli %scan3A_755, %mul3A_757 : i32
      %get3A_759 = arith.constant 3 : i32
      %get3A_760 = arith.index_cast %get3A_759 : i32 to index
      %get3A_761 = arith.index_cast %mul3A_758 : i32 to index
      %get3A_762 = tpu.vector_load %arg8[%get3A_760, %get3A_761] {strides = array<i32>} : memref<32x1024xf32, #tpu.memory_space<vmem>>, vector<1x16xf32>,
      %get3A_763 = vector.shape_cast %get3A_762 : vector<1x16xf32> to vector<16xf32>
      %mul3A_764 = vector.broadcast %squeeze3A_51 : f32 to vector<16xf32>
      %mul3A_765 = arith.mulf %mul3A_764, %get3A_763 : vector<16xf32>
      %get3A_766 = arith.constant 3 : i32
      %get3A_767 = arith.index_cast %get3A_766 : i32 to index
      %get3A_768 = arith.index_cast %mul3A_758 : i32 to index
      %get3A_769 = tpu.vector_load %arg9[%get3A_767, %get3A_768] {strides = array<i32>} : memref<32x1024xf32, #tpu.memory_space<vmem>>, vector<1x16xf32>,
      %get3A_770 = vector.shape_cast %get3A_769 : vector<1x16xf32> to vector<16xf32>
      %mul3A_771 = vector.broadcast %squeeze3A_53 : f32 to vector<16xf32>
      %mul3A_772 = arith.mulf %mul3A_771, %get3A_770 : vector<16xf32>
      %add3A_773 = arith.addf %mul3A_765, %mul3A_772 : vector<16xf32>
      %swap3A = arith.constant 3 : i32
      %swap3A_774 = arith.index_cast %swap3A : i32 to index
      %swap3A_775 = arith.index_cast %mul3A_758 : i32 to index
      %swap3A_776 = tpu.vector_load %arg8[%swap3A_774, %swap3A_775] {strides = array<i32>} : memref<32x1024xf32, #tpu.memory_space<vmem>>, vector<1x16xf32>,
      %swap3A_777 = vector.shape_cast %swap3A_776 : vector<1x16xf32> to vector<16xf32>
      %swap3A_778 = vector.shape_cast %add3A_773 : vector<16xf32> to vector<1x16xf32>
      tpu.vector_store %arg8[%swap3A_774, %swap3A_775], %swap3A_778 {strides = array<i32>} : memref<32x1024xf32, #tpu.memory_space<vmem>>, vector<1x16xf32>,
      %scan3A_779 = arith.constant 0 : i32
      scf.yield %scan3A_779 : i32
    }
    %scan3A_60 = arith.constant 64 : i32
    %slice3A_61 = vector.extract_strided_slice %get3A_16 {offsets = [4], sizes = [1], strides = [1]} : vector<16xf32> to vector<1xf32>
    %squeeze3A_62 = vector.extract %slice3A_61[0] : f32 from vector<1xf32>
    %slice3A_63 = vector.extract_strided_slice %get3A_19 {offsets = [4], sizes = [1], strides = [1]} : vector<16xf32> to vector<1xf32>
    %squeeze3A_64 = vector.extract %slice3A_63[0] : f32 from vector<1xf32>
    %scan3A_65 = arith.constant 0 : i32
    %scan3A_66 = arith.constant 0 : i32
    %scan3A_67 = arith.constant 64 : i32
    %scan3A_68 = arith.addi %scan3A_66, %scan3A_67 : i32
    %scan3A_69 = arith.constant 1 : i32
    %scan3A_70 = scf.for %scan3A_755 = %scan3A_66 to %scan3A_68 step %scan3A_69 iter_args(%scan3A_756 = %scan3A_65) -> (i32)  : i32 {
      %mul3A_757 = arith.constant 16 : i32
      %mul3A_758 = arith.muli %scan3A_755, %mul3A_757 : i32
      %get3A_759 = arith.constant 4 : i32
      %get3A_760 = arith.index_cast %get3A_759 : i32 to index
      %get3A_761 = arith.index_cast %mul3A_758 : i32 to index
      %get3A_762 = tpu.vector_load %arg8[%get3A_760, %get3A_761] {strides = array<i32>} : memref<32x1024xf32, #tpu.memory_space<vmem>>, vector<1x16xf32>,
      %get3A_763 = vector.shape_cast %get3A_762 : vector<1x16xf32> to vector<16xf32>
      %mul3A_764 = vector.broadcast %squeeze3A_62 : f32 to vector<16xf32>
      %mul3A_765 = arith.mulf %mul3A_764, %get3A_763 : vector<16xf32>
      %get3A_766 = arith.constant 4 : i32
      %get3A_767 = arith.index_cast %get3A_766 : i32 to index
      %get3A_768 = arith.index_cast %mul3A_758 : i32 to index
      %get3A_769 = tpu.vector_load %arg9[%get3A_767, %get3A_768] {strides = array<i32>} : memref<32x1024xf32, #tpu.memory_space<vmem>>, vector<1x16xf32>,
      %get3A_770 = vector.shape_cast %get3A_769 : vector<1x16xf32> to vector<16xf32>
      %mul3A_771 = vector.broadcast %squeeze3A_64 : f32 to vector<16xf32>
      %mul3A_772 = arith.mulf %mul3A_771, %get3A_770 : vector<16xf32>
      %add3A_773 = arith.addf %mul3A_765, %mul3A_772 : vector<16xf32>
      %swap3A = arith.constant 4 : i32
      %swap3A_774 = arith.index_cast %swap3A : i32 to index
      %swap3A_775 = arith.index_cast %mul3A_758 : i32 to index
      %swap3A_776 = tpu.vector_load %arg8[%swap3A_774, %swap3A_775] {strides = array<i32>} : memref<32x1024xf32, #tpu.memory_space<vmem>>, vector<1x16xf32>,
      %swap3A_777 = vector.shape_cast %swap3A_776 : vector<1x16xf32> to vector<16xf32>
      %swap3A_778 = vector.shape_cast %add3A_773 : vector<16xf32> to vector<1x16xf32>
      tpu.vector_store %arg8[%swap3A_774, %swap3A_775], %swap3A_778 {strides = array<i32>} : memref<32x1024xf32, #tpu.memory_space<vmem>>, vector<1x16xf32>,
      %scan3A_779 = arith.constant 0 : i32
      scf.yield %scan3A_779 : i32
    }
    %scan3A_71 = arith.constant 64 : i32
    %slice3A_72 = vector.extract_strided_slice %get3A_16 {offsets = [5], sizes = [1], strides = [1]} : vector<16xf32> to vector<1xf32>
    %squeeze3A_73 = vector.extract %slice3A_72[0] : f32 from vector<1xf32>
    %slice3A_74 = vector.extract_strided_slice %get3A_19 {offsets = [5], sizes = [1], strides = [1]} : vector<16xf32> to vector<1xf32>
    %squeeze3A_75 = vector.extract %slice3A_74[0] : f32 from vector<1xf32>
    %scan3A_76 = arith.constant 0 : i32
    %scan3A_77 = arith.constant 0 : i32
    %scan3A_78 = arith.constant 64 : i32
    %scan3A_79 = arith.addi %scan3A_77, %scan3A_78 : i32
    %scan3A_80 = arith.constant 1 : i32
    %scan3A_81 = scf.for %scan3A_755 = %scan3A_77 to %scan3A_79 step %scan3A_80 iter_args(%scan3A_756 = %scan3A_76) -> (i32)  : i32 {
      %mul3A_757 = arith.constant 16 : i32
      %mul3A_758 = arith.muli %scan3A_755, %mul3A_757 : i32
      %get3A_759 = arith.constant 5 : i32
      %get3A_760 = arith.index_cast %get3A_759 : i32 to index
      %get3A_761 = arith.index_cast %mul3A_758 : i32 to index
      %get3A_762 = tpu.vector_load %arg8[%get3A_760, %get3A_761] {strides = array<i32>} : memref<32x1024xf32, #tpu.memory_space<vmem>>, vector<1x16xf32>,
      %get3A_763 = vector.shape_cast %get3A_762 : vector<1x16xf32> to vector<16xf32>
      %mul3A_764 = vector.broadcast %squeeze3A_73 : f32 to vector<16xf32>
      %mul3A_765 = arith.mulf %mul3A_764, %get3A_763 : vector<16xf32>
      %get3A_766 = arith.constant 5 : i32
      %get3A_767 = arith.index_cast %get3A_766 : i32 to index
      %get3A_768 = arith.index_cast %mul3A_758 : i32 to index
      %get3A_769 = tpu.vector_load %arg9[%get3A_767, %get3A_768] {strides = array<i32>} : memref<32x1024xf32, #tpu.memory_space<vmem>>, vector<1x16xf32>,
      %get3A_770 = vector.shape_cast %get3A_769 : vector<1x16xf32> to vector<16xf32>
      %mul3A_771 = vector.broadcast %squeeze3A_75 : f32 to vector<16xf32>
      %mul3A_772 = arith.mulf %mul3A_771, %get3A_770 : vector<16xf32>
      %add3A_773 = arith.addf %mul3A_765, %mul3A_772 : vector<16xf32>
      %swap3A = arith.constant 5 : i32
      %swap3A_774 = arith.index_cast %swap3A : i32 to index
      %swap3A_775 = arith.index_cast %mul3A_758 : i32 to index
      %swap3A_776 = tpu.vector_load %arg8[%swap3A_774, %swap3A_775] {strides = array<i32>} : memref<32x1024xf32, #tpu.memory_space<vmem>>, vector<1x16xf32>,
      %swap3A_777 = vector.shape_cast %swap3A_776 : vector<1x16xf32> to vector<16xf32>
      %swap3A_778 = vector.shape_cast %add3A_773 : vector<16xf32> to vector<1x16xf32>
      tpu.vector_store %arg8[%swap3A_774, %swap3A_775], %swap3A_778 {strides = array<i32>} : memref<32x1024xf32, #tpu.memory_space<vmem>>, vector<1x16xf32>,
      %scan3A_779 = arith.constant 0 : i32
      scf.yield %scan3A_779 : i32
    }
    %scan3A_82 = arith.constant 64 : i32
    %slice3A_83 = vector.extract_strided_slice %get3A_16 {offsets = [6], sizes = [1], strides = [1]} : vector<16xf32> to vector<1xf32>
    %squeeze3A_84 = vector.extract %slice3A_83[0] : f32 from vector<1xf32>
    %slice3A_85 = vector.extract_strided_slice %get3A_19 {offsets = [6], sizes = [1], strides = [1]} : vector<16xf32> to vector<1xf32>
    %squeeze3A_86 = vector.extract %slice3A_85[0] : f32 from vector<1xf32>
    %scan3A_87 = arith.constant 0 : i32
    %scan3A_88 = arith.constant 0 : i32
    %scan3A_89 = arith.constant 64 : i32
    %scan3A_90 = arith.addi %scan3A_88, %scan3A_89 : i32
    %scan3A_91 = arith.constant 1 : i32
    %scan3A_92 = scf.for %scan3A_755 = %scan3A_88 to %scan3A_90 step %scan3A_91 iter_args(%scan3A_756 = %scan3A_87) -> (i32)  : i32 {
      %mul3A_757 = arith.constant 16 : i32
      %mul3A_758 = arith.muli %scan3A_755, %mul3A_757 : i32
      %get3A_759 = arith.constant 6 : i32
      %get3A_760 = arith.index_cast %get3A_759 : i32 to index
      %get3A_761 = arith.index_cast %mul3A_758 : i32 to index
      %get3A_762 = tpu.vector_load %arg8[%get3A_760, %get3A_761] {strides = array<i32>} : memref<32x1024xf32, #tpu.memory_space<vmem>>, vector<1x16xf32>,
      %get3A_763 = vector.shape_cast %get3A_762 : vector<1x16xf32> to vector<16xf32>
      %mul3A_764 = vector.broadcast %squeeze3A_84 : f32 to vector<16xf32>
      %mul3A_765 = arith.mulf %mul3A_764, %get3A_763 : vector<16xf32>
      %get3A_766 = arith.constant 6 : i32
      %get3A_767 = arith.index_cast %get3A_766 : i32 to index
      %get3A_768 = arith.index_cast %mul3A_758 : i32 to index
      %get3A_769 = tpu.vector_load %arg9[%get3A_767, %get3A_768] {strides = array<i32>} : memref<32x1024xf32, #tpu.memory_space<vmem>>, vector<1x16xf32>,
      %get3A_770 = vector.shape_cast %get3A_769 : vector<1x16xf32> to vector<16xf32>
      %mul3A_771 = vector.broadcast %squeeze3A_86 : f32 to vector<16xf32>
      %mul3A_772 = arith.mulf %mul3A_771, %get3A_770 : vector<16xf32>
      %add3A_773 = arith.addf %mul3A_765, %mul3A_772 : vector<16xf32>
      %swap3A = arith.constant 6 : i32
      %swap3A_774 = arith.index_cast %swap3A : i32 to index
      %swap3A_775 = arith.index_cast %mul3A_758 : i32 to index
      %swap3A_776 = tpu.vector_load %arg8[%swap3A_774, %swap3A_775] {strides = array<i32>} : memref<32x1024xf32, #tpu.memory_space<vmem>>, vector<1x16xf32>,
      %swap3A_777 = vector.shape_cast %swap3A_776 : vector<1x16xf32> to vector<16xf32>
      %swap3A_778 = vector.shape_cast %add3A_773 : vector<16xf32> to vector<1x16xf32>
      tpu.vector_store %arg8[%swap3A_774, %swap3A_775], %swap3A_778 {strides = array<i32>} : memref<32x1024xf32, #tpu.memory_space<vmem>>, vector<1x16xf32>,
      %scan3A_779 = arith.constant 0 : i32
      scf.yield %scan3A_779 : i32
    }
    %scan3A_93 = arith.constant 64 : i32
    %slice3A_94 = vector.extract_strided_slice %get3A_16 {offsets = [7], sizes = [1], strides = [1]} : vector<16xf32> to vector<1xf32>
    %squeeze3A_95 = vector.extract %slice3A_94[0] : f32 from vector<1xf32>
    %slice3A_96 = vector.extract_strided_slice %get3A_19 {offsets = [7], sizes = [1], strides = [1]} : vector<16xf32> to vector<1xf32>
    %squeeze3A_97 = vector.extract %slice3A_96[0] : f32 from vector<1xf32>
    %scan3A_98 = arith.constant 0 : i32
    %scan3A_99 = arith.constant 0 : i32
    %scan3A_100 = arith.constant 64 : i32
    %scan3A_101 = arith.addi %scan3A_99, %scan3A_100 : i32
    %scan3A_102 = arith.constant 1 : i32
    %scan3A_103 = scf.for %scan3A_755 = %scan3A_99 to %scan3A_101 step %scan3A_102 iter_args(%scan3A_756 = %scan3A_98) -> (i32)  : i32 {
      %mul3A_757 = arith.constant 16 : i32
      %mul3A_758 = arith.muli %scan3A_755, %mul3A_757 : i32
      %get3A_759 = arith.constant 7 : i32
      %get3A_760 = arith.index_cast %get3A_759 : i32 to index
      %get3A_761 = arith.index_cast %mul3A_758 : i32 to index
      %get3A_762 = tpu.vector_load %arg8[%get3A_760, %get3A_761] {strides = array<i32>} : memref<32x1024xf32, #tpu.memory_space<vmem>>, vector<1x16xf32>,
      %get3A_763 = vector.shape_cast %get3A_762 : vector<1x16xf32> to vector<16xf32>
      %mul3A_764 = vector.broadcast %squeeze3A_95 : f32 to vector<16xf32>
      %mul3A_765 = arith.mulf %mul3A_764, %get3A_763 : vector<16xf32>
      %get3A_766 = arith.constant 7 : i32
      %get3A_767 = arith.index_cast %get3A_766 : i32 to index
      %get3A_768 = arith.index_cast %mul3A_758 : i32 to index
      %get3A_769 = tpu.vector_load %arg9[%get3A_767, %get3A_768] {strides = array<i32>} : memref<32x1024xf32, #tpu.memory_space<vmem>>, vector<1x16xf32>,
      %get3A_770 = vector.shape_cast %get3A_769 : vector<1x16xf32> to vector<16xf32>
      %mul3A_771 = vector.broadcast %squeeze3A_97 : f32 to vector<16xf32>
      %mul3A_772 = arith.mulf %mul3A_771, %get3A_770 : vector<16xf32>
      %add3A_773 = arith.addf %mul3A_765, %mul3A_772 : vector<16xf32>
      %swap3A = arith.constant 7 : i32
      %swap3A_774 = arith.index_cast %swap3A : i32 to index
      %swap3A_775 = arith.index_cast %mul3A_758 : i32 to index
      %swap3A_776 = tpu.vector_load %arg8[%swap3A_774, %swap3A_775] {strides = array<i32>} : memref<32x1024xf32, #tpu.memory_space<vmem>>, vector<1x16xf32>,
      %swap3A_777 = vector.shape_cast %swap3A_776 : vector<1x16xf32> to vector<16xf32>
      %swap3A_778 = vector.shape_cast %add3A_773 : vector<16xf32> to vector<1x16xf32>
      tpu.vector_store %arg8[%swap3A_774, %swap3A_775], %swap3A_778 {strides = array<i32>} : memref<32x1024xf32, #tpu.memory_space<vmem>>, vector<1x16xf32>,
      %scan3A_779 = arith.constant 0 : i32
      scf.yield %scan3A_779 : i32
    }
    %scan3A_104 = arith.constant 64 : i32
    %slice3A_105 = vector.extract_strided_slice %get3A_16 {offsets = [8], sizes = [1], strides = [1]} : vector<16xf32> to vector<1xf32>
    %squeeze3A_106 = vector.extract %slice3A_105[0] : f32 from vector<1xf32>
    %slice3A_107 = vector.extract_strided_slice %get3A_19 {offsets = [8], sizes = [1], strides = [1]} : vector<16xf32> to vector<1xf32>
    %squeeze3A_108 = vector.extract %slice3A_107[0] : f32 from vector<1xf32>
    %scan3A_109 = arith.constant 0 : i32
    %scan3A_110 = arith.constant 0 : i32
    %scan3A_111 = arith.constant 64 : i32
    %scan3A_112 = arith.addi %scan3A_110, %scan3A_111 : i32
    %scan3A_113 = arith.constant 1 : i32
    %scan3A_114 = scf.for %scan3A_755 = %scan3A_110 to %scan3A_112 step %scan3A_113 iter_args(%scan3A_756 = %scan3A_109) -> (i32)  : i32 {
      %mul3A_757 = arith.constant 16 : i32
      %mul3A_758 = arith.muli %scan3A_755, %mul3A_757 : i32
      %get3A_759 = arith.constant 8 : i32
      %get3A_760 = arith.index_cast %get3A_759 : i32 to index
      %get3A_761 = arith.index_cast %mul3A_758 : i32 to index
      %get3A_762 = tpu.vector_load %arg8[%get3A_760, %get3A_761] {strides = array<i32>} : memref<32x1024xf32, #tpu.memory_space<vmem>>, vector<1x16xf32>,
      %get3A_763 = vector.shape_cast %get3A_762 : vector<1x16xf32> to vector<16xf32>
      %mul3A_764 = vector.broadcast %squeeze3A_106 : f32 to vector<16xf32>
      %mul3A_765 = arith.mulf %mul3A_764, %get3A_763 : vector<16xf32>
      %get3A_766 = arith.constant 8 : i32
      %get3A_767 = arith.index_cast %get3A_766 : i32 to index
      %get3A_768 = arith.index_cast %mul3A_758 : i32 to index
      %get3A_769 = tpu.vector_load %arg9[%get3A_767, %get3A_768] {strides = array<i32>} : memref<32x1024xf32, #tpu.memory_space<vmem>>, vector<1x16xf32>,
      %get3A_770 = vector.shape_cast %get3A_769 : vector<1x16xf32> to vector<16xf32>
      %mul3A_771 = vector.broadcast %squeeze3A_108 : f32 to vector<16xf32>
      %mul3A_772 = arith.mulf %mul3A_771, %get3A_770 : vector<16xf32>
      %add3A_773 = arith.addf %mul3A_765, %mul3A_772 : vector<16xf32>
      %swap3A = arith.constant 8 : i32
      %swap3A_774 = arith.index_cast %swap3A : i32 to index
      %swap3A_775 = arith.index_cast %mul3A_758 : i32 to index
      %swap3A_776 = tpu.vector_load %arg8[%swap3A_774, %swap3A_775] {strides = array<i32>} : memref<32x1024xf32, #tpu.memory_space<vmem>>, vector<1x16xf32>,
      %swap3A_777 = vector.shape_cast %swap3A_776 : vector<1x16xf32> to vector<16xf32>
      %swap3A_778 = vector.shape_cast %add3A_773 : vector<16xf32> to vector<1x16xf32>
      tpu.vector_store %arg8[%swap3A_774, %swap3A_775], %swap3A_778 {strides = array<i32>} : memref<32x1024xf32, #tpu.memory_space<vmem>>, vector<1x16xf32>,
      %scan3A_779 = arith.constant 0 : i32
      scf.yield %scan3A_779 : i32
    }
    %scan3A_115 = arith.constant 64 : i32
    %slice3A_116 = vector.extract_strided_slice %get3A_16 {offsets = [9], sizes = [1], strides = [1]} : vector<16xf32> to vector<1xf32>
    %squeeze3A_117 = vector.extract %slice3A_116[0] : f32 from vector<1xf32>
    %slice3A_118 = vector.extract_strided_slice %get3A_19 {offsets = [9], sizes = [1], strides = [1]} : vector<16xf32> to vector<1xf32>
    %squeeze3A_119 = vector.extract %slice3A_118[0] : f32 from vector<1xf32>
    %scan3A_120 = arith.constant 0 : i32
    %scan3A_121 = arith.constant 0 : i32
    %scan3A_122 = arith.constant 64 : i32
    %scan3A_123 = arith.addi %scan3A_121, %scan3A_122 : i32
    %scan3A_124 = arith.constant 1 : i32
    %scan3A_125 = scf.for %scan3A_755 = %scan3A_121 to %scan3A_123 step %scan3A_124 iter_args(%scan3A_756 = %scan3A_120) -> (i32)  : i32 {
      %mul3A_757 = arith.constant 16 : i32
      %mul3A_758 = arith.muli %scan3A_755, %mul3A_757 : i32
      %get3A_759 = arith.constant 9 : i32
      %get3A_760 = arith.index_cast %get3A_759 : i32 to index
      %get3A_761 = arith.index_cast %mul3A_758 : i32 to index
      %get3A_762 = tpu.vector_load %arg8[%get3A_760, %get3A_761] {strides = array<i32>} : memref<32x1024xf32, #tpu.memory_space<vmem>>, vector<1x16xf32>,
      %get3A_763 = vector.shape_cast %get3A_762 : vector<1x16xf32> to vector<16xf32>
      %mul3A_764 = vector.broadcast %squeeze3A_117 : f32 to vector<16xf32>
      %mul3A_765 = arith.mulf %mul3A_764, %get3A_763 : vector<16xf32>
      %get3A_766 = arith.constant 9 : i32
      %get3A_767 = arith.index_cast %get3A_766 : i32 to index
      %get3A_768 = arith.index_cast %mul3A_758 : i32 to index
      %get3A_769 = tpu.vector_load %arg9[%get3A_767, %get3A_768] {strides = array<i32>} : memref<32x1024xf32, #tpu.memory_space<vmem>>, vector<1x16xf32>,
      %get3A_770 = vector.shape_cast %get3A_769 : vector<1x16xf32> to vector<16xf32>
      %mul3A_771 = vector.broadcast %squeeze3A_119 : f32 to vector<16xf32>
      %mul3A_772 = arith.mulf %mul3A_771, %get3A_770 : vector<16xf32>
      %add3A_773 = arith.addf %mul3A_765, %mul3A_772 : vector<16xf32>
      %swap3A = arith.constant 9 : i32
      %swap3A_774 = arith.index_cast %swap3A : i32 to index
      %swap3A_775 = arith.index_cast %mul3A_758 : i32 to index
      %swap3A_776 = tpu.vector_load %arg8[%swap3A_774, %swap3A_775] {strides = array<i32>} : memref<32x1024xf32, #tpu.memory_space<vmem>>, vector<1x16xf32>,
      %swap3A_777 = vector.shape_cast %swap3A_776 : vector<1x16xf32> to vector<16xf32>
      %swap3A_778 = vector.shape_cast %add3A_773 : vector<16xf32> to vector<1x16xf32>
      tpu.vector_store %arg8[%swap3A_774, %swap3A_775], %swap3A_778 {strides = array<i32>} : memref<32x1024xf32, #tpu.memory_space<vmem>>, vector<1x16xf32>,
      %scan3A_779 = arith.constant 0 : i32
      scf.yield %scan3A_779 : i32
    }
    %scan3A_126 = arith.constant 64 : i32
    %slice3A_127 = vector.extract_strided_slice %get3A_16 {offsets = [10], sizes = [1], strides = [1]} : vector<16xf32> to vector<1xf32>
    %squeeze3A_128 = vector.extract %slice3A_127[0] : f32 from vector<1xf32>
    %slice3A_129 = vector.extract_strided_slice %get3A_19 {offsets = [10], sizes = [1], strides = [1]} : vector<16xf32> to vector<1xf32>
    %squeeze3A_130 = vector.extract %slice3A_129[0] : f32 from vector<1xf32>
    %scan3A_131 = arith.constant 0 : i32
    %scan3A_132 = arith.constant 0 : i32
    %scan3A_133 = arith.constant 64 : i32
    %scan3A_134 = arith.addi %scan3A_132, %scan3A_133 : i32
    %scan3A_135 = arith.constant 1 : i32
    %scan3A_136 = scf.for %scan3A_755 = %scan3A_132 to %scan3A_134 step %scan3A_135 iter_args(%scan3A_756 = %scan3A_131) -> (i32)  : i32 {
      %mul3A_757 = arith.constant 16 : i32
      %mul3A_758 = arith.muli %scan3A_755, %mul3A_757 : i32
      %get3A_759 = arith.constant 10 : i32
      %get3A_760 = arith.index_cast %get3A_759 : i32 to index
      %get3A_761 = arith.index_cast %mul3A_758 : i32 to index
      %get3A_762 = tpu.vector_load %arg8[%get3A_760, %get3A_761] {strides = array<i32>} : memref<32x1024xf32, #tpu.memory_space<vmem>>, vector<1x16xf32>,
      %get3A_763 = vector.shape_cast %get3A_762 : vector<1x16xf32> to vector<16xf32>
      %mul3A_764 = vector.broadcast %squeeze3A_128 : f32 to vector<16xf32>
      %mul3A_765 = arith.mulf %mul3A_764, %get3A_763 : vector<16xf32>
      %get3A_766 = arith.constant 10 : i32
      %get3A_767 = arith.index_cast %get3A_766 : i32 to index
      %get3A_768 = arith.index_cast %mul3A_758 : i32 to index
      %get3A_769 = tpu.vector_load %arg9[%get3A_767, %get3A_768] {strides = array<i32>} : memref<32x1024xf32, #tpu.memory_space<vmem>>, vector<1x16xf32>,
      %get3A_770 = vector.shape_cast %get3A_769 : vector<1x16xf32> to vector<16xf32>
      %mul3A_771 = vector.broadcast %squeeze3A_130 : f32 to vector<16xf32>
      %mul3A_772 = arith.mulf %mul3A_771, %get3A_770 : vector<16xf32>
      %add3A_773 = arith.addf %mul3A_765, %mul3A_772 : vector<16xf32>
      %swap3A = arith.constant 10 : i32
      %swap3A_774 = arith.index_cast %swap3A : i32 to index
      %swap3A_775 = arith.index_cast %mul3A_758 : i32 to index
      %swap3A_776 = tpu.vector_load %arg8[%swap3A_774, %swap3A_775] {strides = array<i32>} : memref<32x1024xf32, #tpu.memory_space<vmem>>, vector<1x16xf32>,
      %swap3A_777 = vector.shape_cast %swap3A_776 : vector<1x16xf32> to vector<16xf32>
      %swap3A_778 = vector.shape_cast %add3A_773 : vector<16xf32> to vector<1x16xf32>
      tpu.vector_store %arg8[%swap3A_774, %swap3A_775], %swap3A_778 {strides = array<i32>} : memref<32x1024xf32, #tpu.memory_space<vmem>>, vector<1x16xf32>,
      %scan3A_779 = arith.constant 0 : i32
      scf.yield %scan3A_779 : i32
    }
    %scan3A_137 = arith.constant 64 : i32
    %slice3A_138 = vector.extract_strided_slice %get3A_16 {offsets = [11], sizes = [1], strides = [1]} : vector<16xf32> to vector<1xf32>
    %squeeze3A_139 = vector.extract %slice3A_138[0] : f32 from vector<1xf32>
    %slice3A_140 = vector.extract_strided_slice %get3A_19 {offsets = [11], sizes = [1], strides = [1]} : vector<16xf32> to vector<1xf32>
    %squeeze3A_141 = vector.extract %slice3A_140[0] : f32 from vector<1xf32>
    %scan3A_142 = arith.constant 0 : i32
    %scan3A_143 = arith.constant 0 : i32
    %scan3A_144 = arith.constant 64 : i32
    %scan3A_145 = arith.addi %scan3A_143, %scan3A_144 : i32
    %scan3A_146 = arith.constant 1 : i32
    %scan3A_147 = scf.for %scan3A_755 = %scan3A_143 to %scan3A_145 step %scan3A_146 iter_args(%scan3A_756 = %scan3A_142) -> (i32)  : i32 {
      %mul3A_757 = arith.constant 16 : i32
      %mul3A_758 = arith.muli %scan3A_755, %mul3A_757 : i32
      %get3A_759 = arith.constant 11 : i32
      %get3A_760 = arith.index_cast %get3A_759 : i32 to index
      %get3A_761 = arith.index_cast %mul3A_758 : i32 to index
      %get3A_762 = tpu.vector_load %arg8[%get3A_760, %get3A_761] {strides = array<i32>} : memref<32x1024xf32, #tpu.memory_space<vmem>>, vector<1x16xf32>,
      %get3A_763 = vector.shape_cast %get3A_762 : vector<1x16xf32> to vector<16xf32>
      %mul3A_764 = vector.broadcast %squeeze3A_139 : f32 to vector<16xf32>
      %mul3A_765 = arith.mulf %mul3A_764, %get3A_763 : vector<16xf32>
      %get3A_766 = arith.constant 11 : i32
      %get3A_767 = arith.index_cast %get3A_766 : i32 to index
      %get3A_768 = arith.index_cast %mul3A_758 : i32 to index
      %get3A_769 = tpu.vector_load %arg9[%get3A_767, %get3A_768] {strides = array<i32>} : memref<32x1024xf32, #tpu.memory_space<vmem>>, vector<1x16xf32>,
      %get3A_770 = vector.shape_cast %get3A_769 : vector<1x16xf32> to vector<16xf32>
      %mul3A_771 = vector.broadcast %squeeze3A_141 : f32 to vector<16xf32>
      %mul3A_772 = arith.mulf %mul3A_771, %get3A_770 : vector<16xf32>
      %add3A_773 = arith.addf %mul3A_765, %mul3A_772 : vector<16xf32>
      %swap3A = arith.constant 11 : i32
      %swap3A_774 = arith.index_cast %swap3A : i32 to index
      %swap3A_775 = arith.index_cast %mul3A_758 : i32 to index
      %swap3A_776 = tpu.vector_load %arg8[%swap3A_774, %swap3A_775] {strides = array<i32>} : memref<32x1024xf32, #tpu.memory_space<vmem>>, vector<1x16xf32>,
      %swap3A_777 = vector.shape_cast %swap3A_776 : vector<1x16xf32> to vector<16xf32>
      %swap3A_778 = vector.shape_cast %add3A_773 : vector<16xf32> to vector<1x16xf32>
      tpu.vector_store %arg8[%swap3A_774, %swap3A_775], %swap3A_778 {strides = array<i32>} : memref<32x1024xf32, #tpu.memory_space<vmem>>, vector<1x16xf32>,
      %scan3A_779 = arith.constant 0 : i32
      scf.yield %scan3A_779 : i32
    }
    %scan3A_148 = arith.constant 64 : i32
    %slice3A_149 = vector.extract_strided_slice %get3A_16 {offsets = [12], sizes = [1], strides = [1]} : vector<16xf32> to vector<1xf32>
    %squeeze3A_150 = vector.extract %slice3A_149[0] : f32 from vector<1xf32>
    %slice3A_151 = vector.extract_strided_slice %get3A_19 {offsets = [12], sizes = [1], strides = [1]} : vector<16xf32> to vector<1xf32>
    %squeeze3A_152 = vector.extract %slice3A_151[0] : f32 from vector<1xf32>
    %scan3A_153 = arith.constant 0 : i32
    %scan3A_154 = arith.constant 0 : i32
    %scan3A_155 = arith.constant 64 : i32
    %scan3A_156 = arith.addi %scan3A_154, %scan3A_155 : i32
    %scan3A_157 = arith.constant 1 : i32
    %scan3A_158 = scf.for %scan3A_755 = %scan3A_154 to %scan3A_156 step %scan3A_157 iter_args(%scan3A_756 = %scan3A_153) -> (i32)  : i32 {
      %mul3A_757 = arith.constant 16 : i32
      %mul3A_758 = arith.muli %scan3A_755, %mul3A_757 : i32
      %get3A_759 = arith.constant 12 : i32
      %get3A_760 = arith.index_cast %get3A_759 : i32 to index
      %get3A_761 = arith.index_cast %mul3A_758 : i32 to index
      %get3A_762 = tpu.vector_load %arg8[%get3A_760, %get3A_761] {strides = array<i32>} : memref<32x1024xf32, #tpu.memory_space<vmem>>, vector<1x16xf32>,
      %get3A_763 = vector.shape_cast %get3A_762 : vector<1x16xf32> to vector<16xf32>
      %mul3A_764 = vector.broadcast %squeeze3A_150 : f32 to vector<16xf32>
      %mul3A_765 = arith.mulf %mul3A_764, %get3A_763 : vector<16xf32>
      %get3A_766 = arith.constant 12 : i32
      %get3A_767 = arith.index_cast %get3A_766 : i32 to index
      %get3A_768 = arith.index_cast %mul3A_758 : i32 to index
      %get3A_769 = tpu.vector_load %arg9[%get3A_767, %get3A_768] {strides = array<i32>} : memref<32x1024xf32, #tpu.memory_space<vmem>>, vector<1x16xf32>,
      %get3A_770 = vector.shape_cast %get3A_769 : vector<1x16xf32> to vector<16xf32>
      %mul3A_771 = vector.broadcast %squeeze3A_152 : f32 to vector<16xf32>
      %mul3A_772 = arith.mulf %mul3A_771, %get3A_770 : vector<16xf32>
      %add3A_773 = arith.addf %mul3A_765, %mul3A_772 : vector<16xf32>
      %swap3A = arith.constant 12 : i32
      %swap3A_774 = arith.index_cast %swap3A : i32 to index
      %swap3A_775 = arith.index_cast %mul3A_758 : i32 to index
      %swap3A_776 = tpu.vector_load %arg8[%swap3A_774, %swap3A_775] {strides = array<i32>} : memref<32x1024xf32, #tpu.memory_space<vmem>>, vector<1x16xf32>,
      %swap3A_777 = vector.shape_cast %swap3A_776 : vector<1x16xf32> to vector<16xf32>
      %swap3A_778 = vector.shape_cast %add3A_773 : vector<16xf32> to vector<1x16xf32>
      tpu.vector_store %arg8[%swap3A_774, %swap3A_775], %swap3A_778 {strides = array<i32>} : memref<32x1024xf32, #tpu.memory_space<vmem>>, vector<1x16xf32>,
      %scan3A_779 = arith.constant 0 : i32
      scf.yield %scan3A_779 : i32
    }
    %scan3A_159 = arith.constant 64 : i32
    %slice3A_160 = vector.extract_strided_slice %get3A_16 {offsets = [13], sizes = [1], strides = [1]} : vector<16xf32> to vector<1xf32>
    %squeeze3A_161 = vector.extract %slice3A_160[0] : f32 from vector<1xf32>
    %slice3A_162 = vector.extract_strided_slice %get3A_19 {offsets = [13], sizes = [1], strides = [1]} : vector<16xf32> to vector<1xf32>
    %squeeze3A_163 = vector.extract %slice3A_162[0] : f32 from vector<1xf32>
    %scan3A_164 = arith.constant 0 : i32
    %scan3A_165 = arith.constant 0 : i32
    %scan3A_166 = arith.constant 64 : i32
    %scan3A_167 = arith.addi %scan3A_165, %scan3A_166 : i32
    %scan3A_168 = arith.constant 1 : i32
    %scan3A_169 = scf.for %scan3A_755 = %scan3A_165 to %scan3A_167 step %scan3A_168 iter_args(%scan3A_756 = %scan3A_164) -> (i32)  : i32 {
      %mul3A_757 = arith.constant 16 : i32
      %mul3A_758 = arith.muli %scan3A_755, %mul3A_757 : i32
      %get3A_759 = arith.constant 13 : i32
      %get3A_760 = arith.index_cast %get3A_759 : i32 to index
      %get3A_761 = arith.index_cast %mul3A_758 : i32 to index
      %get3A_762 = tpu.vector_load %arg8[%get3A_760, %get3A_761] {strides = array<i32>} : memref<32x1024xf32, #tpu.memory_space<vmem>>, vector<1x16xf32>,
      %get3A_763 = vector.shape_cast %get3A_762 : vector<1x16xf32> to vector<16xf32>
      %mul3A_764 = vector.broadcast %squeeze3A_161 : f32 to vector<16xf32>
      %mul3A_765 = arith.mulf %mul3A_764, %get3A_763 : vector<16xf32>
      %get3A_766 = arith.constant 13 : i32
      %get3A_767 = arith.index_cast %get3A_766 : i32 to index
      %get3A_768 = arith.index_cast %mul3A_758 : i32 to index
      %get3A_769 = tpu.vector_load %arg9[%get3A_767, %get3A_768] {strides = array<i32>} : memref<32x1024xf32, #tpu.memory_space<vmem>>, vector<1x16xf32>,
      %get3A_770 = vector.shape_cast %get3A_769 : vector<1x16xf32> to vector<16xf32>
      %mul3A_771 = vector.broadcast %squeeze3A_163 : f32 to vector<16xf32>
      %mul3A_772 = arith.mulf %mul3A_771, %get3A_770 : vector<16xf32>
      %add3A_773 = arith.addf %mul3A_765, %mul3A_772 : vector<16xf32>
      %swap3A = arith.constant 13 : i32
      %swap3A_774 = arith.index_cast %swap3A : i32 to index
      %swap3A_775 = arith.index_cast %mul3A_758 : i32 to index
      %swap3A_776 = tpu.vector_load %arg8[%swap3A_774, %swap3A_775] {strides = array<i32>} : memref<32x1024xf32, #tpu.memory_space<vmem>>, vector<1x16xf32>,
      %swap3A_777 = vector.shape_cast %swap3A_776 : vector<1x16xf32> to vector<16xf32>
      %swap3A_778 = vector.shape_cast %add3A_773 : vector<16xf32> to vector<1x16xf32>
      tpu.vector_store %arg8[%swap3A_774, %swap3A_775], %swap3A_778 {strides = array<i32>} : memref<32x1024xf32, #tpu.memory_space<vmem>>, vector<1x16xf32>,
      %scan3A_779 = arith.constant 0 : i32
      scf.yield %scan3A_779 : i32
    }
    %scan3A_170 = arith.constant 64 : i32
    %slice3A_171 = vector.extract_strided_slice %get3A_16 {offsets = [14], sizes = [1], strides = [1]} : vector<16xf32> to vector<1xf32>
    %squeeze3A_172 = vector.extract %slice3A_171[0] : f32 from vector<1xf32>
    %slice3A_173 = vector.extract_strided_slice %get3A_19 {offsets = [14], sizes = [1], strides = [1]} : vector<16xf32> to vector<1xf32>
    %squeeze3A_174 = vector.extract %slice3A_173[0] : f32 from vector<1xf32>
    %scan3A_175 = arith.constant 0 : i32
    %scan3A_176 = arith.constant 0 : i32
    %scan3A_177 = arith.constant 64 : i32
    %scan3A_178 = arith.addi %scan3A_176, %scan3A_177 : i32
    %scan3A_179 = arith.constant 1 : i32
    %scan3A_180 = scf.for %scan3A_755 = %scan3A_176 to %scan3A_178 step %scan3A_179 iter_args(%scan3A_756 = %scan3A_175) -> (i32)  : i32 {
      %mul3A_757 = arith.constant 16 : i32
      %mul3A_758 = arith.muli %scan3A_755, %mul3A_757 : i32
      %get3A_759 = arith.constant 14 : i32
      %get3A_760 = arith.index_cast %get3A_759 : i32 to index
      %get3A_761 = arith.index_cast %mul3A_758 : i32 to index
      %get3A_762 = tpu.vector_load %arg8[%get3A_760, %get3A_761] {strides = array<i32>} : memref<32x1024xf32, #tpu.memory_space<vmem>>, vector<1x16xf32>,
      %get3A_763 = vector.shape_cast %get3A_762 : vector<1x16xf32> to vector<16xf32>
      %mul3A_764 = vector.broadcast %squeeze3A_172 : f32 to vector<16xf32>
      %mul3A_765 = arith.mulf %mul3A_764, %get3A_763 : vector<16xf32>
      %get3A_766 = arith.constant 14 : i32
      %get3A_767 = arith.index_cast %get3A_766 : i32 to index
      %get3A_768 = arith.index_cast %mul3A_758 : i32 to index
      %get3A_769 = tpu.vector_load %arg9[%get3A_767, %get3A_768] {strides = array<i32>} : memref<32x1024xf32, #tpu.memory_space<vmem>>, vector<1x16xf32>,
      %get3A_770 = vector.shape_cast %get3A_769 : vector<1x16xf32> to vector<16xf32>
      %mul3A_771 = vector.broadcast %squeeze3A_174 : f32 to vector<16xf32>
      %mul3A_772 = arith.mulf %mul3A_771, %get3A_770 : vector<16xf32>
      %add3A_773 = arith.addf %mul3A_765, %mul3A_772 : vector<16xf32>
      %swap3A = arith.constant 14 : i32
      %swap3A_774 = arith.index_cast %swap3A : i32 to index
      %swap3A_775 = arith.index_cast %mul3A_758 : i32 to index
      %swap3A_776 = tpu.vector_load %arg8[%swap3A_774, %swap3A_775] {strides = array<i32>} : memref<32x1024xf32, #tpu.memory_space<vmem>>, vector<1x16xf32>,
      %swap3A_777 = vector.shape_cast %swap3A_776 : vector<1x16xf32> to vector<16xf32>
      %swap3A_778 = vector.shape_cast %add3A_773 : vector<16xf32> to vector<1x16xf32>
      tpu.vector_store %arg8[%swap3A_774, %swap3A_775], %swap3A_778 {strides = array<i32>} : memref<32x1024xf32, #tpu.memory_space<vmem>>, vector<1x16xf32>,
      %scan3A_779 = arith.constant 0 : i32
      scf.yield %scan3A_779 : i32
    }
    %scan3A_181 = arith.constant 64 : i32
    %slice3A_182 = vector.extract_strided_slice %get3A_16 {offsets = [15], sizes = [1], strides = [1]} : vector<16xf32> to vector<1xf32>
    %squeeze3A_183 = vector.extract %slice3A_182[0] : f32 from vector<1xf32>
    %slice3A_184 = vector.extract_strided_slice %get3A_19 {offsets = [15], sizes = [1], strides = [1]} : vector<16xf32> to vector<1xf32>
    %squeeze3A_185 = vector.extract %slice3A_184[0] : f32 from vector<1xf32>
    %scan3A_186 = arith.constant 0 : i32
    %scan3A_187 = arith.constant 0 : i32
    %scan3A_188 = arith.constant 64 : i32
    %scan3A_189 = arith.addi %scan3A_187, %scan3A_188 : i32
    %scan3A_190 = arith.constant 1 : i32
    %scan3A_191 = scf.for %scan3A_755 = %scan3A_187 to %scan3A_189 step %scan3A_190 iter_args(%scan3A_756 = %scan3A_186) -> (i32)  : i32 {
      %mul3A_757 = arith.constant 16 : i32
      %mul3A_758 = arith.muli %scan3A_755, %mul3A_757 : i32
      %get3A_759 = arith.constant 15 : i32
      %get3A_760 = arith.index_cast %get3A_759 : i32 to index
      %get3A_761 = arith.index_cast %mul3A_758 : i32 to index
      %get3A_762 = tpu.vector_load %arg8[%get3A_760, %get3A_761] {strides = array<i32>} : memref<32x1024xf32, #tpu.memory_space<vmem>>, vector<1x16xf32>,
      %get3A_763 = vector.shape_cast %get3A_762 : vector<1x16xf32> to vector<16xf32>
      %mul3A_764 = vector.broadcast %squeeze3A_183 : f32 to vector<16xf32>
      %mul3A_765 = arith.mulf %mul3A_764, %get3A_763 : vector<16xf32>
      %get3A_766 = arith.constant 15 : i32
      %get3A_767 = arith.index_cast %get3A_766 : i32 to index
      %get3A_768 = arith.index_cast %mul3A_758 : i32 to index
      %get3A_769 = tpu.vector_load %arg9[%get3A_767, %get3A_768] {strides = array<i32>} : memref<32x1024xf32, #tpu.memory_space<vmem>>, vector<1x16xf32>,
      %get3A_770 = vector.shape_cast %get3A_769 : vector<1x16xf32> to vector<16xf32>
      %mul3A_771 = vector.broadcast %squeeze3A_185 : f32 to vector<16xf32>
      %mul3A_772 = arith.mulf %mul3A_771, %get3A_770 : vector<16xf32>
      %add3A_773 = arith.addf %mul3A_765, %mul3A_772 : vector<16xf32>
      %swap3A = arith.constant 15 : i32
      %swap3A_774 = arith.index_cast %swap3A : i32 to index
      %swap3A_775 = arith.index_cast %mul3A_758 : i32 to index
      %swap3A_776 = tpu.vector_load %arg8[%swap3A_774, %swap3A_775] {strides = array<i32>} : memref<32x1024xf32, #tpu.memory_space<vmem>>, vector<1x16xf32>,
      %swap3A_777 = vector.shape_cast %swap3A_776 : vector<1x16xf32> to vector<16xf32>
      %swap3A_778 = vector.shape_cast %add3A_773 : vector<16xf32> to vector<1x16xf32>
      tpu.vector_store %arg8[%swap3A_774, %swap3A_775], %swap3A_778 {strides = array<i32>} : memref<32x1024xf32, #tpu.memory_space<vmem>>, vector<1x16xf32>,
      %scan3A_779 = arith.constant 0 : i32
      scf.yield %scan3A_779 : i32
    }
    %scan3A_192 = arith.constant 64 : i32
    %get3A_193 = arith.constant 16 : index
    %get3A_194 = tpu.vector_load %arg12[%get3A_193] {strides = array<i32>} : memref<32xf32, #tpu.memory_space<vmem>>, vector<16xf32>,
    %get3A_195 = vector.shape_cast %get3A_194 : vector<16xf32> to vector<16xf32>
    %get3A_196 = arith.constant 16 : index
    %get3A_197 = tpu.vector_load %arg13[%get3A_196] {strides = array<i32>} : memref<32xf32, #tpu.memory_space<vmem>>, vector<16xf32>,
    %get3A_198 = vector.shape_cast %get3A_197 : vector<16xf32> to vector<16xf32>
    %slice3A_199 = vector.extract_strided_slice %get3A_195 {offsets = [0], sizes = [1], strides = [1]} : vector<16xf32> to vector<1xf32>
    %squeeze3A_200 = vector.extract %slice3A_199[0] : f32 from vector<1xf32>
    %slice3A_201 = vector.extract_strided_slice %get3A_198 {offsets = [0], sizes = [1], strides = [1]} : vector<16xf32> to vector<1xf32>
    %squeeze3A_202 = vector.extract %slice3A_201[0] : f32 from vector<1xf32>
    %scan3A_203 = arith.constant 0 : i32
    %scan3A_204 = arith.constant 0 : i32
    %scan3A_205 = arith.constant 64 : i32
    %scan3A_206 = arith.addi %scan3A_204, %scan3A_205 : i32
    %scan3A_207 = arith.constant 1 : i32
    %scan3A_208 = scf.for %scan3A_755 = %scan3A_204 to %scan3A_206 step %scan3A_207 iter_args(%scan3A_756 = %scan3A_203) -> (i32)  : i32 {
      %mul3A_757 = arith.constant 16 : i32
      %mul3A_758 = arith.muli %scan3A_755, %mul3A_757 : i32
      %get3A_759 = arith.constant 16 : i32
      %get3A_760 = arith.index_cast %get3A_759 : i32 to index
      %get3A_761 = arith.index_cast %mul3A_758 : i32 to index
      %get3A_762 = tpu.vector_load %arg8[%get3A_760, %get3A_761] {strides = array<i32>} : memref<32x1024xf32, #tpu.memory_space<vmem>>, vector<1x16xf32>,
      %get3A_763 = vector.shape_cast %get3A_762 : vector<1x16xf32> to vector<16xf32>
      %mul3A_764 = vector.broadcast %squeeze3A_200 : f32 to vector<16xf32>
      %mul3A_765 = arith.mulf %mul3A_764, %get3A_763 : vector<16xf32>
      %get3A_766 = arith.constant 16 : i32
      %get3A_767 = arith.index_cast %get3A_766 : i32 to index
      %get3A_768 = arith.index_cast %mul3A_758 : i32 to index
      %get3A_769 = tpu.vector_load %arg9[%get3A_767, %get3A_768] {strides = array<i32>} : memref<32x1024xf32, #tpu.memory_space<vmem>>, vector<1x16xf32>,
      %get3A_770 = vector.shape_cast %get3A_769 : vector<1x16xf32> to vector<16xf32>
      %mul3A_771 = vector.broadcast %squeeze3A_202 : f32 to vector<16xf32>
      %mul3A_772 = arith.mulf %mul3A_771, %get3A_770 : vector<16xf32>
      %add3A_773 = arith.addf %mul3A_765, %mul3A_772 : vector<16xf32>
      %swap3A = arith.constant 16 : i32
      %swap3A_774 = arith.index_cast %swap3A : i32 to index
      %swap3A_775 = arith.index_cast %mul3A_758 : i32 to index
      %swap3A_776 = tpu.vector_load %arg8[%swap3A_774, %swap3A_775] {strides = array<i32>} : memref<32x1024xf32, #tpu.memory_space<vmem>>, vector<1x16xf32>,
      %swap3A_777 = vector.shape_cast %swap3A_776 : vector<1x16xf32> to vector<16xf32>
      %swap3A_778 = vector.shape_cast %add3A_773 : vector<16xf32> to vector<1x16xf32>
      tpu.vector_store %arg8[%swap3A_774, %swap3A_775], %swap3A_778 {strides = array<i32>} : memref<32x1024xf32, #tpu.memory_space<vmem>>, vector<1x16xf32>,
      %scan3A_779 = arith.constant 0 : i32
      scf.yield %scan3A_779 : i32
    }
    %scan3A_209 = arith.constant 64 : i32
    %slice3A_210 = vector.extract_strided_slice %get3A_195 {offsets = [1], sizes = [1], strides = [1]} : vector<16xf32> to vector<1xf32>
    %squeeze3A_211 = vector.extract %slice3A_210[0] : f32 from vector<1xf32>
    %slice3A_212 = vector.extract_strided_slice %get3A_198 {offsets = [1], sizes = [1], strides = [1]} : vector<16xf32> to vector<1xf32>
    %squeeze3A_213 = vector.extract %slice3A_212[0] : f32 from vector<1xf32>
    %scan3A_214 = arith.constant 0 : i32
    %scan3A_215 = arith.constant 0 : i32
    %scan3A_216 = arith.constant 64 : i32
    %scan3A_217 = arith.addi %scan3A_215, %scan3A_216 : i32
    %scan3A_218 = arith.constant 1 : i32
    %scan3A_219 = scf.for %scan3A_755 = %scan3A_215 to %scan3A_217 step %scan3A_218 iter_args(%scan3A_756 = %scan3A_214) -> (i32)  : i32 {
      %mul3A_757 = arith.constant 16 : i32
      %mul3A_758 = arith.muli %scan3A_755, %mul3A_757 : i32
      %get3A_759 = arith.constant 17 : i32
      %get3A_760 = arith.index_cast %get3A_759 : i32 to index
      %get3A_761 = arith.index_cast %mul3A_758 : i32 to index
      %get3A_762 = tpu.vector_load %arg8[%get3A_760, %get3A_761] {strides = array<i32>} : memref<32x1024xf32, #tpu.memory_space<vmem>>, vector<1x16xf32>,
      %get3A_763 = vector.shape_cast %get3A_762 : vector<1x16xf32> to vector<16xf32>
      %mul3A_764 = vector.broadcast %squeeze3A_211 : f32 to vector<16xf32>
      %mul3A_765 = arith.mulf %mul3A_764, %get3A_763 : vector<16xf32>
      %get3A_766 = arith.constant 17 : i32
      %get3A_767 = arith.index_cast %get3A_766 : i32 to index
      %get3A_768 = arith.index_cast %mul3A_758 : i32 to index
      %get3A_769 = tpu.vector_load %arg9[%get3A_767, %get3A_768] {strides = array<i32>} : memref<32x1024xf32, #tpu.memory_space<vmem>>, vector<1x16xf32>,
      %get3A_770 = vector.shape_cast %get3A_769 : vector<1x16xf32> to vector<16xf32>
      %mul3A_771 = vector.broadcast %squeeze3A_213 : f32 to vector<16xf32>
      %mul3A_772 = arith.mulf %mul3A_771, %get3A_770 : vector<16xf32>
      %add3A_773 = arith.addf %mul3A_765, %mul3A_772 : vector<16xf32>
      %swap3A = arith.constant 17 : i32
      %swap3A_774 = arith.index_cast %swap3A : i32 to index
      %swap3A_775 = arith.index_cast %mul3A_758 : i32 to index
      %swap3A_776 = tpu.vector_load %arg8[%swap3A_774, %swap3A_775] {strides = array<i32>} : memref<32x1024xf32, #tpu.memory_space<vmem>>, vector<1x16xf32>,
      %swap3A_777 = vector.shape_cast %swap3A_776 : vector<1x16xf32> to vector<16xf32>
      %swap3A_778 = vector.shape_cast %add3A_773 : vector<16xf32> to vector<1x16xf32>
      tpu.vector_store %arg8[%swap3A_774, %swap3A_775], %swap3A_778 {strides = array<i32>} : memref<32x1024xf32, #tpu.memory_space<vmem>>, vector<1x16xf32>,
      %scan3A_779 = arith.constant 0 : i32
      scf.yield %scan3A_779 : i32
    }
    %scan3A_220 = arith.constant 64 : i32
    %slice3A_221 = vector.extract_strided_slice %get3A_195 {offsets = [2], sizes = [1], strides = [1]} : vector<16xf32> to vector<1xf32>
    %squeeze3A_222 = vector.extract %slice3A_221[0] : f32 from vector<1xf32>
    %slice3A_223 = vector.extract_strided_slice %get3A_198 {offsets = [2], sizes = [1], strides = [1]} : vector<16xf32> to vector<1xf32>
    %squeeze3A_224 = vector.extract %slice3A_223[0] : f32 from vector<1xf32>
    %scan3A_225 = arith.constant 0 : i32
    %scan3A_226 = arith.constant 0 : i32
    %scan3A_227 = arith.constant 64 : i32
    %scan3A_228 = arith.addi %scan3A_226, %scan3A_227 : i32
    %scan3A_229 = arith.constant 1 : i32
    %scan3A_230 = scf.for %scan3A_755 = %scan3A_226 to %scan3A_228 step %scan3A_229 iter_args(%scan3A_756 = %scan3A_225) -> (i32)  : i32 {
      %mul3A_757 = arith.constant 16 : i32
      %mul3A_758 = arith.muli %scan3A_755, %mul3A_757 : i32
      %get3A_759 = arith.constant 18 : i32
      %get3A_760 = arith.index_cast %get3A_759 : i32 to index
      %get3A_761 = arith.index_cast %mul3A_758 : i32 to index
      %get3A_762 = tpu.vector_load %arg8[%get3A_760, %get3A_761] {strides = array<i32>} : memref<32x1024xf32, #tpu.memory_space<vmem>>, vector<1x16xf32>,
      %get3A_763 = vector.shape_cast %get3A_762 : vector<1x16xf32> to vector<16xf32>
      %mul3A_764 = vector.broadcast %squeeze3A_222 : f32 to vector<16xf32>
      %mul3A_765 = arith.mulf %mul3A_764, %get3A_763 : vector<16xf32>
      %get3A_766 = arith.constant 18 : i32
      %get3A_767 = arith.index_cast %get3A_766 : i32 to index
      %get3A_768 = arith.index_cast %mul3A_758 : i32 to index
      %get3A_769 = tpu.vector_load %arg9[%get3A_767, %get3A_768] {strides = array<i32>} : memref<32x1024xf32, #tpu.memory_space<vmem>>, vector<1x16xf32>,
      %get3A_770 = vector.shape_cast %get3A_769 : vector<1x16xf32> to vector<16xf32>
      %mul3A_771 = vector.broadcast %squeeze3A_224 : f32 to vector<16xf32>
      %mul3A_772 = arith.mulf %mul3A_771, %get3A_770 : vector<16xf32>
      %add3A_773 = arith.addf %mul3A_765, %mul3A_772 : vector<16xf32>
      %swap3A = arith.constant 18 : i32
      %swap3A_774 = arith.index_cast %swap3A : i32 to index
      %swap3A_775 = arith.index_cast %mul3A_758 : i32 to index
      %swap3A_776 = tpu.vector_load %arg8[%swap3A_774, %swap3A_775] {strides = array<i32>} : memref<32x1024xf32, #tpu.memory_space<vmem>>, vector<1x16xf32>,
      %swap3A_777 = vector.shape_cast %swap3A_776 : vector<1x16xf32> to vector<16xf32>
      %swap3A_778 = vector.shape_cast %add3A_773 : vector<16xf32> to vector<1x16xf32>
      tpu.vector_store %arg8[%swap3A_774, %swap3A_775], %swap3A_778 {strides = array<i32>} : memref<32x1024xf32, #tpu.memory_space<vmem>>, vector<1x16xf32>,
      %scan3A_779 = arith.constant 0 : i32
      scf.yield %scan3A_779 : i32
    }
    %scan3A_231 = arith.constant 64 : i32
    %slice3A_232 = vector.extract_strided_slice %get3A_195 {offsets = [3], sizes = [1], strides = [1]} : vector<16xf32> to vector<1xf32>
    %squeeze3A_233 = vector.extract %slice3A_232[0] : f32 from vector<1xf32>
    %slice3A_234 = vector.extract_strided_slice %get3A_198 {offsets = [3], sizes = [1], strides = [1]} : vector<16xf32> to vector<1xf32>
    %squeeze3A_235 = vector.extract %slice3A_234[0] : f32 from vector<1xf32>
    %scan3A_236 = arith.constant 0 : i32
    %scan3A_237 = arith.constant 0 : i32
    %scan3A_238 = arith.constant 64 : i32
    %scan3A_239 = arith.addi %scan3A_237, %scan3A_238 : i32
    %scan3A_240 = arith.constant 1 : i32
    %scan3A_241 = scf.for %scan3A_755 = %scan3A_237 to %scan3A_239 step %scan3A_240 iter_args(%scan3A_756 = %scan3A_236) -> (i32)  : i32 {
      %mul3A_757 = arith.constant 16 : i32
      %mul3A_758 = arith.muli %scan3A_755, %mul3A_757 : i32
      %get3A_759 = arith.constant 19 : i32
      %get3A_760 = arith.index_cast %get3A_759 : i32 to index
      %get3A_761 = arith.index_cast %mul3A_758 : i32 to index
      %get3A_762 = tpu.vector_load %arg8[%get3A_760, %get3A_761] {strides = array<i32>} : memref<32x1024xf32, #tpu.memory_space<vmem>>, vector<1x16xf32>,
      %get3A_763 = vector.shape_cast %get3A_762 : vector<1x16xf32> to vector<16xf32>
      %mul3A_764 = vector.broadcast %squeeze3A_233 : f32 to vector<16xf32>
      %mul3A_765 = arith.mulf %mul3A_764, %get3A_763 : vector<16xf32>
      %get3A_766 = arith.constant 19 : i32
      %get3A_767 = arith.index_cast %get3A_766 : i32 to index
      %get3A_768 = arith.index_cast %mul3A_758 : i32 to index
      %get3A_769 = tpu.vector_load %arg9[%get3A_767, %get3A_768] {strides = array<i32>} : memref<32x1024xf32, #tpu.memory_space<vmem>>, vector<1x16xf32>,
      %get3A_770 = vector.shape_cast %get3A_769 : vector<1x16xf32> to vector<16xf32>
      %mul3A_771 = vector.broadcast %squeeze3A_235 : f32 to vector<16xf32>
      %mul3A_772 = arith.mulf %mul3A_771, %get3A_770 : vector<16xf32>
      %add3A_773 = arith.addf %mul3A_765, %mul3A_772 : vector<16xf32>
      %swap3A = arith.constant 19 : i32
      %swap3A_774 = arith.index_cast %swap3A : i32 to index
      %swap3A_775 = arith.index_cast %mul3A_758 : i32 to index
      %swap3A_776 = tpu.vector_load %arg8[%swap3A_774, %swap3A_775] {strides = array<i32>} : memref<32x1024xf32, #tpu.memory_space<vmem>>, vector<1x16xf32>,
      %swap3A_777 = vector.shape_cast %swap3A_776 : vector<1x16xf32> to vector<16xf32>
      %swap3A_778 = vector.shape_cast %add3A_773 : vector<16xf32> to vector<1x16xf32>
      tpu.vector_store %arg8[%swap3A_774, %swap3A_775], %swap3A_778 {strides = array<i32>} : memref<32x1024xf32, #tpu.memory_space<vmem>>, vector<1x16xf32>,
      %scan3A_779 = arith.constant 0 : i32
      scf.yield %scan3A_779 : i32
    }
    %scan3A_242 = arith.constant 64 : i32
    %slice3A_243 = vector.extract_strided_slice %get3A_195 {offsets = [4], sizes = [1], strides = [1]} : vector<16xf32> to vector<1xf32>
    %squeeze3A_244 = vector.extract %slice3A_243[0] : f32 from vector<1xf32>
    %slice3A_245 = vector.extract_strided_slice %get3A_198 {offsets = [4], sizes = [1], strides = [1]} : vector<16xf32> to vector<1xf32>
    %squeeze3A_246 = vector.extract %slice3A_245[0] : f32 from vector<1xf32>
    %scan3A_247 = arith.constant 0 : i32
    %scan3A_248 = arith.constant 0 : i32
    %scan3A_249 = arith.constant 64 : i32
    %scan3A_250 = arith.addi %scan3A_248, %scan3A_249 : i32
    %scan3A_251 = arith.constant 1 : i32
    %scan3A_252 = scf.for %scan3A_755 = %scan3A_248 to %scan3A_250 step %scan3A_251 iter_args(%scan3A_756 = %scan3A_247) -> (i32)  : i32 {
      %mul3A_757 = arith.constant 16 : i32
      %mul3A_758 = arith.muli %scan3A_755, %mul3A_757 : i32
      %get3A_759 = arith.constant 20 : i32
      %get3A_760 = arith.index_cast %get3A_759 : i32 to index
      %get3A_761 = arith.index_cast %mul3A_758 : i32 to index
      %get3A_762 = tpu.vector_load %arg8[%get3A_760, %get3A_761] {strides = array<i32>} : memref<32x1024xf32, #tpu.memory_space<vmem>>, vector<1x16xf32>,
      %get3A_763 = vector.shape_cast %get3A_762 : vector<1x16xf32> to vector<16xf32>
      %mul3A_764 = vector.broadcast %squeeze3A_244 : f32 to vector<16xf32>
      %mul3A_765 = arith.mulf %mul3A_764, %get3A_763 : vector<16xf32>
      %get3A_766 = arith.constant 20 : i32
      %get3A_767 = arith.index_cast %get3A_766 : i32 to index
      %get3A_768 = arith.index_cast %mul3A_758 : i32 to index
      %get3A_769 = tpu.vector_load %arg9[%get3A_767, %get3A_768] {strides = array<i32>} : memref<32x1024xf32, #tpu.memory_space<vmem>>, vector<1x16xf32>,
      %get3A_770 = vector.shape_cast %get3A_769 : vector<1x16xf32> to vector<16xf32>
      %mul3A_771 = vector.broadcast %squeeze3A_246 : f32 to vector<16xf32>
      %mul3A_772 = arith.mulf %mul3A_771, %get3A_770 : vector<16xf32>
      %add3A_773 = arith.addf %mul3A_765, %mul3A_772 : vector<16xf32>
      %swap3A = arith.constant 20 : i32
      %swap3A_774 = arith.index_cast %swap3A : i32 to index
      %swap3A_775 = arith.index_cast %mul3A_758 : i32 to index
      %swap3A_776 = tpu.vector_load %arg8[%swap3A_774, %swap3A_775] {strides = array<i32>} : memref<32x1024xf32, #tpu.memory_space<vmem>>, vector<1x16xf32>,
      %swap3A_777 = vector.shape_cast %swap3A_776 : vector<1x16xf32> to vector<16xf32>
      %swap3A_778 = vector.shape_cast %add3A_773 : vector<16xf32> to vector<1x16xf32>
      tpu.vector_store %arg8[%swap3A_774, %swap3A_775], %swap3A_778 {strides = array<i32>} : memref<32x1024xf32, #tpu.memory_space<vmem>>, vector<1x16xf32>,
      %scan3A_779 = arith.constant 0 : i32
      scf.yield %scan3A_779 : i32
    }
    %scan3A_253 = arith.constant 64 : i32
    %slice3A_254 = vector.extract_strided_slice %get3A_195 {offsets = [5], sizes = [1], strides = [1]} : vector<16xf32> to vector<1xf32>
    %squeeze3A_255 = vector.extract %slice3A_254[0] : f32 from vector<1xf32>
    %slice3A_256 = vector.extract_strided_slice %get3A_198 {offsets = [5], sizes = [1], strides = [1]} : vector<16xf32> to vector<1xf32>
    %squeeze3A_257 = vector.extract %slice3A_256[0] : f32 from vector<1xf32>
    %scan3A_258 = arith.constant 0 : i32
    %scan3A_259 = arith.constant 0 : i32
    %scan3A_260 = arith.constant 64 : i32
    %scan3A_261 = arith.addi %scan3A_259, %scan3A_260 : i32
    %scan3A_262 = arith.constant 1 : i32
    %scan3A_263 = scf.for %scan3A_755 = %scan3A_259 to %scan3A_261 step %scan3A_262 iter_args(%scan3A_756 = %scan3A_258) -> (i32)  : i32 {
      %mul3A_757 = arith.constant 16 : i32
      %mul3A_758 = arith.muli %scan3A_755, %mul3A_757 : i32
      %get3A_759 = arith.constant 21 : i32
      %get3A_760 = arith.index_cast %get3A_759 : i32 to index
      %get3A_761 = arith.index_cast %mul3A_758 : i32 to index
      %get3A_762 = tpu.vector_load %arg8[%get3A_760, %get3A_761] {strides = array<i32>} : memref<32x1024xf32, #tpu.memory_space<vmem>>, vector<1x16xf32>,
      %get3A_763 = vector.shape_cast %get3A_762 : vector<1x16xf32> to vector<16xf32>
      %mul3A_764 = vector.broadcast %squeeze3A_255 : f32 to vector<16xf32>
      %mul3A_765 = arith.mulf %mul3A_764, %get3A_763 : vector<16xf32>
      %get3A_766 = arith.constant 21 : i32
      %get3A_767 = arith.index_cast %get3A_766 : i32 to index
      %get3A_768 = arith.index_cast %mul3A_758 : i32 to index
      %get3A_769 = tpu.vector_load %arg9[%get3A_767, %get3A_768] {strides = array<i32>} : memref<32x1024xf32, #tpu.memory_space<vmem>>, vector<1x16xf32>,
      %get3A_770 = vector.shape_cast %get3A_769 : vector<1x16xf32> to vector<16xf32>
      %mul3A_771 = vector.broadcast %squeeze3A_257 : f32 to vector<16xf32>
      %mul3A_772 = arith.mulf %mul3A_771, %get3A_770 : vector<16xf32>
      %add3A_773 = arith.addf %mul3A_765, %mul3A_772 : vector<16xf32>
      %swap3A = arith.constant 21 : i32
      %swap3A_774 = arith.index_cast %swap3A : i32 to index
      %swap3A_775 = arith.index_cast %mul3A_758 : i32 to index
      %swap3A_776 = tpu.vector_load %arg8[%swap3A_774, %swap3A_775] {strides = array<i32>} : memref<32x1024xf32, #tpu.memory_space<vmem>>, vector<1x16xf32>,
      %swap3A_777 = vector.shape_cast %swap3A_776 : vector<1x16xf32> to vector<16xf32>
      %swap3A_778 = vector.shape_cast %add3A_773 : vector<16xf32> to vector<1x16xf32>
      tpu.vector_store %arg8[%swap3A_774, %swap3A_775], %swap3A_778 {strides = array<i32>} : memref<32x1024xf32, #tpu.memory_space<vmem>>, vector<1x16xf32>,
      %scan3A_779 = arith.constant 0 : i32
      scf.yield %scan3A_779 : i32
    }
    %scan3A_264 = arith.constant 64 : i32
    %slice3A_265 = vector.extract_strided_slice %get3A_195 {offsets = [6], sizes = [1], strides = [1]} : vector<16xf32> to vector<1xf32>
    %squeeze3A_266 = vector.extract %slice3A_265[0] : f32 from vector<1xf32>
    %slice3A_267 = vector.extract_strided_slice %get3A_198 {offsets = [6], sizes = [1], strides = [1]} : vector<16xf32> to vector<1xf32>
    %squeeze3A_268 = vector.extract %slice3A_267[0] : f32 from vector<1xf32>
    %scan3A_269 = arith.constant 0 : i32
    %scan3A_270 = arith.constant 0 : i32
    %scan3A_271 = arith.constant 64 : i32
    %scan3A_272 = arith.addi %scan3A_270, %scan3A_271 : i32
    %scan3A_273 = arith.constant 1 : i32
    %scan3A_274 = scf.for %scan3A_755 = %scan3A_270 to %scan3A_272 step %scan3A_273 iter_args(%scan3A_756 = %scan3A_269) -> (i32)  : i32 {
      %mul3A_757 = arith.constant 16 : i32
      %mul3A_758 = arith.muli %scan3A_755, %mul3A_757 : i32
      %get3A_759 = arith.constant 22 : i32
      %get3A_760 = arith.index_cast %get3A_759 : i32 to index
      %get3A_761 = arith.index_cast %mul3A_758 : i32 to index
      %get3A_762 = tpu.vector_load %arg8[%get3A_760, %get3A_761] {strides = array<i32>} : memref<32x1024xf32, #tpu.memory_space<vmem>>, vector<1x16xf32>,
      %get3A_763 = vector.shape_cast %get3A_762 : vector<1x16xf32> to vector<16xf32>
      %mul3A_764 = vector.broadcast %squeeze3A_266 : f32 to vector<16xf32>
      %mul3A_765 = arith.mulf %mul3A_764, %get3A_763 : vector<16xf32>
      %get3A_766 = arith.constant 22 : i32
      %get3A_767 = arith.index_cast %get3A_766 : i32 to index
      %get3A_768 = arith.index_cast %mul3A_758 : i32 to index
      %get3A_769 = tpu.vector_load %arg9[%get3A_767, %get3A_768] {strides = array<i32>} : memref<32x1024xf32, #tpu.memory_space<vmem>>, vector<1x16xf32>,
      %get3A_770 = vector.shape_cast %get3A_769 : vector<1x16xf32> to vector<16xf32>
      %mul3A_771 = vector.broadcast %squeeze3A_268 : f32 to vector<16xf32>
      %mul3A_772 = arith.mulf %mul3A_771, %get3A_770 : vector<16xf32>
      %add3A_773 = arith.addf %mul3A_765, %mul3A_772 : vector<16xf32>
      %swap3A = arith.constant 22 : i32
      %swap3A_774 = arith.index_cast %swap3A : i32 to index
      %swap3A_775 = arith.index_cast %mul3A_758 : i32 to index
      %swap3A_776 = tpu.vector_load %arg8[%swap3A_774, %swap3A_775] {strides = array<i32>} : memref<32x1024xf32, #tpu.memory_space<vmem>>, vector<1x16xf32>,
      %swap3A_777 = vector.shape_cast %swap3A_776 : vector<1x16xf32> to vector<16xf32>
      %swap3A_778 = vector.shape_cast %add3A_773 : vector<16xf32> to vector<1x16xf32>
      tpu.vector_store %arg8[%swap3A_774, %swap3A_775], %swap3A_778 {strides = array<i32>} : memref<32x1024xf32, #tpu.memory_space<vmem>>, vector<1x16xf32>,
      %scan3A_779 = arith.constant 0 : i32
      scf.yield %scan3A_779 : i32
    }
    %scan3A_275 = arith.constant 64 : i32
    %slice3A_276 = vector.extract_strided_slice %get3A_195 {offsets = [7], sizes = [1], strides = [1]} : vector<16xf32> to vector<1xf32>
    %squeeze3A_277 = vector.extract %slice3A_276[0] : f32 from vector<1xf32>
    %slice3A_278 = vector.extract_strided_slice %get3A_198 {offsets = [7], sizes = [1], strides = [1]} : vector<16xf32> to vector<1xf32>
    %squeeze3A_279 = vector.extract %slice3A_278[0] : f32 from vector<1xf32>
    %scan3A_280 = arith.constant 0 : i32
    %scan3A_281 = arith.constant 0 : i32
    %scan3A_282 = arith.constant 64 : i32
    %scan3A_283 = arith.addi %scan3A_281, %scan3A_282 : i32
    %scan3A_284 = arith.constant 1 : i32
    %scan3A_285 = scf.for %scan3A_755 = %scan3A_281 to %scan3A_283 step %scan3A_284 iter_args(%scan3A_756 = %scan3A_280) -> (i32)  : i32 {
      %mul3A_757 = arith.constant 16 : i32
      %mul3A_758 = arith.muli %scan3A_755, %mul3A_757 : i32
      %get3A_759 = arith.constant 23 : i32
      %get3A_760 = arith.index_cast %get3A_759 : i32 to index
      %get3A_761 = arith.index_cast %mul3A_758 : i32 to index
      %get3A_762 = tpu.vector_load %arg8[%get3A_760, %get3A_761] {strides = array<i32>} : memref<32x1024xf32, #tpu.memory_space<vmem>>, vector<1x16xf32>,
      %get3A_763 = vector.shape_cast %get3A_762 : vector<1x16xf32> to vector<16xf32>
      %mul3A_764 = vector.broadcast %squeeze3A_277 : f32 to vector<16xf32>
      %mul3A_765 = arith.mulf %mul3A_764, %get3A_763 : vector<16xf32>
      %get3A_766 = arith.constant 23 : i32
      %get3A_767 = arith.index_cast %get3A_766 : i32 to index
      %get3A_768 = arith.index_cast %mul3A_758 : i32 to index
      %get3A_769 = tpu.vector_load %arg9[%get3A_767, %get3A_768] {strides = array<i32>} : memref<32x1024xf32, #tpu.memory_space<vmem>>, vector<1x16xf32>,
      %get3A_770 = vector.shape_cast %get3A_769 : vector<1x16xf32> to vector<16xf32>
      %mul3A_771 = vector.broadcast %squeeze3A_279 : f32 to vector<16xf32>
      %mul3A_772 = arith.mulf %mul3A_771, %get3A_770 : vector<16xf32>
      %add3A_773 = arith.addf %mul3A_765, %mul3A_772 : vector<16xf32>
      %swap3A = arith.constant 23 : i32
      %swap3A_774 = arith.index_cast %swap3A : i32 to index
      %swap3A_775 = arith.index_cast %mul3A_758 : i32 to index
      %swap3A_776 = tpu.vector_load %arg8[%swap3A_774, %swap3A_775] {strides = array<i32>} : memref<32x1024xf32, #tpu.memory_space<vmem>>, vector<1x16xf32>,
      %swap3A_777 = vector.shape_cast %swap3A_776 : vector<1x16xf32> to vector<16xf32>
      %swap3A_778 = vector.shape_cast %add3A_773 : vector<16xf32> to vector<1x16xf32>
      tpu.vector_store %arg8[%swap3A_774, %swap3A_775], %swap3A_778 {strides = array<i32>} : memref<32x1024xf32, #tpu.memory_space<vmem>>, vector<1x16xf32>,
      %scan3A_779 = arith.constant 0 : i32
      scf.yield %scan3A_779 : i32
    }
    %scan3A_286 = arith.constant 64 : i32
    %slice3A_287 = vector.extract_strided_slice %get3A_195 {offsets = [8], sizes = [1], strides = [1]} : vector<16xf32> to vector<1xf32>
    %squeeze3A_288 = vector.extract %slice3A_287[0] : f32 from vector<1xf32>
    %slice3A_289 = vector.extract_strided_slice %get3A_198 {offsets = [8], sizes = [1], strides = [1]} : vector<16xf32> to vector<1xf32>
    %squeeze3A_290 = vector.extract %slice3A_289[0] : f32 from vector<1xf32>
    %scan3A_291 = arith.constant 0 : i32
    %scan3A_292 = arith.constant 0 : i32
    %scan3A_293 = arith.constant 64 : i32
    %scan3A_294 = arith.addi %scan3A_292, %scan3A_293 : i32
    %scan3A_295 = arith.constant 1 : i32
    %scan3A_296 = scf.for %scan3A_755 = %scan3A_292 to %scan3A_294 step %scan3A_295 iter_args(%scan3A_756 = %scan3A_291) -> (i32)  : i32 {
      %mul3A_757 = arith.constant 16 : i32
      %mul3A_758 = arith.muli %scan3A_755, %mul3A_757 : i32
      %get3A_759 = arith.constant 24 : i32
      %get3A_760 = arith.index_cast %get3A_759 : i32 to index
      %get3A_761 = arith.index_cast %mul3A_758 : i32 to index
      %get3A_762 = tpu.vector_load %arg8[%get3A_760, %get3A_761] {strides = array<i32>} : memref<32x1024xf32, #tpu.memory_space<vmem>>, vector<1x16xf32>,
      %get3A_763 = vector.shape_cast %get3A_762 : vector<1x16xf32> to vector<16xf32>
      %mul3A_764 = vector.broadcast %squeeze3A_288 : f32 to vector<16xf32>
      %mul3A_765 = arith.mulf %mul3A_764, %get3A_763 : vector<16xf32>
      %get3A_766 = arith.constant 24 : i32
      %get3A_767 = arith.index_cast %get3A_766 : i32 to index
      %get3A_768 = arith.index_cast %mul3A_758 : i32 to index
      %get3A_769 = tpu.vector_load %arg9[%get3A_767, %get3A_768] {strides = array<i32>} : memref<32x1024xf32, #tpu.memory_space<vmem>>, vector<1x16xf32>,
      %get3A_770 = vector.shape_cast %get3A_769 : vector<1x16xf32> to vector<16xf32>
      %mul3A_771 = vector.broadcast %squeeze3A_290 : f32 to vector<16xf32>
      %mul3A_772 = arith.mulf %mul3A_771, %get3A_770 : vector<16xf32>
      %add3A_773 = arith.addf %mul3A_765, %mul3A_772 : vector<16xf32>
      %swap3A = arith.constant 24 : i32
      %swap3A_774 = arith.index_cast %swap3A : i32 to index
      %swap3A_775 = arith.index_cast %mul3A_758 : i32 to index
      %swap3A_776 = tpu.vector_load %arg8[%swap3A_774, %swap3A_775] {strides = array<i32>} : memref<32x1024xf32, #tpu.memory_space<vmem>>, vector<1x16xf32>,
      %swap3A_777 = vector.shape_cast %swap3A_776 : vector<1x16xf32> to vector<16xf32>
      %swap3A_778 = vector.shape_cast %add3A_773 : vector<16xf32> to vector<1x16xf32>
      tpu.vector_store %arg8[%swap3A_774, %swap3A_775], %swap3A_778 {strides = array<i32>} : memref<32x1024xf32, #tpu.memory_space<vmem>>, vector<1x16xf32>,
      %scan3A_779 = arith.constant 0 : i32
      scf.yield %scan3A_779 : i32
    }
    %scan3A_297 = arith.constant 64 : i32
    %slice3A_298 = vector.extract_strided_slice %get3A_195 {offsets = [9], sizes = [1], strides = [1]} : vector<16xf32> to vector<1xf32>
    %squeeze3A_299 = vector.extract %slice3A_298[0] : f32 from vector<1xf32>
    %slice3A_300 = vector.extract_strided_slice %get3A_198 {offsets = [9], sizes = [1], strides = [1]} : vector<16xf32> to vector<1xf32>
    %squeeze3A_301 = vector.extract %slice3A_300[0] : f32 from vector<1xf32>
    %scan3A_302 = arith.constant 0 : i32
    %scan3A_303 = arith.constant 0 : i32
    %scan3A_304 = arith.constant 64 : i32
    %scan3A_305 = arith.addi %scan3A_303, %scan3A_304 : i32
    %scan3A_306 = arith.constant 1 : i32
    %scan3A_307 = scf.for %scan3A_755 = %scan3A_303 to %scan3A_305 step %scan3A_306 iter_args(%scan3A_756 = %scan3A_302) -> (i32)  : i32 {
      %mul3A_757 = arith.constant 16 : i32
      %mul3A_758 = arith.muli %scan3A_755, %mul3A_757 : i32
      %get3A_759 = arith.constant 25 : i32
      %get3A_760 = arith.index_cast %get3A_759 : i32 to index
      %get3A_761 = arith.index_cast %mul3A_758 : i32 to index
      %get3A_762 = tpu.vector_load %arg8[%get3A_760, %get3A_761] {strides = array<i32>} : memref<32x1024xf32, #tpu.memory_space<vmem>>, vector<1x16xf32>,
      %get3A_763 = vector.shape_cast %get3A_762 : vector<1x16xf32> to vector<16xf32>
      %mul3A_764 = vector.broadcast %squeeze3A_299 : f32 to vector<16xf32>
      %mul3A_765 = arith.mulf %mul3A_764, %get3A_763 : vector<16xf32>
      %get3A_766 = arith.constant 25 : i32
      %get3A_767 = arith.index_cast %get3A_766 : i32 to index
      %get3A_768 = arith.index_cast %mul3A_758 : i32 to index
      %get3A_769 = tpu.vector_load %arg9[%get3A_767, %get3A_768] {strides = array<i32>} : memref<32x1024xf32, #tpu.memory_space<vmem>>, vector<1x16xf32>,
      %get3A_770 = vector.shape_cast %get3A_769 : vector<1x16xf32> to vector<16xf32>
      %mul3A_771 = vector.broadcast %squeeze3A_301 : f32 to vector<16xf32>
      %mul3A_772 = arith.mulf %mul3A_771, %get3A_770 : vector<16xf32>
      %add3A_773 = arith.addf %mul3A_765, %mul3A_772 : vector<16xf32>
      %swap3A = arith.constant 25 : i32
      %swap3A_774 = arith.index_cast %swap3A : i32 to index
      %swap3A_775 = arith.index_cast %mul3A_758 : i32 to index
      %swap3A_776 = tpu.vector_load %arg8[%swap3A_774, %swap3A_775] {strides = array<i32>} : memref<32x1024xf32, #tpu.memory_space<vmem>>, vector<1x16xf32>,
      %swap3A_777 = vector.shape_cast %swap3A_776 : vector<1x16xf32> to vector<16xf32>
      %swap3A_778 = vector.shape_cast %add3A_773 : vector<16xf32> to vector<1x16xf32>
      tpu.vector_store %arg8[%swap3A_774, %swap3A_775], %swap3A_778 {strides = array<i32>} : memref<32x1024xf32, #tpu.memory_space<vmem>>, vector<1x16xf32>,
      %scan3A_779 = arith.constant 0 : i32
      scf.yield %scan3A_779 : i32
    }
    %scan3A_308 = arith.constant 64 : i32
    %slice3A_309 = vector.extract_strided_slice %get3A_195 {offsets = [10], sizes = [1], strides = [1]} : vector<16xf32> to vector<1xf32>
    %squeeze3A_310 = vector.extract %slice3A_309[0] : f32 from vector<1xf32>
    %slice3A_311 = vector.extract_strided_slice %get3A_198 {offsets = [10], sizes = [1], strides = [1]} : vector<16xf32> to vector<1xf32>
    %squeeze3A_312 = vector.extract %slice3A_311[0] : f32 from vector<1xf32>
    %scan3A_313 = arith.constant 0 : i32
    %scan3A_314 = arith.constant 0 : i32
    %scan3A_315 = arith.constant 64 : i32
    %scan3A_316 = arith.addi %scan3A_314, %scan3A_315 : i32
    %scan3A_317 = arith.constant 1 : i32
    %scan3A_318 = scf.for %scan3A_755 = %scan3A_314 to %scan3A_316 step %scan3A_317 iter_args(%scan3A_756 = %scan3A_313) -> (i32)  : i32 {
      %mul3A_757 = arith.constant 16 : i32
      %mul3A_758 = arith.muli %scan3A_755, %mul3A_757 : i32
      %get3A_759 = arith.constant 26 : i32
      %get3A_760 = arith.index_cast %get3A_759 : i32 to index
      %get3A_761 = arith.index_cast %mul3A_758 : i32 to index
      %get3A_762 = tpu.vector_load %arg8[%get3A_760, %get3A_761] {strides = array<i32>} : memref<32x1024xf32, #tpu.memory_space<vmem>>, vector<1x16xf32>,
      %get3A_763 = vector.shape_cast %get3A_762 : vector<1x16xf32> to vector<16xf32>
      %mul3A_764 = vector.broadcast %squeeze3A_310 : f32 to vector<16xf32>
      %mul3A_765 = arith.mulf %mul3A_764, %get3A_763 : vector<16xf32>
      %get3A_766 = arith.constant 26 : i32
      %get3A_767 = arith.index_cast %get3A_766 : i32 to index
      %get3A_768 = arith.index_cast %mul3A_758 : i32 to index
      %get3A_769 = tpu.vector_load %arg9[%get3A_767, %get3A_768] {strides = array<i32>} : memref<32x1024xf32, #tpu.memory_space<vmem>>, vector<1x16xf32>,
      %get3A_770 = vector.shape_cast %get3A_769 : vector<1x16xf32> to vector<16xf32>
      %mul3A_771 = vector.broadcast %squeeze3A_312 : f32 to vector<16xf32>
      %mul3A_772 = arith.mulf %mul3A_771, %get3A_770 : vector<16xf32>
      %add3A_773 = arith.addf %mul3A_765, %mul3A_772 : vector<16xf32>
      %swap3A = arith.constant 26 : i32
      %swap3A_774 = arith.index_cast %swap3A : i32 to index
      %swap3A_775 = arith.index_cast %mul3A_758 : i32 to index
      %swap3A_776 = tpu.vector_load %arg8[%swap3A_774, %swap3A_775] {strides = array<i32>} : memref<32x1024xf32, #tpu.memory_space<vmem>>, vector<1x16xf32>,
      %swap3A_777 = vector.shape_cast %swap3A_776 : vector<1x16xf32> to vector<16xf32>
      %swap3A_778 = vector.shape_cast %add3A_773 : vector<16xf32> to vector<1x16xf32>
      tpu.vector_store %arg8[%swap3A_774, %swap3A_775], %swap3A_778 {strides = array<i32>} : memref<32x1024xf32, #tpu.memory_space<vmem>>, vector<1x16xf32>,
      %scan3A_779 = arith.constant 0 : i32
      scf.yield %scan3A_779 : i32
    }
    %scan3A_319 = arith.constant 64 : i32
    %slice3A_320 = vector.extract_strided_slice %get3A_195 {offsets = [11], sizes = [1], strides = [1]} : vector<16xf32> to vector<1xf32>
    %squeeze3A_321 = vector.extract %slice3A_320[0] : f32 from vector<1xf32>
    %slice3A_322 = vector.extract_strided_slice %get3A_198 {offsets = [11], sizes = [1], strides = [1]} : vector<16xf32> to vector<1xf32>
    %squeeze3A_323 = vector.extract %slice3A_322[0] : f32 from vector<1xf32>
    %scan3A_324 = arith.constant 0 : i32
    %scan3A_325 = arith.constant 0 : i32
    %scan3A_326 = arith.constant 64 : i32
    %scan3A_327 = arith.addi %scan3A_325, %scan3A_326 : i32
    %scan3A_328 = arith.constant 1 : i32
    %scan3A_329 = scf.for %scan3A_755 = %scan3A_325 to %scan3A_327 step %scan3A_328 iter_args(%scan3A_756 = %scan3A_324) -> (i32)  : i32 {
      %mul3A_757 = arith.constant 16 : i32
      %mul3A_758 = arith.muli %scan3A_755, %mul3A_757 : i32
      %get3A_759 = arith.constant 27 : i32
      %get3A_760 = arith.index_cast %get3A_759 : i32 to index
      %get3A_761 = arith.index_cast %mul3A_758 : i32 to index
      %get3A_762 = tpu.vector_load %arg8[%get3A_760, %get3A_761] {strides = array<i32>} : memref<32x1024xf32, #tpu.memory_space<vmem>>, vector<1x16xf32>,
      %get3A_763 = vector.shape_cast %get3A_762 : vector<1x16xf32> to vector<16xf32>
      %mul3A_764 = vector.broadcast %squeeze3A_321 : f32 to vector<16xf32>
      %mul3A_765 = arith.mulf %mul3A_764, %get3A_763 : vector<16xf32>
      %get3A_766 = arith.constant 27 : i32
      %get3A_767 = arith.index_cast %get3A_766 : i32 to index
      %get3A_768 = arith.index_cast %mul3A_758 : i32 to index
      %get3A_769 = tpu.vector_load %arg9[%get3A_767, %get3A_768] {strides = array<i32>} : memref<32x1024xf32, #tpu.memory_space<vmem>>, vector<1x16xf32>,
      %get3A_770 = vector.shape_cast %get3A_769 : vector<1x16xf32> to vector<16xf32>
      %mul3A_771 = vector.broadcast %squeeze3A_323 : f32 to vector<16xf32>
      %mul3A_772 = arith.mulf %mul3A_771, %get3A_770 : vector<16xf32>
      %add3A_773 = arith.addf %mul3A_765, %mul3A_772 : vector<16xf32>
      %swap3A = arith.constant 27 : i32
      %swap3A_774 = arith.index_cast %swap3A : i32 to index
      %swap3A_775 = arith.index_cast %mul3A_758 : i32 to index
      %swap3A_776 = tpu.vector_load %arg8[%swap3A_774, %swap3A_775] {strides = array<i32>} : memref<32x1024xf32, #tpu.memory_space<vmem>>, vector<1x16xf32>,
      %swap3A_777 = vector.shape_cast %swap3A_776 : vector<1x16xf32> to vector<16xf32>
      %swap3A_778 = vector.shape_cast %add3A_773 : vector<16xf32> to vector<1x16xf32>
      tpu.vector_store %arg8[%swap3A_774, %swap3A_775], %swap3A_778 {strides = array<i32>} : memref<32x1024xf32, #tpu.memory_space<vmem>>, vector<1x16xf32>,
      %scan3A_779 = arith.constant 0 : i32
      scf.yield %scan3A_779 : i32
    }
    %scan3A_330 = arith.constant 64 : i32
    %slice3A_331 = vector.extract_strided_slice %get3A_195 {offsets = [12], sizes = [1], strides = [1]} : vector<16xf32> to vector<1xf32>
    %squeeze3A_332 = vector.extract %slice3A_331[0] : f32 from vector<1xf32>
    %slice3A_333 = vector.extract_strided_slice %get3A_198 {offsets = [12], sizes = [1], strides = [1]} : vector<16xf32> to vector<1xf32>
    %squeeze3A_334 = vector.extract %slice3A_333[0] : f32 from vector<1xf32>
    %scan3A_335 = arith.constant 0 : i32
    %scan3A_336 = arith.constant 0 : i32
    %scan3A_337 = arith.constant 64 : i32
    %scan3A_338 = arith.addi %scan3A_336, %scan3A_337 : i32
    %scan3A_339 = arith.constant 1 : i32
    %scan3A_340 = scf.for %scan3A_755 = %scan3A_336 to %scan3A_338 step %scan3A_339 iter_args(%scan3A_756 = %scan3A_335) -> (i32)  : i32 {
      %mul3A_757 = arith.constant 16 : i32
      %mul3A_758 = arith.muli %scan3A_755, %mul3A_757 : i32
      %get3A_759 = arith.constant 28 : i32
      %get3A_760 = arith.index_cast %get3A_759 : i32 to index
      %get3A_761 = arith.index_cast %mul3A_758 : i32 to index
      %get3A_762 = tpu.vector_load %arg8[%get3A_760, %get3A_761] {strides = array<i32>} : memref<32x1024xf32, #tpu.memory_space<vmem>>, vector<1x16xf32>,
      %get3A_763 = vector.shape_cast %get3A_762 : vector<1x16xf32> to vector<16xf32>
      %mul3A_764 = vector.broadcast %squeeze3A_332 : f32 to vector<16xf32>
      %mul3A_765 = arith.mulf %mul3A_764, %get3A_763 : vector<16xf32>
      %get3A_766 = arith.constant 28 : i32
      %get3A_767 = arith.index_cast %get3A_766 : i32 to index
      %get3A_768 = arith.index_cast %mul3A_758 : i32 to index
      %get3A_769 = tpu.vector_load %arg9[%get3A_767, %get3A_768] {strides = array<i32>} : memref<32x1024xf32, #tpu.memory_space<vmem>>, vector<1x16xf32>,
      %get3A_770 = vector.shape_cast %get3A_769 : vector<1x16xf32> to vector<16xf32>
      %mul3A_771 = vector.broadcast %squeeze3A_334 : f32 to vector<16xf32>
      %mul3A_772 = arith.mulf %mul3A_771, %get3A_770 : vector<16xf32>
      %add3A_773 = arith.addf %mul3A_765, %mul3A_772 : vector<16xf32>
      %swap3A = arith.constant 28 : i32
      %swap3A_774 = arith.index_cast %swap3A : i32 to index
      %swap3A_775 = arith.index_cast %mul3A_758 : i32 to index
      %swap3A_776 = tpu.vector_load %arg8[%swap3A_774, %swap3A_775] {strides = array<i32>} : memref<32x1024xf32, #tpu.memory_space<vmem>>, vector<1x16xf32>,
      %swap3A_777 = vector.shape_cast %swap3A_776 : vector<1x16xf32> to vector<16xf32>
      %swap3A_778 = vector.shape_cast %add3A_773 : vector<16xf32> to vector<1x16xf32>
      tpu.vector_store %arg8[%swap3A_774, %swap3A_775], %swap3A_778 {strides = array<i32>} : memref<32x1024xf32, #tpu.memory_space<vmem>>, vector<1x16xf32>,
      %scan3A_779 = arith.constant 0 : i32
      scf.yield %scan3A_779 : i32
    }
    %scan3A_341 = arith.constant 64 : i32
    %slice3A_342 = vector.extract_strided_slice %get3A_195 {offsets = [13], sizes = [1], strides = [1]} : vector<16xf32> to vector<1xf32>
    %squeeze3A_343 = vector.extract %slice3A_342[0] : f32 from vector<1xf32>
    %slice3A_344 = vector.extract_strided_slice %get3A_198 {offsets = [13], sizes = [1], strides = [1]} : vector<16xf32> to vector<1xf32>
    %squeeze3A_345 = vector.extract %slice3A_344[0] : f32 from vector<1xf32>
    %scan3A_346 = arith.constant 0 : i32
    %scan3A_347 = arith.constant 0 : i32
    %scan3A_348 = arith.constant 64 : i32
    %scan3A_349 = arith.addi %scan3A_347, %scan3A_348 : i32
    %scan3A_350 = arith.constant 1 : i32
    %scan3A_351 = scf.for %scan3A_755 = %scan3A_347 to %scan3A_349 step %scan3A_350 iter_args(%scan3A_756 = %scan3A_346) -> (i32)  : i32 {
      %mul3A_757 = arith.constant 16 : i32
      %mul3A_758 = arith.muli %scan3A_755, %mul3A_757 : i32
      %get3A_759 = arith.constant 29 : i32
      %get3A_760 = arith.index_cast %get3A_759 : i32 to index
      %get3A_761 = arith.index_cast %mul3A_758 : i32 to index
      %get3A_762 = tpu.vector_load %arg8[%get3A_760, %get3A_761] {strides = array<i32>} : memref<32x1024xf32, #tpu.memory_space<vmem>>, vector<1x16xf32>,
      %get3A_763 = vector.shape_cast %get3A_762 : vector<1x16xf32> to vector<16xf32>
      %mul3A_764 = vector.broadcast %squeeze3A_343 : f32 to vector<16xf32>
      %mul3A_765 = arith.mulf %mul3A_764, %get3A_763 : vector<16xf32>
      %get3A_766 = arith.constant 29 : i32
      %get3A_767 = arith.index_cast %get3A_766 : i32 to index
      %get3A_768 = arith.index_cast %mul3A_758 : i32 to index
      %get3A_769 = tpu.vector_load %arg9[%get3A_767, %get3A_768] {strides = array<i32>} : memref<32x1024xf32, #tpu.memory_space<vmem>>, vector<1x16xf32>,
      %get3A_770 = vector.shape_cast %get3A_769 : vector<1x16xf32> to vector<16xf32>
      %mul3A_771 = vector.broadcast %squeeze3A_345 : f32 to vector<16xf32>
      %mul3A_772 = arith.mulf %mul3A_771, %get3A_770 : vector<16xf32>
      %add3A_773 = arith.addf %mul3A_765, %mul3A_772 : vector<16xf32>
      %swap3A = arith.constant 29 : i32
      %swap3A_774 = arith.index_cast %swap3A : i32 to index
      %swap3A_775 = arith.index_cast %mul3A_758 : i32 to index
      %swap3A_776 = tpu.vector_load %arg8[%swap3A_774, %swap3A_775] {strides = array<i32>} : memref<32x1024xf32, #tpu.memory_space<vmem>>, vector<1x16xf32>,
      %swap3A_777 = vector.shape_cast %swap3A_776 : vector<1x16xf32> to vector<16xf32>
      %swap3A_778 = vector.shape_cast %add3A_773 : vector<16xf32> to vector<1x16xf32>
      tpu.vector_store %arg8[%swap3A_774, %swap3A_775], %swap3A_778 {strides = array<i32>} : memref<32x1024xf32, #tpu.memory_space<vmem>>, vector<1x16xf32>,
      %scan3A_779 = arith.constant 0 : i32
      scf.yield %scan3A_779 : i32
    }
    %scan3A_352 = arith.constant 64 : i32
    %slice3A_353 = vector.extract_strided_slice %get3A_195 {offsets = [14], sizes = [1], strides = [1]} : vector<16xf32> to vector<1xf32>
    %squeeze3A_354 = vector.extract %slice3A_353[0] : f32 from vector<1xf32>
    %slice3A_355 = vector.extract_strided_slice %get3A_198 {offsets = [14], sizes = [1], strides = [1]} : vector<16xf32> to vector<1xf32>
    %squeeze3A_356 = vector.extract %slice3A_355[0] : f32 from vector<1xf32>
    %scan3A_357 = arith.constant 0 : i32
    %scan3A_358 = arith.constant 0 : i32
    %scan3A_359 = arith.constant 64 : i32
    %scan3A_360 = arith.addi %scan3A_358, %scan3A_359 : i32
    %scan3A_361 = arith.constant 1 : i32
    %scan3A_362 = scf.for %scan3A_755 = %scan3A_358 to %scan3A_360 step %scan3A_361 iter_args(%scan3A_756 = %scan3A_357) -> (i32)  : i32 {
      %mul3A_757 = arith.constant 16 : i32
      %mul3A_758 = arith.muli %scan3A_755, %mul3A_757 : i32
      %get3A_759 = arith.constant 30 : i32
      %get3A_760 = arith.index_cast %get3A_759 : i32 to index
      %get3A_761 = arith.index_cast %mul3A_758 : i32 to index
      %get3A_762 = tpu.vector_load %arg8[%get3A_760, %get3A_761] {strides = array<i32>} : memref<32x1024xf32, #tpu.memory_space<vmem>>, vector<1x16xf32>,
      %get3A_763 = vector.shape_cast %get3A_762 : vector<1x16xf32> to vector<16xf32>
      %mul3A_764 = vector.broadcast %squeeze3A_354 : f32 to vector<16xf32>
      %mul3A_765 = arith.mulf %mul3A_764, %get3A_763 : vector<16xf32>
      %get3A_766 = arith.constant 30 : i32
      %get3A_767 = arith.index_cast %get3A_766 : i32 to index
      %get3A_768 = arith.index_cast %mul3A_758 : i32 to index
      %get3A_769 = tpu.vector_load %arg9[%get3A_767, %get3A_768] {strides = array<i32>} : memref<32x1024xf32, #tpu.memory_space<vmem>>, vector<1x16xf32>,
      %get3A_770 = vector.shape_cast %get3A_769 : vector<1x16xf32> to vector<16xf32>
      %mul3A_771 = vector.broadcast %squeeze3A_356 : f32 to vector<16xf32>
      %mul3A_772 = arith.mulf %mul3A_771, %get3A_770 : vector<16xf32>
      %add3A_773 = arith.addf %mul3A_765, %mul3A_772 : vector<16xf32>
      %swap3A = arith.constant 30 : i32
      %swap3A_774 = arith.index_cast %swap3A : i32 to index
      %swap3A_775 = arith.index_cast %mul3A_758 : i32 to index
      %swap3A_776 = tpu.vector_load %arg8[%swap3A_774, %swap3A_775] {strides = array<i32>} : memref<32x1024xf32, #tpu.memory_space<vmem>>, vector<1x16xf32>,
      %swap3A_777 = vector.shape_cast %swap3A_776 : vector<1x16xf32> to vector<16xf32>
      %swap3A_778 = vector.shape_cast %add3A_773 : vector<16xf32> to vector<1x16xf32>
      tpu.vector_store %arg8[%swap3A_774, %swap3A_775], %swap3A_778 {strides = array<i32>} : memref<32x1024xf32, #tpu.memory_space<vmem>>, vector<1x16xf32>,
      %scan3A_779 = arith.constant 0 : i32
      scf.yield %scan3A_779 : i32
    }
    %scan3A_363 = arith.constant 64 : i32
    %slice3A_364 = vector.extract_strided_slice %get3A_195 {offsets = [15], sizes = [1], strides = [1]} : vector<16xf32> to vector<1xf32>
    %squeeze3A_365 = vector.extract %slice3A_364[0] : f32 from vector<1xf32>
    %slice3A_366 = vector.extract_strided_slice %get3A_198 {offsets = [15], sizes = [1], strides = [1]} : vector<16xf32> to vector<1xf32>
    %squeeze3A_367 = vector.extract %slice3A_366[0] : f32 from vector<1xf32>
    %scan3A_368 = arith.constant 0 : i32
    %scan3A_369 = arith.constant 0 : i32
    %scan3A_370 = arith.constant 64 : i32
    %scan3A_371 = arith.addi %scan3A_369, %scan3A_370 : i32
    %scan3A_372 = arith.constant 1 : i32
    %scan3A_373 = scf.for %scan3A_755 = %scan3A_369 to %scan3A_371 step %scan3A_372 iter_args(%scan3A_756 = %scan3A_368) -> (i32)  : i32 {
      %mul3A_757 = arith.constant 16 : i32
      %mul3A_758 = arith.muli %scan3A_755, %mul3A_757 : i32
      %get3A_759 = arith.constant 31 : i32
      %get3A_760 = arith.index_cast %get3A_759 : i32 to index
      %get3A_761 = arith.index_cast %mul3A_758 : i32 to index
      %get3A_762 = tpu.vector_load %arg8[%get3A_760, %get3A_761] {strides = array<i32>} : memref<32x1024xf32, #tpu.memory_space<vmem>>, vector<1x16xf32>,
      %get3A_763 = vector.shape_cast %get3A_762 : vector<1x16xf32> to vector<16xf32>
      %mul3A_764 = vector.broadcast %squeeze3A_365 : f32 to vector<16xf32>
      %mul3A_765 = arith.mulf %mul3A_764, %get3A_763 : vector<16xf32>
      %get3A_766 = arith.constant 31 : i32
      %get3A_767 = arith.index_cast %get3A_766 : i32 to index
      %get3A_768 = arith.index_cast %mul3A_758 : i32 to index
      %get3A_769 = tpu.vector_load %arg9[%get3A_767, %get3A_768] {strides = array<i32>} : memref<32x1024xf32, #tpu.memory_space<vmem>>, vector<1x16xf32>,
      %get3A_770 = vector.shape_cast %get3A_769 : vector<1x16xf32> to vector<16xf32>
      %mul3A_771 = vector.broadcast %squeeze3A_367 : f32 to vector<16xf32>
      %mul3A_772 = arith.mulf %mul3A_771, %get3A_770 : vector<16xf32>
      %add3A_773 = arith.addf %mul3A_765, %mul3A_772 : vector<16xf32>
      %swap3A = arith.constant 31 : i32
      %swap3A_774 = arith.index_cast %swap3A : i32 to index
      %swap3A_775 = arith.index_cast %mul3A_758 : i32 to index
      %swap3A_776 = tpu.vector_load %arg8[%swap3A_774, %swap3A_775] {strides = array<i32>} : memref<32x1024xf32, #tpu.memory_space<vmem>>, vector<1x16xf32>,
      %swap3A_777 = vector.shape_cast %swap3A_776 : vector<1x16xf32> to vector<16xf32>
      %swap3A_778 = vector.shape_cast %add3A_773 : vector<16xf32> to vector<1x16xf32>
      tpu.vector_store %arg8[%swap3A_774, %swap3A_775], %swap3A_778 {strides = array<i32>} : memref<32x1024xf32, #tpu.memory_space<vmem>>, vector<1x16xf32>,
      %scan3A_779 = arith.constant 0 : i32
      scf.yield %scan3A_779 : i32
    }
    %scan3A_374 = arith.constant 64 : i32
    "tpu.region"() ({
      %run_scoped3A = tpu.sem_alloc : memref<!tpu.dma_semaphore, #tpu.memory_space<semaphore_mem>>
      %dma_start3A_755 = arith.constant 0 : i32
      %dma_start3A_756 = tpu.memref_slice %arg7[%add3A_4, %dma_start3A_755] : memref<2048x1024xf32, #tpu.memory_space<hbm>> -> memref<32x1024xf32, #tpu.memory_space<hbm>>
      %dma_start3A_757 = arith.constant 0 : i32
      %dma_start3A_758 = tpu.memref_slice %arg7[%add3A_4, %dma_start3A_757] : memref<2048x1024xf32, #tpu.memory_space<hbm>> -> memref<32x1024xf32, #tpu.memory_space<hbm>>
      tpu.enqueue_dma source(%arg8 : memref<32x1024xf32, #tpu.memory_space<vmem>>) target(%dma_start3A_758 : memref<32x1024xf32, #tpu.memory_space<hbm>>) target_semaphore(%run_scoped3A : memref<!tpu.dma_semaphore, #tpu.memory_space<semaphore_mem>>)
      %dma_wait3A_759 = arith.constant 0 : i32
      %dma_wait3A_760 = tpu.memref_slice %arg7[%add3A_4, %dma_wait3A_759] : memref<2048x1024xf32, #tpu.memory_space<hbm>> -> memref<32x1024xf32, #tpu.memory_space<hbm>>
      %dma_wait3A_761 = arith.constant 0 : i32
      %dma_wait3A_762 = tpu.memref_slice %arg7[%add3A_4, %dma_wait3A_761] : memref<2048x1024xf32, #tpu.memory_space<hbm>> -> memref<32x1024xf32, #tpu.memory_space<hbm>>
      tpu.wait_dma2 semaphore(%run_scoped3A : memref<!tpu.dma_semaphore, #tpu.memory_space<semaphore_mem>>) src(%arg8 : memref<32x1024xf32, #tpu.memory_space<vmem>>) dst(%dma_wait3A_762 : memref<32x1024xf32, #tpu.memory_space<hbm>>)
      tpu.yield
    }) : () -> ()
    %mul3A_375 = arith.constant 64 : i32
    %mul3A_376 = arith.muli %add3A, %mul3A_375 : i32
    %add3A_377 = arith.constant 32 : i32
    %add3A_378 = arith.addi %mul3A_376, %add3A_377 : i32
    "tpu.region"() ({
      %run_scoped3A = tpu.sem_alloc : memref<!tpu.dma_semaphore, #tpu.memory_space<semaphore_mem>>
      %dma_start3A_755 = tpu.memref_slice %arg3[%add3A_378] : memref<2048xi32, #tpu.memory_space<hbm>> -> memref<32xi32, #tpu.memory_space<hbm>>
      %dma_start3A_756 = tpu.memref_slice %arg3[%add3A_378] : memref<2048xi32, #tpu.memory_space<hbm>> -> memref<32xi32, #tpu.memory_space<hbm>>
      tpu.enqueue_dma source(%dma_start3A_756 : memref<32xi32, #tpu.memory_space<hbm>>) target(%arg10 : memref<32xi32, #tpu.memory_space<vmem>>) target_semaphore(%run_scoped3A : memref<!tpu.dma_semaphore, #tpu.memory_space<semaphore_mem>>)
      %dma_wait3A_757 = tpu.memref_slice %arg3[%add3A_378] : memref<2048xi32, #tpu.memory_space<hbm>> -> memref<32xi32, #tpu.memory_space<hbm>>
      %dma_wait3A_758 = tpu.memref_slice %arg3[%add3A_378] : memref<2048xi32, #tpu.memory_space<hbm>> -> memref<32xi32, #tpu.memory_space<hbm>>
      tpu.wait_dma2 semaphore(%run_scoped3A : memref<!tpu.dma_semaphore, #tpu.memory_space<semaphore_mem>>) src(%dma_wait3A_758 : memref<32xi32, #tpu.memory_space<hbm>>) dst(%arg10 : memref<32xi32, #tpu.memory_space<vmem>>)
      tpu.yield
    }) : () -> ()
    "tpu.region"() ({
      %run_scoped3A = tpu.sem_alloc : memref<!tpu.dma_semaphore, #tpu.memory_space<semaphore_mem>>
      %dma_start3A_755 = tpu.memref_slice %arg4[%add3A_378] : memref<2048xi32, #tpu.memory_space<hbm>> -> memref<32xi32, #tpu.memory_space<hbm>>
      %dma_start3A_756 = tpu.memref_slice %arg4[%add3A_378] : memref<2048xi32, #tpu.memory_space<hbm>> -> memref<32xi32, #tpu.memory_space<hbm>>
      tpu.enqueue_dma source(%dma_start3A_756 : memref<32xi32, #tpu.memory_space<hbm>>) target(%arg11 : memref<32xi32, #tpu.memory_space<vmem>>) target_semaphore(%run_scoped3A : memref<!tpu.dma_semaphore, #tpu.memory_space<semaphore_mem>>)
      %dma_wait3A_757 = tpu.memref_slice %arg4[%add3A_378] : memref<2048xi32, #tpu.memory_space<hbm>> -> memref<32xi32, #tpu.memory_space<hbm>>
      %dma_wait3A_758 = tpu.memref_slice %arg4[%add3A_378] : memref<2048xi32, #tpu.memory_space<hbm>> -> memref<32xi32, #tpu.memory_space<hbm>>
      tpu.wait_dma2 semaphore(%run_scoped3A : memref<!tpu.dma_semaphore, #tpu.memory_space<semaphore_mem>>) src(%dma_wait3A_758 : memref<32xi32, #tpu.memory_space<hbm>>) dst(%arg11 : memref<32xi32, #tpu.memory_space<vmem>>)
      tpu.yield
    }) : () -> ()
    "tpu.region"() ({
      %run_scoped3A = tpu.sem_alloc : memref<!tpu.dma_semaphore, #tpu.memory_space<semaphore_mem>>
      %dma_start3A_755 = tpu.memref_slice %arg5[%add3A_378] : memref<2048xf32, #tpu.memory_space<hbm>> -> memref<32xf32, #tpu.memory_space<hbm>>
      %dma_start3A_756 = tpu.memref_slice %arg5[%add3A_378] : memref<2048xf32, #tpu.memory_space<hbm>> -> memref<32xf32, #tpu.memory_space<hbm>>
      tpu.enqueue_dma source(%dma_start3A_756 : memref<32xf32, #tpu.memory_space<hbm>>) target(%arg12 : memref<32xf32, #tpu.memory_space<vmem>>) target_semaphore(%run_scoped3A : memref<!tpu.dma_semaphore, #tpu.memory_space<semaphore_mem>>)
      %dma_wait3A_757 = tpu.memref_slice %arg5[%add3A_378] : memref<2048xf32, #tpu.memory_space<hbm>> -> memref<32xf32, #tpu.memory_space<hbm>>
      %dma_wait3A_758 = tpu.memref_slice %arg5[%add3A_378] : memref<2048xf32, #tpu.memory_space<hbm>> -> memref<32xf32, #tpu.memory_space<hbm>>
      tpu.wait_dma2 semaphore(%run_scoped3A : memref<!tpu.dma_semaphore, #tpu.memory_space<semaphore_mem>>) src(%dma_wait3A_758 : memref<32xf32, #tpu.memory_space<hbm>>) dst(%arg12 : memref<32xf32, #tpu.memory_space<vmem>>)
      tpu.yield
    }) : () -> ()
    "tpu.region"() ({
      %run_scoped3A = tpu.sem_alloc : memref<!tpu.dma_semaphore, #tpu.memory_space<semaphore_mem>>
      %dma_start3A_755 = tpu.memref_slice %arg6[%add3A_378] : memref<2048xf32, #tpu.memory_space<hbm>> -> memref<32xf32, #tpu.memory_space<hbm>>
      %dma_start3A_756 = tpu.memref_slice %arg6[%add3A_378] : memref<2048xf32, #tpu.memory_space<hbm>> -> memref<32xf32, #tpu.memory_space<hbm>>
      tpu.enqueue_dma source(%dma_start3A_756 : memref<32xf32, #tpu.memory_space<hbm>>) target(%arg13 : memref<32xf32, #tpu.memory_space<vmem>>) target_semaphore(%run_scoped3A : memref<!tpu.dma_semaphore, #tpu.memory_space<semaphore_mem>>)
      %dma_wait3A_757 = tpu.memref_slice %arg6[%add3A_378] : memref<2048xf32, #tpu.memory_space<hbm>> -> memref<32xf32, #tpu.memory_space<hbm>>
      %dma_wait3A_758 = tpu.memref_slice %arg6[%add3A_378] : memref<2048xf32, #tpu.memory_space<hbm>> -> memref<32xf32, #tpu.memory_space<hbm>>
      tpu.wait_dma2 semaphore(%run_scoped3A : memref<!tpu.dma_semaphore, #tpu.memory_space<semaphore_mem>>) src(%dma_wait3A_758 : memref<32xf32, #tpu.memory_space<hbm>>) dst(%arg13 : memref<32xf32, #tpu.memory_space<vmem>>)
      tpu.yield
    }) : () -> ()
    %dma_start3A_379 = arith.constant 0 : i32
    %dma_start3A_380 = arith.constant 0 : i32
    %dma_start3A_381 = tpu.memref_slice %arg2[%dma_start3A_379, %dma_start3A_380] : memref<5120x1024xf32, #tpu.memory_space<hbm>> -> memref<5120x1024xf32, #tpu.memory_space<hbm>>
    tpu.enqueue_indirect_dma source(%dma_start3A_381 : memref<5120x1024xf32, #tpu.memory_space<hbm>>) target(%arg8 : memref<32x1024xf32, #tpu.memory_space<vmem>>) offsets(%arg10 : memref<32xi32, #tpu.memory_space<vmem>>) semaphore(%arg14 : memref<!tpu.dma_semaphore, #tpu.memory_space<semaphore_mem>>)
    %dma_start3A_382 = arith.constant 0 : i32
    %dma_start3A_383 = arith.constant 0 : i32
    %dma_start3A_384 = tpu.memref_slice %arg2[%dma_start3A_382, %dma_start3A_383] : memref<5120x1024xf32, #tpu.memory_space<hbm>> -> memref<5120x1024xf32, #tpu.memory_space<hbm>>
    tpu.enqueue_indirect_dma source(%dma_start3A_384 : memref<5120x1024xf32, #tpu.memory_space<hbm>>) target(%arg9 : memref<32x1024xf32, #tpu.memory_space<vmem>>) offsets(%arg11 : memref<32xi32, #tpu.memory_space<vmem>>) semaphore(%arg14 : memref<!tpu.dma_semaphore, #tpu.memory_space<semaphore_mem>>)
    %dma_wait3A_385 = arith.constant 0 : i32
    %dma_wait3A_386 = arith.constant 0 : i32
    %dma_wait3A_387 = tpu.memref_slice %arg2[%dma_wait3A_385, %dma_wait3A_386] : memref<5120x1024xf32, #tpu.memory_space<hbm>> -> memref<5120x1024xf32, #tpu.memory_space<hbm>>
    tpu.wait_indirect_dma semaphore(%arg14 : memref<!tpu.dma_semaphore, #tpu.memory_space<semaphore_mem>>) src(%dma_wait3A_387 : memref<5120x1024xf32, #tpu.memory_space<hbm>>) dst(%arg8 : memref<32x1024xf32, #tpu.memory_space<vmem>>)
    %dma_wait3A_388 = arith.constant 0 : i32
    %dma_wait3A_389 = arith.constant 0 : i32
    %dma_wait3A_390 = tpu.memref_slice %arg2[%dma_wait3A_388, %dma_wait3A_389] : memref<5120x1024xf32, #tpu.memory_space<hbm>> -> memref<5120x1024xf32, #tpu.memory_space<hbm>>
    tpu.wait_indirect_dma semaphore(%arg14 : memref<!tpu.dma_semaphore, #tpu.memory_space<semaphore_mem>>) src(%dma_wait3A_390 : memref<5120x1024xf32, #tpu.memory_space<hbm>>) dst(%arg9 : memref<32x1024xf32, #tpu.memory_space<vmem>>)
    %get3A_391 = arith.constant 0 : index
    %get3A_392 = tpu.vector_load %arg12[%get3A_391] {strides = array<i32>} : memref<32xf32, #tpu.memory_space<vmem>>, vector<16xf32>,
    %get3A_393 = vector.shape_cast %get3A_392 : vector<16xf32> to vector<16xf32>
    %get3A_394 = arith.constant 0 : index
    %get3A_395 = tpu.vector_load %arg13[%get3A_394] {strides = array<i32>} : memref<32xf32, #tpu.memory_space<vmem>>, vector<16xf32>,
    %get3A_396 = vector.shape_cast %get3A_395 : vector<16xf32> to vector<16xf32>
    %slice3A_397 = vector.extract_strided_slice %get3A_393 {offsets = [0], sizes = [1], strides = [1]} : vector<16xf32> to vector<1xf32>
    %squeeze3A_398 = vector.extract %slice3A_397[0] : f32 from vector<1xf32>
    %slice3A_399 = vector.extract_strided_slice %get3A_396 {offsets = [0], sizes = [1], strides = [1]} : vector<16xf32> to vector<1xf32>
    %squeeze3A_400 = vector.extract %slice3A_399[0] : f32 from vector<1xf32>
    %scan3A_401 = arith.constant 0 : i32
    %scan3A_402 = arith.constant 0 : i32
    %scan3A_403 = arith.constant 64 : i32
    %scan3A_404 = arith.addi %scan3A_402, %scan3A_403 : i32
    %scan3A_405 = arith.constant 1 : i32
    %scan3A_406 = scf.for %scan3A_755 = %scan3A_402 to %scan3A_404 step %scan3A_405 iter_args(%scan3A_756 = %scan3A_401) -> (i32)  : i32 {
      %mul3A_757 = arith.constant 16 : i32
      %mul3A_758 = arith.muli %scan3A_755, %mul3A_757 : i32
      %get3A_759 = arith.constant 0 : i32
      %get3A_760 = arith.index_cast %get3A_759 : i32 to index
      %get3A_761 = arith.index_cast %mul3A_758 : i32 to index
      %get3A_762 = tpu.vector_load %arg8[%get3A_760, %get3A_761] {strides = array<i32>} : memref<32x1024xf32, #tpu.memory_space<vmem>>, vector<1x16xf32>,
      %get3A_763 = vector.shape_cast %get3A_762 : vector<1x16xf32> to vector<16xf32>
      %mul3A_764 = vector.broadcast %squeeze3A_398 : f32 to vector<16xf32>
      %mul3A_765 = arith.mulf %mul3A_764, %get3A_763 : vector<16xf32>
      %get3A_766 = arith.constant 0 : i32
      %get3A_767 = arith.index_cast %get3A_766 : i32 to index
      %get3A_768 = arith.index_cast %mul3A_758 : i32 to index
      %get3A_769 = tpu.vector_load %arg9[%get3A_767, %get3A_768] {strides = array<i32>} : memref<32x1024xf32, #tpu.memory_space<vmem>>, vector<1x16xf32>,
      %get3A_770 = vector.shape_cast %get3A_769 : vector<1x16xf32> to vector<16xf32>
      %mul3A_771 = vector.broadcast %squeeze3A_400 : f32 to vector<16xf32>
      %mul3A_772 = arith.mulf %mul3A_771, %get3A_770 : vector<16xf32>
      %add3A_773 = arith.addf %mul3A_765, %mul3A_772 : vector<16xf32>
      %swap3A = arith.constant 0 : i32
      %swap3A_774 = arith.index_cast %swap3A : i32 to index
      %swap3A_775 = arith.index_cast %mul3A_758 : i32 to index
      %swap3A_776 = tpu.vector_load %arg8[%swap3A_774, %swap3A_775] {strides = array<i32>} : memref<32x1024xf32, #tpu.memory_space<vmem>>, vector<1x16xf32>,
      %swap3A_777 = vector.shape_cast %swap3A_776 : vector<1x16xf32> to vector<16xf32>
      %swap3A_778 = vector.shape_cast %add3A_773 : vector<16xf32> to vector<1x16xf32>
      tpu.vector_store %arg8[%swap3A_774, %swap3A_775], %swap3A_778 {strides = array<i32>} : memref<32x1024xf32, #tpu.memory_space<vmem>>, vector<1x16xf32>,
      %scan3A_779 = arith.constant 0 : i32
      scf.yield %scan3A_779 : i32
    }
    %scan3A_407 = arith.constant 64 : i32
    %slice3A_408 = vector.extract_strided_slice %get3A_393 {offsets = [1], sizes = [1], strides = [1]} : vector<16xf32> to vector<1xf32>
    %squeeze3A_409 = vector.extract %slice3A_408[0] : f32 from vector<1xf32>
    %slice3A_410 = vector.extract_strided_slice %get3A_396 {offsets = [1], sizes = [1], strides = [1]} : vector<16xf32> to vector<1xf32>
    %squeeze3A_411 = vector.extract %slice3A_410[0] : f32 from vector<1xf32>
    %scan3A_412 = arith.constant 0 : i32
    %scan3A_413 = arith.constant 0 : i32
    %scan3A_414 = arith.constant 64 : i32
    %scan3A_415 = arith.addi %scan3A_413, %scan3A_414 : i32
    %scan3A_416 = arith.constant 1 : i32
    %scan3A_417 = scf.for %scan3A_755 = %scan3A_413 to %scan3A_415 step %scan3A_416 iter_args(%scan3A_756 = %scan3A_412) -> (i32)  : i32 {
      %mul3A_757 = arith.constant 16 : i32
      %mul3A_758 = arith.muli %scan3A_755, %mul3A_757 : i32
      %get3A_759 = arith.constant 1 : i32
      %get3A_760 = arith.index_cast %get3A_759 : i32 to index
      %get3A_761 = arith.index_cast %mul3A_758 : i32 to index
      %get3A_762 = tpu.vector_load %arg8[%get3A_760, %get3A_761] {strides = array<i32>} : memref<32x1024xf32, #tpu.memory_space<vmem>>, vector<1x16xf32>,
      %get3A_763 = vector.shape_cast %get3A_762 : vector<1x16xf32> to vector<16xf32>
      %mul3A_764 = vector.broadcast %squeeze3A_409 : f32 to vector<16xf32>
      %mul3A_765 = arith.mulf %mul3A_764, %get3A_763 : vector<16xf32>
      %get3A_766 = arith.constant 1 : i32
      %get3A_767 = arith.index_cast %get3A_766 : i32 to index
      %get3A_768 = arith.index_cast %mul3A_758 : i32 to index
      %get3A_769 = tpu.vector_load %arg9[%get3A_767, %get3A_768] {strides = array<i32>} : memref<32x1024xf32, #tpu.memory_space<vmem>>, vector<1x16xf32>,
      %get3A_770 = vector.shape_cast %get3A_769 : vector<1x16xf32> to vector<16xf32>
      %mul3A_771 = vector.broadcast %squeeze3A_411 : f32 to vector<16xf32>
      %mul3A_772 = arith.mulf %mul3A_771, %get3A_770 : vector<16xf32>
      %add3A_773 = arith.addf %mul3A_765, %mul3A_772 : vector<16xf32>
      %swap3A = arith.constant 1 : i32
      %swap3A_774 = arith.index_cast %swap3A : i32 to index
      %swap3A_775 = arith.index_cast %mul3A_758 : i32 to index
      %swap3A_776 = tpu.vector_load %arg8[%swap3A_774, %swap3A_775] {strides = array<i32>} : memref<32x1024xf32, #tpu.memory_space<vmem>>, vector<1x16xf32>,
      %swap3A_777 = vector.shape_cast %swap3A_776 : vector<1x16xf32> to vector<16xf32>
      %swap3A_778 = vector.shape_cast %add3A_773 : vector<16xf32> to vector<1x16xf32>
      tpu.vector_store %arg8[%swap3A_774, %swap3A_775], %swap3A_778 {strides = array<i32>} : memref<32x1024xf32, #tpu.memory_space<vmem>>, vector<1x16xf32>,
      %scan3A_779 = arith.constant 0 : i32
      scf.yield %scan3A_779 : i32
    }
    %scan3A_418 = arith.constant 64 : i32
    %slice3A_419 = vector.extract_strided_slice %get3A_393 {offsets = [2], sizes = [1], strides = [1]} : vector<16xf32> to vector<1xf32>
    %squeeze3A_420 = vector.extract %slice3A_419[0] : f32 from vector<1xf32>
    %slice3A_421 = vector.extract_strided_slice %get3A_396 {offsets = [2], sizes = [1], strides = [1]} : vector<16xf32> to vector<1xf32>
    %squeeze3A_422 = vector.extract %slice3A_421[0] : f32 from vector<1xf32>
    %scan3A_423 = arith.constant 0 : i32
    %scan3A_424 = arith.constant 0 : i32
    %scan3A_425 = arith.constant 64 : i32
    %scan3A_426 = arith.addi %scan3A_424, %scan3A_425 : i32
    %scan3A_427 = arith.constant 1 : i32
    %scan3A_428 = scf.for %scan3A_755 = %scan3A_424 to %scan3A_426 step %scan3A_427 iter_args(%scan3A_756 = %scan3A_423) -> (i32)  : i32 {
      %mul3A_757 = arith.constant 16 : i32
      %mul3A_758 = arith.muli %scan3A_755, %mul3A_757 : i32
      %get3A_759 = arith.constant 2 : i32
      %get3A_760 = arith.index_cast %get3A_759 : i32 to index
      %get3A_761 = arith.index_cast %mul3A_758 : i32 to index
      %get3A_762 = tpu.vector_load %arg8[%get3A_760, %get3A_761] {strides = array<i32>} : memref<32x1024xf32, #tpu.memory_space<vmem>>, vector<1x16xf32>,
      %get3A_763 = vector.shape_cast %get3A_762 : vector<1x16xf32> to vector<16xf32>
      %mul3A_764 = vector.broadcast %squeeze3A_420 : f32 to vector<16xf32>
      %mul3A_765 = arith.mulf %mul3A_764, %get3A_763 : vector<16xf32>
      %get3A_766 = arith.constant 2 : i32
      %get3A_767 = arith.index_cast %get3A_766 : i32 to index
      %get3A_768 = arith.index_cast %mul3A_758 : i32 to index
      %get3A_769 = tpu.vector_load %arg9[%get3A_767, %get3A_768] {strides = array<i32>} : memref<32x1024xf32, #tpu.memory_space<vmem>>, vector<1x16xf32>,
      %get3A_770 = vector.shape_cast %get3A_769 : vector<1x16xf32> to vector<16xf32>
      %mul3A_771 = vector.broadcast %squeeze3A_422 : f32 to vector<16xf32>
      %mul3A_772 = arith.mulf %mul3A_771, %get3A_770 : vector<16xf32>
      %add3A_773 = arith.addf %mul3A_765, %mul3A_772 : vector<16xf32>
      %swap3A = arith.constant 2 : i32
      %swap3A_774 = arith.index_cast %swap3A : i32 to index
      %swap3A_775 = arith.index_cast %mul3A_758 : i32 to index
      %swap3A_776 = tpu.vector_load %arg8[%swap3A_774, %swap3A_775] {strides = array<i32>} : memref<32x1024xf32, #tpu.memory_space<vmem>>, vector<1x16xf32>,
      %swap3A_777 = vector.shape_cast %swap3A_776 : vector<1x16xf32> to vector<16xf32>
      %swap3A_778 = vector.shape_cast %add3A_773 : vector<16xf32> to vector<1x16xf32>
      tpu.vector_store %arg8[%swap3A_774, %swap3A_775], %swap3A_778 {strides = array<i32>} : memref<32x1024xf32, #tpu.memory_space<vmem>>, vector<1x16xf32>,
      %scan3A_779 = arith.constant 0 : i32
      scf.yield %scan3A_779 : i32
    }
    %scan3A_429 = arith.constant 64 : i32
    %slice3A_430 = vector.extract_strided_slice %get3A_393 {offsets = [3], sizes = [1], strides = [1]} : vector<16xf32> to vector<1xf32>
    %squeeze3A_431 = vector.extract %slice3A_430[0] : f32 from vector<1xf32>
    %slice3A_432 = vector.extract_strided_slice %get3A_396 {offsets = [3], sizes = [1], strides = [1]} : vector<16xf32> to vector<1xf32>
    %squeeze3A_433 = vector.extract %slice3A_432[0] : f32 from vector<1xf32>
    %scan3A_434 = arith.constant 0 : i32
    %scan3A_435 = arith.constant 0 : i32
    %scan3A_436 = arith.constant 64 : i32
    %scan3A_437 = arith.addi %scan3A_435, %scan3A_436 : i32
    %scan3A_438 = arith.constant 1 : i32
    %scan3A_439 = scf.for %scan3A_755 = %scan3A_435 to %scan3A_437 step %scan3A_438 iter_args(%scan3A_756 = %scan3A_434) -> (i32)  : i32 {
      %mul3A_757 = arith.constant 16 : i32
      %mul3A_758 = arith.muli %scan3A_755, %mul3A_757 : i32
      %get3A_759 = arith.constant 3 : i32
      %get3A_760 = arith.index_cast %get3A_759 : i32 to index
      %get3A_761 = arith.index_cast %mul3A_758 : i32 to index
      %get3A_762 = tpu.vector_load %arg8[%get3A_760, %get3A_761] {strides = array<i32>} : memref<32x1024xf32, #tpu.memory_space<vmem>>, vector<1x16xf32>,
      %get3A_763 = vector.shape_cast %get3A_762 : vector<1x16xf32> to vector<16xf32>
      %mul3A_764 = vector.broadcast %squeeze3A_431 : f32 to vector<16xf32>
      %mul3A_765 = arith.mulf %mul3A_764, %get3A_763 : vector<16xf32>
      %get3A_766 = arith.constant 3 : i32
      %get3A_767 = arith.index_cast %get3A_766 : i32 to index
      %get3A_768 = arith.index_cast %mul3A_758 : i32 to index
      %get3A_769 = tpu.vector_load %arg9[%get3A_767, %get3A_768] {strides = array<i32>} : memref<32x1024xf32, #tpu.memory_space<vmem>>, vector<1x16xf32>,
      %get3A_770 = vector.shape_cast %get3A_769 : vector<1x16xf32> to vector<16xf32>
      %mul3A_771 = vector.broadcast %squeeze3A_433 : f32 to vector<16xf32>
      %mul3A_772 = arith.mulf %mul3A_771, %get3A_770 : vector<16xf32>
      %add3A_773 = arith.addf %mul3A_765, %mul3A_772 : vector<16xf32>
      %swap3A = arith.constant 3 : i32
      %swap3A_774 = arith.index_cast %swap3A : i32 to index
      %swap3A_775 = arith.index_cast %mul3A_758 : i32 to index
      %swap3A_776 = tpu.vector_load %arg8[%swap3A_774, %swap3A_775] {strides = array<i32>} : memref<32x1024xf32, #tpu.memory_space<vmem>>, vector<1x16xf32>,
      %swap3A_777 = vector.shape_cast %swap3A_776 : vector<1x16xf32> to vector<16xf32>
      %swap3A_778 = vector.shape_cast %add3A_773 : vector<16xf32> to vector<1x16xf32>
      tpu.vector_store %arg8[%swap3A_774, %swap3A_775], %swap3A_778 {strides = array<i32>} : memref<32x1024xf32, #tpu.memory_space<vmem>>, vector<1x16xf32>,
      %scan3A_779 = arith.constant 0 : i32
      scf.yield %scan3A_779 : i32
    }
    %scan3A_440 = arith.constant 64 : i32
    %slice3A_441 = vector.extract_strided_slice %get3A_393 {offsets = [4], sizes = [1], strides = [1]} : vector<16xf32> to vector<1xf32>
    %squeeze3A_442 = vector.extract %slice3A_441[0] : f32 from vector<1xf32>
    %slice3A_443 = vector.extract_strided_slice %get3A_396 {offsets = [4], sizes = [1], strides = [1]} : vector<16xf32> to vector<1xf32>
    %squeeze3A_444 = vector.extract %slice3A_443[0] : f32 from vector<1xf32>
    %scan3A_445 = arith.constant 0 : i32
    %scan3A_446 = arith.constant 0 : i32
    %scan3A_447 = arith.constant 64 : i32
    %scan3A_448 = arith.addi %scan3A_446, %scan3A_447 : i32
    %scan3A_449 = arith.constant 1 : i32
    %scan3A_450 = scf.for %scan3A_755 = %scan3A_446 to %scan3A_448 step %scan3A_449 iter_args(%scan3A_756 = %scan3A_445) -> (i32)  : i32 {
      %mul3A_757 = arith.constant 16 : i32
      %mul3A_758 = arith.muli %scan3A_755, %mul3A_757 : i32
      %get3A_759 = arith.constant 4 : i32
      %get3A_760 = arith.index_cast %get3A_759 : i32 to index
      %get3A_761 = arith.index_cast %mul3A_758 : i32 to index
      %get3A_762 = tpu.vector_load %arg8[%get3A_760, %get3A_761] {strides = array<i32>} : memref<32x1024xf32, #tpu.memory_space<vmem>>, vector<1x16xf32>,
      %get3A_763 = vector.shape_cast %get3A_762 : vector<1x16xf32> to vector<16xf32>
      %mul3A_764 = vector.broadcast %squeeze3A_442 : f32 to vector<16xf32>
      %mul3A_765 = arith.mulf %mul3A_764, %get3A_763 : vector<16xf32>
      %get3A_766 = arith.constant 4 : i32
      %get3A_767 = arith.index_cast %get3A_766 : i32 to index
      %get3A_768 = arith.index_cast %mul3A_758 : i32 to index
      %get3A_769 = tpu.vector_load %arg9[%get3A_767, %get3A_768] {strides = array<i32>} : memref<32x1024xf32, #tpu.memory_space<vmem>>, vector<1x16xf32>,
      %get3A_770 = vector.shape_cast %get3A_769 : vector<1x16xf32> to vector<16xf32>
      %mul3A_771 = vector.broadcast %squeeze3A_444 : f32 to vector<16xf32>
      %mul3A_772 = arith.mulf %mul3A_771, %get3A_770 : vector<16xf32>
      %add3A_773 = arith.addf %mul3A_765, %mul3A_772 : vector<16xf32>
      %swap3A = arith.constant 4 : i32
      %swap3A_774 = arith.index_cast %swap3A : i32 to index
      %swap3A_775 = arith.index_cast %mul3A_758 : i32 to index
      %swap3A_776 = tpu.vector_load %arg8[%swap3A_774, %swap3A_775] {strides = array<i32>} : memref<32x1024xf32, #tpu.memory_space<vmem>>, vector<1x16xf32>,
      %swap3A_777 = vector.shape_cast %swap3A_776 : vector<1x16xf32> to vector<16xf32>
      %swap3A_778 = vector.shape_cast %add3A_773 : vector<16xf32> to vector<1x16xf32>
      tpu.vector_store %arg8[%swap3A_774, %swap3A_775], %swap3A_778 {strides = array<i32>} : memref<32x1024xf32, #tpu.memory_space<vmem>>, vector<1x16xf32>,
      %scan3A_779 = arith.constant 0 : i32
      scf.yield %scan3A_779 : i32
    }
    %scan3A_451 = arith.constant 64 : i32
    %slice3A_452 = vector.extract_strided_slice %get3A_393 {offsets = [5], sizes = [1], strides = [1]} : vector<16xf32> to vector<1xf32>
    %squeeze3A_453 = vector.extract %slice3A_452[0] : f32 from vector<1xf32>
    %slice3A_454 = vector.extract_strided_slice %get3A_396 {offsets = [5], sizes = [1], strides = [1]} : vector<16xf32> to vector<1xf32>
    %squeeze3A_455 = vector.extract %slice3A_454[0] : f32 from vector<1xf32>
    %scan3A_456 = arith.constant 0 : i32
    %scan3A_457 = arith.constant 0 : i32
    %scan3A_458 = arith.constant 64 : i32
    %scan3A_459 = arith.addi %scan3A_457, %scan3A_458 : i32
    %scan3A_460 = arith.constant 1 : i32
    %scan3A_461 = scf.for %scan3A_755 = %scan3A_457 to %scan3A_459 step %scan3A_460 iter_args(%scan3A_756 = %scan3A_456) -> (i32)  : i32 {
      %mul3A_757 = arith.constant 16 : i32
      %mul3A_758 = arith.muli %scan3A_755, %mul3A_757 : i32
      %get3A_759 = arith.constant 5 : i32
      %get3A_760 = arith.index_cast %get3A_759 : i32 to index
      %get3A_761 = arith.index_cast %mul3A_758 : i32 to index
      %get3A_762 = tpu.vector_load %arg8[%get3A_760, %get3A_761] {strides = array<i32>} : memref<32x1024xf32, #tpu.memory_space<vmem>>, vector<1x16xf32>,
      %get3A_763 = vector.shape_cast %get3A_762 : vector<1x16xf32> to vector<16xf32>
      %mul3A_764 = vector.broadcast %squeeze3A_453 : f32 to vector<16xf32>
      %mul3A_765 = arith.mulf %mul3A_764, %get3A_763 : vector<16xf32>
      %get3A_766 = arith.constant 5 : i32
      %get3A_767 = arith.index_cast %get3A_766 : i32 to index
      %get3A_768 = arith.index_cast %mul3A_758 : i32 to index
      %get3A_769 = tpu.vector_load %arg9[%get3A_767, %get3A_768] {strides = array<i32>} : memref<32x1024xf32, #tpu.memory_space<vmem>>, vector<1x16xf32>,
      %get3A_770 = vector.shape_cast %get3A_769 : vector<1x16xf32> to vector<16xf32>
      %mul3A_771 = vector.broadcast %squeeze3A_455 : f32 to vector<16xf32>
      %mul3A_772 = arith.mulf %mul3A_771, %get3A_770 : vector<16xf32>
      %add3A_773 = arith.addf %mul3A_765, %mul3A_772 : vector<16xf32>
      %swap3A = arith.constant 5 : i32
      %swap3A_774 = arith.index_cast %swap3A : i32 to index
      %swap3A_775 = arith.index_cast %mul3A_758 : i32 to index
      %swap3A_776 = tpu.vector_load %arg8[%swap3A_774, %swap3A_775] {strides = array<i32>} : memref<32x1024xf32, #tpu.memory_space<vmem>>, vector<1x16xf32>,
      %swap3A_777 = vector.shape_cast %swap3A_776 : vector<1x16xf32> to vector<16xf32>
      %swap3A_778 = vector.shape_cast %add3A_773 : vector<16xf32> to vector<1x16xf32>
      tpu.vector_store %arg8[%swap3A_774, %swap3A_775], %swap3A_778 {strides = array<i32>} : memref<32x1024xf32, #tpu.memory_space<vmem>>, vector<1x16xf32>,
      %scan3A_779 = arith.constant 0 : i32
      scf.yield %scan3A_779 : i32
    }
    %scan3A_462 = arith.constant 64 : i32
    %slice3A_463 = vector.extract_strided_slice %get3A_393 {offsets = [6], sizes = [1], strides = [1]} : vector<16xf32> to vector<1xf32>
    %squeeze3A_464 = vector.extract %slice3A_463[0] : f32 from vector<1xf32>
    %slice3A_465 = vector.extract_strided_slice %get3A_396 {offsets = [6], sizes = [1], strides = [1]} : vector<16xf32> to vector<1xf32>
    %squeeze3A_466 = vector.extract %slice3A_465[0] : f32 from vector<1xf32>
    %scan3A_467 = arith.constant 0 : i32
    %scan3A_468 = arith.constant 0 : i32
    %scan3A_469 = arith.constant 64 : i32
    %scan3A_470 = arith.addi %scan3A_468, %scan3A_469 : i32
    %scan3A_471 = arith.constant 1 : i32
    %scan3A_472 = scf.for %scan3A_755 = %scan3A_468 to %scan3A_470 step %scan3A_471 iter_args(%scan3A_756 = %scan3A_467) -> (i32)  : i32 {
      %mul3A_757 = arith.constant 16 : i32
      %mul3A_758 = arith.muli %scan3A_755, %mul3A_757 : i32
      %get3A_759 = arith.constant 6 : i32
      %get3A_760 = arith.index_cast %get3A_759 : i32 to index
      %get3A_761 = arith.index_cast %mul3A_758 : i32 to index
      %get3A_762 = tpu.vector_load %arg8[%get3A_760, %get3A_761] {strides = array<i32>} : memref<32x1024xf32, #tpu.memory_space<vmem>>, vector<1x16xf32>,
      %get3A_763 = vector.shape_cast %get3A_762 : vector<1x16xf32> to vector<16xf32>
      %mul3A_764 = vector.broadcast %squeeze3A_464 : f32 to vector<16xf32>
      %mul3A_765 = arith.mulf %mul3A_764, %get3A_763 : vector<16xf32>
      %get3A_766 = arith.constant 6 : i32
      %get3A_767 = arith.index_cast %get3A_766 : i32 to index
      %get3A_768 = arith.index_cast %mul3A_758 : i32 to index
      %get3A_769 = tpu.vector_load %arg9[%get3A_767, %get3A_768] {strides = array<i32>} : memref<32x1024xf32, #tpu.memory_space<vmem>>, vector<1x16xf32>,
      %get3A_770 = vector.shape_cast %get3A_769 : vector<1x16xf32> to vector<16xf32>
      %mul3A_771 = vector.broadcast %squeeze3A_466 : f32 to vector<16xf32>
      %mul3A_772 = arith.mulf %mul3A_771, %get3A_770 : vector<16xf32>
      %add3A_773 = arith.addf %mul3A_765, %mul3A_772 : vector<16xf32>
      %swap3A = arith.constant 6 : i32
      %swap3A_774 = arith.index_cast %swap3A : i32 to index
      %swap3A_775 = arith.index_cast %mul3A_758 : i32 to index
      %swap3A_776 = tpu.vector_load %arg8[%swap3A_774, %swap3A_775] {strides = array<i32>} : memref<32x1024xf32, #tpu.memory_space<vmem>>, vector<1x16xf32>,
      %swap3A_777 = vector.shape_cast %swap3A_776 : vector<1x16xf32> to vector<16xf32>
      %swap3A_778 = vector.shape_cast %add3A_773 : vector<16xf32> to vector<1x16xf32>
      tpu.vector_store %arg8[%swap3A_774, %swap3A_775], %swap3A_778 {strides = array<i32>} : memref<32x1024xf32, #tpu.memory_space<vmem>>, vector<1x16xf32>,
      %scan3A_779 = arith.constant 0 : i32
      scf.yield %scan3A_779 : i32
    }
    %scan3A_473 = arith.constant 64 : i32
    %slice3A_474 = vector.extract_strided_slice %get3A_393 {offsets = [7], sizes = [1], strides = [1]} : vector<16xf32> to vector<1xf32>
    %squeeze3A_475 = vector.extract %slice3A_474[0] : f32 from vector<1xf32>
    %slice3A_476 = vector.extract_strided_slice %get3A_396 {offsets = [7], sizes = [1], strides = [1]} : vector<16xf32> to vector<1xf32>
    %squeeze3A_477 = vector.extract %slice3A_476[0] : f32 from vector<1xf32>
    %scan3A_478 = arith.constant 0 : i32
    %scan3A_479 = arith.constant 0 : i32
    %scan3A_480 = arith.constant 64 : i32
    %scan3A_481 = arith.addi %scan3A_479, %scan3A_480 : i32
    %scan3A_482 = arith.constant 1 : i32
    %scan3A_483 = scf.for %scan3A_755 = %scan3A_479 to %scan3A_481 step %scan3A_482 iter_args(%scan3A_756 = %scan3A_478) -> (i32)  : i32 {
      %mul3A_757 = arith.constant 16 : i32
      %mul3A_758 = arith.muli %scan3A_755, %mul3A_757 : i32
      %get3A_759 = arith.constant 7 : i32
      %get3A_760 = arith.index_cast %get3A_759 : i32 to index
      %get3A_761 = arith.index_cast %mul3A_758 : i32 to index
      %get3A_762 = tpu.vector_load %arg8[%get3A_760, %get3A_761] {strides = array<i32>} : memref<32x1024xf32, #tpu.memory_space<vmem>>, vector<1x16xf32>,
      %get3A_763 = vector.shape_cast %get3A_762 : vector<1x16xf32> to vector<16xf32>
      %mul3A_764 = vector.broadcast %squeeze3A_475 : f32 to vector<16xf32>
      %mul3A_765 = arith.mulf %mul3A_764, %get3A_763 : vector<16xf32>
      %get3A_766 = arith.constant 7 : i32
      %get3A_767 = arith.index_cast %get3A_766 : i32 to index
      %get3A_768 = arith.index_cast %mul3A_758 : i32 to index
      %get3A_769 = tpu.vector_load %arg9[%get3A_767, %get3A_768] {strides = array<i32>} : memref<32x1024xf32, #tpu.memory_space<vmem>>, vector<1x16xf32>,
      %get3A_770 = vector.shape_cast %get3A_769 : vector<1x16xf32> to vector<16xf32>
      %mul3A_771 = vector.broadcast %squeeze3A_477 : f32 to vector<16xf32>
      %mul3A_772 = arith.mulf %mul3A_771, %get3A_770 : vector<16xf32>
      %add3A_773 = arith.addf %mul3A_765, %mul3A_772 : vector<16xf32>
      %swap3A = arith.constant 7 : i32
      %swap3A_774 = arith.index_cast %swap3A : i32 to index
      %swap3A_775 = arith.index_cast %mul3A_758 : i32 to index
      %swap3A_776 = tpu.vector_load %arg8[%swap3A_774, %swap3A_775] {strides = array<i32>} : memref<32x1024xf32, #tpu.memory_space<vmem>>, vector<1x16xf32>,
      %swap3A_777 = vector.shape_cast %swap3A_776 : vector<1x16xf32> to vector<16xf32>
      %swap3A_778 = vector.shape_cast %add3A_773 : vector<16xf32> to vector<1x16xf32>
      tpu.vector_store %arg8[%swap3A_774, %swap3A_775], %swap3A_778 {strides = array<i32>} : memref<32x1024xf32, #tpu.memory_space<vmem>>, vector<1x16xf32>,
      %scan3A_779 = arith.constant 0 : i32
      scf.yield %scan3A_779 : i32
    }
    %scan3A_484 = arith.constant 64 : i32
    %slice3A_485 = vector.extract_strided_slice %get3A_393 {offsets = [8], sizes = [1], strides = [1]} : vector<16xf32> to vector<1xf32>
    %squeeze3A_486 = vector.extract %slice3A_485[0] : f32 from vector<1xf32>
    %slice3A_487 = vector.extract_strided_slice %get3A_396 {offsets = [8], sizes = [1], strides = [1]} : vector<16xf32> to vector<1xf32>
    %squeeze3A_488 = vector.extract %slice3A_487[0] : f32 from vector<1xf32>
    %scan3A_489 = arith.constant 0 : i32
    %scan3A_490 = arith.constant 0 : i32
    %scan3A_491 = arith.constant 64 : i32
    %scan3A_492 = arith.addi %scan3A_490, %scan3A_491 : i32
    %scan3A_493 = arith.constant 1 : i32
    %scan3A_494 = scf.for %scan3A_755 = %scan3A_490 to %scan3A_492 step %scan3A_493 iter_args(%scan3A_756 = %scan3A_489) -> (i32)  : i32 {
      %mul3A_757 = arith.constant 16 : i32
      %mul3A_758 = arith.muli %scan3A_755, %mul3A_757 : i32
      %get3A_759 = arith.constant 8 : i32
      %get3A_760 = arith.index_cast %get3A_759 : i32 to index
      %get3A_761 = arith.index_cast %mul3A_758 : i32 to index
      %get3A_762 = tpu.vector_load %arg8[%get3A_760, %get3A_761] {strides = array<i32>} : memref<32x1024xf32, #tpu.memory_space<vmem>>, vector<1x16xf32>,
      %get3A_763 = vector.shape_cast %get3A_762 : vector<1x16xf32> to vector<16xf32>
      %mul3A_764 = vector.broadcast %squeeze3A_486 : f32 to vector<16xf32>
      %mul3A_765 = arith.mulf %mul3A_764, %get3A_763 : vector<16xf32>
      %get3A_766 = arith.constant 8 : i32
      %get3A_767 = arith.index_cast %get3A_766 : i32 to index
      %get3A_768 = arith.index_cast %mul3A_758 : i32 to index
      %get3A_769 = tpu.vector_load %arg9[%get3A_767, %get3A_768] {strides = array<i32>} : memref<32x1024xf32, #tpu.memory_space<vmem>>, vector<1x16xf32>,
      %get3A_770 = vector.shape_cast %get3A_769 : vector<1x16xf32> to vector<16xf32>
      %mul3A_771 = vector.broadcast %squeeze3A_488 : f32 to vector<16xf32>
      %mul3A_772 = arith.mulf %mul3A_771, %get3A_770 : vector<16xf32>
      %add3A_773 = arith.addf %mul3A_765, %mul3A_772 : vector<16xf32>
      %swap3A = arith.constant 8 : i32
      %swap3A_774 = arith.index_cast %swap3A : i32 to index
      %swap3A_775 = arith.index_cast %mul3A_758 : i32 to index
      %swap3A_776 = tpu.vector_load %arg8[%swap3A_774, %swap3A_775] {strides = array<i32>} : memref<32x1024xf32, #tpu.memory_space<vmem>>, vector<1x16xf32>,
      %swap3A_777 = vector.shape_cast %swap3A_776 : vector<1x16xf32> to vector<16xf32>
      %swap3A_778 = vector.shape_cast %add3A_773 : vector<16xf32> to vector<1x16xf32>
      tpu.vector_store %arg8[%swap3A_774, %swap3A_775], %swap3A_778 {strides = array<i32>} : memref<32x1024xf32, #tpu.memory_space<vmem>>, vector<1x16xf32>,
      %scan3A_779 = arith.constant 0 : i32
      scf.yield %scan3A_779 : i32
    }
    %scan3A_495 = arith.constant 64 : i32
    %slice3A_496 = vector.extract_strided_slice %get3A_393 {offsets = [9], sizes = [1], strides = [1]} : vector<16xf32> to vector<1xf32>
    %squeeze3A_497 = vector.extract %slice3A_496[0] : f32 from vector<1xf32>
    %slice3A_498 = vector.extract_strided_slice %get3A_396 {offsets = [9], sizes = [1], strides = [1]} : vector<16xf32> to vector<1xf32>
    %squeeze3A_499 = vector.extract %slice3A_498[0] : f32 from vector<1xf32>
    %scan3A_500 = arith.constant 0 : i32
    %scan3A_501 = arith.constant 0 : i32
    %scan3A_502 = arith.constant 64 : i32
    %scan3A_503 = arith.addi %scan3A_501, %scan3A_502 : i32
    %scan3A_504 = arith.constant 1 : i32
    %scan3A_505 = scf.for %scan3A_755 = %scan3A_501 to %scan3A_503 step %scan3A_504 iter_args(%scan3A_756 = %scan3A_500) -> (i32)  : i32 {
      %mul3A_757 = arith.constant 16 : i32
      %mul3A_758 = arith.muli %scan3A_755, %mul3A_757 : i32
      %get3A_759 = arith.constant 9 : i32
      %get3A_760 = arith.index_cast %get3A_759 : i32 to index
      %get3A_761 = arith.index_cast %mul3A_758 : i32 to index
      %get3A_762 = tpu.vector_load %arg8[%get3A_760, %get3A_761] {strides = array<i32>} : memref<32x1024xf32, #tpu.memory_space<vmem>>, vector<1x16xf32>,
      %get3A_763 = vector.shape_cast %get3A_762 : vector<1x16xf32> to vector<16xf32>
      %mul3A_764 = vector.broadcast %squeeze3A_497 : f32 to vector<16xf32>
      %mul3A_765 = arith.mulf %mul3A_764, %get3A_763 : vector<16xf32>
      %get3A_766 = arith.constant 9 : i32
      %get3A_767 = arith.index_cast %get3A_766 : i32 to index
      %get3A_768 = arith.index_cast %mul3A_758 : i32 to index
      %get3A_769 = tpu.vector_load %arg9[%get3A_767, %get3A_768] {strides = array<i32>} : memref<32x1024xf32, #tpu.memory_space<vmem>>, vector<1x16xf32>,
      %get3A_770 = vector.shape_cast %get3A_769 : vector<1x16xf32> to vector<16xf32>
      %mul3A_771 = vector.broadcast %squeeze3A_499 : f32 to vector<16xf32>
      %mul3A_772 = arith.mulf %mul3A_771, %get3A_770 : vector<16xf32>
      %add3A_773 = arith.addf %mul3A_765, %mul3A_772 : vector<16xf32>
      %swap3A = arith.constant 9 : i32
      %swap3A_774 = arith.index_cast %swap3A : i32 to index
      %swap3A_775 = arith.index_cast %mul3A_758 : i32 to index
      %swap3A_776 = tpu.vector_load %arg8[%swap3A_774, %swap3A_775] {strides = array<i32>} : memref<32x1024xf32, #tpu.memory_space<vmem>>, vector<1x16xf32>,
      %swap3A_777 = vector.shape_cast %swap3A_776 : vector<1x16xf32> to vector<16xf32>
      %swap3A_778 = vector.shape_cast %add3A_773 : vector<16xf32> to vector<1x16xf32>
      tpu.vector_store %arg8[%swap3A_774, %swap3A_775], %swap3A_778 {strides = array<i32>} : memref<32x1024xf32, #tpu.memory_space<vmem>>, vector<1x16xf32>,
      %scan3A_779 = arith.constant 0 : i32
      scf.yield %scan3A_779 : i32
    }
    %scan3A_506 = arith.constant 64 : i32
    %slice3A_507 = vector.extract_strided_slice %get3A_393 {offsets = [10], sizes = [1], strides = [1]} : vector<16xf32> to vector<1xf32>
    %squeeze3A_508 = vector.extract %slice3A_507[0] : f32 from vector<1xf32>
    %slice3A_509 = vector.extract_strided_slice %get3A_396 {offsets = [10], sizes = [1], strides = [1]} : vector<16xf32> to vector<1xf32>
    %squeeze3A_510 = vector.extract %slice3A_509[0] : f32 from vector<1xf32>
    %scan3A_511 = arith.constant 0 : i32
    %scan3A_512 = arith.constant 0 : i32
    %scan3A_513 = arith.constant 64 : i32
    %scan3A_514 = arith.addi %scan3A_512, %scan3A_513 : i32
    %scan3A_515 = arith.constant 1 : i32
    %scan3A_516 = scf.for %scan3A_755 = %scan3A_512 to %scan3A_514 step %scan3A_515 iter_args(%scan3A_756 = %scan3A_511) -> (i32)  : i32 {
      %mul3A_757 = arith.constant 16 : i32
      %mul3A_758 = arith.muli %scan3A_755, %mul3A_757 : i32
      %get3A_759 = arith.constant 10 : i32
      %get3A_760 = arith.index_cast %get3A_759 : i32 to index
      %get3A_761 = arith.index_cast %mul3A_758 : i32 to index
      %get3A_762 = tpu.vector_load %arg8[%get3A_760, %get3A_761] {strides = array<i32>} : memref<32x1024xf32, #tpu.memory_space<vmem>>, vector<1x16xf32>,
      %get3A_763 = vector.shape_cast %get3A_762 : vector<1x16xf32> to vector<16xf32>
      %mul3A_764 = vector.broadcast %squeeze3A_508 : f32 to vector<16xf32>
      %mul3A_765 = arith.mulf %mul3A_764, %get3A_763 : vector<16xf32>
      %get3A_766 = arith.constant 10 : i32
      %get3A_767 = arith.index_cast %get3A_766 : i32 to index
      %get3A_768 = arith.index_cast %mul3A_758 : i32 to index
      %get3A_769 = tpu.vector_load %arg9[%get3A_767, %get3A_768] {strides = array<i32>} : memref<32x1024xf32, #tpu.memory_space<vmem>>, vector<1x16xf32>,
      %get3A_770 = vector.shape_cast %get3A_769 : vector<1x16xf32> to vector<16xf32>
      %mul3A_771 = vector.broadcast %squeeze3A_510 : f32 to vector<16xf32>
      %mul3A_772 = arith.mulf %mul3A_771, %get3A_770 : vector<16xf32>
      %add3A_773 = arith.addf %mul3A_765, %mul3A_772 : vector<16xf32>
      %swap3A = arith.constant 10 : i32
      %swap3A_774 = arith.index_cast %swap3A : i32 to index
      %swap3A_775 = arith.index_cast %mul3A_758 : i32 to index
      %swap3A_776 = tpu.vector_load %arg8[%swap3A_774, %swap3A_775] {strides = array<i32>} : memref<32x1024xf32, #tpu.memory_space<vmem>>, vector<1x16xf32>,
      %swap3A_777 = vector.shape_cast %swap3A_776 : vector<1x16xf32> to vector<16xf32>
      %swap3A_778 = vector.shape_cast %add3A_773 : vector<16xf32> to vector<1x16xf32>
      tpu.vector_store %arg8[%swap3A_774, %swap3A_775], %swap3A_778 {strides = array<i32>} : memref<32x1024xf32, #tpu.memory_space<vmem>>, vector<1x16xf32>,
      %scan3A_779 = arith.constant 0 : i32
      scf.yield %scan3A_779 : i32
    }
    %scan3A_517 = arith.constant 64 : i32
    %slice3A_518 = vector.extract_strided_slice %get3A_393 {offsets = [11], sizes = [1], strides = [1]} : vector<16xf32> to vector<1xf32>
    %squeeze3A_519 = vector.extract %slice3A_518[0] : f32 from vector<1xf32>
    %slice3A_520 = vector.extract_strided_slice %get3A_396 {offsets = [11], sizes = [1], strides = [1]} : vector<16xf32> to vector<1xf32>
    %squeeze3A_521 = vector.extract %slice3A_520[0] : f32 from vector<1xf32>
    %scan3A_522 = arith.constant 0 : i32
    %scan3A_523 = arith.constant 0 : i32
    %scan3A_524 = arith.constant 64 : i32
    %scan3A_525 = arith.addi %scan3A_523, %scan3A_524 : i32
    %scan3A_526 = arith.constant 1 : i32
    %scan3A_527 = scf.for %scan3A_755 = %scan3A_523 to %scan3A_525 step %scan3A_526 iter_args(%scan3A_756 = %scan3A_522) -> (i32)  : i32 {
      %mul3A_757 = arith.constant 16 : i32
      %mul3A_758 = arith.muli %scan3A_755, %mul3A_757 : i32
      %get3A_759 = arith.constant 11 : i32
      %get3A_760 = arith.index_cast %get3A_759 : i32 to index
      %get3A_761 = arith.index_cast %mul3A_758 : i32 to index
      %get3A_762 = tpu.vector_load %arg8[%get3A_760, %get3A_761] {strides = array<i32>} : memref<32x1024xf32, #tpu.memory_space<vmem>>, vector<1x16xf32>,
      %get3A_763 = vector.shape_cast %get3A_762 : vector<1x16xf32> to vector<16xf32>
      %mul3A_764 = vector.broadcast %squeeze3A_519 : f32 to vector<16xf32>
      %mul3A_765 = arith.mulf %mul3A_764, %get3A_763 : vector<16xf32>
      %get3A_766 = arith.constant 11 : i32
      %get3A_767 = arith.index_cast %get3A_766 : i32 to index
      %get3A_768 = arith.index_cast %mul3A_758 : i32 to index
      %get3A_769 = tpu.vector_load %arg9[%get3A_767, %get3A_768] {strides = array<i32>} : memref<32x1024xf32, #tpu.memory_space<vmem>>, vector<1x16xf32>,
      %get3A_770 = vector.shape_cast %get3A_769 : vector<1x16xf32> to vector<16xf32>
      %mul3A_771 = vector.broadcast %squeeze3A_521 : f32 to vector<16xf32>
      %mul3A_772 = arith.mulf %mul3A_771, %get3A_770 : vector<16xf32>
      %add3A_773 = arith.addf %mul3A_765, %mul3A_772 : vector<16xf32>
      %swap3A = arith.constant 11 : i32
      %swap3A_774 = arith.index_cast %swap3A : i32 to index
      %swap3A_775 = arith.index_cast %mul3A_758 : i32 to index
      %swap3A_776 = tpu.vector_load %arg8[%swap3A_774, %swap3A_775] {strides = array<i32>} : memref<32x1024xf32, #tpu.memory_space<vmem>>, vector<1x16xf32>,
      %swap3A_777 = vector.shape_cast %swap3A_776 : vector<1x16xf32> to vector<16xf32>
      %swap3A_778 = vector.shape_cast %add3A_773 : vector<16xf32> to vector<1x16xf32>
      tpu.vector_store %arg8[%swap3A_774, %swap3A_775], %swap3A_778 {strides = array<i32>} : memref<32x1024xf32, #tpu.memory_space<vmem>>, vector<1x16xf32>,
      %scan3A_779 = arith.constant 0 : i32
      scf.yield %scan3A_779 : i32
    }
    %scan3A_528 = arith.constant 64 : i32
    %slice3A_529 = vector.extract_strided_slice %get3A_393 {offsets = [12], sizes = [1], strides = [1]} : vector<16xf32> to vector<1xf32>
    %squeeze3A_530 = vector.extract %slice3A_529[0] : f32 from vector<1xf32>
    %slice3A_531 = vector.extract_strided_slice %get3A_396 {offsets = [12], sizes = [1], strides = [1]} : vector<16xf32> to vector<1xf32>
    %squeeze3A_532 = vector.extract %slice3A_531[0] : f32 from vector<1xf32>
    %scan3A_533 = arith.constant 0 : i32
    %scan3A_534 = arith.constant 0 : i32
    %scan3A_535 = arith.constant 64 : i32
    %scan3A_536 = arith.addi %scan3A_534, %scan3A_535 : i32
    %scan3A_537 = arith.constant 1 : i32
    %scan3A_538 = scf.for %scan3A_755 = %scan3A_534 to %scan3A_536 step %scan3A_537 iter_args(%scan3A_756 = %scan3A_533) -> (i32)  : i32 {
      %mul3A_757 = arith.constant 16 : i32
      %mul3A_758 = arith.muli %scan3A_755, %mul3A_757 : i32
      %get3A_759 = arith.constant 12 : i32
      %get3A_760 = arith.index_cast %get3A_759 : i32 to index
      %get3A_761 = arith.index_cast %mul3A_758 : i32 to index
      %get3A_762 = tpu.vector_load %arg8[%get3A_760, %get3A_761] {strides = array<i32>} : memref<32x1024xf32, #tpu.memory_space<vmem>>, vector<1x16xf32>,
      %get3A_763 = vector.shape_cast %get3A_762 : vector<1x16xf32> to vector<16xf32>
      %mul3A_764 = vector.broadcast %squeeze3A_530 : f32 to vector<16xf32>
      %mul3A_765 = arith.mulf %mul3A_764, %get3A_763 : vector<16xf32>
      %get3A_766 = arith.constant 12 : i32
      %get3A_767 = arith.index_cast %get3A_766 : i32 to index
      %get3A_768 = arith.index_cast %mul3A_758 : i32 to index
      %get3A_769 = tpu.vector_load %arg9[%get3A_767, %get3A_768] {strides = array<i32>} : memref<32x1024xf32, #tpu.memory_space<vmem>>, vector<1x16xf32>,
      %get3A_770 = vector.shape_cast %get3A_769 : vector<1x16xf32> to vector<16xf32>
      %mul3A_771 = vector.broadcast %squeeze3A_532 : f32 to vector<16xf32>
      %mul3A_772 = arith.mulf %mul3A_771, %get3A_770 : vector<16xf32>
      %add3A_773 = arith.addf %mul3A_765, %mul3A_772 : vector<16xf32>
      %swap3A = arith.constant 12 : i32
      %swap3A_774 = arith.index_cast %swap3A : i32 to index
      %swap3A_775 = arith.index_cast %mul3A_758 : i32 to index
      %swap3A_776 = tpu.vector_load %arg8[%swap3A_774, %swap3A_775] {strides = array<i32>} : memref<32x1024xf32, #tpu.memory_space<vmem>>, vector<1x16xf32>,
      %swap3A_777 = vector.shape_cast %swap3A_776 : vector<1x16xf32> to vector<16xf32>
      %swap3A_778 = vector.shape_cast %add3A_773 : vector<16xf32> to vector<1x16xf32>
      tpu.vector_store %arg8[%swap3A_774, %swap3A_775], %swap3A_778 {strides = array<i32>} : memref<32x1024xf32, #tpu.memory_space<vmem>>, vector<1x16xf32>,
      %scan3A_779 = arith.constant 0 : i32
      scf.yield %scan3A_779 : i32
    }
    %scan3A_539 = arith.constant 64 : i32
    %slice3A_540 = vector.extract_strided_slice %get3A_393 {offsets = [13], sizes = [1], strides = [1]} : vector<16xf32> to vector<1xf32>
    %squeeze3A_541 = vector.extract %slice3A_540[0] : f32 from vector<1xf32>
    %slice3A_542 = vector.extract_strided_slice %get3A_396 {offsets = [13], sizes = [1], strides = [1]} : vector<16xf32> to vector<1xf32>
    %squeeze3A_543 = vector.extract %slice3A_542[0] : f32 from vector<1xf32>
    %scan3A_544 = arith.constant 0 : i32
    %scan3A_545 = arith.constant 0 : i32
    %scan3A_546 = arith.constant 64 : i32
    %scan3A_547 = arith.addi %scan3A_545, %scan3A_546 : i32
    %scan3A_548 = arith.constant 1 : i32
    %scan3A_549 = scf.for %scan3A_755 = %scan3A_545 to %scan3A_547 step %scan3A_548 iter_args(%scan3A_756 = %scan3A_544) -> (i32)  : i32 {
      %mul3A_757 = arith.constant 16 : i32
      %mul3A_758 = arith.muli %scan3A_755, %mul3A_757 : i32
      %get3A_759 = arith.constant 13 : i32
      %get3A_760 = arith.index_cast %get3A_759 : i32 to index
      %get3A_761 = arith.index_cast %mul3A_758 : i32 to index
      %get3A_762 = tpu.vector_load %arg8[%get3A_760, %get3A_761] {strides = array<i32>} : memref<32x1024xf32, #tpu.memory_space<vmem>>, vector<1x16xf32>,
      %get3A_763 = vector.shape_cast %get3A_762 : vector<1x16xf32> to vector<16xf32>
      %mul3A_764 = vector.broadcast %squeeze3A_541 : f32 to vector<16xf32>
      %mul3A_765 = arith.mulf %mul3A_764, %get3A_763 : vector<16xf32>
      %get3A_766 = arith.constant 13 : i32
      %get3A_767 = arith.index_cast %get3A_766 : i32 to index
      %get3A_768 = arith.index_cast %mul3A_758 : i32 to index
      %get3A_769 = tpu.vector_load %arg9[%get3A_767, %get3A_768] {strides = array<i32>} : memref<32x1024xf32, #tpu.memory_space<vmem>>, vector<1x16xf32>,
      %get3A_770 = vector.shape_cast %get3A_769 : vector<1x16xf32> to vector<16xf32>
      %mul3A_771 = vector.broadcast %squeeze3A_543 : f32 to vector<16xf32>
      %mul3A_772 = arith.mulf %mul3A_771, %get3A_770 : vector<16xf32>
      %add3A_773 = arith.addf %mul3A_765, %mul3A_772 : vector<16xf32>
      %swap3A = arith.constant 13 : i32
      %swap3A_774 = arith.index_cast %swap3A : i32 to index
      %swap3A_775 = arith.index_cast %mul3A_758 : i32 to index
      %swap3A_776 = tpu.vector_load %arg8[%swap3A_774, %swap3A_775] {strides = array<i32>} : memref<32x1024xf32, #tpu.memory_space<vmem>>, vector<1x16xf32>,
      %swap3A_777 = vector.shape_cast %swap3A_776 : vector<1x16xf32> to vector<16xf32>
      %swap3A_778 = vector.shape_cast %add3A_773 : vector<16xf32> to vector<1x16xf32>
      tpu.vector_store %arg8[%swap3A_774, %swap3A_775], %swap3A_778 {strides = array<i32>} : memref<32x1024xf32, #tpu.memory_space<vmem>>, vector<1x16xf32>,
      %scan3A_779 = arith.constant 0 : i32
      scf.yield %scan3A_779 : i32
    }
    %scan3A_550 = arith.constant 64 : i32
    %slice3A_551 = vector.extract_strided_slice %get3A_393 {offsets = [14], sizes = [1], strides = [1]} : vector<16xf32> to vector<1xf32>
    %squeeze3A_552 = vector.extract %slice3A_551[0] : f32 from vector<1xf32>
    %slice3A_553 = vector.extract_strided_slice %get3A_396 {offsets = [14], sizes = [1], strides = [1]} : vector<16xf32> to vector<1xf32>
    %squeeze3A_554 = vector.extract %slice3A_553[0] : f32 from vector<1xf32>
    %scan3A_555 = arith.constant 0 : i32
    %scan3A_556 = arith.constant 0 : i32
    %scan3A_557 = arith.constant 64 : i32
    %scan3A_558 = arith.addi %scan3A_556, %scan3A_557 : i32
    %scan3A_559 = arith.constant 1 : i32
    %scan3A_560 = scf.for %scan3A_755 = %scan3A_556 to %scan3A_558 step %scan3A_559 iter_args(%scan3A_756 = %scan3A_555) -> (i32)  : i32 {
      %mul3A_757 = arith.constant 16 : i32
      %mul3A_758 = arith.muli %scan3A_755, %mul3A_757 : i32
      %get3A_759 = arith.constant 14 : i32
      %get3A_760 = arith.index_cast %get3A_759 : i32 to index
      %get3A_761 = arith.index_cast %mul3A_758 : i32 to index
      %get3A_762 = tpu.vector_load %arg8[%get3A_760, %get3A_761] {strides = array<i32>} : memref<32x1024xf32, #tpu.memory_space<vmem>>, vector<1x16xf32>,
      %get3A_763 = vector.shape_cast %get3A_762 : vector<1x16xf32> to vector<16xf32>
      %mul3A_764 = vector.broadcast %squeeze3A_552 : f32 to vector<16xf32>
      %mul3A_765 = arith.mulf %mul3A_764, %get3A_763 : vector<16xf32>
      %get3A_766 = arith.constant 14 : i32
      %get3A_767 = arith.index_cast %get3A_766 : i32 to index
      %get3A_768 = arith.index_cast %mul3A_758 : i32 to index
      %get3A_769 = tpu.vector_load %arg9[%get3A_767, %get3A_768] {strides = array<i32>} : memref<32x1024xf32, #tpu.memory_space<vmem>>, vector<1x16xf32>,
      %get3A_770 = vector.shape_cast %get3A_769 : vector<1x16xf32> to vector<16xf32>
      %mul3A_771 = vector.broadcast %squeeze3A_554 : f32 to vector<16xf32>
      %mul3A_772 = arith.mulf %mul3A_771, %get3A_770 : vector<16xf32>
      %add3A_773 = arith.addf %mul3A_765, %mul3A_772 : vector<16xf32>
      %swap3A = arith.constant 14 : i32
      %swap3A_774 = arith.index_cast %swap3A : i32 to index
      %swap3A_775 = arith.index_cast %mul3A_758 : i32 to index
      %swap3A_776 = tpu.vector_load %arg8[%swap3A_774, %swap3A_775] {strides = array<i32>} : memref<32x1024xf32, #tpu.memory_space<vmem>>, vector<1x16xf32>,
      %swap3A_777 = vector.shape_cast %swap3A_776 : vector<1x16xf32> to vector<16xf32>
      %swap3A_778 = vector.shape_cast %add3A_773 : vector<16xf32> to vector<1x16xf32>
      tpu.vector_store %arg8[%swap3A_774, %swap3A_775], %swap3A_778 {strides = array<i32>} : memref<32x1024xf32, #tpu.memory_space<vmem>>, vector<1x16xf32>,
      %scan3A_779 = arith.constant 0 : i32
      scf.yield %scan3A_779 : i32
    }
    %scan3A_561 = arith.constant 64 : i32
    %slice3A_562 = vector.extract_strided_slice %get3A_393 {offsets = [15], sizes = [1], strides = [1]} : vector<16xf32> to vector<1xf32>
    %squeeze3A_563 = vector.extract %slice3A_562[0] : f32 from vector<1xf32>
    %slice3A_564 = vector.extract_strided_slice %get3A_396 {offsets = [15], sizes = [1], strides = [1]} : vector<16xf32> to vector<1xf32>
    %squeeze3A_565 = vector.extract %slice3A_564[0] : f32 from vector<1xf32>
    %scan3A_566 = arith.constant 0 : i32
    %scan3A_567 = arith.constant 0 : i32
    %scan3A_568 = arith.constant 64 : i32
    %scan3A_569 = arith.addi %scan3A_567, %scan3A_568 : i32
    %scan3A_570 = arith.constant 1 : i32
    %scan3A_571 = scf.for %scan3A_755 = %scan3A_567 to %scan3A_569 step %scan3A_570 iter_args(%scan3A_756 = %scan3A_566) -> (i32)  : i32 {
      %mul3A_757 = arith.constant 16 : i32
      %mul3A_758 = arith.muli %scan3A_755, %mul3A_757 : i32
      %get3A_759 = arith.constant 15 : i32
      %get3A_760 = arith.index_cast %get3A_759 : i32 to index
      %get3A_761 = arith.index_cast %mul3A_758 : i32 to index
      %get3A_762 = tpu.vector_load %arg8[%get3A_760, %get3A_761] {strides = array<i32>} : memref<32x1024xf32, #tpu.memory_space<vmem>>, vector<1x16xf32>,
      %get3A_763 = vector.shape_cast %get3A_762 : vector<1x16xf32> to vector<16xf32>
      %mul3A_764 = vector.broadcast %squeeze3A_563 : f32 to vector<16xf32>
      %mul3A_765 = arith.mulf %mul3A_764, %get3A_763 : vector<16xf32>
      %get3A_766 = arith.constant 15 : i32
      %get3A_767 = arith.index_cast %get3A_766 : i32 to index
      %get3A_768 = arith.index_cast %mul3A_758 : i32 to index
      %get3A_769 = tpu.vector_load %arg9[%get3A_767, %get3A_768] {strides = array<i32>} : memref<32x1024xf32, #tpu.memory_space<vmem>>, vector<1x16xf32>,
      %get3A_770 = vector.shape_cast %get3A_769 : vector<1x16xf32> to vector<16xf32>
      %mul3A_771 = vector.broadcast %squeeze3A_565 : f32 to vector<16xf32>
      %mul3A_772 = arith.mulf %mul3A_771, %get3A_770 : vector<16xf32>
      %add3A_773 = arith.addf %mul3A_765, %mul3A_772 : vector<16xf32>
      %swap3A = arith.constant 15 : i32
      %swap3A_774 = arith.index_cast %swap3A : i32 to index
      %swap3A_775 = arith.index_cast %mul3A_758 : i32 to index
      %swap3A_776 = tpu.vector_load %arg8[%swap3A_774, %swap3A_775] {strides = array<i32>} : memref<32x1024xf32, #tpu.memory_space<vmem>>, vector<1x16xf32>,
      %swap3A_777 = vector.shape_cast %swap3A_776 : vector<1x16xf32> to vector<16xf32>
      %swap3A_778 = vector.shape_cast %add3A_773 : vector<16xf32> to vector<1x16xf32>
      tpu.vector_store %arg8[%swap3A_774, %swap3A_775], %swap3A_778 {strides = array<i32>} : memref<32x1024xf32, #tpu.memory_space<vmem>>, vector<1x16xf32>,
      %scan3A_779 = arith.constant 0 : i32
      scf.yield %scan3A_779 : i32
    }
    %scan3A_572 = arith.constant 64 : i32
    %get3A_573 = arith.constant 16 : index
    %get3A_574 = tpu.vector_load %arg12[%get3A_573] {strides = array<i32>} : memref<32xf32, #tpu.memory_space<vmem>>, vector<16xf32>,
    %get3A_575 = vector.shape_cast %get3A_574 : vector<16xf32> to vector<16xf32>
    %get3A_576 = arith.constant 16 : index
    %get3A_577 = tpu.vector_load %arg13[%get3A_576] {strides = array<i32>} : memref<32xf32, #tpu.memory_space<vmem>>, vector<16xf32>,
    %get3A_578 = vector.shape_cast %get3A_577 : vector<16xf32> to vector<16xf32>
    %slice3A_579 = vector.extract_strided_slice %get3A_575 {offsets = [0], sizes = [1], strides = [1]} : vector<16xf32> to vector<1xf32>
    %squeeze3A_580 = vector.extract %slice3A_579[0] : f32 from vector<1xf32>
    %slice3A_581 = vector.extract_strided_slice %get3A_578 {offsets = [0], sizes = [1], strides = [1]} : vector<16xf32> to vector<1xf32>
    %squeeze3A_582 = vector.extract %slice3A_581[0] : f32 from vector<1xf32>
    %scan3A_583 = arith.constant 0 : i32
    %scan3A_584 = arith.constant 0 : i32
    %scan3A_585 = arith.constant 64 : i32
    %scan3A_586 = arith.addi %scan3A_584, %scan3A_585 : i32
    %scan3A_587 = arith.constant 1 : i32
    %scan3A_588 = scf.for %scan3A_755 = %scan3A_584 to %scan3A_586 step %scan3A_587 iter_args(%scan3A_756 = %scan3A_583) -> (i32)  : i32 {
      %mul3A_757 = arith.constant 16 : i32
      %mul3A_758 = arith.muli %scan3A_755, %mul3A_757 : i32
      %get3A_759 = arith.constant 16 : i32
      %get3A_760 = arith.index_cast %get3A_759 : i32 to index
      %get3A_761 = arith.index_cast %mul3A_758 : i32 to index
      %get3A_762 = tpu.vector_load %arg8[%get3A_760, %get3A_761] {strides = array<i32>} : memref<32x1024xf32, #tpu.memory_space<vmem>>, vector<1x16xf32>,
      %get3A_763 = vector.shape_cast %get3A_762 : vector<1x16xf32> to vector<16xf32>
      %mul3A_764 = vector.broadcast %squeeze3A_580 : f32 to vector<16xf32>
      %mul3A_765 = arith.mulf %mul3A_764, %get3A_763 : vector<16xf32>
      %get3A_766 = arith.constant 16 : i32
      %get3A_767 = arith.index_cast %get3A_766 : i32 to index
      %get3A_768 = arith.index_cast %mul3A_758 : i32 to index
      %get3A_769 = tpu.vector_load %arg9[%get3A_767, %get3A_768] {strides = array<i32>} : memref<32x1024xf32, #tpu.memory_space<vmem>>, vector<1x16xf32>,
      %get3A_770 = vector.shape_cast %get3A_769 : vector<1x16xf32> to vector<16xf32>
      %mul3A_771 = vector.broadcast %squeeze3A_582 : f32 to vector<16xf32>
      %mul3A_772 = arith.mulf %mul3A_771, %get3A_770 : vector<16xf32>
      %add3A_773 = arith.addf %mul3A_765, %mul3A_772 : vector<16xf32>
      %swap3A = arith.constant 16 : i32
      %swap3A_774 = arith.index_cast %swap3A : i32 to index
      %swap3A_775 = arith.index_cast %mul3A_758 : i32 to index
      %swap3A_776 = tpu.vector_load %arg8[%swap3A_774, %swap3A_775] {strides = array<i32>} : memref<32x1024xf32, #tpu.memory_space<vmem>>, vector<1x16xf32>,
      %swap3A_777 = vector.shape_cast %swap3A_776 : vector<1x16xf32> to vector<16xf32>
      %swap3A_778 = vector.shape_cast %add3A_773 : vector<16xf32> to vector<1x16xf32>
      tpu.vector_store %arg8[%swap3A_774, %swap3A_775], %swap3A_778 {strides = array<i32>} : memref<32x1024xf32, #tpu.memory_space<vmem>>, vector<1x16xf32>,
      %scan3A_779 = arith.constant 0 : i32
      scf.yield %scan3A_779 : i32
    }
    %scan3A_589 = arith.constant 64 : i32
    %slice3A_590 = vector.extract_strided_slice %get3A_575 {offsets = [1], sizes = [1], strides = [1]} : vector<16xf32> to vector<1xf32>
    %squeeze3A_591 = vector.extract %slice3A_590[0] : f32 from vector<1xf32>
    %slice3A_592 = vector.extract_strided_slice %get3A_578 {offsets = [1], sizes = [1], strides = [1]} : vector<16xf32> to vector<1xf32>
    %squeeze3A_593 = vector.extract %slice3A_592[0] : f32 from vector<1xf32>
    %scan3A_594 = arith.constant 0 : i32
    %scan3A_595 = arith.constant 0 : i32
    %scan3A_596 = arith.constant 64 : i32
    %scan3A_597 = arith.addi %scan3A_595, %scan3A_596 : i32
    %scan3A_598 = arith.constant 1 : i32
    %scan3A_599 = scf.for %scan3A_755 = %scan3A_595 to %scan3A_597 step %scan3A_598 iter_args(%scan3A_756 = %scan3A_594) -> (i32)  : i32 {
      %mul3A_757 = arith.constant 16 : i32
      %mul3A_758 = arith.muli %scan3A_755, %mul3A_757 : i32
      %get3A_759 = arith.constant 17 : i32
      %get3A_760 = arith.index_cast %get3A_759 : i32 to index
      %get3A_761 = arith.index_cast %mul3A_758 : i32 to index
      %get3A_762 = tpu.vector_load %arg8[%get3A_760, %get3A_761] {strides = array<i32>} : memref<32x1024xf32, #tpu.memory_space<vmem>>, vector<1x16xf32>,
      %get3A_763 = vector.shape_cast %get3A_762 : vector<1x16xf32> to vector<16xf32>
      %mul3A_764 = vector.broadcast %squeeze3A_591 : f32 to vector<16xf32>
      %mul3A_765 = arith.mulf %mul3A_764, %get3A_763 : vector<16xf32>
      %get3A_766 = arith.constant 17 : i32
      %get3A_767 = arith.index_cast %get3A_766 : i32 to index
      %get3A_768 = arith.index_cast %mul3A_758 : i32 to index
      %get3A_769 = tpu.vector_load %arg9[%get3A_767, %get3A_768] {strides = array<i32>} : memref<32x1024xf32, #tpu.memory_space<vmem>>, vector<1x16xf32>,
      %get3A_770 = vector.shape_cast %get3A_769 : vector<1x16xf32> to vector<16xf32>
      %mul3A_771 = vector.broadcast %squeeze3A_593 : f32 to vector<16xf32>
      %mul3A_772 = arith.mulf %mul3A_771, %get3A_770 : vector<16xf32>
      %add3A_773 = arith.addf %mul3A_765, %mul3A_772 : vector<16xf32>
      %swap3A = arith.constant 17 : i32
      %swap3A_774 = arith.index_cast %swap3A : i32 to index
      %swap3A_775 = arith.index_cast %mul3A_758 : i32 to index
      %swap3A_776 = tpu.vector_load %arg8[%swap3A_774, %swap3A_775] {strides = array<i32>} : memref<32x1024xf32, #tpu.memory_space<vmem>>, vector<1x16xf32>,
      %swap3A_777 = vector.shape_cast %swap3A_776 : vector<1x16xf32> to vector<16xf32>
      %swap3A_778 = vector.shape_cast %add3A_773 : vector<16xf32> to vector<1x16xf32>
      tpu.vector_store %arg8[%swap3A_774, %swap3A_775], %swap3A_778 {strides = array<i32>} : memref<32x1024xf32, #tpu.memory_space<vmem>>, vector<1x16xf32>,
      %scan3A_779 = arith.constant 0 : i32
      scf.yield %scan3A_779 : i32
    }
    %scan3A_600 = arith.constant 64 : i32
    %slice3A_601 = vector.extract_strided_slice %get3A_575 {offsets = [2], sizes = [1], strides = [1]} : vector<16xf32> to vector<1xf32>
    %squeeze3A_602 = vector.extract %slice3A_601[0] : f32 from vector<1xf32>
    %slice3A_603 = vector.extract_strided_slice %get3A_578 {offsets = [2], sizes = [1], strides = [1]} : vector<16xf32> to vector<1xf32>
    %squeeze3A_604 = vector.extract %slice3A_603[0] : f32 from vector<1xf32>
    %scan3A_605 = arith.constant 0 : i32
    %scan3A_606 = arith.constant 0 : i32
    %scan3A_607 = arith.constant 64 : i32
    %scan3A_608 = arith.addi %scan3A_606, %scan3A_607 : i32
    %scan3A_609 = arith.constant 1 : i32
    %scan3A_610 = scf.for %scan3A_755 = %scan3A_606 to %scan3A_608 step %scan3A_609 iter_args(%scan3A_756 = %scan3A_605) -> (i32)  : i32 {
      %mul3A_757 = arith.constant 16 : i32
      %mul3A_758 = arith.muli %scan3A_755, %mul3A_757 : i32
      %get3A_759 = arith.constant 18 : i32
      %get3A_760 = arith.index_cast %get3A_759 : i32 to index
      %get3A_761 = arith.index_cast %mul3A_758 : i32 to index
      %get3A_762 = tpu.vector_load %arg8[%get3A_760, %get3A_761] {strides = array<i32>} : memref<32x1024xf32, #tpu.memory_space<vmem>>, vector<1x16xf32>,
      %get3A_763 = vector.shape_cast %get3A_762 : vector<1x16xf32> to vector<16xf32>
      %mul3A_764 = vector.broadcast %squeeze3A_602 : f32 to vector<16xf32>
      %mul3A_765 = arith.mulf %mul3A_764, %get3A_763 : vector<16xf32>
      %get3A_766 = arith.constant 18 : i32
      %get3A_767 = arith.index_cast %get3A_766 : i32 to index
      %get3A_768 = arith.index_cast %mul3A_758 : i32 to index
      %get3A_769 = tpu.vector_load %arg9[%get3A_767, %get3A_768] {strides = array<i32>} : memref<32x1024xf32, #tpu.memory_space<vmem>>, vector<1x16xf32>,
      %get3A_770 = vector.shape_cast %get3A_769 : vector<1x16xf32> to vector<16xf32>
      %mul3A_771 = vector.broadcast %squeeze3A_604 : f32 to vector<16xf32>
      %mul3A_772 = arith.mulf %mul3A_771, %get3A_770 : vector<16xf32>
      %add3A_773 = arith.addf %mul3A_765, %mul3A_772 : vector<16xf32>
      %swap3A = arith.constant 18 : i32
      %swap3A_774 = arith.index_cast %swap3A : i32 to index
      %swap3A_775 = arith.index_cast %mul3A_758 : i32 to index
      %swap3A_776 = tpu.vector_load %arg8[%swap3A_774, %swap3A_775] {strides = array<i32>} : memref<32x1024xf32, #tpu.memory_space<vmem>>, vector<1x16xf32>,
      %swap3A_777 = vector.shape_cast %swap3A_776 : vector<1x16xf32> to vector<16xf32>
      %swap3A_778 = vector.shape_cast %add3A_773 : vector<16xf32> to vector<1x16xf32>
      tpu.vector_store %arg8[%swap3A_774, %swap3A_775], %swap3A_778 {strides = array<i32>} : memref<32x1024xf32, #tpu.memory_space<vmem>>, vector<1x16xf32>,
      %scan3A_779 = arith.constant 0 : i32
      scf.yield %scan3A_779 : i32
    }
    %scan3A_611 = arith.constant 64 : i32
    %slice3A_612 = vector.extract_strided_slice %get3A_575 {offsets = [3], sizes = [1], strides = [1]} : vector<16xf32> to vector<1xf32>
    %squeeze3A_613 = vector.extract %slice3A_612[0] : f32 from vector<1xf32>
    %slice3A_614 = vector.extract_strided_slice %get3A_578 {offsets = [3], sizes = [1], strides = [1]} : vector<16xf32> to vector<1xf32>
    %squeeze3A_615 = vector.extract %slice3A_614[0] : f32 from vector<1xf32>
    %scan3A_616 = arith.constant 0 : i32
    %scan3A_617 = arith.constant 0 : i32
    %scan3A_618 = arith.constant 64 : i32
    %scan3A_619 = arith.addi %scan3A_617, %scan3A_618 : i32
    %scan3A_620 = arith.constant 1 : i32
    %scan3A_621 = scf.for %scan3A_755 = %scan3A_617 to %scan3A_619 step %scan3A_620 iter_args(%scan3A_756 = %scan3A_616) -> (i32)  : i32 {
      %mul3A_757 = arith.constant 16 : i32
      %mul3A_758 = arith.muli %scan3A_755, %mul3A_757 : i32
      %get3A_759 = arith.constant 19 : i32
      %get3A_760 = arith.index_cast %get3A_759 : i32 to index
      %get3A_761 = arith.index_cast %mul3A_758 : i32 to index
      %get3A_762 = tpu.vector_load %arg8[%get3A_760, %get3A_761] {strides = array<i32>} : memref<32x1024xf32, #tpu.memory_space<vmem>>, vector<1x16xf32>,
      %get3A_763 = vector.shape_cast %get3A_762 : vector<1x16xf32> to vector<16xf32>
      %mul3A_764 = vector.broadcast %squeeze3A_613 : f32 to vector<16xf32>
      %mul3A_765 = arith.mulf %mul3A_764, %get3A_763 : vector<16xf32>
      %get3A_766 = arith.constant 19 : i32
      %get3A_767 = arith.index_cast %get3A_766 : i32 to index
      %get3A_768 = arith.index_cast %mul3A_758 : i32 to index
      %get3A_769 = tpu.vector_load %arg9[%get3A_767, %get3A_768] {strides = array<i32>} : memref<32x1024xf32, #tpu.memory_space<vmem>>, vector<1x16xf32>,
      %get3A_770 = vector.shape_cast %get3A_769 : vector<1x16xf32> to vector<16xf32>
      %mul3A_771 = vector.broadcast %squeeze3A_615 : f32 to vector<16xf32>
      %mul3A_772 = arith.mulf %mul3A_771, %get3A_770 : vector<16xf32>
      %add3A_773 = arith.addf %mul3A_765, %mul3A_772 : vector<16xf32>
      %swap3A = arith.constant 19 : i32
      %swap3A_774 = arith.index_cast %swap3A : i32 to index
      %swap3A_775 = arith.index_cast %mul3A_758 : i32 to index
      %swap3A_776 = tpu.vector_load %arg8[%swap3A_774, %swap3A_775] {strides = array<i32>} : memref<32x1024xf32, #tpu.memory_space<vmem>>, vector<1x16xf32>,
      %swap3A_777 = vector.shape_cast %swap3A_776 : vector<1x16xf32> to vector<16xf32>
      %swap3A_778 = vector.shape_cast %add3A_773 : vector<16xf32> to vector<1x16xf32>
      tpu.vector_store %arg8[%swap3A_774, %swap3A_775], %swap3A_778 {strides = array<i32>} : memref<32x1024xf32, #tpu.memory_space<vmem>>, vector<1x16xf32>,
      %scan3A_779 = arith.constant 0 : i32
      scf.yield %scan3A_779 : i32
    }
    %scan3A_622 = arith.constant 64 : i32
    %slice3A_623 = vector.extract_strided_slice %get3A_575 {offsets = [4], sizes = [1], strides = [1]} : vector<16xf32> to vector<1xf32>
    %squeeze3A_624 = vector.extract %slice3A_623[0] : f32 from vector<1xf32>
    %slice3A_625 = vector.extract_strided_slice %get3A_578 {offsets = [4], sizes = [1], strides = [1]} : vector<16xf32> to vector<1xf32>
    %squeeze3A_626 = vector.extract %slice3A_625[0] : f32 from vector<1xf32>
    %scan3A_627 = arith.constant 0 : i32
    %scan3A_628 = arith.constant 0 : i32
    %scan3A_629 = arith.constant 64 : i32
    %scan3A_630 = arith.addi %scan3A_628, %scan3A_629 : i32
    %scan3A_631 = arith.constant 1 : i32
    %scan3A_632 = scf.for %scan3A_755 = %scan3A_628 to %scan3A_630 step %scan3A_631 iter_args(%scan3A_756 = %scan3A_627) -> (i32)  : i32 {
      %mul3A_757 = arith.constant 16 : i32
      %mul3A_758 = arith.muli %scan3A_755, %mul3A_757 : i32
      %get3A_759 = arith.constant 20 : i32
      %get3A_760 = arith.index_cast %get3A_759 : i32 to index
      %get3A_761 = arith.index_cast %mul3A_758 : i32 to index
      %get3A_762 = tpu.vector_load %arg8[%get3A_760, %get3A_761] {strides = array<i32>} : memref<32x1024xf32, #tpu.memory_space<vmem>>, vector<1x16xf32>,
      %get3A_763 = vector.shape_cast %get3A_762 : vector<1x16xf32> to vector<16xf32>
      %mul3A_764 = vector.broadcast %squeeze3A_624 : f32 to vector<16xf32>
      %mul3A_765 = arith.mulf %mul3A_764, %get3A_763 : vector<16xf32>
      %get3A_766 = arith.constant 20 : i32
      %get3A_767 = arith.index_cast %get3A_766 : i32 to index
      %get3A_768 = arith.index_cast %mul3A_758 : i32 to index
      %get3A_769 = tpu.vector_load %arg9[%get3A_767, %get3A_768] {strides = array<i32>} : memref<32x1024xf32, #tpu.memory_space<vmem>>, vector<1x16xf32>,
      %get3A_770 = vector.shape_cast %get3A_769 : vector<1x16xf32> to vector<16xf32>
      %mul3A_771 = vector.broadcast %squeeze3A_626 : f32 to vector<16xf32>
      %mul3A_772 = arith.mulf %mul3A_771, %get3A_770 : vector<16xf32>
      %add3A_773 = arith.addf %mul3A_765, %mul3A_772 : vector<16xf32>
      %swap3A = arith.constant 20 : i32
      %swap3A_774 = arith.index_cast %swap3A : i32 to index
      %swap3A_775 = arith.index_cast %mul3A_758 : i32 to index
      %swap3A_776 = tpu.vector_load %arg8[%swap3A_774, %swap3A_775] {strides = array<i32>} : memref<32x1024xf32, #tpu.memory_space<vmem>>, vector<1x16xf32>,
      %swap3A_777 = vector.shape_cast %swap3A_776 : vector<1x16xf32> to vector<16xf32>
      %swap3A_778 = vector.shape_cast %add3A_773 : vector<16xf32> to vector<1x16xf32>
      tpu.vector_store %arg8[%swap3A_774, %swap3A_775], %swap3A_778 {strides = array<i32>} : memref<32x1024xf32, #tpu.memory_space<vmem>>, vector<1x16xf32>,
      %scan3A_779 = arith.constant 0 : i32
      scf.yield %scan3A_779 : i32
    }
    %scan3A_633 = arith.constant 64 : i32
    %slice3A_634 = vector.extract_strided_slice %get3A_575 {offsets = [5], sizes = [1], strides = [1]} : vector<16xf32> to vector<1xf32>
    %squeeze3A_635 = vector.extract %slice3A_634[0] : f32 from vector<1xf32>
    %slice3A_636 = vector.extract_strided_slice %get3A_578 {offsets = [5], sizes = [1], strides = [1]} : vector<16xf32> to vector<1xf32>
    %squeeze3A_637 = vector.extract %slice3A_636[0] : f32 from vector<1xf32>
    %scan3A_638 = arith.constant 0 : i32
    %scan3A_639 = arith.constant 0 : i32
    %scan3A_640 = arith.constant 64 : i32
    %scan3A_641 = arith.addi %scan3A_639, %scan3A_640 : i32
    %scan3A_642 = arith.constant 1 : i32
    %scan3A_643 = scf.for %scan3A_755 = %scan3A_639 to %scan3A_641 step %scan3A_642 iter_args(%scan3A_756 = %scan3A_638) -> (i32)  : i32 {
      %mul3A_757 = arith.constant 16 : i32
      %mul3A_758 = arith.muli %scan3A_755, %mul3A_757 : i32
      %get3A_759 = arith.constant 21 : i32
      %get3A_760 = arith.index_cast %get3A_759 : i32 to index
      %get3A_761 = arith.index_cast %mul3A_758 : i32 to index
      %get3A_762 = tpu.vector_load %arg8[%get3A_760, %get3A_761] {strides = array<i32>} : memref<32x1024xf32, #tpu.memory_space<vmem>>, vector<1x16xf32>,
      %get3A_763 = vector.shape_cast %get3A_762 : vector<1x16xf32> to vector<16xf32>
      %mul3A_764 = vector.broadcast %squeeze3A_635 : f32 to vector<16xf32>
      %mul3A_765 = arith.mulf %mul3A_764, %get3A_763 : vector<16xf32>
      %get3A_766 = arith.constant 21 : i32
      %get3A_767 = arith.index_cast %get3A_766 : i32 to index
      %get3A_768 = arith.index_cast %mul3A_758 : i32 to index
      %get3A_769 = tpu.vector_load %arg9[%get3A_767, %get3A_768] {strides = array<i32>} : memref<32x1024xf32, #tpu.memory_space<vmem>>, vector<1x16xf32>,
      %get3A_770 = vector.shape_cast %get3A_769 : vector<1x16xf32> to vector<16xf32>
      %mul3A_771 = vector.broadcast %squeeze3A_637 : f32 to vector<16xf32>
      %mul3A_772 = arith.mulf %mul3A_771, %get3A_770 : vector<16xf32>
      %add3A_773 = arith.addf %mul3A_765, %mul3A_772 : vector<16xf32>
      %swap3A = arith.constant 21 : i32
      %swap3A_774 = arith.index_cast %swap3A : i32 to index
      %swap3A_775 = arith.index_cast %mul3A_758 : i32 to index
      %swap3A_776 = tpu.vector_load %arg8[%swap3A_774, %swap3A_775] {strides = array<i32>} : memref<32x1024xf32, #tpu.memory_space<vmem>>, vector<1x16xf32>,
      %swap3A_777 = vector.shape_cast %swap3A_776 : vector<1x16xf32> to vector<16xf32>
      %swap3A_778 = vector.shape_cast %add3A_773 : vector<16xf32> to vector<1x16xf32>
      tpu.vector_store %arg8[%swap3A_774, %swap3A_775], %swap3A_778 {strides = array<i32>} : memref<32x1024xf32, #tpu.memory_space<vmem>>, vector<1x16xf32>,
      %scan3A_779 = arith.constant 0 : i32
      scf.yield %scan3A_779 : i32
    }
    %scan3A_644 = arith.constant 64 : i32
    %slice3A_645 = vector.extract_strided_slice %get3A_575 {offsets = [6], sizes = [1], strides = [1]} : vector<16xf32> to vector<1xf32>
    %squeeze3A_646 = vector.extract %slice3A_645[0] : f32 from vector<1xf32>
    %slice3A_647 = vector.extract_strided_slice %get3A_578 {offsets = [6], sizes = [1], strides = [1]} : vector<16xf32> to vector<1xf32>
    %squeeze3A_648 = vector.extract %slice3A_647[0] : f32 from vector<1xf32>
    %scan3A_649 = arith.constant 0 : i32
    %scan3A_650 = arith.constant 0 : i32
    %scan3A_651 = arith.constant 64 : i32
    %scan3A_652 = arith.addi %scan3A_650, %scan3A_651 : i32
    %scan3A_653 = arith.constant 1 : i32
    %scan3A_654 = scf.for %scan3A_755 = %scan3A_650 to %scan3A_652 step %scan3A_653 iter_args(%scan3A_756 = %scan3A_649) -> (i32)  : i32 {
      %mul3A_757 = arith.constant 16 : i32
      %mul3A_758 = arith.muli %scan3A_755, %mul3A_757 : i32
      %get3A_759 = arith.constant 22 : i32
      %get3A_760 = arith.index_cast %get3A_759 : i32 to index
      %get3A_761 = arith.index_cast %mul3A_758 : i32 to index
      %get3A_762 = tpu.vector_load %arg8[%get3A_760, %get3A_761] {strides = array<i32>} : memref<32x1024xf32, #tpu.memory_space<vmem>>, vector<1x16xf32>,
      %get3A_763 = vector.shape_cast %get3A_762 : vector<1x16xf32> to vector<16xf32>
      %mul3A_764 = vector.broadcast %squeeze3A_646 : f32 to vector<16xf32>
      %mul3A_765 = arith.mulf %mul3A_764, %get3A_763 : vector<16xf32>
      %get3A_766 = arith.constant 22 : i32
      %get3A_767 = arith.index_cast %get3A_766 : i32 to index
      %get3A_768 = arith.index_cast %mul3A_758 : i32 to index
      %get3A_769 = tpu.vector_load %arg9[%get3A_767, %get3A_768] {strides = array<i32>} : memref<32x1024xf32, #tpu.memory_space<vmem>>, vector<1x16xf32>,
      %get3A_770 = vector.shape_cast %get3A_769 : vector<1x16xf32> to vector<16xf32>
      %mul3A_771 = vector.broadcast %squeeze3A_648 : f32 to vector<16xf32>
      %mul3A_772 = arith.mulf %mul3A_771, %get3A_770 : vector<16xf32>
      %add3A_773 = arith.addf %mul3A_765, %mul3A_772 : vector<16xf32>
      %swap3A = arith.constant 22 : i32
      %swap3A_774 = arith.index_cast %swap3A : i32 to index
      %swap3A_775 = arith.index_cast %mul3A_758 : i32 to index
      %swap3A_776 = tpu.vector_load %arg8[%swap3A_774, %swap3A_775] {strides = array<i32>} : memref<32x1024xf32, #tpu.memory_space<vmem>>, vector<1x16xf32>,
      %swap3A_777 = vector.shape_cast %swap3A_776 : vector<1x16xf32> to vector<16xf32>
      %swap3A_778 = vector.shape_cast %add3A_773 : vector<16xf32> to vector<1x16xf32>
      tpu.vector_store %arg8[%swap3A_774, %swap3A_775], %swap3A_778 {strides = array<i32>} : memref<32x1024xf32, #tpu.memory_space<vmem>>, vector<1x16xf32>,
      %scan3A_779 = arith.constant 0 : i32
      scf.yield %scan3A_779 : i32
    }
    %scan3A_655 = arith.constant 64 : i32
    %slice3A_656 = vector.extract_strided_slice %get3A_575 {offsets = [7], sizes = [1], strides = [1]} : vector<16xf32> to vector<1xf32>
    %squeeze3A_657 = vector.extract %slice3A_656[0] : f32 from vector<1xf32>
    %slice3A_658 = vector.extract_strided_slice %get3A_578 {offsets = [7], sizes = [1], strides = [1]} : vector<16xf32> to vector<1xf32>
    %squeeze3A_659 = vector.extract %slice3A_658[0] : f32 from vector<1xf32>
    %scan3A_660 = arith.constant 0 : i32
    %scan3A_661 = arith.constant 0 : i32
    %scan3A_662 = arith.constant 64 : i32
    %scan3A_663 = arith.addi %scan3A_661, %scan3A_662 : i32
    %scan3A_664 = arith.constant 1 : i32
    %scan3A_665 = scf.for %scan3A_755 = %scan3A_661 to %scan3A_663 step %scan3A_664 iter_args(%scan3A_756 = %scan3A_660) -> (i32)  : i32 {
      %mul3A_757 = arith.constant 16 : i32
      %mul3A_758 = arith.muli %scan3A_755, %mul3A_757 : i32
      %get3A_759 = arith.constant 23 : i32
      %get3A_760 = arith.index_cast %get3A_759 : i32 to index
      %get3A_761 = arith.index_cast %mul3A_758 : i32 to index
      %get3A_762 = tpu.vector_load %arg8[%get3A_760, %get3A_761] {strides = array<i32>} : memref<32x1024xf32, #tpu.memory_space<vmem>>, vector<1x16xf32>,
      %get3A_763 = vector.shape_cast %get3A_762 : vector<1x16xf32> to vector<16xf32>
      %mul3A_764 = vector.broadcast %squeeze3A_657 : f32 to vector<16xf32>
      %mul3A_765 = arith.mulf %mul3A_764, %get3A_763 : vector<16xf32>
      %get3A_766 = arith.constant 23 : i32
      %get3A_767 = arith.index_cast %get3A_766 : i32 to index
      %get3A_768 = arith.index_cast %mul3A_758 : i32 to index
      %get3A_769 = tpu.vector_load %arg9[%get3A_767, %get3A_768] {strides = array<i32>} : memref<32x1024xf32, #tpu.memory_space<vmem>>, vector<1x16xf32>,
      %get3A_770 = vector.shape_cast %get3A_769 : vector<1x16xf32> to vector<16xf32>
      %mul3A_771 = vector.broadcast %squeeze3A_659 : f32 to vector<16xf32>
      %mul3A_772 = arith.mulf %mul3A_771, %get3A_770 : vector<16xf32>
      %add3A_773 = arith.addf %mul3A_765, %mul3A_772 : vector<16xf32>
      %swap3A = arith.constant 23 : i32
      %swap3A_774 = arith.index_cast %swap3A : i32 to index
      %swap3A_775 = arith.index_cast %mul3A_758 : i32 to index
      %swap3A_776 = tpu.vector_load %arg8[%swap3A_774, %swap3A_775] {strides = array<i32>} : memref<32x1024xf32, #tpu.memory_space<vmem>>, vector<1x16xf32>,
      %swap3A_777 = vector.shape_cast %swap3A_776 : vector<1x16xf32> to vector<16xf32>
      %swap3A_778 = vector.shape_cast %add3A_773 : vector<16xf32> to vector<1x16xf32>
      tpu.vector_store %arg8[%swap3A_774, %swap3A_775], %swap3A_778 {strides = array<i32>} : memref<32x1024xf32, #tpu.memory_space<vmem>>, vector<1x16xf32>,
      %scan3A_779 = arith.constant 0 : i32
      scf.yield %scan3A_779 : i32
    }
    %scan3A_666 = arith.constant 64 : i32
    %slice3A_667 = vector.extract_strided_slice %get3A_575 {offsets = [8], sizes = [1], strides = [1]} : vector<16xf32> to vector<1xf32>
    %squeeze3A_668 = vector.extract %slice3A_667[0] : f32 from vector<1xf32>
    %slice3A_669 = vector.extract_strided_slice %get3A_578 {offsets = [8], sizes = [1], strides = [1]} : vector<16xf32> to vector<1xf32>
    %squeeze3A_670 = vector.extract %slice3A_669[0] : f32 from vector<1xf32>
    %scan3A_671 = arith.constant 0 : i32
    %scan3A_672 = arith.constant 0 : i32
    %scan3A_673 = arith.constant 64 : i32
    %scan3A_674 = arith.addi %scan3A_672, %scan3A_673 : i32
    %scan3A_675 = arith.constant 1 : i32
    %scan3A_676 = scf.for %scan3A_755 = %scan3A_672 to %scan3A_674 step %scan3A_675 iter_args(%scan3A_756 = %scan3A_671) -> (i32)  : i32 {
      %mul3A_757 = arith.constant 16 : i32
      %mul3A_758 = arith.muli %scan3A_755, %mul3A_757 : i32
      %get3A_759 = arith.constant 24 : i32
      %get3A_760 = arith.index_cast %get3A_759 : i32 to index
      %get3A_761 = arith.index_cast %mul3A_758 : i32 to index
      %get3A_762 = tpu.vector_load %arg8[%get3A_760, %get3A_761] {strides = array<i32>} : memref<32x1024xf32, #tpu.memory_space<vmem>>, vector<1x16xf32>,
      %get3A_763 = vector.shape_cast %get3A_762 : vector<1x16xf32> to vector<16xf32>
      %mul3A_764 = vector.broadcast %squeeze3A_668 : f32 to vector<16xf32>
      %mul3A_765 = arith.mulf %mul3A_764, %get3A_763 : vector<16xf32>
      %get3A_766 = arith.constant 24 : i32
      %get3A_767 = arith.index_cast %get3A_766 : i32 to index
      %get3A_768 = arith.index_cast %mul3A_758 : i32 to index
      %get3A_769 = tpu.vector_load %arg9[%get3A_767, %get3A_768] {strides = array<i32>} : memref<32x1024xf32, #tpu.memory_space<vmem>>, vector<1x16xf32>,
      %get3A_770 = vector.shape_cast %get3A_769 : vector<1x16xf32> to vector<16xf32>
      %mul3A_771 = vector.broadcast %squeeze3A_670 : f32 to vector<16xf32>
      %mul3A_772 = arith.mulf %mul3A_771, %get3A_770 : vector<16xf32>
      %add3A_773 = arith.addf %mul3A_765, %mul3A_772 : vector<16xf32>
      %swap3A = arith.constant 24 : i32
      %swap3A_774 = arith.index_cast %swap3A : i32 to index
      %swap3A_775 = arith.index_cast %mul3A_758 : i32 to index
      %swap3A_776 = tpu.vector_load %arg8[%swap3A_774, %swap3A_775] {strides = array<i32>} : memref<32x1024xf32, #tpu.memory_space<vmem>>, vector<1x16xf32>,
      %swap3A_777 = vector.shape_cast %swap3A_776 : vector<1x16xf32> to vector<16xf32>
      %swap3A_778 = vector.shape_cast %add3A_773 : vector<16xf32> to vector<1x16xf32>
      tpu.vector_store %arg8[%swap3A_774, %swap3A_775], %swap3A_778 {strides = array<i32>} : memref<32x1024xf32, #tpu.memory_space<vmem>>, vector<1x16xf32>,
      %scan3A_779 = arith.constant 0 : i32
      scf.yield %scan3A_779 : i32
    }
    %scan3A_677 = arith.constant 64 : i32
    %slice3A_678 = vector.extract_strided_slice %get3A_575 {offsets = [9], sizes = [1], strides = [1]} : vector<16xf32> to vector<1xf32>
    %squeeze3A_679 = vector.extract %slice3A_678[0] : f32 from vector<1xf32>
    %slice3A_680 = vector.extract_strided_slice %get3A_578 {offsets = [9], sizes = [1], strides = [1]} : vector<16xf32> to vector<1xf32>
    %squeeze3A_681 = vector.extract %slice3A_680[0] : f32 from vector<1xf32>
    %scan3A_682 = arith.constant 0 : i32
    %scan3A_683 = arith.constant 0 : i32
    %scan3A_684 = arith.constant 64 : i32
    %scan3A_685 = arith.addi %scan3A_683, %scan3A_684 : i32
    %scan3A_686 = arith.constant 1 : i32
    %scan3A_687 = scf.for %scan3A_755 = %scan3A_683 to %scan3A_685 step %scan3A_686 iter_args(%scan3A_756 = %scan3A_682) -> (i32)  : i32 {
      %mul3A_757 = arith.constant 16 : i32
      %mul3A_758 = arith.muli %scan3A_755, %mul3A_757 : i32
      %get3A_759 = arith.constant 25 : i32
      %get3A_760 = arith.index_cast %get3A_759 : i32 to index
      %get3A_761 = arith.index_cast %mul3A_758 : i32 to index
      %get3A_762 = tpu.vector_load %arg8[%get3A_760, %get3A_761] {strides = array<i32>} : memref<32x1024xf32, #tpu.memory_space<vmem>>, vector<1x16xf32>,
      %get3A_763 = vector.shape_cast %get3A_762 : vector<1x16xf32> to vector<16xf32>
      %mul3A_764 = vector.broadcast %squeeze3A_679 : f32 to vector<16xf32>
      %mul3A_765 = arith.mulf %mul3A_764, %get3A_763 : vector<16xf32>
      %get3A_766 = arith.constant 25 : i32
      %get3A_767 = arith.index_cast %get3A_766 : i32 to index
      %get3A_768 = arith.index_cast %mul3A_758 : i32 to index
      %get3A_769 = tpu.vector_load %arg9[%get3A_767, %get3A_768] {strides = array<i32>} : memref<32x1024xf32, #tpu.memory_space<vmem>>, vector<1x16xf32>,
      %get3A_770 = vector.shape_cast %get3A_769 : vector<1x16xf32> to vector<16xf32>
      %mul3A_771 = vector.broadcast %squeeze3A_681 : f32 to vector<16xf32>
      %mul3A_772 = arith.mulf %mul3A_771, %get3A_770 : vector<16xf32>
      %add3A_773 = arith.addf %mul3A_765, %mul3A_772 : vector<16xf32>
      %swap3A = arith.constant 25 : i32
      %swap3A_774 = arith.index_cast %swap3A : i32 to index
      %swap3A_775 = arith.index_cast %mul3A_758 : i32 to index
      %swap3A_776 = tpu.vector_load %arg8[%swap3A_774, %swap3A_775] {strides = array<i32>} : memref<32x1024xf32, #tpu.memory_space<vmem>>, vector<1x16xf32>,
      %swap3A_777 = vector.shape_cast %swap3A_776 : vector<1x16xf32> to vector<16xf32>
      %swap3A_778 = vector.shape_cast %add3A_773 : vector<16xf32> to vector<1x16xf32>
      tpu.vector_store %arg8[%swap3A_774, %swap3A_775], %swap3A_778 {strides = array<i32>} : memref<32x1024xf32, #tpu.memory_space<vmem>>, vector<1x16xf32>,
      %scan3A_779 = arith.constant 0 : i32
      scf.yield %scan3A_779 : i32
    }
    %scan3A_688 = arith.constant 64 : i32
    %slice3A_689 = vector.extract_strided_slice %get3A_575 {offsets = [10], sizes = [1], strides = [1]} : vector<16xf32> to vector<1xf32>
    %squeeze3A_690 = vector.extract %slice3A_689[0] : f32 from vector<1xf32>
    %slice3A_691 = vector.extract_strided_slice %get3A_578 {offsets = [10], sizes = [1], strides = [1]} : vector<16xf32> to vector<1xf32>
    %squeeze3A_692 = vector.extract %slice3A_691[0] : f32 from vector<1xf32>
    %scan3A_693 = arith.constant 0 : i32
    %scan3A_694 = arith.constant 0 : i32
    %scan3A_695 = arith.constant 64 : i32
    %scan3A_696 = arith.addi %scan3A_694, %scan3A_695 : i32
    %scan3A_697 = arith.constant 1 : i32
    %scan3A_698 = scf.for %scan3A_755 = %scan3A_694 to %scan3A_696 step %scan3A_697 iter_args(%scan3A_756 = %scan3A_693) -> (i32)  : i32 {
      %mul3A_757 = arith.constant 16 : i32
      %mul3A_758 = arith.muli %scan3A_755, %mul3A_757 : i32
      %get3A_759 = arith.constant 26 : i32
      %get3A_760 = arith.index_cast %get3A_759 : i32 to index
      %get3A_761 = arith.index_cast %mul3A_758 : i32 to index
      %get3A_762 = tpu.vector_load %arg8[%get3A_760, %get3A_761] {strides = array<i32>} : memref<32x1024xf32, #tpu.memory_space<vmem>>, vector<1x16xf32>,
      %get3A_763 = vector.shape_cast %get3A_762 : vector<1x16xf32> to vector<16xf32>
      %mul3A_764 = vector.broadcast %squeeze3A_690 : f32 to vector<16xf32>
      %mul3A_765 = arith.mulf %mul3A_764, %get3A_763 : vector<16xf32>
      %get3A_766 = arith.constant 26 : i32
      %get3A_767 = arith.index_cast %get3A_766 : i32 to index
      %get3A_768 = arith.index_cast %mul3A_758 : i32 to index
      %get3A_769 = tpu.vector_load %arg9[%get3A_767, %get3A_768] {strides = array<i32>} : memref<32x1024xf32, #tpu.memory_space<vmem>>, vector<1x16xf32>,
      %get3A_770 = vector.shape_cast %get3A_769 : vector<1x16xf32> to vector<16xf32>
      %mul3A_771 = vector.broadcast %squeeze3A_692 : f32 to vector<16xf32>
      %mul3A_772 = arith.mulf %mul3A_771, %get3A_770 : vector<16xf32>
      %add3A_773 = arith.addf %mul3A_765, %mul3A_772 : vector<16xf32>
      %swap3A = arith.constant 26 : i32
      %swap3A_774 = arith.index_cast %swap3A : i32 to index
      %swap3A_775 = arith.index_cast %mul3A_758 : i32 to index
      %swap3A_776 = tpu.vector_load %arg8[%swap3A_774, %swap3A_775] {strides = array<i32>} : memref<32x1024xf32, #tpu.memory_space<vmem>>, vector<1x16xf32>,
      %swap3A_777 = vector.shape_cast %swap3A_776 : vector<1x16xf32> to vector<16xf32>
      %swap3A_778 = vector.shape_cast %add3A_773 : vector<16xf32> to vector<1x16xf32>
      tpu.vector_store %arg8[%swap3A_774, %swap3A_775], %swap3A_778 {strides = array<i32>} : memref<32x1024xf32, #tpu.memory_space<vmem>>, vector<1x16xf32>,
      %scan3A_779 = arith.constant 0 : i32
      scf.yield %scan3A_779 : i32
    }
    %scan3A_699 = arith.constant 64 : i32
    %slice3A_700 = vector.extract_strided_slice %get3A_575 {offsets = [11], sizes = [1], strides = [1]} : vector<16xf32> to vector<1xf32>
    %squeeze3A_701 = vector.extract %slice3A_700[0] : f32 from vector<1xf32>
    %slice3A_702 = vector.extract_strided_slice %get3A_578 {offsets = [11], sizes = [1], strides = [1]} : vector<16xf32> to vector<1xf32>
    %squeeze3A_703 = vector.extract %slice3A_702[0] : f32 from vector<1xf32>
    %scan3A_704 = arith.constant 0 : i32
    %scan3A_705 = arith.constant 0 : i32
    %scan3A_706 = arith.constant 64 : i32
    %scan3A_707 = arith.addi %scan3A_705, %scan3A_706 : i32
    %scan3A_708 = arith.constant 1 : i32
    %scan3A_709 = scf.for %scan3A_755 = %scan3A_705 to %scan3A_707 step %scan3A_708 iter_args(%scan3A_756 = %scan3A_704) -> (i32)  : i32 {
      %mul3A_757 = arith.constant 16 : i32
      %mul3A_758 = arith.muli %scan3A_755, %mul3A_757 : i32
      %get3A_759 = arith.constant 27 : i32
      %get3A_760 = arith.index_cast %get3A_759 : i32 to index
      %get3A_761 = arith.index_cast %mul3A_758 : i32 to index
      %get3A_762 = tpu.vector_load %arg8[%get3A_760, %get3A_761] {strides = array<i32>} : memref<32x1024xf32, #tpu.memory_space<vmem>>, vector<1x16xf32>,
      %get3A_763 = vector.shape_cast %get3A_762 : vector<1x16xf32> to vector<16xf32>
      %mul3A_764 = vector.broadcast %squeeze3A_701 : f32 to vector<16xf32>
      %mul3A_765 = arith.mulf %mul3A_764, %get3A_763 : vector<16xf32>
      %get3A_766 = arith.constant 27 : i32
      %get3A_767 = arith.index_cast %get3A_766 : i32 to index
      %get3A_768 = arith.index_cast %mul3A_758 : i32 to index
      %get3A_769 = tpu.vector_load %arg9[%get3A_767, %get3A_768] {strides = array<i32>} : memref<32x1024xf32, #tpu.memory_space<vmem>>, vector<1x16xf32>,
      %get3A_770 = vector.shape_cast %get3A_769 : vector<1x16xf32> to vector<16xf32>
      %mul3A_771 = vector.broadcast %squeeze3A_703 : f32 to vector<16xf32>
      %mul3A_772 = arith.mulf %mul3A_771, %get3A_770 : vector<16xf32>
      %add3A_773 = arith.addf %mul3A_765, %mul3A_772 : vector<16xf32>
      %swap3A = arith.constant 27 : i32
      %swap3A_774 = arith.index_cast %swap3A : i32 to index
      %swap3A_775 = arith.index_cast %mul3A_758 : i32 to index
      %swap3A_776 = tpu.vector_load %arg8[%swap3A_774, %swap3A_775] {strides = array<i32>} : memref<32x1024xf32, #tpu.memory_space<vmem>>, vector<1x16xf32>,
      %swap3A_777 = vector.shape_cast %swap3A_776 : vector<1x16xf32> to vector<16xf32>
      %swap3A_778 = vector.shape_cast %add3A_773 : vector<16xf32> to vector<1x16xf32>
      tpu.vector_store %arg8[%swap3A_774, %swap3A_775], %swap3A_778 {strides = array<i32>} : memref<32x1024xf32, #tpu.memory_space<vmem>>, vector<1x16xf32>,
      %scan3A_779 = arith.constant 0 : i32
      scf.yield %scan3A_779 : i32
    }
    %scan3A_710 = arith.constant 64 : i32
    %slice3A_711 = vector.extract_strided_slice %get3A_575 {offsets = [12], sizes = [1], strides = [1]} : vector<16xf32> to vector<1xf32>
    %squeeze3A_712 = vector.extract %slice3A_711[0] : f32 from vector<1xf32>
    %slice3A_713 = vector.extract_strided_slice %get3A_578 {offsets = [12], sizes = [1], strides = [1]} : vector<16xf32> to vector<1xf32>
    %squeeze3A_714 = vector.extract %slice3A_713[0] : f32 from vector<1xf32>
    %scan3A_715 = arith.constant 0 : i32
    %scan3A_716 = arith.constant 0 : i32
    %scan3A_717 = arith.constant 64 : i32
    %scan3A_718 = arith.addi %scan3A_716, %scan3A_717 : i32
    %scan3A_719 = arith.constant 1 : i32
    %scan3A_720 = scf.for %scan3A_755 = %scan3A_716 to %scan3A_718 step %scan3A_719 iter_args(%scan3A_756 = %scan3A_715) -> (i32)  : i32 {
      %mul3A_757 = arith.constant 16 : i32
      %mul3A_758 = arith.muli %scan3A_755, %mul3A_757 : i32
      %get3A_759 = arith.constant 28 : i32
      %get3A_760 = arith.index_cast %get3A_759 : i32 to index
      %get3A_761 = arith.index_cast %mul3A_758 : i32 to index
      %get3A_762 = tpu.vector_load %arg8[%get3A_760, %get3A_761] {strides = array<i32>} : memref<32x1024xf32, #tpu.memory_space<vmem>>, vector<1x16xf32>,
      %get3A_763 = vector.shape_cast %get3A_762 : vector<1x16xf32> to vector<16xf32>
      %mul3A_764 = vector.broadcast %squeeze3A_712 : f32 to vector<16xf32>
      %mul3A_765 = arith.mulf %mul3A_764, %get3A_763 : vector<16xf32>
      %get3A_766 = arith.constant 28 : i32
      %get3A_767 = arith.index_cast %get3A_766 : i32 to index
      %get3A_768 = arith.index_cast %mul3A_758 : i32 to index
      %get3A_769 = tpu.vector_load %arg9[%get3A_767, %get3A_768] {strides = array<i32>} : memref<32x1024xf32, #tpu.memory_space<vmem>>, vector<1x16xf32>,
      %get3A_770 = vector.shape_cast %get3A_769 : vector<1x16xf32> to vector<16xf32>
      %mul3A_771 = vector.broadcast %squeeze3A_714 : f32 to vector<16xf32>
      %mul3A_772 = arith.mulf %mul3A_771, %get3A_770 : vector<16xf32>
      %add3A_773 = arith.addf %mul3A_765, %mul3A_772 : vector<16xf32>
      %swap3A = arith.constant 28 : i32
      %swap3A_774 = arith.index_cast %swap3A : i32 to index
      %swap3A_775 = arith.index_cast %mul3A_758 : i32 to index
      %swap3A_776 = tpu.vector_load %arg8[%swap3A_774, %swap3A_775] {strides = array<i32>} : memref<32x1024xf32, #tpu.memory_space<vmem>>, vector<1x16xf32>,
      %swap3A_777 = vector.shape_cast %swap3A_776 : vector<1x16xf32> to vector<16xf32>
      %swap3A_778 = vector.shape_cast %add3A_773 : vector<16xf32> to vector<1x16xf32>
      tpu.vector_store %arg8[%swap3A_774, %swap3A_775], %swap3A_778 {strides = array<i32>} : memref<32x1024xf32, #tpu.memory_space<vmem>>, vector<1x16xf32>,
      %scan3A_779 = arith.constant 0 : i32
      scf.yield %scan3A_779 : i32
    }
    %scan3A_721 = arith.constant 64 : i32
    %slice3A_722 = vector.extract_strided_slice %get3A_575 {offsets = [13], sizes = [1], strides = [1]} : vector<16xf32> to vector<1xf32>
    %squeeze3A_723 = vector.extract %slice3A_722[0] : f32 from vector<1xf32>
    %slice3A_724 = vector.extract_strided_slice %get3A_578 {offsets = [13], sizes = [1], strides = [1]} : vector<16xf32> to vector<1xf32>
    %squeeze3A_725 = vector.extract %slice3A_724[0] : f32 from vector<1xf32>
    %scan3A_726 = arith.constant 0 : i32
    %scan3A_727 = arith.constant 0 : i32
    %scan3A_728 = arith.constant 64 : i32
    %scan3A_729 = arith.addi %scan3A_727, %scan3A_728 : i32
    %scan3A_730 = arith.constant 1 : i32
    %scan3A_731 = scf.for %scan3A_755 = %scan3A_727 to %scan3A_729 step %scan3A_730 iter_args(%scan3A_756 = %scan3A_726) -> (i32)  : i32 {
      %mul3A_757 = arith.constant 16 : i32
      %mul3A_758 = arith.muli %scan3A_755, %mul3A_757 : i32
      %get3A_759 = arith.constant 29 : i32
      %get3A_760 = arith.index_cast %get3A_759 : i32 to index
      %get3A_761 = arith.index_cast %mul3A_758 : i32 to index
      %get3A_762 = tpu.vector_load %arg8[%get3A_760, %get3A_761] {strides = array<i32>} : memref<32x1024xf32, #tpu.memory_space<vmem>>, vector<1x16xf32>,
      %get3A_763 = vector.shape_cast %get3A_762 : vector<1x16xf32> to vector<16xf32>
      %mul3A_764 = vector.broadcast %squeeze3A_723 : f32 to vector<16xf32>
      %mul3A_765 = arith.mulf %mul3A_764, %get3A_763 : vector<16xf32>
      %get3A_766 = arith.constant 29 : i32
      %get3A_767 = arith.index_cast %get3A_766 : i32 to index
      %get3A_768 = arith.index_cast %mul3A_758 : i32 to index
      %get3A_769 = tpu.vector_load %arg9[%get3A_767, %get3A_768] {strides = array<i32>} : memref<32x1024xf32, #tpu.memory_space<vmem>>, vector<1x16xf32>,
      %get3A_770 = vector.shape_cast %get3A_769 : vector<1x16xf32> to vector<16xf32>
      %mul3A_771 = vector.broadcast %squeeze3A_725 : f32 to vector<16xf32>
      %mul3A_772 = arith.mulf %mul3A_771, %get3A_770 : vector<16xf32>
      %add3A_773 = arith.addf %mul3A_765, %mul3A_772 : vector<16xf32>
      %swap3A = arith.constant 29 : i32
      %swap3A_774 = arith.index_cast %swap3A : i32 to index
      %swap3A_775 = arith.index_cast %mul3A_758 : i32 to index
      %swap3A_776 = tpu.vector_load %arg8[%swap3A_774, %swap3A_775] {strides = array<i32>} : memref<32x1024xf32, #tpu.memory_space<vmem>>, vector<1x16xf32>,
      %swap3A_777 = vector.shape_cast %swap3A_776 : vector<1x16xf32> to vector<16xf32>
      %swap3A_778 = vector.shape_cast %add3A_773 : vector<16xf32> to vector<1x16xf32>
      tpu.vector_store %arg8[%swap3A_774, %swap3A_775], %swap3A_778 {strides = array<i32>} : memref<32x1024xf32, #tpu.memory_space<vmem>>, vector<1x16xf32>,
      %scan3A_779 = arith.constant 0 : i32
      scf.yield %scan3A_779 : i32
    }
    %scan3A_732 = arith.constant 64 : i32
    %slice3A_733 = vector.extract_strided_slice %get3A_575 {offsets = [14], sizes = [1], strides = [1]} : vector<16xf32> to vector<1xf32>
    %squeeze3A_734 = vector.extract %slice3A_733[0] : f32 from vector<1xf32>
    %slice3A_735 = vector.extract_strided_slice %get3A_578 {offsets = [14], sizes = [1], strides = [1]} : vector<16xf32> to vector<1xf32>
    %squeeze3A_736 = vector.extract %slice3A_735[0] : f32 from vector<1xf32>
    %scan3A_737 = arith.constant 0 : i32
    %scan3A_738 = arith.constant 0 : i32
    %scan3A_739 = arith.constant 64 : i32
    %scan3A_740 = arith.addi %scan3A_738, %scan3A_739 : i32
    %scan3A_741 = arith.constant 1 : i32
    %scan3A_742 = scf.for %scan3A_755 = %scan3A_738 to %scan3A_740 step %scan3A_741 iter_args(%scan3A_756 = %scan3A_737) -> (i32)  : i32 {
      %mul3A_757 = arith.constant 16 : i32
      %mul3A_758 = arith.muli %scan3A_755, %mul3A_757 : i32
      %get3A_759 = arith.constant 30 : i32
      %get3A_760 = arith.index_cast %get3A_759 : i32 to index
      %get3A_761 = arith.index_cast %mul3A_758 : i32 to index
      %get3A_762 = tpu.vector_load %arg8[%get3A_760, %get3A_761] {strides = array<i32>} : memref<32x1024xf32, #tpu.memory_space<vmem>>, vector<1x16xf32>,
      %get3A_763 = vector.shape_cast %get3A_762 : vector<1x16xf32> to vector<16xf32>
      %mul3A_764 = vector.broadcast %squeeze3A_734 : f32 to vector<16xf32>
      %mul3A_765 = arith.mulf %mul3A_764, %get3A_763 : vector<16xf32>
      %get3A_766 = arith.constant 30 : i32
      %get3A_767 = arith.index_cast %get3A_766 : i32 to index
      %get3A_768 = arith.index_cast %mul3A_758 : i32 to index
      %get3A_769 = tpu.vector_load %arg9[%get3A_767, %get3A_768] {strides = array<i32>} : memref<32x1024xf32, #tpu.memory_space<vmem>>, vector<1x16xf32>,
      %get3A_770 = vector.shape_cast %get3A_769 : vector<1x16xf32> to vector<16xf32>
      %mul3A_771 = vector.broadcast %squeeze3A_736 : f32 to vector<16xf32>
      %mul3A_772 = arith.mulf %mul3A_771, %get3A_770 : vector<16xf32>
      %add3A_773 = arith.addf %mul3A_765, %mul3A_772 : vector<16xf32>
      %swap3A = arith.constant 30 : i32
      %swap3A_774 = arith.index_cast %swap3A : i32 to index
      %swap3A_775 = arith.index_cast %mul3A_758 : i32 to index
      %swap3A_776 = tpu.vector_load %arg8[%swap3A_774, %swap3A_775] {strides = array<i32>} : memref<32x1024xf32, #tpu.memory_space<vmem>>, vector<1x16xf32>,
      %swap3A_777 = vector.shape_cast %swap3A_776 : vector<1x16xf32> to vector<16xf32>
      %swap3A_778 = vector.shape_cast %add3A_773 : vector<16xf32> to vector<1x16xf32>
      tpu.vector_store %arg8[%swap3A_774, %swap3A_775], %swap3A_778 {strides = array<i32>} : memref<32x1024xf32, #tpu.memory_space<vmem>>, vector<1x16xf32>,
      %scan3A_779 = arith.constant 0 : i32
      scf.yield %scan3A_779 : i32
    }
    %scan3A_743 = arith.constant 64 : i32
    %slice3A_744 = vector.extract_strided_slice %get3A_575 {offsets = [15], sizes = [1], strides = [1]} : vector<16xf32> to vector<1xf32>
    %squeeze3A_745 = vector.extract %slice3A_744[0] : f32 from vector<1xf32>
    %slice3A_746 = vector.extract_strided_slice %get3A_578 {offsets = [15], sizes = [1], strides = [1]} : vector<16xf32> to vector<1xf32>
    %squeeze3A_747 = vector.extract %slice3A_746[0] : f32 from vector<1xf32>
    %scan3A_748 = arith.constant 0 : i32
    %scan3A_749 = arith.constant 0 : i32
    %scan3A_750 = arith.constant 64 : i32
    %scan3A_751 = arith.addi %scan3A_749, %scan3A_750 : i32
    %scan3A_752 = arith.constant 1 : i32
    %scan3A_753 = scf.for %scan3A_755 = %scan3A_749 to %scan3A_751 step %scan3A_752 iter_args(%scan3A_756 = %scan3A_748) -> (i32)  : i32 {
      %mul3A_757 = arith.constant 16 : i32
      %mul3A_758 = arith.muli %scan3A_755, %mul3A_757 : i32
      %get3A_759 = arith.constant 31 : i32
      %get3A_760 = arith.index_cast %get3A_759 : i32 to index
      %get3A_761 = arith.index_cast %mul3A_758 : i32 to index
      %get3A_762 = tpu.vector_load %arg8[%get3A_760, %get3A_761] {strides = array<i32>} : memref<32x1024xf32, #tpu.memory_space<vmem>>, vector<1x16xf32>,
      %get3A_763 = vector.shape_cast %get3A_762 : vector<1x16xf32> to vector<16xf32>
      %mul3A_764 = vector.broadcast %squeeze3A_745 : f32 to vector<16xf32>
      %mul3A_765 = arith.mulf %mul3A_764, %get3A_763 : vector<16xf32>
      %get3A_766 = arith.constant 31 : i32
      %get3A_767 = arith.index_cast %get3A_766 : i32 to index
      %get3A_768 = arith.index_cast %mul3A_758 : i32 to index
      %get3A_769 = tpu.vector_load %arg9[%get3A_767, %get3A_768] {strides = array<i32>} : memref<32x1024xf32, #tpu.memory_space<vmem>>, vector<1x16xf32>,
      %get3A_770 = vector.shape_cast %get3A_769 : vector<1x16xf32> to vector<16xf32>
      %mul3A_771 = vector.broadcast %squeeze3A_747 : f32 to vector<16xf32>
      %mul3A_772 = arith.mulf %mul3A_771, %get3A_770 : vector<16xf32>
      %add3A_773 = arith.addf %mul3A_765, %mul3A_772 : vector<16xf32>
      %swap3A = arith.constant 31 : i32
      %swap3A_774 = arith.index_cast %swap3A : i32 to index
      %swap3A_775 = arith.index_cast %mul3A_758 : i32 to index
      %swap3A_776 = tpu.vector_load %arg8[%swap3A_774, %swap3A_775] {strides = array<i32>} : memref<32x1024xf32, #tpu.memory_space<vmem>>, vector<1x16xf32>,
      %swap3A_777 = vector.shape_cast %swap3A_776 : vector<1x16xf32> to vector<16xf32>
      %swap3A_778 = vector.shape_cast %add3A_773 : vector<16xf32> to vector<1x16xf32>
      tpu.vector_store %arg8[%swap3A_774, %swap3A_775], %swap3A_778 {strides = array<i32>} : memref<32x1024xf32, #tpu.memory_space<vmem>>, vector<1x16xf32>,
      %scan3A_779 = arith.constant 0 : i32
      scf.yield %scan3A_779 : i32
    }
    %scan3A_754 = arith.constant 64 : i32
    "tpu.region"() ({
      %run_scoped3A = tpu.sem_alloc : memref<!tpu.dma_semaphore, #tpu.memory_space<semaphore_mem>>
      %dma_start3A_755 = arith.constant 0 : i32
      %dma_start3A_756 = tpu.memref_slice %arg7[%add3A_378, %dma_start3A_755] : memref<2048x1024xf32, #tpu.memory_space<hbm>> -> memref<32x1024xf32, #tpu.memory_space<hbm>>
      %dma_start3A_757 = arith.constant 0 : i32
      %dma_start3A_758 = tpu.memref_slice %arg7[%add3A_378, %dma_start3A_757] : memref<2048x1024xf32, #tpu.memory_space<hbm>> -> memref<32x1024xf32, #tpu.memory_space<hbm>>
      tpu.enqueue_dma source(%arg8 : memref<32x1024xf32, #tpu.memory_space<vmem>>) target(%dma_start3A_758 : memref<32x1024xf32, #tpu.memory_space<hbm>>) target_semaphore(%run_scoped3A : memref<!tpu.dma_semaphore, #tpu.memory_space<semaphore_mem>>)
      %dma_wait3A_759 = arith.constant 0 : i32
      %dma_wait3A_760 = tpu.memref_slice %arg7[%add3A_378, %dma_wait3A_759] : memref<2048x1024xf32, #tpu.memory_space<hbm>> -> memref<32x1024xf32, #tpu.memory_space<hbm>>
      %dma_wait3A_761 = arith.constant 0 : i32
      %dma_wait3A_762 = tpu.memref_slice %arg7[%add3A_378, %dma_wait3A_761] : memref<2048x1024xf32, #tpu.memory_space<hbm>> -> memref<32x1024xf32, #tpu.memory_space<hbm>>
      tpu.wait_dma2 semaphore(%run_scoped3A : memref<!tpu.dma_semaphore, #tpu.memory_space<semaphore_mem>>) src(%arg8 : memref<32x1024xf32, #tpu.memory_space<vmem>>) dst(%dma_wait3A_762 : memref<32x1024xf32, #tpu.memory_space<hbm>>)
      tpu.yield
    }) : () -> ()
    return
  }
}

#map = affine_map<(d0, d1) -> (0, 0)>
#map1 = affine_map<(d0, d1) -> (0)>
module attributes {stable_mosaic.version = 14 : i64} {
  func.func @scatter_rows(%arg0: i32, %arg1: i32, %arg2: memref<2048x1024xf32, #tpu.memory_space<hbm>>, %arg3: memref<2048xi32, #tpu.memory_space<hbm>>, %arg4: memref<2048xi32, #tpu.memory_space<hbm>>, %arg5: memref<5120x1024xf32, #tpu.memory_space<hbm>>, %arg6: memref<64x1024xf32, #tpu.memory_space<vmem>>, %arg7: memref<64xi32, #tpu.memory_space<vmem>>, %arg8: memref<64xi32, #tpu.memory_space<vmem>>, %arg9: memref<!tpu.dma_semaphore, #tpu.memory_space<semaphore_mem>>) attributes {dimension_semantics = [#tpu.dimension_semantics<core_parallel>, #tpu.dimension_semantics<subcore_parallel>], iteration_bounds = array<i64: 2, 16>, scalar_prefetch = 0 : i64, scratch_operands = 4 : i64, tpu.core_type = #tpu.core_type<sc_vector_subcore>, window_params = [{transform_indices = #map}, {transform_indices = #map1}, {transform_indices = #map1}, {transform_indices = #map}]} {
    %mul3A = arith.constant 2 : i32
    %mul3A_0 = arith.muli %arg1, %mul3A : i32
    %add3A = arith.addi %mul3A_0, %arg0 : i32
    %mul3A_1 = arith.constant 64 : i32
    %mul3A_2 = arith.muli %add3A, %mul3A_1 : i32
    "tpu.region"() ({
      %run_scoped3A = tpu.sem_alloc : memref<!tpu.dma_semaphore, #tpu.memory_space<semaphore_mem>>
      %dma_start3A_13 = arith.constant 0 : i32
      %dma_start3A_14 = tpu.memref_slice %arg2[%mul3A_2, %dma_start3A_13] : memref<2048x1024xf32, #tpu.memory_space<hbm>> -> memref<64x1024xf32, #tpu.memory_space<hbm>>
      %dma_start3A_15 = arith.constant 0 : i32
      %dma_start3A_16 = tpu.memref_slice %arg2[%mul3A_2, %dma_start3A_15] : memref<2048x1024xf32, #tpu.memory_space<hbm>> -> memref<64x1024xf32, #tpu.memory_space<hbm>>
      tpu.enqueue_dma source(%dma_start3A_16 : memref<64x1024xf32, #tpu.memory_space<hbm>>) target(%arg6 : memref<64x1024xf32, #tpu.memory_space<vmem>>) target_semaphore(%run_scoped3A : memref<!tpu.dma_semaphore, #tpu.memory_space<semaphore_mem>>)
      %dma_wait3A_17 = arith.constant 0 : i32
      %dma_wait3A_18 = tpu.memref_slice %arg2[%mul3A_2, %dma_wait3A_17] : memref<2048x1024xf32, #tpu.memory_space<hbm>> -> memref<64x1024xf32, #tpu.memory_space<hbm>>
      %dma_wait3A_19 = arith.constant 0 : i32
      %dma_wait3A_20 = tpu.memref_slice %arg2[%mul3A_2, %dma_wait3A_19] : memref<2048x1024xf32, #tpu.memory_space<hbm>> -> memref<64x1024xf32, #tpu.memory_space<hbm>>
      tpu.wait_dma2 semaphore(%run_scoped3A : memref<!tpu.dma_semaphore, #tpu.memory_space<semaphore_mem>>) src(%dma_wait3A_20 : memref<64x1024xf32, #tpu.memory_space<hbm>>) dst(%arg6 : memref<64x1024xf32, #tpu.memory_space<vmem>>)
      tpu.yield
    }) : () -> ()
    "tpu.region"() ({
      %run_scoped3A = tpu.sem_alloc : memref<!tpu.dma_semaphore, #tpu.memory_space<semaphore_mem>>
      %dma_start3A_13 = tpu.memref_slice %arg3[%mul3A_2] : memref<2048xi32, #tpu.memory_space<hbm>> -> memref<64xi32, #tpu.memory_space<hbm>>
      %dma_start3A_14 = tpu.memref_slice %arg3[%mul3A_2] : memref<2048xi32, #tpu.memory_space<hbm>> -> memref<64xi32, #tpu.memory_space<hbm>>
      tpu.enqueue_dma source(%dma_start3A_14 : memref<64xi32, #tpu.memory_space<hbm>>) target(%arg7 : memref<64xi32, #tpu.memory_space<vmem>>) target_semaphore(%run_scoped3A : memref<!tpu.dma_semaphore, #tpu.memory_space<semaphore_mem>>)
      %dma_wait3A_15 = tpu.memref_slice %arg3[%mul3A_2] : memref<2048xi32, #tpu.memory_space<hbm>> -> memref<64xi32, #tpu.memory_space<hbm>>
      %dma_wait3A_16 = tpu.memref_slice %arg3[%mul3A_2] : memref<2048xi32, #tpu.memory_space<hbm>> -> memref<64xi32, #tpu.memory_space<hbm>>
      tpu.wait_dma2 semaphore(%run_scoped3A : memref<!tpu.dma_semaphore, #tpu.memory_space<semaphore_mem>>) src(%dma_wait3A_16 : memref<64xi32, #tpu.memory_space<hbm>>) dst(%arg7 : memref<64xi32, #tpu.memory_space<vmem>>)
      tpu.yield
    }) : () -> ()
    "tpu.region"() ({
      %run_scoped3A = tpu.sem_alloc : memref<!tpu.dma_semaphore, #tpu.memory_space<semaphore_mem>>
      %dma_start3A_13 = tpu.memref_slice %arg4[%mul3A_2] : memref<2048xi32, #tpu.memory_space<hbm>> -> memref<64xi32, #tpu.memory_space<hbm>>
      %dma_start3A_14 = tpu.memref_slice %arg4[%mul3A_2] : memref<2048xi32, #tpu.memory_space<hbm>> -> memref<64xi32, #tpu.memory_space<hbm>>
      tpu.enqueue_dma source(%dma_start3A_14 : memref<64xi32, #tpu.memory_space<hbm>>) target(%arg8 : memref<64xi32, #tpu.memory_space<vmem>>) target_semaphore(%run_scoped3A : memref<!tpu.dma_semaphore, #tpu.memory_space<semaphore_mem>>)
      %dma_wait3A_15 = tpu.memref_slice %arg4[%mul3A_2] : memref<2048xi32, #tpu.memory_space<hbm>> -> memref<64xi32, #tpu.memory_space<hbm>>
      %dma_wait3A_16 = tpu.memref_slice %arg4[%mul3A_2] : memref<2048xi32, #tpu.memory_space<hbm>> -> memref<64xi32, #tpu.memory_space<hbm>>
      tpu.wait_dma2 semaphore(%run_scoped3A : memref<!tpu.dma_semaphore, #tpu.memory_space<semaphore_mem>>) src(%dma_wait3A_16 : memref<64xi32, #tpu.memory_space<hbm>>) dst(%arg8 : memref<64xi32, #tpu.memory_space<vmem>>)
      tpu.yield
    }) : () -> ()
    %dma_start3A = arith.constant 0 : i32
    %dma_start3A_3 = arith.constant 0 : i32
    %dma_start3A_4 = tpu.memref_slice %arg5[%dma_start3A, %dma_start3A_3] : memref<5120x1024xf32, #tpu.memory_space<hbm>> -> memref<5120x1024xf32, #tpu.memory_space<hbm>>
    tpu.enqueue_indirect_dma source(%arg6 : memref<64x1024xf32, #tpu.memory_space<vmem>>) target(%dma_start3A_4 : memref<5120x1024xf32, #tpu.memory_space<hbm>>) offsets(%arg7 : memref<64xi32, #tpu.memory_space<vmem>>) semaphore(%arg9 : memref<!tpu.dma_semaphore, #tpu.memory_space<semaphore_mem>>)
    %dma_start3A_5 = arith.constant 0 : i32
    %dma_start3A_6 = arith.constant 0 : i32
    %dma_start3A_7 = tpu.memref_slice %arg5[%dma_start3A_5, %dma_start3A_6] : memref<5120x1024xf32, #tpu.memory_space<hbm>> -> memref<5120x1024xf32, #tpu.memory_space<hbm>>
    tpu.enqueue_indirect_dma source(%arg6 : memref<64x1024xf32, #tpu.memory_space<vmem>>) target(%dma_start3A_7 : memref<5120x1024xf32, #tpu.memory_space<hbm>>) offsets(%arg8 : memref<64xi32, #tpu.memory_space<vmem>>) semaphore(%arg9 : memref<!tpu.dma_semaphore, #tpu.memory_space<semaphore_mem>>)
    %dma_wait3A = arith.constant 0 : i32
    %dma_wait3A_8 = arith.constant 0 : i32
    %dma_wait3A_9 = tpu.memref_slice %arg5[%dma_wait3A, %dma_wait3A_8] : memref<5120x1024xf32, #tpu.memory_space<hbm>> -> memref<5120x1024xf32, #tpu.memory_space<hbm>>
    tpu.wait_indirect_dma semaphore(%arg9 : memref<!tpu.dma_semaphore, #tpu.memory_space<semaphore_mem>>) src(%arg6 : memref<64x1024xf32, #tpu.memory_space<vmem>>) dst(%dma_wait3A_9 : memref<5120x1024xf32, #tpu.memory_space<hbm>>)
    %dma_wait3A_10 = arith.constant 0 : i32
    %dma_wait3A_11 = arith.constant 0 : i32
    %dma_wait3A_12 = tpu.memref_slice %arg5[%dma_wait3A_10, %dma_wait3A_11] : memref<5120x1024xf32, #tpu.memory_space<hbm>> -> memref<5120x1024xf32, #tpu.memory_space<hbm>>
    tpu.wait_indirect_dma semaphore(%arg9 : memref<!tpu.dma_semaphore, #tpu.memory_space<semaphore_mem>>) src(%arg6 : memref<64x1024xf32, #tpu.memory_space<vmem>>) dst(%dma_wait3A_12 : memref<5120x1024xf32, #tpu.memory_space<hbm>>)
    return
  }
}

module attributes {stable_mosaic.version = 14 : i64} {
  func.func @_group_body(%arg0: i32, %arg1: memref<40xi32, #tpu.memory_space<smem>>, %arg2: memref<128x1024xf32, #tpu.memory_space<vmem>>, %arg3: memref<1x1024x2048xbf16, #tpu.memory_space<vmem>>, %arg4: memref<1x1024x1024xbf16, #tpu.memory_space<vmem>>, %arg5: memref<2048x1024xbf16, #tpu.memory_space<vmem>>, %arg6: memref<1x1x2048xf32, #tpu.memory_space<vmem>>, %arg7: memref<1x1x1024xf32, #tpu.memory_space<vmem>>, %arg8: memref<128x1024xf32, #tpu.memory_space<vmem>>) attributes {dimension_semantics = [#tpu.dimension_semantics<arbitrary>], iteration_bounds = array<i64: 40>, scalar_prefetch = 1 : i64, scratch_operands = 0 : i64, tpu.core_type = #tpu.core_type<tc>, window_params = [{transform_indices = @transform_0, window_bounds = array<i64: 128, 1024>}, {transform_indices = @transform_1, window_bounds = array<i64: 1, 1024, 2048>}, {transform_indices = @transform_2, window_bounds = array<i64: 1, 1024, 1024>}, {pipeline_mode = #tpu.pipeline_mode<synchronous>, transform_indices = @transform_3, window_bounds = array<i64: 2048, 1024>}, {transform_indices = @transform_4, window_bounds = array<i64: 1, 1, 2048>}, {transform_indices = @transform_5, window_bounds = array<i64: 1, 1, 1024>}, {transform_indices = @transform_6, window_bounds = array<i64: 128, 1024>}]} {
    %get3A = arith.constant 0 : index
    %get3A_0 = arith.constant 0 : index
    %get3A_1 = vector.load %arg2[%get3A, %get3A_0] : memref<128x1024xf32, #tpu.memory_space<vmem>>, vector<128x1024xf32>
    %convert_element_type3A = arith.truncf %get3A_1 : vector<128x1024xf32> to vector<128x1024xbf16>
    %get3A_2 = arith.constant 0 : index
    %get3A_3 = arith.constant 0 : index
    %get3A_4 = arith.constant 0 : index
    %get3A_5 = vector.load %arg3[%get3A_2, %get3A_3, %get3A_4] : memref<1x1024x2048xbf16, #tpu.memory_space<vmem>>, vector<1x1024x2048xbf16>
    %get3A_6 = vector.shape_cast %get3A_5 : vector<1x1024x2048xbf16> to vector<1024x2048xbf16>
    %dot_general3A = arith.constant dense<0.000000e+00> : vector<128x2048xf32>
    %dot_general3A_7 = tpu.matmul %convert_element_type3A, %get3A_6, %dot_general3A {dimension_numbers = #tpu.dot_dimension_numbers<[1], [0], [0], [1], [0, 0, 1, 1], [], []>, transpose_lhs_hint = false} : vector<128x1024xbf16>, vector<1024x2048xbf16>, vector<128x2048xf32> -> vector<128x2048xf32>
    %get3A_8 = arith.constant 0 : index
    %get3A_9 = arith.constant 0 : index
    %get3A_10 = arith.constant 0 : index
    %get3A_11 = vector.load %arg6[%get3A_8, %get3A_9, %get3A_10] : memref<1x1x2048xf32, #tpu.memory_space<vmem>>, vector<1x1x2048xf32>
    %get3A_12 = vector.shape_cast %get3A_11 : vector<1x1x2048xf32> to vector<1x2048xf32>
    %add3A = vector.broadcast %get3A_12 : vector<1x2048xf32> to vector<128x2048xf32>
    %add3A_13 = arith.addf %dot_general3A_7, %add3A : vector<128x2048xf32>
    %roll3A = arith.constant 2047 : i32
    %roll3A_14 = tpu.dynamic_rotate %add3A_13 by %roll3A dim 1 : vector<128x2048xf32>, i32 -> vector<128x2048xf32>
    %min3A = arith.constant 7.000000e+00 : f32
    %min3A_15 = vector.broadcast %min3A : f32 to vector<128x2048xf32>
    %min3A_16 = arith.minimumf %add3A_13, %min3A_15 : vector<128x2048xf32>
    %mul3A = arith.constant -1.702000e+00 : f32
    %mul3A_17 = vector.broadcast %mul3A : f32 to vector<128x2048xf32>
    %mul3A_18 = arith.mulf %mul3A_17, %min3A_16 : vector<128x2048xf32>
    %exp3A = math.exp %mul3A_18 : vector<128x2048xf32>
    %add3A_19 = arith.constant 1.000000e+00 : f32
    %add3A_20 = vector.broadcast %add3A_19 : f32 to vector<128x2048xf32>
    %add3A_21 = arith.addf %add3A_20, %exp3A : vector<128x2048xf32>
    %div3A = arith.constant 1.000000e+00 : f32
    %div3A_22 = vector.broadcast %div3A : f32 to vector<128x2048xf32>
    %div3A_23 = arith.divf %div3A_22, %add3A_21 : vector<128x2048xf32>
    %mul3A_24 = arith.mulf %min3A_16, %div3A_23 : vector<128x2048xf32>
    %jit3A = arith.constant -7.000000e+00 : f32
    %jit3A_25 = arith.constant 7.000000e+00 : f32
    %max3A = vector.broadcast %jit3A : f32 to vector<128x2048xf32>
    %max3A_26 = arith.maximumf %max3A, %roll3A_14 : vector<128x2048xf32>
    %min3A_27 = vector.broadcast %jit3A_25 : f32 to vector<128x2048xf32>
    %min3A_28 = arith.minimumf %min3A_27, %max3A_26 : vector<128x2048xf32>
    %add3A_29 = arith.constant 1.000000e+00 : f32
    %add3A_30 = vector.broadcast %add3A_29 : f32 to vector<128x2048xf32>
    %add3A_31 = arith.addf %min3A_28, %add3A_30 : vector<128x2048xf32>
    %mul3A_32 = arith.mulf %mul3A_24, %add3A_31 : vector<128x2048xf32>
    %convert_element_type3A_33 = arith.truncf %mul3A_32 : vector<128x2048xf32> to vector<128x2048xbf16>
    %get3A_34 = arith.constant 0 : index
    %get3A_35 = arith.constant 0 : index
    %get3A_36 = vector.load %arg5[%get3A_34, %get3A_35] : memref<2048x1024xbf16, #tpu.memory_space<vmem>>, vector<2048x1024xbf16>
    %dot_general3A_37 = arith.constant dense<0.000000e+00> : vector<128x1024xf32>
    %dot_general3A_38 = tpu.matmul %convert_element_type3A_33, %get3A_36, %dot_general3A_37 {dimension_numbers = #tpu.dot_dimension_numbers<[1], [0], [0], [1], [0, 0, 1, 1], [], []>, transpose_lhs_hint = false} : vector<128x2048xbf16>, vector<2048x1024xbf16>, vector<128x1024xf32> -> vector<128x1024xf32>
    %convert_element_type3A_39 = arith.truncf %dot_general3A_38 : vector<128x1024xf32> to vector<128x1024xbf16>
    %get3A_40 = arith.constant 0 : index
    %get3A_41 = arith.constant 0 : index
    %get3A_42 = arith.constant 0 : index
    %get3A_43 = vector.load %arg4[%get3A_40, %get3A_41, %get3A_42] : memref<1x1024x1024xbf16, #tpu.memory_space<vmem>>, vector<1x1024x1024xbf16>
    %get3A_44 = vector.shape_cast %get3A_43 : vector<1x1024x1024xbf16> to vector<1024x1024xbf16>
    %dot_general3A_45 = arith.constant dense<0.000000e+00> : vector<128x1024xf32>
    %dot_general3A_46 = tpu.matmul %convert_element_type3A_39, %get3A_44, %dot_general3A_45 {dimension_numbers = #tpu.dot_dimension_numbers<[1], [0], [0], [1], [0, 0, 1, 1], [], []>, transpose_lhs_hint = false} : vector<128x1024xbf16>, vector<1024x1024xbf16>, vector<128x1024xf32> -> vector<128x1024xf32>
    %get3A_47 = arith.constant 0 : index
    %get3A_48 = arith.constant 0 : index
    %get3A_49 = arith.constant 0 : index
    %get3A_50 = vector.load %arg7[%get3A_47, %get3A_48, %get3A_49] : memref<1x1x1024xf32, #tpu.memory_space<vmem>>, vector<1x1x1024xf32>
    %get3A_51 = vector.shape_cast %get3A_50 : vector<1x1x1024xf32> to vector<1x1024xf32>
    %add3A_52 = vector.broadcast %get3A_51 : vector<1x1024xf32> to vector<128x1024xf32>
    %add3A_53 = arith.addf %dot_general3A_46, %add3A_52 : vector<128x1024xf32>
    %swap3A = arith.constant 0 : index
    %swap3A_54 = arith.constant 0 : index
    %swap3A_55 = vector.load %arg8[%swap3A, %swap3A_54] : memref<128x1024xf32, #tpu.memory_space<vmem>>, vector<128x1024xf32>
    tpu.vector_store %arg8[%swap3A, %swap3A_54], %add3A_53 {strides = array<i32>} : memref<128x1024xf32, #tpu.memory_space<vmem>>, vector<128x1024xf32>,
    return
  }
  func.func @transform_0(%arg0: i32, %arg1: memref<40xi32, #tpu.memory_space<smem>>) -> (i32, i32) {
    %c0_i32 = arith.constant 0 : i32
    %c0_i32_0 = arith.constant 0 : i32
    return %arg0, %c0_i32 : i32, i32
  }
  func.func @transform_1(%arg0: i32, %arg1: memref<40xi32, #tpu.memory_space<smem>>) -> (i32, i32, i32) {
    %get3A = arith.index_cast %arg0 : i32 to index
    %get3A_0 = memref.load %arg1[%get3A] : memref<40xi32, #tpu.memory_space<smem>>
    %c0_i32 = arith.constant 0 : i32
    %c0_i32_1 = arith.constant 0 : i32
    %c0_i32_2 = arith.constant 0 : i32
    return %get3A_0, %c0_i32, %c0_i32_1 : i32, i32, i32
  }
  func.func @transform_2(%arg0: i32, %arg1: memref<40xi32, #tpu.memory_space<smem>>) -> (i32, i32, i32) {
    %get3A = arith.index_cast %arg0 : i32 to index
    %get3A_0 = memref.load %arg1[%get3A] : memref<40xi32, #tpu.memory_space<smem>>
    %c0_i32 = arith.constant 0 : i32
    %c0_i32_1 = arith.constant 0 : i32
    %c0_i32_2 = arith.constant 0 : i32
    return %get3A_0, %c0_i32, %c0_i32_1 : i32, i32, i32
  }
  func.func @transform_3(%arg0: i32, %arg1: memref<40xi32, #tpu.memory_space<smem>>) -> (i32, i32) {
    %c0_i32 = arith.constant 0 : i32
    %c0_i32_0 = arith.constant 0 : i32
    %c0_i32_1 = arith.constant 0 : i32
    return %c0_i32, %c0_i32_0 : i32, i32
  }
  func.func @transform_4(%arg0: i32, %arg1: memref<40xi32, #tpu.memory_space<smem>>) -> (i32, i32, i32) {
    %get3A = arith.index_cast %arg0 : i32 to index
    %get3A_0 = memref.load %arg1[%get3A] : memref<40xi32, #tpu.memory_space<smem>>
    %c0_i32 = arith.constant 0 : i32
    %c0_i32_1 = arith.constant 0 : i32
    %c0_i32_2 = arith.constant 0 : i32
    return %get3A_0, %c0_i32, %c0_i32_1 : i32, i32, i32
  }
  func.func @transform_5(%arg0: i32, %arg1: memref<40xi32, #tpu.memory_space<smem>>) -> (i32, i32, i32) {
    %get3A = arith.index_cast %arg0 : i32 to index
    %get3A_0 = memref.load %arg1[%get3A] : memref<40xi32, #tpu.memory_space<smem>>
    %c0_i32 = arith.constant 0 : i32
    %c0_i32_1 = arith.constant 0 : i32
    %c0_i32_2 = arith.constant 0 : i32
    return %get3A_0, %c0_i32, %c0_i32_1 : i32, i32, i32
  }
  func.func @transform_6(%arg0: i32, %arg1: memref<40xi32, #tpu.memory_space<smem>>) -> (i32, i32) {
    %c0_i32 = arith.constant 0 : i32
    %c0_i32_0 = arith.constant 0 : i32
    return %arg0, %c0_i32 : i32, i32
  }
}

</mosaic_0001>

<sc_bundles>
// kernel: kernel.5.cloned.1.call-start
scs
__scs_entry_jumppad:
0x0: {  	(pc) =	sbr.rel $0x88, $3  }
0x1: {  	(tag) =	ssettag $0x0;
	lr =	simm.s32 $0x1  }
0x2: {  	[smem:$0x3F96] =	sst lr;
	_ =	strace $0xD0000000  }
0x3: {  	_ = 	snop  }
0x4: {  	_ = 	snop  }
0x5: {  	_ = 	snop  }
0x6: {  	_ = 	snop  }
0x7: {  	_ = 	snop  }
__scs_overlays_trampoline_lowered:
0x8: {  	[smem:$0x3FA5] =	sst s0  }
0x9: {  	[smem:$0x3FA6] =	sst s1  }
0xa: {  	[smem:$0x3FA7] =	sst s2  }
0xb: {  	[smem:$0x3FA8] =	sst s3  }
0xc: {  	[smem:$0x3FA9] =	sst s4  }
0xd: {  	[smem:$0x3FAA] =	sst s5  }
0xe: {  	[smem:$0x3FAB] =	sst s6  }
0xf: {  	[smem:$0x3FAC] =	sst s7  }
0x10: {  	[smem:$0x3FAD] =	sst s8  }
0x11: {  	[smem:$0x3FAE] =	sst s9;
	s0 =	simm.s32 @!p0 $0x0  }
0x12: {  	s1 =	sld [smem:$0x3F94];
	s0 =	simm.s32 @p0 $0x1  }
0x13: {  	[smem:$0x3FAF] =	sst s0;
	s0 =	simm.s32 @!p1 $0x0  }
0x14: {  	s2 =	sld [smem:$0x3F93];
	s0 =	simm.s32 @p1 $0x1  }
0x15: {  	[smem:$0x3FB0] =	sst s0;
	s0 =	simm.s32 @!p2 $0x0  }
0x16: {  	s3 =	sld [smem:$0x3FDB];
	s0 =	simm.s32 @p2 $0x1  }
0x17: {  	s4 =	simm.s32 $0x1BF5;
	[smem:$0x3FB2] =	sst s0  }
0x18: {  	s0 =	sld [smem:$0x3F95];
	_ =	swait.ge [sflag:s4], $0x0  }
0x19: {  	s7 =	sld [smem:$0x3F96]  }
0x1a: {  	s8 =	sadd.s32 $0xFFFFE003, lr  }
0x1b: {  	s9 =	sadd.s32 $0xFFFFFEF7, lr;
	s5 =	simm.s32 $0xFFFFFFFF;
	p2 =	slt.u32 s8, $0xFFFFF086  }
0x1c: {  	p1 =	slt.u32 s9, $0xF7A;
	s5 =	simm.s32 @!p2 $0x0  }
0x1d: {  	s5 =	simm.s32 @p1 $0x1;
	p0 =	seq.s32 s7, s2  }
0x1e: {  	s7 =	smul.u32 @!p0 $0xF7A, s2;
	p2 =	seq.s32 @!p0 s5, $0x0  }
0x1f: {  	s9 =	smul.u32 $0xF7A, s1;
	s8 =	simm.s32 @!p0 $0x1BF5;
	p2 =	por !p2, p0  }
0x20: {  	[sflag:s8] =	ssyncset.s32 @!p0 $0xFFFFF086;
	s6 =	sadd.s32 @!p0 s3, s7;
	s7 =	simm.s32 @!p0 $0x108  }
0x21: {  	s3 =	sadd.s32 s3, s9;
	s6 =	sadd.s32 @!p0 $0x88, s6;
	s7 =	simm.s32 @p2 $0x1082  }
0x22: {  	[simem:s7], [sflag:s8] =	dma.local @!p0 [hbm:s6], $0xF7A  }
0x23: {  	s9 =	sor.u32 $0xD0000000, s2;
	s6 =	simm.s32 $0x108;
	_ =	swait.ge @!p0 [sflag:s8], $0x0  }
0x24: {  	s3 =	sadd.s32 $0x88, s3;
	s6 =	simm.s32 @!p1 $0x1082;
	[sflag:s4] =	ssyncset.s32 $0xFFFFF086  }
0x25: {  	[simem:s6], [sflag:s4] =	dma.local [hbm:s3], $0xF7A  }
0x26: {  	[smem:$0x3F96] =	sst s1;
	(tag) =	ssettag s2;
	_ =	strace s9  }
0x27: {  	s1 =	sld [smem:$0x3FA6]  }
0x28: {  	s2 =	sld [smem:$0x3FA7]  }
0x29: {  	s4 =	sld [smem:$0x3FA9]  }
0x2a: {  	p0 =	seq.s32 s5, $0x0;
	s5 =	sld [smem:$0x3FAA]  }
0x2b: {  	s6 =	sld [smem:$0x3FAB]  }
0x2c: {  	s7 =	sld [smem:$0x3FAC]  }
0x2d: {  	s3 =	simm.s32 $0x108;
	s8 =	sld [smem:$0x3FAD]  }
0x2e: {  	s3 =	simm.s32 @!p0 $0x1082;
	s9 =	sld [smem:$0x3FAE]  }
0x2f: {  	lr =	sadd.s32 s0, s3;
	s0 =	sld [smem:$0x3FA5]  }
0x30: {  	s3 =	sld [smem:$0x3FA8]  }
0x31: {  	[smem:$0x3FB1] =	sst s10  }
0x32: {  	s10 =	sld [smem:$0x3FAF];
	_ =	sdelay $0x3  }
0x33: {  	p0 =	seq.s32 s10, $0x1;
	s10 =	sld [smem:$0x3FB1];
	_ =	sdelay $0x3  }
0x34: {  	[smem:$0x3FB1] =	sst s10  }
0x35: {  	s10 =	sld [smem:$0x3FB0];
	_ =	sdelay $0x3  }
0x36: {  	p1 =	seq.s32 s10, $0x1;
	s10 =	sld [smem:$0x3FB1];
	_ =	sdelay $0x3  }
0x37: {  	[smem:$0x3FB1] =	sst s10  }
0x38: {  	s10 =	sld [smem:$0x3FB2]  }
0x39: {  	_ = 	snop;
	(pc) =	sbr.ind lr, $3  }
0x3a: {  	_ = 	snop  }
0x3b: {  	_ = 	snop  }
0x3c: {  	p2 =	seq.s32 s10, $0x1;
	s10 =	sld [smem:$0x3FB1]  }
0x3d: {  	_ =	shalt  }
0x3e: {  	_ =	shalt  }
0x3f: {  	_ =	shalt  }
0x40: {  	_ =	shalt  }
0x41: {  	_ =	shalt  }
0x42: {  	_ =	shalt  }
0x43: {  	_ =	shalt  }
0x44: {  	_ =	shalt  }
0x45: {  	_ =	shalt  }
0x46: {  	_ =	shalt  }
0x47: {  	_ =	shalt  }
0x48: {  	_ =	shalt  }
0x49: {  	_ =	shalt  }
0x4a: {  	_ =	shalt  }
0x4b: {  	_ =	shalt  }
0x4c: {  	_ =	shalt  }
0x4d: {  	_ =	shalt  }
0x4e: {  	_ =	shalt  }
0x4f: {  	_ =	shalt  }
0x50: {  	_ =	shalt  }
0x51: {  	_ =	shalt  }
0x52: {  	_ =	shalt  }
0x53: {  	_ =	shalt  }
0x54: {  	_ =	shalt  }
0x55: {  	_ =	shalt  }
0x56: {  	_ =	shalt  }
0x57: {  	_ =	shalt  }
0x58: {  	_ =	shalt  }
0x59: {  	_ =	shalt  }
0x5a: {  	_ =	shalt  }
0x5b: {  	_ =	shalt  }
0x5c: {  	_ =	shalt  }
0x5d: {  	_ =	shalt  }
0x5e: {  	_ =	shalt  }
0x5f: {  	_ =	shalt  }
0x60: {  	_ =	shalt  }
0x61: {  	_ =	shalt  }
0x62: {  	_ =	shalt  }
0x63: {  	_ =	shalt  }
0x64: {  	_ =	shalt  }
0x65: {  	_ =	shalt  }
0x66: {  	_ =	shalt  }
0x67: {  	_ =	shalt  }
0x68: {  	_ =	shalt  }
0x69: {  	_ =	shalt  }
0x6a: {  	_ =	shalt  }
0x6b: {  	_ =	shalt  }
0x6c: {  	_ =	shalt  }
0x6d: {  	_ =	shalt  }
0x6e: {  	_ =	shalt  }
0x6f: {  	_ =	shalt  }
0x70: {  	_ =	shalt  }
0x71: {  	_ =	shalt  }
0x72: {  	_ =	shalt  }
0x73: {  	_ =	shalt  }
0x74: {  	_ =	shalt  }
0x75: {  	_ =	shalt  }
0x76: {  	_ =	shalt  }
0x77: {  	_ =	shalt  }
0x78: {  	_ =	shalt  }
0x79: {  	_ =	shalt  }
0x7a: {  	_ =	shalt  }
0x7b: {  	_ =	shalt  }
0x7c: {  	_ =	shalt  }
0x7d: {  	_ =	shalt  }
0x7e: {  	_ =	shalt  }
0x7f: {  	_ =	shalt  }
0x80: {  	_ =	shalt  }
0x81: {  	_ =	shalt  }
0x82: {  	_ =	shalt  }
0x83: {  	_ =	shalt  }
0x84: {  	_ =	shalt  }
0x85: {  	_ =	shalt  }
0x86: {  	_ =	shalt  }
0x87: {  	_ =	shalt  }
.Lfunc_end0:
.L_simem_size_0:
called_computation_lowered:
.L_overlay_start_0:
0x88: {  	s2 =	sld [smem:$0x3FD9]  }
0x89: {  	s3 =	sld [smem:$0x3FFE];
	_ =	sdelay $0x1  }
0x8a: {  	s1 =	srdreg.scid  }
0x8b: {  	s0 =	sand.u32 $0x1, s1  }
0x8c: {  	s17 =	sshll.u32 s0, $0xA;
	s2 =	sadd.s32 s3, s2  }
0x8d: {  	s2 =	sadd.s32 s2, s17  }
0x8e: {  	[smem:$0x3FBD] =	sst s2  }
0x8f: {  	_ = 	snop  }
0x90: {  	s2 =	sld [smem:$0x3FC9];
	(tm) =	ssettm $0x1  }
0x91: {  	s18 =	sld [smem:$0x3FFB];
	_ =	sdelay $0x3  }
0x92: {  	_ =	strace s18  }
0x93: {  	s3 =	sld [smem:$0x3FFC];
	_ =	sdelay $0x3  }
0x94: {  	_ =	strace s3  }
0x95: {  	s3 =	sld [smem:$0x3FFD];
	_ =	sdelay $0x3  }
0x96: {  	_ =	strace s3  }
0x97: {  	_ =	strace $0x8FFFFFFF  }
0x98: {  	s19 =	sld [smem:$0x3FDB];
	_ =	sdelay $0x1  }
0x99: {  	s4 =	simm.s32 $_scs_section_size  }
0x9a: {  	s5 =	simm.s32 $_size__tile_overlayer_lowered;
	s6 =	simm.s32 $_tile_overlayer_lowered  }
0x9b: {  	s22 =	simm.s32 $0x1BFF;
	s21 =	sshll.u32 s6, $0x1;
	s3 =	sadd.s32 s4, s19  }
0x9c: {  	s7 =	simm.s32 $0x0;
	s20 =	sshll.u32 s5, $0x1;
	s5 =	sadd.s32 s21, s3  }
0x9d: {  	[timem:s7], [sflag:s22] =	dma.local [hbm:s5], s20  }
0x9e: {  	_ =	swait.ge [sflag:s22], s20  }
0x9f: {  	s4 =	ssub.s32 $0x0, s20;
	[sflag:s22] =	ssyncset.done $0x0  }
0xa0: {  	[sflag:s22] =	ssyncadd.s32 s4;
	_ =	sdelay $0x1  }
0xa1: {  	s23 =	simm.s32 $0x1B8B  }
0xa2: {  	_ =	swait.ge [sflag:s23], $0x1  }
0xa3: {  	[sflag:s23] =	ssyncset.done $0x0  }
0xa4: {  	s25 =	simm.s32 $0x1B8E;
	s24 =	sld [smem:$0x3FFE];
	[sflag:s23] =	ssyncadd.s32 $0xFFFFFFFF  }
0xa5: {  	s26 =	simm.s32 $execute0_lowered;
	[smem:$0x3FD2] =	sst s25  }
0xa6: {  	s5 =	sshll.u32 s26, $0x1;
	_ =	strace $0x80000046;
	[dreg:$0x1] =	wrdreg $0xFFFFFFFF  }
0xa7: {  	s28 =	simm.s32 $_size_execute0_lowered;
	s3 =	sadd.s32 s3, s5;
	[dreg:$0x0] =	wrdreg $0x0  }
0xa8: {  	s5 =	sshll.u32 s28, $0x1;
	[dreg:$0x2] =	wrdreg s3  }
0xa9: {  	[dreg:$0x3] =	wrdreg s5  }
0xaa: {  	[dreg:$0x4] =	wrdreg $0xC0  }
0xab: {  	_ =	task [dreg:s7], $0x5FFFF  }
0xac: {  	[dreg:$0x1] =	wrdreg $0xFFFFFFFF  }
0xad: {  	[dreg:$0x0] =	wrdreg $0x60  }
0xae: {  	[dreg:$0x2] =	wrdreg s2  }
0xaf: {  	[dreg:$0x3] =	wrdreg s24  }
0xb0: {  	[dreg:$0x4] =	wrdreg $0x9  }
0xb1: {  	_ =	task.clear_ibuf [dreg:s7], $0x5FFFF;
	_ =	strace $0x90000046  }
0xb2: {  	s29 =	simm.s32 $0x9;
	_ =	strace $0x80000048  }
0xb3: {  	_ =	swait.ge [sflag:s29], $0x1  }
0xb4: {  	[sflag:s29] =	ssyncadd.s32 $0xFFFFFFFF  }
0xb5: {  	_ =	strace $0x90000048  }
0xb6: {  	_ =	sfence  }
0xb7: {  	s30 =	sld [smem:$0x0];
	_ =	sdelay $0x2  }
0xb8: {  	s31 =	sshll.u32 s1, $0xD;
	s1 =	sshrl.u32 s1, $0x2  }
0xb9: {  	s3 =	sand.u32 $0x4000, s31;
	s1 =	sadd.s32 s1, s30  }
0xba: {  	s0 =	sor.u32 s3, s0;
	s1 =	sshll.u32 s1, $0x11  }
0xbb: {  	s0 =	sor.u32 s1, s0  }
0xbc: {  	s0 =	sadd.s32 $0x8F2B, s0  }
0xbd: {  	[sflag:s0] =	ssyncadd.remote.s32 $0x1  }
0xbe: {  	_ =	sfence.sel $0xFFFF  }
0xbf: {  	[dreg:$0x0] =	wrdreg $0xFFFFFFFF;
	(pc) =	sbr.abs _section_cstart, $3  }
0xc0: {  	[dreg:$0x1] =	wrdreg $0xFFFFFFFF  }
0xc1: {  	_ =	task.clear_ibuf [dreg:s7], $0x2FFFF;
	_ =	strace $0x9FFFFFFF  }
0xc2: {  	(tm) =	ssettm $0x7FFFFFFF  }
0xc3: {  	_ =	shalt  }
tec
execute0_lowered:
.L_overlay_start_1:
0x0: {  	(tag) =	ssettag $0x1  }
0x1: {  	s0 =	rddreg [dreg:$0x0]  }
0x2: {  	s1 =	rddreg [dreg:$0x1]  }
0x3: {  	s3 =	srdreg.scid;
	s2 =	simm.s32 $0x0;
	s5 =	stileid.u32  }
0x4: {  	s25 =	simm.s32 $0x10000;
	s9 =	simm.s32 $0x2;
	s26 =	simm.s32 $0x10080  }
0x5: {  	s20 =	simm.s32 $0x1800;
	s21 =	simm.s32 $0x2000;
	s22 =	simm.s32 $0x2800  }
0x6: {  	s23 =	simm.s32 $0x3000;
	s28 =	simm.s32 $0x5000;
	s29 =	simm.s32 $0x5800  }
0x7: {  	s30 =	simm.s32 $0x6000;
	s31 =	simm.s32 $0x6800;
	s10 =	simm.s32 $0x8800  }
0x8: {  	s11 =	simm.s32 $0x9000;
	s12 =	simm.s32 $0x9800;
	s13 =	simm.s32 $0xA000  }
0x9: {  	s14 =	simm.s32 $0xA800;
	s15 =	simm.s32 $0xB000;
	s16 =	simm.s32 $0xB800  }
0xa: {  	s17 =	simm.s32 $0xC000;
	s4 =	sand.u32 $0x1, s3;
	[smem:$0x7FF] =	sst s2  }
0xb: {  	s5 =	sshll.u32 s5, $0x7;
	s3 =	sadd.s32 $0x400, s1;
	s6 =	sshll.u32 s4, $0x6  }
0xc: {  	_ =	strace $0x80000047;
	s4 =	ssub.s32 $0x2, s4;
	[dreg:$0x5] =	wrdreg s25  }
0xd: {  	[dreg:$0x6] =	wrdreg s26;
	s25 =	simm.s32 $0x4000;
	s5 =	sor.u32 s6, s5  }
0xe: {  	s26 =	simm.s32 $0x4800;
	s7 =	sshrl.u32 s4, $0x1;
	s6 =	sshll.u32 s5, $0x7  }
0xf: {  	s5 =	sshrl.u32 s5, $0x3;
	s4 =	ssub.s32 s4, s7;
	s7 =	sadd.s32 $0x700, s1  }
0x10: {  	s0 =	sadd.s32 s0, s6;
	s5 =	sadd.s32 s1, s5;
	s6 =	sadd.s32 $0x600, s1  }
0x11: {  	v2 =	vlaneseq.u32;
	s8 =	smax.u32 s4, $0x1;
	s4 =	simm.s32 $0x8000;
	[dreg:$0x3] =	wrdreg s0  }
0x12: {  	vm0 =	vmmov $0xffff;
	v1 =	vshrl.u32 v2, $0x3;
	[dreg:$0x7] =	wrdreg s5;
	s24 =	sadd.s32 $0x200, s5;
	s5 =	sadd.s32 $0x500, s1  }
0x13: {  	v0 =	vand.u32 $0x7, v2;
	v2 =	vor.u32 $0x8, v2;
	v1 =	vmul.u32 $0x8, v1;
	s1 =	simm.s32 $0x7800;
	[dreg:$0x4] =	wrdreg s24;
	s24 =	simm.s32 $0x3800  }
.LBB2_1:
0x14: {  	s18 =	rddreg [dreg:$0x3]  }
0x15: {  	[tilespmem:s2], [sflag:$0x2] =	stream.linear.gather [hbm4b:s18+s2], $0x10000, $0x38;
	[tilespmem:$0x10100] =	vst v63  }
0x16: {  	_ =	swait.ge [sflag:s9], $0x10000  }
0x17: {  	s0 =	rddreg [dreg:$0x4];
	[sflag:s9] =	ssyncset.done $0x0  }
0x18: {  	s19 =	rddreg [dreg:$0x5];
	[sflag:s9] =	ssyncadd.s32 $0xFFFF0000  }
0x19: {  	[tilespmem:s19], [sflag:$0x2] =	stream.linear.gather [hbm4b:s0+s2], $0x40, $0x38;
	[tilespmem:$0x10100] =	vst v63  }
0x1a: {  	_ =	swait.ge [sflag:s9], $0x40  }
0x1b: {  	s19 =	rddreg [dreg:$0x6];
	[sflag:s9] =	ssyncset.done $0x0  }
0x1c: {  	s0 =	rddreg [dreg:$0x7];
	[sflag:s9] =	ssyncadd.s32 $0xFFFFFFC0  }
0x1d: {  	[tilespmem:s19], [sflag:$0x2] =	stream.linear.gather [hbm4b:s0+s2], $0x40, $0x38;
	[tilespmem:$0x10100] =	vst v63  }
0x1e: {  	_ =	swait.ge [sflag:s9], $0x40  }
0x1f: {  	[sflag:s9] =	ssyncset.done $0x0  }
0x20: {  	[sflag:s9] =	ssyncadd.s32 $0xFFFFFFC0  }
0x21: {  	v3 =	vld [tilespmem:$0x10000];
	_ =	sdelay $0x4  }
0x22: {  	v4 =	vshll.u32 v3, $0x3  }
0x23: {  	v3 =	vand.u32 $0x7, v3;
	v4 =	vand.u32 $0xFFFFFFC0, v4  }
0x24: {  	v3 =	vor.u32 v3, v4  }
0x25: {  	v4 =	vperm.xlane v3, v0;
	_ =	sdelay $0x1  }
0x26: {  	v4 =	vadd.s32 v1, v4;
	_ =	sdelay $0x4  }
0x27: {  	[hbm4b:s3+s2] =	stream.indirect_vreg.scatter [tilespmem:s2], [sflag:$0x1], $0x80, v4, vm0, $0xb8;
	[tilespmem:$0x10100] =	vst v63  }
0x28: {  	s18 =	simm.s32 $0x800;
	v3 =	vperm.xlane v3, v2  }
0x29: {  	[hbm4b:s5+s2] =	stream.indirect_vreg.scatter [tilespmem:s18], [sflag:$0x1], $0x80, v4, vm0, $0xb8;
	[tilespmem:$0x10100] =	vst v63  }
0x2a: {  	s19 =	simm.s32 $0x1000;
	v3 =	vadd.s32 v1, v3  }
0x2b: {  	[hbm4b:s6+s2] =	stream.indirect_vreg.scatter [tilespmem:s19], [sflag:$0x1], $0x80, v4, vm0, $0xb8;
	[tilespmem:$0x10100] =	vst v63  }
0x2c: {  	_ = 	snop  }
0x2d: {  	[hbm4b:s7+s2] =	stream.indirect_vreg.scatter [tilespmem:s20], [sflag:$0x1], $0x80, v4, vm0, $0xb8;
	[tilespmem:$0x10100] =	vst v63  }
0x2e: {  	_ = 	snop  }
0x2f: {  	[hbm4b:s3+s2] =	stream.indirect_vreg.scatter [tilespmem:s21], [sflag:$0x1], $0x80, v3, vm0, $0xb8;
	[tilespmem:$0x10100] =	vst v63  }
0x30: {  	_ = 	snop  }
0x31: {  	[hbm4b:s5+s2] =	stream.indirect_vreg.scatter [tilespmem:s22], [sflag:$0x1], $0x80, v3, vm0, $0xb8;
	[tilespmem:$0x10100] =	vst v63  }
0x32: {  	_ = 	snop  }
0x33: {  	[hbm4b:s6+s2] =	stream.indirect_vreg.scatter [tilespmem:s23], [sflag:$0x1], $0x80, v3, vm0, $0xb8;
	[tilespmem:$0x10100] =	vst v63  }
0x34: {  	_ = 	snop  }
0x35: {  	[hbm4b:s7+s2] =	stream.indirect_vreg.scatter [tilespmem:s24], [sflag:$0x1], $0x80, v3, vm0, $0xb8;
	[tilespmem:$0x10100] =	vst v63  }
0x36: {  	v3 =	vld [tilespmem:$0x10010];
	_ =	sdelay $0x4  }
0x37: {  	v57 =	vshll.u32 v3, $0x3  }
0x38: {  	v3 =	vand.u32 $0x7, v3;
	v4 =	vand.u32 $0xFFFFFFC0, v57  }
0x39: {  	v3 =	vor.u32 v3, v4  }
0x3a: {  	v4 =	vperm.xlane v3, v0;
	_ =	sdelay $0x1  }
0x3b: {  	v4 =	vadd.s32 v1, v4;
	_ =	sdelay $0x4  }
0x3c: {  	[hbm4b:s3+s2] =	stream.indirect_vreg.scatter [tilespmem:s25], [sflag:$0x1], $0x80, v4, vm0, $0xb8;
	[tilespmem:$0x10100] =	vst v63  }
0x3d: {  	v3 =	vperm.xlane v3, v2  }
0x3e: {  	[hbm4b:s5+s2] =	stream.indirect_vreg.scatter [tilespmem:s26], [sflag:$0x1], $0x80, v4, vm0, $0xb8;
	[tilespmem:$0x10100] =	vst v63  }
0x3f: {  	v3 =	vadd.s32 v1, v3  }
0x40: {  	[hbm4b:s6+s2] =	stream.indirect_vreg.scatter [tilespmem:s28], [sflag:$0x1], $0x80, v4, vm0, $0xb8;
	[tilespmem:$0x10100] =	vst v63  }
0x41: {  	_ = 	snop  }
0x42: {  	[hbm4b:s7+s2] =	stream.indirect_vreg.scatter [tilespmem:s29], [sflag:$0x1], $0x80, v4, vm0, $0xb8;
	[tilespmem:$0x10100] =	vst v63  }
0x43: {  	_ = 	snop  }
0x44: {  	[hbm4b:s3+s2] =	stream.indirect_vreg.scatter [tilespmem:s30], [sflag:$0x1], $0x80, v3, vm0, $0xb8;
	[tilespmem:$0x10100] =	vst v63  }
0x45: {  	_ = 	snop  }
0x46: {  	[hbm4b:s5+s2] =	stream.indirect_vreg.scatter [tilespmem:s31], [sflag:$0x1], $0x80, v3, vm0, $0xb8;
	[tilespmem:$0x10100] =	vst v63  }
0x47: {  	s0 =	simm.s32 $0x7000  }
0x48: {  	[hbm4b:s6+s2] =	stream.indirect_vreg.scatter [tilespmem:s0], [sflag:$0x1], $0x80, v3, vm0, $0xb8;
	[tilespmem:$0x10100] =	vst v63  }
0x49: {  	_ = 	snop  }
0x4a: {  	[hbm4b:s7+s2] =	stream.indirect_vreg.scatter [tilespmem:s1], [sflag:$0x1], $0x80, v3, vm0, $0xb8;
	[tilespmem:$0x10100] =	vst v63  }
0x4b: {  	v3 =	vld [tilespmem:$0x10020];
	_ =	sdelay $0x4  }
0x4c: {  	v58 =	vshll.u32 v3, $0x3  }
0x4d: {  	v3 =	vand.u32 $0x7, v3;
	v4 =	vand.u32 $0xFFFFFFC0, v58  }
0x4e: {  	v3 =	vor.u32 v3, v4  }
0x4f: {  	v4 =	vperm.xlane v3, v0;
	_ =	sdelay $0x1  }
0x50: {  	v4 =	vadd.s32 v1, v4;
	_ =	sdelay $0x4  }
0x51: {  	[hbm4b:s3+s2] =	stream.indirect_vreg.scatter [tilespmem:s4], [sflag:$0x1], $0x80, v4, vm0, $0xb8;
	[tilespmem:$0x10100] =	vst v63  }
0x52: {  	v3 =	vperm.xlane v3, v2  }
0x53: {  	[hbm4b:s5+s2] =	stream.indirect_vreg.scatter [tilespmem:s10], [sflag:$0x1], $0x80, v4, vm0, $0xb8;
	[tilespmem:$0x10100] =	vst v63  }
0x54: {  	v3 =	vadd.s32 v1, v3  }
0x55: {  	[hbm4b:s6+s2] =	stream.indirect_vreg.scatter [tilespmem:s11], [sflag:$0x1], $0x80, v4, vm0, $0xb8;
	[tilespmem:$0x10100] =	vst v63  }
0x56: {  	_ = 	snop  }
0x57: {  	[hbm4b:s7+s2] =	stream.indirect_vreg.scatter [tilespmem:s12], [sflag:$0x1], $0x80, v4, vm0, $0xb8;
	[tilespmem:$0x10100] =	vst v63  }
0x58: {  	_ = 	snop  }
0x59: {  	[hbm4b:s3+s2] =	stream.indirect_vreg.scatter [tilespmem:s13], [sflag:$0x1], $0x80, v3, vm0, $0xb8;
	[tilespmem:$0x10100] =	vst v63  }
0x5a: {  	_ = 	snop  }
0x5b: {  	[hbm4b:s5+s2] =	stream.indirect_vreg.scatter [tilespmem:s14], [sflag:$0x1], $0x80, v3, vm0, $0xb8;
	[tilespmem:$0x10100] =	vst v63  }
0x5c: {  	_ = 	snop  }
0x5d: {  	[hbm4b:s6+s2] =	stream.indirect_vreg.scatter [tilespmem:s15], [sflag:$0x1], $0x80, v3, vm0, $0xb8;
	[tilespmem:$0x10100] =	vst v63  }
0x5e: {  	_ = 	snop  }
0x5f: {  	[hbm4b:s7+s2] =	stream.indirect_vreg.scatter [tilespmem:s16], [sflag:$0x1], $0x80, v3, vm0, $0xb8;
	[tilespmem:$0x10100] =	vst v63  }
0x60: {  	v3 =	vld [tilespmem:$0x10030];
	_ =	sdelay $0x4  }
0x61: {  	v59 =	vshll.u32 v3, $0x3  }
0x62: {  	v3 =	vand.u32 $0x7, v3;
	v4 =	vand.u32 $0xFFFFFFC0, v59  }
0x63: {  	v3 =	vor.u32 v3, v4  }
0x64: {  	v4 =	vperm.xlane v3, v0;
	_ =	sdelay $0x1  }
0x65: {  	v4 =	vadd.s32 v1, v4;
	_ =	sdelay $0x4  }
0x66: {  	[hbm4b:s3+s2] =	stream.indirect_vreg.scatter [tilespmem:s17], [sflag:$0x1], $0x80, v4, vm0, $0xb8;
	[tilespmem:$0x10100] =	vst v63  }
0x67: {  	s0 =	simm.s32 $0xC800;
	v3 =	vperm.xlane v3, v2  }
0x68: {  	[hbm4b:s5+s2] =	stream.indirect_vreg.scatter [tilespmem:s0], [sflag:$0x1], $0x80, v4, vm0, $0xb8;
	[tilespmem:$0x10100] =	vst v63  }
0x69: {  	v3 =	vadd.s32 v1, v3;
	s0 =	simm.s32 $0xD000  }
0x6a: {  	[hbm4b:s6+s2] =	stream.indirect_vreg.scatter [tilespmem:s0], [sflag:$0x1], $0x80, v4, vm0, $0xb8;
	[tilespmem:$0x10100] =	vst v63  }
0x6b: {  	s0 =	simm.s32 $0xD800  }
0x6c: {  	[hbm4b:s7+s2] =	stream.indirect_vreg.scatter [tilespmem:s0], [sflag:$0x1], $0x80, v4, vm0, $0xb8;
	[tilespmem:$0x10100] =	vst v63  }
0x6d: {  	s0 =	simm.s32 $0xE000  }
0x6e: {  	[hbm4b:s3+s2] =	stream.indirect_vreg.scatter [tilespmem:s0], [sflag:$0x1], $0x80, v3, vm0, $0xb8;
	[tilespmem:$0x10100] =	vst v63  }
0x6f: {  	s0 =	simm.s32 $0xE800  }
0x70: {  	[hbm4b:s5+s2] =	stream.indirect_vreg.scatter [tilespmem:s0], [sflag:$0x1], $0x80, v3, vm0, $0xb8;
	[tilespmem:$0x10100] =	vst v63  }
0x71: {  	s0 =	simm.s32 $0xF000  }
0x72: {  	[hbm4b:s6+s2] =	stream.indirect_vreg.scatter [tilespmem:s0], [sflag:$0x1], $0x80, v3, vm0, $0xb8;
	[tilespmem:$0x10100] =	vst v63  }
0x73: {  	s0 =	simm.s32 $0xF800  }
0x74: {  	[hbm4b:s7+s2] =	stream.indirect_vreg.scatter [tilespmem:s0], [sflag:$0x1], $0x80, v3, vm0, $0xb8;
	[tilespmem:$0x10100] =	vst v63  }
0x75: {  	v3 =	vld [tilespmem:$0x10080];
	_ =	sdelay $0x4  }
0x76: {  	v60 =	vshll.u32 v3, $0x3  }
0x77: {  	v3 =	vand.u32 $0x7, v3;
	v4 =	vand.u32 $0xFFFFFFC0, v60  }
0x78: {  	v3 =	vor.u32 v3, v4  }
0x79: {  	v4 =	vperm.xlane v3, v0;
	_ =	sdelay $0x1  }
0x7a: {  	v4 =	vadd.s32 v1, v4;
	_ =	sdelay $0x4  }
0x7b: {  	[hbm4b:s3+s2] =	stream.indirect_vreg.scatter [tilespmem:s2], [sflag:$0x1], $0x80, v4, vm0, $0xb8;
	[tilespmem:$0x10100] =	vst v63  }
0x7c: {  	v3 =	vperm.xlane v3, v2  }
0x7d: {  	[hbm4b:s5+s2] =	stream.indirect_vreg.scatter [tilespmem:s18], [sflag:$0x1], $0x80, v4, vm0, $0xb8;
	[tilespmem:$0x10100] =	vst v63  }
0x7e: {  	v3 =	vadd.s32 v1, v3  }
0x7f: {  	[hbm4b:s6+s2] =	stream.indirect_vreg.scatter [tilespmem:s19], [sflag:$0x1], $0x80, v4, vm0, $0xb8;
	[tilespmem:$0x10100] =	vst v63  }
0x80: {  	_ = 	snop  }
0x81: {  	[hbm4b:s7+s2] =	stream.indirect_vreg.scatter [tilespmem:s20], [sflag:$0x1], $0x80, v4, vm0, $0xb8;
	[tilespmem:$0x10100] =	vst v63  }
0x82: {  	_ = 	snop  }
0x83: {  	[hbm4b:s3+s2] =	stream.indirect_vreg.scatter [tilespmem:s21], [sflag:$0x1], $0x80, v3, vm0, $0xb8;
	[tilespmem:$0x10100] =	vst v63  }
0x84: {  	_ = 	snop  }
0x85: {  	[hbm4b:s5+s2] =	stream.indirect_vreg.scatter [tilespmem:s22], [sflag:$0x1], $0x80, v3, vm0, $0xb8;
	[tilespmem:$0x10100] =	vst v63  }
0x86: {  	_ = 	snop  }
0x87: {  	[hbm4b:s6+s2] =	stream.indirect_vreg.scatter [tilespmem:s23], [sflag:$0x1], $0x80, v3, vm0, $0xb8;
	[tilespmem:$0x10100] =	vst v63  }
0x88: {  	_ = 	snop  }
0x89: {  	[hbm4b:s7+s2] =	stream.indirect_vreg.scatter [tilespmem:s24], [sflag:$0x1], $0x80, v3, vm0, $0xb8;
	[tilespmem:$0x10100] =	vst v63  }
0x8a: {  	v3 =	vld [tilespmem:$0x10090];
	_ =	sdelay $0x4  }
0x8b: {  	v61 =	vshll.u32 v3, $0x3  }
0x8c: {  	v3 =	vand.u32 $0x7, v3;
	v4 =	vand.u32 $0xFFFFFFC0, v61  }
0x8d: {  	v3 =	vor.u32 v3, v4  }
0x8e: {  	v4 =	vperm.xlane v3, v0;
	_ =	sdelay $0x1  }
0x8f: {  	v4 =	vadd.s32 v1, v4;
	_ =	sdelay $0x4  }
0x90: {  	[hbm4b:s3+s2] =	stream.indirect_vreg.scatter [tilespmem:s25], [sflag:$0x1], $0x80, v4, vm0, $0xb8;
	[tilespmem:$0x10100] =	vst v63  }
0x91: {  	v3 =	vperm.xlane v3, v2  }
0x92: {  	[hbm4b:s5+s2] =	stream.indirect_vreg.scatter [tilespmem:s26], [sflag:$0x1], $0x80, v4, vm0, $0xb8;
	[tilespmem:$0x10100] =	vst v63  }
0x93: {  	v3 =	vadd.s32 v1, v3  }
0x94: {  	[hbm4b:s6+s2] =	stream.indirect_vreg.scatter [tilespmem:s28], [sflag:$0x1], $0x80, v4, vm0, $0xb8;
	[tilespmem:$0x10100] =	vst v63  }
0x95: {  	_ = 	snop  }
0x96: {  	[hbm4b:s7+s2] =	stream.indirect_vreg.scatter [tilespmem:s29], [sflag:$0x1], $0x80, v4, vm0, $0xb8;
	[tilespmem:$0x10100] =	vst v63  }
0x97: {  	_ = 	snop  }
0x98: {  	[hbm4b:s3+s2] =	stream.indirect_vreg.scatter [tilespmem:s30], [sflag:$0x1], $0x80, v3, vm0, $0xb8;
	[tilespmem:$0x10100] =	vst v63  }
0x99: {  	_ = 	snop  }
0x9a: {  	[hbm4b:s5+s2] =	stream.indirect_vreg.scatter [tilespmem:s31], [sflag:$0x1], $0x80, v3, vm0, $0xb8;
	[tilespmem:$0x10100] =	vst v63  }
0x9b: {  	s19 =	simm.s32 $0x7000  }
0x9c: {  	[hbm4b:s6+s2] =	stream.indirect_vreg.scatter [tilespmem:s19], [sflag:$0x1], $0x80, v3, vm0, $0xb8;
	[tilespmem:$0x10100] =	vst v63  }
0x9d: {  	_ = 	snop  }
0x9e: {  	[hbm4b:s7+s2] =	stream.indirect_vreg.scatter [tilespmem:s1], [sflag:$0x1], $0x80, v3, vm0, $0xb8;
	[tilespmem:$0x10100] =	vst v63  }
0x9f: {  	v3 =	vld [tilespmem:$0x100A0];
	_ =	sdelay $0x4  }
0xa0: {  	v62 =	vshll.u32 v3, $0x3  }
0xa1: {  	v3 =	vand.u32 $0x7, v3;
	v4 =	vand.u32 $0xFFFFFFC0, v62  }
0xa2: {  	v3 =	vor.u32 v3, v4  }
0xa3: {  	v4 =	vperm.xlane v3, v0;
	_ =	sdelay $0x1  }
0xa4: {  	v4 =	vadd.s32 v1, v4;
	_ =	sdelay $0x4  }
0xa5: {  	[hbm4b:s3+s2] =	stream.indirect_vreg.scatter [tilespmem:s4], [sflag:$0x1], $0x80, v4, vm0, $0xb8;
	[tilespmem:$0x10100] =	vst v63  }
0xa6: {  	v3 =	vperm.xlane v3, v2  }
0xa7: {  	[hbm4b:s5+s2] =	stream.indirect_vreg.scatter [tilespmem:s10], [sflag:$0x1], $0x80, v4, vm0, $0xb8;
	[tilespmem:$0x10100] =	vst v63  }
0xa8: {  	v3 =	vadd.s32 v1, v3  }
0xa9: {  	[hbm4b:s6+s2] =	stream.indirect_vreg.scatter [tilespmem:s11], [sflag:$0x1], $0x80, v4, vm0, $0xb8;
	[tilespmem:$0x10100] =	vst v63  }
0xaa: {  	_ = 	snop  }
0xab: {  	[hbm4b:s7+s2] =	stream.indirect_vreg.scatter [tilespmem:s12], [sflag:$0x1], $0x80, v4, vm0, $0xb8;
	[tilespmem:$0x10100] =	vst v63  }
0xac: {  	_ = 	snop  }
0xad: {  	[hbm4b:s3+s2] =	stream.indirect_vreg.scatter [tilespmem:s13], [sflag:$0x1], $0x80, v3, vm0, $0xb8;
	[tilespmem:$0x10100] =	vst v63  }
0xae: {  	_ = 	snop  }
0xaf: {  	[hbm4b:s5+s2] =	stream.indirect_vreg.scatter [tilespmem:s14], [sflag:$0x1], $0x80, v3, vm0, $0xb8;
	[tilespmem:$0x10100] =	vst v63  }
0xb0: {  	_ = 	snop  }
0xb1: {  	[hbm4b:s6+s2] =	stream.indirect_vreg.scatter [tilespmem:s15], [sflag:$0x1], $0x80, v3, vm0, $0xb8;
	[tilespmem:$0x10100] =	vst v63  }
0xb2: {  	_ = 	snop  }
0xb3: {  	[hbm4b:s7+s2] =	stream.indirect_vreg.scatter [tilespmem:s16], [sflag:$0x1], $0x80, v3, vm0, $0xb8;
	[tilespmem:$0x10100] =	vst v63  }
0xb4: {  	v3 =	vld [tilespmem:$0x100B0];
	_ =	sdelay $0x4  }
0xb5: {  	v63 =	vshll.u32 v3, $0x3  }
0xb6: {  	v3 =	vand.u32 $0x7, v3;
	v4 =	vand.u32 $0xFFFFFFC0, v63  }
0xb7: {  	v3 =	vor.u32 v3, v4  }
0xb8: {  	v4 =	vperm.xlane v3, v0;
	_ =	sdelay $0x1  }
0xb9: {  	v4 =	vadd.s32 v1, v4;
	_ =	sdelay $0x4  }
0xba: {  	[hbm4b:s3+s2] =	stream.indirect_vreg.scatter [tilespmem:s17], [sflag:$0x1], $0x80, v4, vm0, $0xb8;
	[tilespmem:$0x10100] =	vst v63  }
0xbb: {  	s18 =	simm.s32 $0xC800;
	v3 =	vperm.xlane v3, v2  }
0xbc: {  	[hbm4b:s5+s2] =	stream.indirect_vreg.scatter [tilespmem:s18], [sflag:$0x1], $0x80, v4, vm0, $0xb8;
	[tilespmem:$0x10100] =	vst v63  }
0xbd: {  	s19 =	simm.s32 $0xD000;
	v3 =	vadd.s32 v1, v3  }
0xbe: {  	[hbm4b:s6+s2] =	stream.indirect_vreg.scatter [tilespmem:s19], [sflag:$0x1], $0x80, v4, vm0, $0xb8;
	[tilespmem:$0x10100] =	vst v63  }
0xbf: {  	s18 =	simm.s32 $0xD800  }
0xc0: {  	[hbm4b:s7+s2] =	stream.indirect_vreg.scatter [tilespmem:s18], [sflag:$0x1], $0x80, v4, vm0, $0xb8;
	[tilespmem:$0x10100] =	vst v63  }
0xc1: {  	s19 =	simm.s32 $0xE000  }
0xc2: {  	[hbm4b:s3+s2] =	stream.indirect_vreg.scatter [tilespmem:s19], [sflag:$0x1], $0x80, v3, vm0, $0xb8;
	[tilespmem:$0x10100] =	vst v63  }
0xc3: {  	s18 =	simm.s32 $0xE800  }
0xc4: {  	[hbm4b:s5+s2] =	stream.indirect_vreg.scatter [tilespmem:s18], [sflag:$0x1], $0x80, v3, vm0, $0xb8;
	[tilespmem:$0x10100] =	vst v63  }
0xc5: {  	s19 =	simm.s32 $0xF000  }
0xc6: {  	[hbm4b:s6+s2] =	stream.indirect_vreg.scatter [tilespmem:s19], [sflag:$0x1], $0x80, v3, vm0, $0xb8;
	[tilespmem:$0x10100] =	vst v63  }
0xc7: {  	s18 =	simm.s32 $0xF800;
	s19 =	simm.s32 $0x1  }
0xc8: {  	[hbm4b:s7+s2] =	stream.indirect_vreg.scatter [tilespmem:s18], [sflag:$0x1], $0x80, v3, vm0, $0xb8;
	[tilespmem:$0x10100] =	vst v63  }
0xc9: {  	p0 =	sne.s32 s8, $0x1;
	_ =	swait.ge [sflag:s19], $0x10000  }
.Ltmp0:
0xca: {  	[sflag:s19] =	ssyncset.done $0x0;
	(pc) =	sbr.rel @p0 .LBB2_1-.Ltmp0, $4  }
0xcb: {  	[sflag:s19] =	ssyncadd.s32 $0xFFFF0000  }
0xcc: {  	_ =	swait.ge [sflag:s19], $0x10000  }
0xcd: {  	[sflag:s19] =	ssyncset.done $0x0  }
0xce: {  	s8 =	sadd.s32 $0xFFFFFFFF, s8;
	[sflag:s19] =	ssyncadd.s32 $0xFFFF0000  }
0xcf: {  	_ =	sfence.sel $0x180000  }
0xd0: {  	[bflag:$0x0] =	sbarrier.arrive $0xFFFF  }
0xd1: {  	_ =	strace $0x90000047  }
0xd2: {  	s0 =	stileid.u32;
	[bflag:$0x2] =	sbarrier.arrive $0xFFFF  }
0xd3: {  	p0 =	sne.s32 s0, $0x0;
	s0 =	rddreg [dreg:$0x2]  }
0xd4: {  	s0 =	sadd.s32 @!p0 $0x100000, s0  }
0xd5: {  	[sflag:s0] =	ssyncadd.tile.s32 @!p0 $0x1;
	_ =	shalt  }
.Lfunc_end2:
_tile_overlayer_lowered:
.L_overlay_start_2:
0xd6: {  	(tag) =	ssettag $0x2  }
0xd7: {  	s0 =	rddreg [dreg:$0x0];
	s2 =	stileid.u32  }
0xd8: {  	s1 =	rddreg [dreg:$0x1];
	p0 =	sne.s32 s2, $0x0  }
0xd9: {  	s3 =	rddreg [dreg:$0x2];
	[bflag:$0x3] =	sbarrier.arrive $0xFFFF;
	s2 =	simm.s32 @!p0 $0x1C02  }
0xda: {  	[timem:s3], [sflag:s2] =	dma.local @!p0 [hbm:s0], s1  }
0xdb: {  	s0 =	simm.s32 @!p0 $0x2  }
0xdc: {  	_ =	swait.ge @!p0 [sflag:s0], s1  }
0xdd: {  	s1 =	ssub.s32 @!p0 $0x0, s1;
	[sflag:s0] =	ssyncset.done @!p0 $0x0  }
0xde: {  	[sflag:s0] =	ssyncadd.s32 @!p0 s1  }
0xdf: {  	[bflag:$0x3] =	sbarrier.arrive $0xFFFF  }
0xe0: {  	_ =	shalt  }

// kernel: kernel.8.cloned.1.call-start
scs
__scs_entry_jumppad:
0x0: {  	(pc) =	sbr.rel $0x88, $3  }
0x1: {  	(tag) =	ssettag $0x0;
	lr =	simm.s32 $0x1  }
0x2: {  	[smem:$0x3F96] =	sst lr;
	_ =	strace $0xD0000000  }
0x3: {  	_ = 	snop  }
0x4: {  	_ = 	snop  }
0x5: {  	_ = 	snop  }
0x6: {  	_ = 	snop  }
0x7: {  	_ = 	snop  }
__scs_overlays_trampoline_lowered:
0x8: {  	[smem:$0x3FA5] =	sst s0  }
0x9: {  	[smem:$0x3FA6] =	sst s1  }
0xa: {  	[smem:$0x3FA7] =	sst s2  }
0xb: {  	[smem:$0x3FA8] =	sst s3  }
0xc: {  	[smem:$0x3FA9] =	sst s4  }
0xd: {  	[smem:$0x3FAA] =	sst s5  }
0xe: {  	[smem:$0x3FAB] =	sst s6  }
0xf: {  	[smem:$0x3FAC] =	sst s7  }
0x10: {  	[smem:$0x3FAD] =	sst s8  }
0x11: {  	[smem:$0x3FAE] =	sst s9;
	s0 =	simm.s32 @!p0 $0x0  }
0x12: {  	s1 =	sld [smem:$0x3F94];
	s0 =	simm.s32 @p0 $0x1  }
0x13: {  	[smem:$0x3FAF] =	sst s0;
	s0 =	simm.s32 @!p1 $0x0  }
0x14: {  	s2 =	sld [smem:$0x3F93];
	s0 =	simm.s32 @p1 $0x1  }
0x15: {  	[smem:$0x3FB0] =	sst s0;
	s0 =	simm.s32 @!p2 $0x0  }
0x16: {  	s3 =	sld [smem:$0x3FDB];
	s0 =	simm.s32 @p2 $0x1  }
0x17: {  	s4 =	simm.s32 $0x1BF5;
	[smem:$0x3FB2] =	sst s0  }
0x18: {  	s0 =	sld [smem:$0x3F95];
	_ =	swait.ge [sflag:s4], $0x0  }
0x19: {  	s7 =	sld [smem:$0x3F96]  }
0x1a: {  	s8 =	sadd.s32 $0xFFFFE003, lr  }
0x1b: {  	s9 =	sadd.s32 $0xFFFFFEF7, lr;
	s5 =	simm.s32 $0xFFFFFFFF;
	p2 =	slt.u32 s8, $0xFFFFF086  }
0x1c: {  	p1 =	slt.u32 s9, $0xF7A;
	s5 =	simm.s32 @!p2 $0x0  }
0x1d: {  	s5 =	simm.s32 @p1 $0x1;
	p0 =	seq.s32 s7, s2  }
0x1e: {  	s7 =	smul.u32 @!p0 $0xF7A, s2;
	p2 =	seq.s32 @!p0 s5, $0x0  }
0x1f: {  	s9 =	smul.u32 $0xF7A, s1;
	s8 =	simm.s32 @!p0 $0x1BF5;
	p2 =	por !p2, p0  }
0x20: {  	[sflag:s8] =	ssyncset.s32 @!p0 $0xFFFFF086;
	s6 =	sadd.s32 @!p0 s3, s7;
	s7 =	simm.s32 @!p0 $0x108  }
0x21: {  	s3 =	sadd.s32 s3, s9;
	s6 =	sadd.s32 @!p0 $0x88, s6;
	s7 =	simm.s32 @p2 $0x1082  }
0x22: {  	[simem:s7], [sflag:s8] =	dma.local @!p0 [hbm:s6], $0xF7A  }
0x23: {  	s9 =	sor.u32 $0xD0000000, s2;
	s6 =	simm.s32 $0x108;
	_ =	swait.ge @!p0 [sflag:s8], $0x0  }
0x24: {  	s3 =	sadd.s32 $0x88, s3;
	s6 =	simm.s32 @!p1 $0x1082;
	[sflag:s4] =	ssyncset.s32 $0xFFFFF086  }
0x25: {  	[simem:s6], [sflag:s4] =	dma.local [hbm:s3], $0xF7A  }
0x26: {  	[smem:$0x3F96] =	sst s1;
	(tag) =	ssettag s2;
	_ =	strace s9  }
0x27: {  	s1 =	sld [smem:$0x3FA6]  }
0x28: {  	s2 =	sld [smem:$0x3FA7]  }
0x29: {  	s4 =	sld [smem:$0x3FA9]  }
0x2a: {  	p0 =	seq.s32 s5, $0x0;
	s5 =	sld [smem:$0x3FAA]  }
0x2b: {  	s6 =	sld [smem:$0x3FAB]  }
0x2c: {  	s7 =	sld [smem:$0x3FAC]  }
0x2d: {  	s3 =	simm.s32 $0x108;
	s8 =	sld [smem:$0x3FAD]  }
0x2e: {  	s3 =	simm.s32 @!p0 $0x1082;
	s9 =	sld [smem:$0x3FAE]  }
0x2f: {  	lr =	sadd.s32 s0, s3;
	s0 =	sld [smem:$0x3FA5]  }
0x30: {  	s3 =	sld [smem:$0x3FA8]  }
0x31: {  	[smem:$0x3FB1] =	sst s10  }
0x32: {  	s10 =	sld [smem:$0x3FAF];
	_ =	sdelay $0x3  }
0x33: {  	p0 =	seq.s32 s10, $0x1;
	s10 =	sld [smem:$0x3FB1];
	_ =	sdelay $0x3  }
0x34: {  	[smem:$0x3FB1] =	sst s10  }
0x35: {  	s10 =	sld [smem:$0x3FB0];
	_ =	sdelay $0x3  }
0x36: {  	p1 =	seq.s32 s10, $0x1;
	s10 =	sld [smem:$0x3FB1];
	_ =	sdelay $0x3  }
0x37: {  	[smem:$0x3FB1] =	sst s10  }
0x38: {  	s10 =	sld [smem:$0x3FB2]  }
0x39: {  	_ = 	snop;
	(pc) =	sbr.ind lr, $3  }
0x3a: {  	_ = 	snop  }
0x3b: {  	_ = 	snop  }
0x3c: {  	p2 =	seq.s32 s10, $0x1;
	s10 =	sld [smem:$0x3FB1]  }
0x3d: {  	_ =	shalt  }
0x3e: {  	_ =	shalt  }
0x3f: {  	_ =	shalt  }
0x40: {  	_ =	shalt  }
0x41: {  	_ =	shalt  }
0x42: {  	_ =	shalt  }
0x43: {  	_ =	shalt  }
0x44: {  	_ =	shalt  }
0x45: {  	_ =	shalt  }
0x46: {  	_ =	shalt  }
0x47: {  	_ =	shalt  }
0x48: {  	_ =	shalt  }
0x49: {  	_ =	shalt  }
0x4a: {  	_ =	shalt  }
0x4b: {  	_ =	shalt  }
0x4c: {  	_ =	shalt  }
0x4d: {  	_ =	shalt  }
0x4e: {  	_ =	shalt  }
0x4f: {  	_ =	shalt  }
0x50: {  	_ =	shalt  }
0x51: {  	_ =	shalt  }
0x52: {  	_ =	shalt  }
0x53: {  	_ =	shalt  }
0x54: {  	_ =	shalt  }
0x55: {  	_ =	shalt  }
0x56: {  	_ =	shalt  }
0x57: {  	_ =	shalt  }
0x58: {  	_ =	shalt  }
0x59: {  	_ =	shalt  }
0x5a: {  	_ =	shalt  }
0x5b: {  	_ =	shalt  }
0x5c: {  	_ =	shalt  }
0x5d: {  	_ =	shalt  }
0x5e: {  	_ =	shalt  }
0x5f: {  	_ =	shalt  }
0x60: {  	_ =	shalt  }
0x61: {  	_ =	shalt  }
0x62: {  	_ =	shalt  }
0x63: {  	_ =	shalt  }
0x64: {  	_ =	shalt  }
0x65: {  	_ =	shalt  }
0x66: {  	_ =	shalt  }
0x67: {  	_ =	shalt  }
0x68: {  	_ =	shalt  }
0x69: {  	_ =	shalt  }
0x6a: {  	_ =	shalt  }
0x6b: {  	_ =	shalt  }
0x6c: {  	_ =	shalt  }
0x6d: {  	_ =	shalt  }
0x6e: {  	_ =	shalt  }
0x6f: {  	_ =	shalt  }
0x70: {  	_ =	shalt  }
0x71: {  	_ =	shalt  }
0x72: {  	_ =	shalt  }
0x73: {  	_ =	shalt  }
0x74: {  	_ =	shalt  }
0x75: {  	_ =	shalt  }
0x76: {  	_ =	shalt  }
0x77: {  	_ =	shalt  }
0x78: {  	_ =	shalt  }
0x79: {  	_ =	shalt  }
0x7a: {  	_ =	shalt  }
0x7b: {  	_ =	shalt  }
0x7c: {  	_ =	shalt  }
0x7d: {  	_ =	shalt  }
0x7e: {  	_ =	shalt  }
0x7f: {  	_ =	shalt  }
0x80: {  	_ =	shalt  }
0x81: {  	_ =	shalt  }
0x82: {  	_ =	shalt  }
0x83: {  	_ =	shalt  }
0x84: {  	_ =	shalt  }
0x85: {  	_ =	shalt  }
0x86: {  	_ =	shalt  }
0x87: {  	_ =	shalt  }
.Lfunc_end0:
.L_simem_size_0:
called_computation.1_lowered:
.L_overlay_start_0:
0x88: {  	s2 =	sld [smem:$0x3FD9]  }
0x89: {  	s3 =	sld [smem:$0x3FFE];
	_ =	sdelay $0x1  }
0x8a: {  	s1 =	srdreg.scid  }
0x8b: {  	s0 =	sand.u32 $0x1, s1  }
0x8c: {  	s17 =	sshll.u32 s0, $0xA;
	s2 =	sadd.s32 s3, s2  }
0x8d: {  	s2 =	sadd.s32 s2, s17  }
0x8e: {  	[smem:$0x3FBD] =	sst s2  }
0x8f: {  	_ = 	snop  }
0x90: {  	s2 =	sld [smem:$0x3FD0];
	(tm) =	ssettm $0x1  }
0x91: {  	s18 =	sld [smem:$0x3FFB];
	_ =	sdelay $0x3  }
0x92: {  	_ =	strace s18  }
0x93: {  	s3 =	sld [smem:$0x3FFC];
	_ =	sdelay $0x3  }
0x94: {  	_ =	strace s3  }
0x95: {  	s3 =	sld [smem:$0x3FFD];
	_ =	sdelay $0x3  }
0x96: {  	_ =	strace s3  }
0x97: {  	_ =	strace $0x8FFFFFFF  }
0x98: {  	s19 =	sld [smem:$0x3FDB];
	_ =	sdelay $0x1  }
0x99: {  	s4 =	simm.s32 $_scs_section_size  }
0x9a: {  	s5 =	simm.s32 $_size__tile_overlayer_lowered;
	s6 =	simm.s32 $_tile_overlayer_lowered  }
0x9b: {  	s22 =	simm.s32 $0x1BFF;
	s21 =	sshll.u32 s6, $0x1;
	s3 =	sadd.s32 s4, s19  }
0x9c: {  	s7 =	simm.s32 $0x0;
	s20 =	sshll.u32 s5, $0x1;
	s5 =	sadd.s32 s21, s3  }
0x9d: {  	[timem:s7], [sflag:s22] =	dma.local [hbm:s5], s20  }
0x9e: {  	_ =	swait.ge [sflag:s22], s20  }
0x9f: {  	s4 =	ssub.s32 $0x0, s20;
	[sflag:s22] =	ssyncset.done $0x0  }
0xa0: {  	[sflag:s22] =	ssyncadd.s32 s4;
	_ =	sdelay $0x1  }
0xa1: {  	s23 =	simm.s32 $0x1B8B  }
0xa2: {  	_ =	swait.ge [sflag:s23], $0x1  }
0xa3: {  	[sflag:s23] =	ssyncset.done $0x0  }
0xa4: {  	s25 =	simm.s32 $0x1B8E;
	s24 =	sld [smem:$0x3FFE];
	[sflag:s23] =	ssyncadd.s32 $0xFFFFFFFF  }
0xa5: {  	s26 =	simm.s32 $execute0_lowered;
	[smem:$0x3FD2] =	sst s25  }
0xa6: {  	s5 =	sshll.u32 s26, $0x1;
	_ =	strace $0x80000049;
	[dreg:$0x1] =	wrdreg $0xFFFFFFFF  }
0xa7: {  	s28 =	simm.s32 $_size_execute0_lowered;
	s3 =	sadd.s32 s3, s5;
	[dreg:$0x0] =	wrdreg $0x0  }
0xa8: {  	s5 =	sshll.u32 s28, $0x1;
	[dreg:$0x2] =	wrdreg s3  }
0xa9: {  	[dreg:$0x3] =	wrdreg s5  }
0xaa: {  	[dreg:$0x4] =	wrdreg $0xC0  }
0xab: {  	_ =	task [dreg:s7], $0x5FFFF  }
0xac: {  	[dreg:$0x1] =	wrdreg $0xFFFFFFFF  }
0xad: {  	[dreg:$0x0] =	wrdreg $0x60  }
0xae: {  	[dreg:$0x2] =	wrdreg s24  }
0xaf: {  	[dreg:$0x3] =	wrdreg s2  }
0xb0: {  	[dreg:$0x4] =	wrdreg $0x9  }
0xb1: {  	_ =	task.clear_ibuf [dreg:s7], $0x5FFFF;
	_ =	strace $0x90000049  }
0xb2: {  	s29 =	simm.s32 $0x9;
	_ =	strace $0x8000004B  }
0xb3: {  	_ =	swait.ge [sflag:s29], $0x1  }
0xb4: {  	[sflag:s29] =	ssyncadd.s32 $0xFFFFFFFF  }
0xb5: {  	_ =	strace $0x9000004B  }
0xb6: {  	_ =	sfence  }
0xb7: {  	s30 =	sld [smem:$0x0];
	_ =	sdelay $0x2  }
0xb8: {  	s31 =	sshll.u32 s1, $0xD;
	s1 =	sshrl.u32 s1, $0x2  }
0xb9: {  	s3 =	sand.u32 $0x4000, s31;
	s1 =	sadd.s32 s1, s30  }
0xba: {  	s0 =	sor.u32 s3, s0;
	s1 =	sshll.u32 s1, $0x11  }
0xbb: {  	s0 =	sor.u32 s1, s0  }
0xbc: {  	s0 =	sadd.s32 $0x8F2B, s0  }
0xbd: {  	[sflag:s0] =	ssyncadd.remote.s32 $0x1  }
0xbe: {  	_ =	sfence.sel $0xFFFF  }
0xbf: {  	[dreg:$0x0] =	wrdreg $0xFFFFFFFF;
	(pc) =	sbr.abs _section_cstart, $3  }
0xc0: {  	[dreg:$0x1] =	wrdreg $0xFFFFFFFF  }
0xc1: {  	_ =	task.clear_ibuf [dreg:s7], $0x2FFFF;
	_ =	strace $0x9FFFFFFF  }
0xc2: {  	(tm) =	ssettm $0x7FFFFFFF  }
0xc3: {  	_ =	shalt  }
tec
execute0_lowered:
.L_overlay_start_1:
0x0: {  	(tag) =	ssettag $0x1  }
0x1: {  	s0 =	rddreg [dreg:$0x0]  }
0x2: {  	s2 =	rddreg [dreg:$0x1]  }
0x3: {  	s1 =	simm.s32 $0x0;
	s4 =	srdreg.scid;
	s5 =	stileid.u32  }
0x4: {  	s19 =	simm.s32 $0x2;
	s20 =	simm.s32 $0xD000;
	s21 =	simm.s32 $0xD800  }
0x5: {  	s22 =	simm.s32 $0xE000;
	s23 =	simm.s32 $0xE800;
	s24 =	simm.s32 $0xF000  }
0x6: {  	s25 =	simm.s32 $0xF800;
	s26 =	simm.s32 $0x1;
	s28 =	simm.s32 $0x0  }
0x7: {  	[smem:$0x7FF] =	sst s1;
	s3 =	sadd.s32 $0x1A0800, s0;
	s4 =	sand.u32 $0x1, s4  }
0x8: {  	s12 =	sadd.s32 $0x200, s0;
	s5 =	sshll.u32 s5, $0x7;
	s14 =	sadd.s32 $0xA0600, s0  }
0x9: {  	s15 =	sadd.s32 $0xA0400, s0;
	s8 =	sadd.s32 $0x1A0900, s0;
	s6 =	sshll.u32 s4, $0x6  }
0xa: {  	s9 =	sadd.s32 $0x1A0A00, s0;
	s4 =	ssub.s32 $0x2, s4;
	s10 =	sor.u32 s6, s5  }
0xb: {  	_ =	strace $0x8000004A;
	s30 =	sshrl.u32 s4, $0x1;
	s7 =	sshrl.u32 s10, $0x3  }
0xc: {  	s17 =	ssub.s32 s4, s30;
	s11 =	sshll.u32 s10, $0x7;
	s16 =	sor.u32 $0x20, s10  }
0xd: {  	s10 =	sadd.s32 $0x1A0B00, s0;
	s4 =	sadd.s32 s12, s7;
	s5 =	sadd.s32 s0, s7  }
0xe: {  	s6 =	sadd.s32 s14, s7;
	s7 =	sadd.s32 s15, s7;
	s11 =	sadd.s32 s2, s11  }
0xf: {  	v2 =	vlaneseq.u32;
	s18 =	sshrl.u32 s16, $0x3;
	s31 =	sshll.u32 s16, $0x7;
	s17 =	smax.u32 s17, $0x1  }
0x10: {  	vm0 =	vmmov $0xffff;
	v1 =	vshrl.u32 v2, $0x3;
	s12 =	sadd.s32 s12, s18;
	s13 =	sadd.s32 s0, s18;
	s14 =	sadd.s32 s14, s18  }
0x11: {  	v0 =	vand.u32 $0x7, v2;
	v2 =	vor.u32 $0x8, v2;
	v1 =	vmul.u32 $0x8, v1;
	s15 =	sadd.s32 s15, s18;
	s16 =	sadd.s32 s2, s31;
	s18 =	simm.s32 $0xC800  }
.LBB2_1:
0x12: {  	s0 =	simm.s32 $0x10000  }
0x13: {  	[tilespmem:s0], [sflag:$0x2] =	stream.linear.gather [hbm4b:s4+s1], $0x20, $0x38;
	[tilespmem:$0x10200] =	vst v63  }
0x14: {  	_ =	swait.ge [sflag:s19], $0x20  }
0x15: {  	[sflag:s19] =	ssyncset.done $0x0  }
0x16: {  	s2 =	simm.s32 $0x10080;
	[sflag:s19] =	ssyncadd.s32 $0xFFFFFFE0  }
0x17: {  	[tilespmem:s2], [sflag:$0x2] =	stream.linear.gather [hbm4b:s5+s1], $0x20, $0x38;
	[tilespmem:$0x10200] =	vst v63  }
0x18: {  	_ =	swait.ge [sflag:s19], $0x20  }
0x19: {  	[sflag:s19] =	ssyncset.done $0x0  }
0x1a: {  	s2 =	simm.s32 $0x10100;
	[sflag:s19] =	ssyncadd.s32 $0xFFFFFFE0  }
0x1b: {  	[tilespmem:s2], [sflag:$0x2] =	stream.linear.gather [hbm4b:s6+s1], $0x20, $0x38;
	[tilespmem:$0x10200] =	vst v63  }
0x1c: {  	_ =	swait.ge [sflag:s19], $0x20  }
0x1d: {  	[sflag:s19] =	ssyncset.done $0x0  }
0x1e: {  	s2 =	simm.s32 $0x10180;
	[sflag:s19] =	ssyncadd.s32 $0xFFFFFFE0  }
0x1f: {  	[tilespmem:s2], [sflag:$0x2] =	stream.linear.gather [hbm4b:s7+s1], $0x20, $0x38;
	[tilespmem:$0x10200] =	vst v63  }
0x20: {  	_ =	swait.ge [sflag:s19], $0x20  }
0x21: {  	[sflag:s19] =	ssyncset.done $0x0  }
0x22: {  	[sflag:s19] =	ssyncadd.s32 $0xFFFFFFE0  }
0x23: {  	v3 =	vld [tilespmem:$0x10000];
	_ =	sdelay $0x4  }
0x24: {  	v4 =	vshll.u32 v3, $0x3  }
0x25: {  	v3 =	vand.u32 $0x7, v3;
	v4 =	vand.u32 $0xFFFFFFC0, v4  }
0x26: {  	v3 =	vor.u32 v3, v4  }
0x27: {  	v4 =	vperm.xlane v3, v0;
	_ =	sdelay $0x1  }
0x28: {  	v4 =	vadd.s32 v1, v4;
	_ =	sdelay $0x4  }
0x29: {  	[tilespmem:s1], [sflag:$0x1] =	stream.indirect_vreg.gather [hbm4b:s3+s1], $0x80, v4, vm0, $0xb8;
	[tilespmem:$0x10200] =	vst v63  }
0x2a: {  	s2 =	simm.s32 $0x800;
	v3 =	vperm.xlane v3, v2  }
0x2b: {  	[tilespmem:s2], [sflag:$0x1] =	stream.indirect_vreg.gather [hbm4b:s8+s1], $0x80, v4, vm0, $0xb8;
	[tilespmem:$0x10200] =	vst v63  }
0x2c: {  	v3 =	vadd.s32 v1, v3;
	s2 =	simm.s32 $0x1000  }
0x2d: {  	[tilespmem:s2], [sflag:$0x1] =	stream.indirect_vreg.gather [hbm4b:s9+s1], $0x80, v4, vm0, $0xb8;
	[tilespmem:$0x10200] =	vst v63  }
0x2e: {  	s2 =	simm.s32 $0x1800  }
0x2f: {  	[tilespmem:s2], [sflag:$0x1] =	stream.indirect_vreg.gather [hbm4b:s10+s1], $0x80, v4, vm0, $0xb8;
	[tilespmem:$0x10200] =	vst v63  }
0x30: {  	s2 =	simm.s32 $0x2000  }
0x31: {  	[tilespmem:s2], [sflag:$0x1] =	stream.indirect_vreg.gather [hbm4b:s3+s1], $0x80, v3, vm0, $0xb8;
	[tilespmem:$0x10200] =	vst v63  }
0x32: {  	s2 =	simm.s32 $0x2800  }
0x33: {  	[tilespmem:s2], [sflag:$0x1] =	stream.indirect_vreg.gather [hbm4b:s8+s1], $0x80, v3, vm0, $0xb8;
	[tilespmem:$0x10200] =	vst v63  }
0x34: {  	s2 =	simm.s32 $0x3000  }
0x35: {  	[tilespmem:s2], [sflag:$0x1] =	stream.indirect_vreg.gather [hbm4b:s9+s1], $0x80, v3, vm0, $0xb8;
	[tilespmem:$0x10200] =	vst v63  }
0x36: {  	s2 =	simm.s32 $0x3800  }
0x37: {  	[tilespmem:s2], [sflag:$0x1] =	stream.indirect_vreg.gather [hbm4b:s10+s1], $0x80, v3, vm0, $0xb8;
	[tilespmem:$0x10200] =	vst v63  }
0x38: {  	v3 =	vld [tilespmem:$0x10010];
	_ =	sdelay $0x4  }
0x39: {  	v4 =	vshll.u32 v3, $0x3  }
0x3a: {  	v3 =	vand.u32 $0x7, v3;
	v4 =	vand.u32 $0xFFFFFFC0, v4  }
0x3b: {  	v3 =	vor.u32 v3, v4  }
0x3c: {  	v4 =	vperm.xlane v3, v0;
	_ =	sdelay $0x1  }
0x3d: {  	v4 =	vadd.s32 v1, v4;
	_ =	sdelay $0x3  }
0x3e: {  	s2 =	simm.s32 $0x4000  }
0x3f: {  	[tilespmem:s2], [sflag:$0x1] =	stream.indirect_vreg.gather [hbm4b:s3+s1], $0x80, v4, vm0, $0xb8;
	[tilespmem:$0x10200] =	vst v63  }
0x40: {  	v3 =	vperm.xlane v3, v2;
	s2 =	simm.s32 $0x4800  }
0x41: {  	[tilespmem:s2], [sflag:$0x1] =	stream.indirect_vreg.gather [hbm4b:s8+s1], $0x80, v4, vm0, $0xb8;
	[tilespmem:$0x10200] =	vst v63  }
0x42: {  	v3 =	vadd.s32 v1, v3;
	s2 =	simm.s32 $0x5000  }
0x43: {  	[tilespmem:s2], [sflag:$0x1] =	stream.indirect_vreg.gather [hbm4b:s9+s1], $0x80, v4, vm0, $0xb8;
	[tilespmem:$0x10200] =	vst v63  }
0x44: {  	s2 =	simm.s32 $0x5800  }
0x45: {  	[tilespmem:s2], [sflag:$0x1] =	stream.indirect_vreg.gather [hbm4b:s10+s1], $0x80, v4, vm0, $0xb8;
	[tilespmem:$0x10200] =	vst v63  }
0x46: {  	s2 =	simm.s32 $0x6000  }
0x47: {  	[tilespmem:s2], [sflag:$0x1] =	stream.indirect_vreg.gather [hbm4b:s3+s1], $0x80, v3, vm0, $0xb8;
	[tilespmem:$0x10200] =	vst v63  }
0x48: {  	s2 =	simm.s32 $0x6800  }
0x49: {  	[tilespmem:s2], [sflag:$0x1] =	stream.indirect_vreg.gather [hbm4b:s8+s1], $0x80, v3, vm0, $0xb8;
	[tilespmem:$0x10200] =	vst v63  }
0x4a: {  	s2 =	simm.s32 $0x7000  }
0x4b: {  	[tilespmem:s2], [sflag:$0x1] =	stream.indirect_vreg.gather [hbm4b:s9+s1], $0x80, v3, vm0, $0xb8;
	[tilespmem:$0x10200] =	vst v63  }
0x4c: {  	s2 =	simm.s32 $0x7800  }
0x4d: {  	[tilespmem:s2], [sflag:$0x1] =	stream.indirect_vreg.gather [hbm4b:s10+s1], $0x80, v3, vm0, $0xb8;
	[tilespmem:$0x10200] =	vst v63  }
0x4e: {  	v3 =	vld [tilespmem:$0x10080];
	_ =	sdelay $0x4  }
0x4f: {  	v4 =	vshll.u32 v3, $0x3  }
0x50: {  	v3 =	vand.u32 $0x7, v3;
	v4 =	vand.u32 $0xFFFFFFC0, v4  }
0x51: {  	v3 =	vor.u32 v3, v4  }
0x52: {  	v4 =	vperm.xlane v3, v0;
	_ =	sdelay $0x1  }
0x53: {  	v4 =	vadd.s32 v1, v4;
	_ =	sdelay $0x3  }
0x54: {  	s2 =	simm.s32 $0x8000  }
0x55: {  	[tilespmem:s2], [sflag:$0x1] =	stream.indirect_vreg.gather [hbm4b:s3+s1], $0x80, v4, vm0, $0xb8;
	[tilespmem:$0x10200] =	vst v63  }
0x56: {  	v3 =	vperm.xlane v3, v2;
	s2 =	simm.s32 $0x8800  }
0x57: {  	[tilespmem:s2], [sflag:$0x1] =	stream.indirect_vreg.gather [hbm4b:s8+s1], $0x80, v4, vm0, $0xb8;
	[tilespmem:$0x10200] =	vst v63  }
0x58: {  	v3 =	vadd.s32 v1, v3;
	s2 =	simm.s32 $0x9000  }
0x59: {  	[tilespmem:s2], [sflag:$0x1] =	stream.indirect_vreg.gather [hbm4b:s9+s1], $0x80, v4, vm0, $0xb8;
	[tilespmem:$0x10200] =	vst v63  }
0x5a: {  	s2 =	simm.s32 $0x9800  }
0x5b: {  	[tilespmem:s2], [sflag:$0x1] =	stream.indirect_vreg.gather [hbm4b:s10+s1], $0x80, v4, vm0, $0xb8;
	[tilespmem:$0x10200] =	vst v63  }
0x5c: {  	s2 =	simm.s32 $0xA000  }
0x5d: {  	[tilespmem:s2], [sflag:$0x1] =	stream.indirect_vreg.gather [hbm4b:s3+s1], $0x80, v3, vm0, $0xb8;
	[tilespmem:$0x10200] =	vst v63  }
0x5e: {  	s2 =	simm.s32 $0xA800  }
0x5f: {  	[tilespmem:s2], [sflag:$0x1] =	stream.indirect_vreg.gather [hbm4b:s8+s1], $0x80, v3, vm0, $0xb8;
	[tilespmem:$0x10200] =	vst v63  }
0x60: {  	s2 =	simm.s32 $0xB000  }
0x61: {  	[tilespmem:s2], [sflag:$0x1] =	stream.indirect_vreg.gather [hbm4b:s9+s1], $0x80, v3, vm0, $0xb8;
	[tilespmem:$0x10200] =	vst v63  }
0x62: {  	s2 =	simm.s32 $0xB800  }
0x63: {  	[tilespmem:s2], [sflag:$0x1] =	stream.indirect_vreg.gather [hbm4b:s10+s1], $0x80, v3, vm0, $0xb8;
	[tilespmem:$0x10200] =	vst v63  }
0x64: {  	v3 =	vld [tilespmem:$0x10090];
	_ =	sdelay $0x4  }
0x65: {  	v4 =	vshll.u32 v3, $0x3  }
0x66: {  	v3 =	vand.u32 $0x7, v3;
	v4 =	vand.u32 $0xFFFFFFC0, v4  }
0x67: {  	v3 =	vor.u32 v3, v4  }
0x68: {  	v4 =	vperm.xlane v3, v0;
	_ =	sdelay $0x1  }
0x69: {  	v4 =	vadd.s32 v1, v4;
	_ =	sdelay $0x3  }
0x6a: {  	s2 =	simm.s32 $0xC000  }
0x6b: {  	[tilespmem:s2], [sflag:$0x1] =	stream.indirect_vreg.gather [hbm4b:s3+s1], $0x80, v4, vm0, $0xb8;
	[tilespmem:$0x10200] =	vst v63  }
0x6c: {  	v3 =	vperm.xlane v3, v2  }
0x6d: {  	[tilespmem:s18], [sflag:$0x1] =	stream.indirect_vreg.gather [hbm4b:s8+s1], $0x80, v4, vm0, $0xb8;
	[tilespmem:$0x10200] =	vst v63  }
0x6e: {  	v3 =	vadd.s32 v1, v3  }
0x6f: {  	[tilespmem:s20], [sflag:$0x1] =	stream.indirect_vreg.gather [hbm4b:s9+s1], $0x80, v4, vm0, $0xb8;
	[tilespmem:$0x10200] =	vst v63  }
0x70: {  	_ = 	snop  }
0x71: {  	[tilespmem:s21], [sflag:$0x1] =	stream.indirect_vreg.gather [hbm4b:s10+s1], $0x80, v4, vm0, $0xb8;
	[tilespmem:$0x10200] =	vst v63  }
0x72: {  	_ = 	snop  }
0x73: {  	[tilespmem:s22], [sflag:$0x1] =	stream.indirect_vreg.gather [hbm4b:s3+s1], $0x80, v3, vm0, $0xb8;
	[tilespmem:$0x10200] =	vst v63  }
0x74: {  	_ = 	snop  }
0x75: {  	[tilespmem:s23], [sflag:$0x1] =	stream.indirect_vreg.gather [hbm4b:s8+s1], $0x80, v3, vm0, $0xb8;
	[tilespmem:$0x10200] =	vst v63  }
0x76: {  	_ = 	snop  }
0x77: {  	[tilespmem:s24], [sflag:$0x1] =	stream.indirect_vreg.gather [hbm4b:s9+s1], $0x80, v3, vm0, $0xb8;
	[tilespmem:$0x10200] =	vst v63  }
0x78: {  	_ = 	snop  }
0x79: {  	[tilespmem:s25], [sflag:$0x1] =	stream.indirect_vreg.gather [hbm4b:s10+s1], $0x80, v3, vm0, $0xb8;
	[tilespmem:$0x10200] =	vst v63  }
0x7a: {  	_ =	swait.ge [sflag:s26], $0x8000  }
0x7b: {  	[sflag:s26] =	ssyncset.done $0x0  }
0x7c: {  	[sflag:s26] =	ssyncadd.s32 $0xFFFF8000  }
0x7d: {  	_ =	swait.ge [sflag:s26], $0x8000  }
0x7e: {  	[sflag:s26] =	ssyncset.done $0x0  }
0x7f: {  	[sflag:s26] =	ssyncadd.s32 $0xFFFF8000  }
0x80: {  	s29 =	sand.u32 $0x1C00, s1;
	s2 =	sand.u32 $0x70, s1;
	v3 =	vld [tilespmem:$0x10100]  }
0x81: {  	s29 =	sor.u32 s2, s29;
	v4 =	vld [tilespmem:$0x10180]  }
0x82: {  	v7 =	vld [tilespmem:s29+$0x8000]  }
0x83: {  	v8 =	vld [tilespmem:s29+$0x0];
	_ =	sdelay $0x2  }
0x84: {  	v5 =	vbroadcast v3, $0x0;
	v6 =	vbroadcast v4, $0x0;
	_ =	sdelay $0x1  }
0x85: {  	v8 =	vmul.f32 v8, v5;
	v7 =	vmul.f32 v7, v6  }
0x86: {  	s30 =	simm.s32 $0x80;
	s2 =	simm.s32 $0x10  }
0x87: {  	s31 =	sand.u32 $0x1C00, s30;
	s0 =	sand.u32 $0x70, s2;
	v7 =	vadd.f32 v7, v8  }
0x88: {  	s0 =	sor.u32 s0, s31;
	s31 =	simm.s32 $0x20  }
.LBB2_2:
0x89: {  	p0 =	seq.s32 s31, $0x3F0;
	v8 =	vld [tilespmem:s0+$0x8000];
	[tilespmem:s29+$0x0] =	vst v7;
	s29 =	smov.u32 s0  }
0x8a: {  	v7 =	vld [tilespmem:s29+$0x0];
	_ =	sdelay $0x3  }
.Ltmp0:
0x8b: {  	(pc) =	sbr.rel @!p0 .LBB2_2-.Ltmp0, $4  }
0x8c: {  	v8 =	vmul.f32 v8, v6;
	v7 =	vmul.f32 v7, v5  }
0x8d: {  	s30 =	sadd.s32 $0x80, s30  }
0x8e: {  	s0 =	sand.u32 $0x70, s31;
	s2 =	sand.u32 $0x1C00, s30;
	v7 =	vadd.f32 v8, v7  }
0x8f: {  	s31 =	sadd.s32 $0x10, s31;
	s0 =	sor.u32 s0, s2  }
0x90: {  	v8 =	vld [tilespmem:s0+$0x8000];
	[tilespmem:s29+$0x0] =	vst v7  }
0x91: {  	v7 =	vld [tilespmem:s0+$0x0];
	_ =	sdelay $0x4  }
0x92: {  	v6 =	vmul.f32 v8, v6;
	v5 =	vmul.f32 v7, v5;
	_ =	sdelay $0x1  }
0x93: {  	v5 =	vadd.f32 v6, v5;
	_ =	sdelay $0x1  }
0x94: {  	[tilespmem:s0+$0x0] =	vst v5;
	s0 =	simm.s32 $0x0  }
0x95: {  	s2 =	sand.u32 $0x70, s0;
	s0 =	sand.u32 $0x1C00, s0  }
0x96: {  	s29 =	sor.u32 s0, s2  }
0x97: {  	v7 =	vld [tilespmem:s29+$0x8080]  }
0x98: {  	v8 =	vld [tilespmem:s29+$0x80];
	_ =	sdelay $0x2  }
0x99: {  	v6 =	vbroadcast v4, $0x1;
	v5 =	vbroadcast v3, $0x1;
	_ =	sdelay $0x1  }
0x9a: {  	v8 =	vmul.f32 v8, v5;
	v7 =	vmul.f32 v7, v6  }
0x9b: {  	s30 =	simm.s32 $0x80;
	s2 =	simm.s32 $0x10  }
0x9c: {  	s0 =	sand.u32 $0x70, s2;
	s2 =	sand.u32 $0x1C00, s30;
	v7 =	vadd.f32 v7, v8  }
0x9d: {  	s31 =	simm.s32 $0x20;
	s0 =	sor.u32 s2, s0  }
.LBB2_4:
0x9e: {  	p0 =	seq.s32 s31, $0x3F0;
	v8 =	vld [tilespmem:s0+$0x8080];
	[tilespmem:s29+$0x80] =	vst v7;
	s29 =	smov.u32 s0  }
0x9f: {  	v7 =	vld [tilespmem:s29+$0x80];
	_ =	sdelay $0x3  }
.Ltmp1:
0xa0: {  	(pc) =	sbr.rel @!p0 .LBB2_4-.Ltmp1, $4  }
0xa1: {  	v8 =	vmul.f32 v8, v6;
	v7 =	vmul.f32 v7, v5  }
0xa2: {  	s30 =	sadd.s32 $0x80, s30  }
0xa3: {  	s0 =	sand.u32 $0x70, s31;
	s2 =	sand.u32 $0x1C00, s30;
	v7 =	vadd.f32 v8, v7  }
0xa4: {  	s31 =	sadd.s32 $0x10, s31;
	s0 =	sor.u32 s2, s0  }
0xa5: {  	v8 =	vld [tilespmem:s0+$0x8080];
	[tilespmem:s29+$0x80] =	vst v7  }
0xa6: {  	v7 =	vld [tilespmem:s0+$0x80];
	_ =	sdelay $0x4  }
0xa7: {  	v6 =	vmul.f32 v8, v6;
	v5 =	vmul.f32 v7, v5;
	_ =	sdelay $0x1  }
0xa8: {  	v5 =	vadd.f32 v6, v5;
	_ =	sdelay $0x1  }
0xa9: {  	[tilespmem:s0+$0x80] =	vst v5;
	s0 =	simm.s32 $0x0  }
0xaa: {  	s2 =	sand.u32 $0x70, s0;
	s0 =	sand.u32 $0x1C00, s0  }
0xab: {  	s29 =	sor.u32 s0, s2  }
0xac: {  	v7 =	vld [tilespmem:s29+$0x8100]  }
0xad: {  	v8 =	vld [tilespmem:s29+$0x100];
	_ =	sdelay $0x2  }
0xae: {  	v6 =	vbroadcast v4, $0x2;
	v5 =	vbroadcast v3, $0x2;
	_ =	sdelay $0x1  }
0xaf: {  	v8 =	vmul.f32 v8, v5;
	v7 =	vmul.f32 v7, v6  }
0xb0: {  	s30 =	simm.s32 $0x80;
	s2 =	simm.s32 $0x10  }
0xb1: {  	s0 =	sand.u32 $0x70, s2;
	s2 =	sand.u32 $0x1C00, s30;
	v7 =	vadd.f32 v7, v8  }
0xb2: {  	s31 =	simm.s32 $0x20;
	s0 =	sor.u32 s2, s0  }
.LBB2_6:
0xb3: {  	p0 =	seq.s32 s31, $0x3F0;
	v8 =	vld [tilespmem:s0+$0x8100];
	[tilespmem:s29+$0x100] =	vst v7;
	s29 =	smov.u32 s0  }
0xb4: {  	v7 =	vld [tilespmem:s29+$0x100];
	_ =	sdelay $0x3  }
.Ltmp2:
0xb5: {  	(pc) =	sbr.rel @!p0 .LBB2_6-.Ltmp2, $4  }
0xb6: {  	v8 =	vmul.f32 v8, v6;
	v7 =	vmul.f32 v7, v5  }
0xb7: {  	s30 =	sadd.s32 $0x80, s30  }
0xb8: {  	s0 =	sand.u32 $0x70, s31;
	s2 =	sand.u32 $0x1C00, s30;
	v7 =	vadd.f32 v8, v7  }
0xb9: {  	s31 =	sadd.s32 $0x10, s31;
	s0 =	sor.u32 s2, s0  }
0xba: {  	v8 =	vld [tilespmem:s0+$0x8100];
	[tilespmem:s29+$0x100] =	vst v7  }
0xbb: {  	v7 =	vld [tilespmem:s0+$0x100];
	_ =	sdelay $0x4  }
0xbc: {  	v6 =	vmul.f32 v8, v6;
	v5 =	vmul.f32 v7, v5;
	_ =	sdelay $0x1  }
0xbd: {  	v5 =	vadd.f32 v6, v5;
	_ =	sdelay $0x1  }
0xbe: {  	[tilespmem:s0+$0x100] =	vst v5;
	s0 =	simm.s32 $0x0  }
0xbf: {  	s2 =	sand.u32 $0x70, s0;
	s0 =	sand.u32 $0x1C00, s0  }
0xc0: {  	s29 =	sor.u32 s0, s2  }
0xc1: {  	v7 =	vld [tilespmem:s29+$0x8180]  }
0xc2: {  	v8 =	vld [tilespmem:s29+$0x180];
	_ =	sdelay $0x2  }
0xc3: {  	v6 =	vbroadcast v4, $0x3;
	v5 =	vbroadcast v3, $0x3;
	_ =	sdelay $0x1  }
0xc4: {  	v8 =	vmul.f32 v8, v5;
	v7 =	vmul.f32 v7, v6  }
0xc5: {  	s30 =	simm.s32 $0x80;
	s2 =	simm.s32 $0x10  }
0xc6: {  	s0 =	sand.u32 $0x70, s2;
	s2 =	sand.u32 $0x1C00, s30;
	v7 =	vadd.f32 v7, v8  }
0xc7: {  	s31 =	simm.s32 $0x20;
	s0 =	sor.u32 s2, s0  }
.LBB2_8:
0xc8: {  	p0 =	seq.s32 s31, $0x3F0;
	v8 =	vld [tilespmem:s0+$0x8180];
	[tilespmem:s29+$0x180] =	vst v7;
	s29 =	smov.u32 s0  }
0xc9: {  	v7 =	vld [tilespmem:s29+$0x180];
	_ =	sdelay $0x3  }
.Ltmp3:
0xca: {  	(pc) =	sbr.rel @!p0 .LBB2_8-.Ltmp3, $4  }
0xcb: {  	v8 =	vmul.f32 v8, v6;
	v7 =	vmul.f32 v7, v5  }
0xcc: {  	s30 =	sadd.s32 $0x80, s30  }
0xcd: {  	s0 =	sand.u32 $0x70, s31;
	s2 =	sand.u32 $0x1C00, s30;
	v7 =	vadd.f32 v8, v7  }
0xce: {  	s31 =	sadd.s32 $0x10, s31;
	s0 =	sor.u32 s2, s0  }
0xcf: {  	v8 =	vld [tilespmem:s0+$0x8180];
	[tilespmem:s29+$0x180] =	vst v7  }
0xd0: {  	v7 =	vld [tilespmem:s0+$0x180];
	_ =	sdelay $0x4  }
0xd1: {  	v6 =	vmul.f32 v8, v6;
	v5 =	vmul.f32 v7, v5;
	_ =	sdelay $0x1  }
0xd2: {  	v5 =	vadd.f32 v6, v5;
	_ =	sdelay $0x1  }
0xd3: {  	[tilespmem:s0+$0x180] =	vst v5;
	s0 =	simm.s32 $0x0  }
0xd4: {  	s2 =	sand.u32 $0x70, s0;
	s0 =	sand.u32 $0x1C00, s0  }
0xd5: {  	s29 =	sor.u32 s0, s2  }
0xd6: {  	v7 =	vld [tilespmem:s29+$0x8200]  }
0xd7: {  	v8 =	vld [tilespmem:s29+$0x200];
	_ =	sdelay $0x2  }
0xd8: {  	v6 =	vbroadcast v4, $0x4;
	v5 =	vbroadcast v3, $0x4;
	_ =	sdelay $0x1  }
0xd9: {  	v8 =	vmul.f32 v8, v5;
	v7 =	vmul.f32 v7, v6  }
0xda: {  	s30 =	simm.s32 $0x80;
	s2 =	simm.s32 $0x10  }
0xdb: {  	s0 =	sand.u32 $0x70, s2;
	s2 =	sand.u32 $0x1C00, s30;
	v7 =	vadd.f32 v7, v8  }
0xdc: {  	s31 =	simm.s32 $0x20;
	s0 =	sor.u32 s2, s0  }
.LBB2_10:
0xdd: {  	p0 =	seq.s32 s31, $0x3F0;
	v8 =	vld [tilespmem:s0+$0x8200];
	[tilespmem:s29+$0x200] =	vst v7;
	s29 =	smov.u32 s0  }
0xde: {  	v7 =	vld [tilespmem:s29+$0x200];
	_ =	sdelay $0x3  }
.Ltmp4:
0xdf: {  	(pc) =	sbr.rel @!p0 .LBB2_10-.Ltmp4, $4  }
0xe0: {  	v8 =	vmul.f32 v8, v6;
	v7 =	vmul.f32 v7, v5  }
0xe1: {  	s30 =	sadd.s32 $0x80, s30  }
0xe2: {  	s0 =	sand.u32 $0x70, s31;
	s2 =	sand.u32 $0x1C00, s30;
	v7 =	vadd.f32 v8, v7  }
0xe3: {  	s31 =	sadd.s32 $0x10, s31;
	s0 =	sor.u32 s2, s0  }
0xe4: {  	v8 =	vld [tilespmem:s0+$0x8200];
	[tilespmem:s29+$0x200] =	vst v7  }
0xe5: {  	v7 =	vld [tilespmem:s0+$0x200];
	_ =	sdelay $0x4  }
0xe6: {  	v6 =	vmul.f32 v8, v6;
	v5 =	vmul.f32 v7, v5;
	_ =	sdelay $0x1  }
0xe7: {  	v5 =	vadd.f32 v6, v5;
	_ =	sdelay $0x1  }
0xe8: {  	[tilespmem:s0+$0x200] =	vst v5;
	s0 =	simm.s32 $0x0  }
0xe9: {  	s2 =	sand.u32 $0x70, s0;
	s0 =	sand.u32 $0x1C00, s0  }
0xea: {  	s29 =	sor.u32 s0, s2  }
0xeb: {  	v7 =	vld [tilespmem:s29+$0x8280]  }
0xec: {  	v8 =	vld [tilespmem:s29+$0x280];
	_ =	sdelay $0x2  }
0xed: {  	v6 =	vbroadcast v4, $0x5;
	v5 =	vbroadcast v3, $0x5;
	_ =	sdelay $0x1  }
0xee: {  	v8 =	vmul.f32 v8, v5;
	v7 =	vmul.f32 v7, v6  }
0xef: {  	s30 =	simm.s32 $0x80;
	s2 =	simm.s32 $0x10  }
0xf0: {  	s0 =	sand.u32 $0x70, s2;
	s2 =	sand.u32 $0x1C00, s30;
	v7 =	vadd.f32 v7, v8  }
0xf1: {  	s31 =	simm.s32 $0x20;
	s0 =	sor.u32 s2, s0  }
.LBB2_12:
0xf2: {  	p0 =	seq.s32 s31, $0x3F0;
	v8 =	vld [tilespmem:s0+$0x8280];
	[tilespmem:s29+$0x280] =	vst v7;
	s29 =	smov.u32 s0  }
0xf3: {  	v7 =	vld [tilespmem:s29+$0x280];
	_ =	sdelay $0x3  }
.Ltmp5:
0xf4: {  	(pc) =	sbr.rel @!p0 .LBB2_12-.Ltmp5, $4  }
0xf5: {  	v8 =	vmul.f32 v8, v6;
	v7 =	vmul.f32 v7, v5  }
0xf6: {  	s30 =	sadd.s32 $0x80, s30  }
0xf7: {  	s0 =	sand.u32 $0x70, s31;
	s2 =	sand.u32 $0x1C00, s30;
	v7 =	vadd.f32 v8, v7  }
0xf8: {  	s31 =	sadd.s32 $0x10, s31;
	s0 =	sor.u32 s2, s0  }
0xf9: {  	v8 =	vld [tilespmem:s0+$0x8280];
	[tilespmem:s29+$0x280] =	vst v7  }
0xfa: {  	v7 =	vld [tilespmem:s0+$0x280];
	_ =	sdelay $0x4  }
0xfb: {  	v6 =	vmul.f32 v8, v6;
	v5 =	vmul.f32 v7, v5;
	_ =	sdelay $0x1  }
0xfc: {  	v5 =	vadd.f32 v6, v5;
	_ =	sdelay $0x1  }
0xfd: {  	[tilespmem:s0+$0x280] =	vst v5;
	s0 =	simm.s32 $0x0  }
0xfe: {  	s2 =	sand.u32 $0x70, s0;
	s0 =	sand.u32 $0x1C00, s0  }
0xff: {  	s29 =	sor.u32 s0, s2  }
0x100: {  	v7 =	vld [tilespmem:s29+$0x8300]  }
0x101: {  	v8 =	vld [tilespmem:s29+$0x300];
	_ =	sdelay $0x2  }
0x102: {  	v6 =	vbroadcast v4, $0x6;
	v5 =	vbroadcast v3, $0x6;
	_ =	sdelay $0x1  }
0x103: {  	v8 =	vmul.f32 v8, v5;
	v7 =	vmul.f32 v7, v6  }
0x104: {  	s30 =	simm.s32 $0x80;
	s2 =	simm.s32 $0x10  }
0x105: {  	s0 =	sand.u32 $0x70, s2;
	s2 =	sand.u32 $0x1C00, s30;
	v7 =	vadd.f32 v7, v8  }
0x106: {  	s31 =	simm.s32 $0x20;
	s0 =	sor.u32 s2, s0  }
.LBB2_14:
0x107: {  	p0 =	seq.s32 s31, $0x3F0;
	v8 =	vld [tilespmem:s0+$0x8300];
	[tilespmem:s29+$0x300] =	vst v7;
	s29 =	smov.u32 s0  }
0x108: {  	v7 =	vld [tilespmem:s29+$0x300];
	_ =	sdelay $0x3  }
.Ltmp6:
0x109: {  	(pc) =	sbr.rel @!p0 .LBB2_14-.Ltmp6, $4  }
0x10a: {  	v8 =	vmul.f32 v8, v6;
	v7 =	vmul.f32 v7, v5  }
0x10b: {  	s30 =	sadd.s32 $0x80, s30  }
0x10c: {  	s0 =	sand.u32 $0x70, s31;
	s2 =	sand.u32 $0x1C00, s30;
	v7 =	vadd.f32 v8, v7  }
0x10d: {  	s31 =	sadd.s32 $0x10, s31;
	s0 =	sor.u32 s2, s0  }
0x10e: {  	v8 =	vld [tilespmem:s0+$0x8300];
	[tilespmem:s29+$0x300] =	vst v7  }
0x10f: {  	v7 =	vld [tilespmem:s0+$0x300];
	_ =	sdelay $0x4  }
0x110: {  	v6 =	vmul.f32 v8, v6;
	v5 =	vmul.f32 v7, v5;
	_ =	sdelay $0x1  }
0x111: {  	v5 =	vadd.f32 v6, v5  }
0x112: {  	s2 =	simm.s32 $0x0  }
0x113: {  	[tilespmem:s0+$0x300] =	vst v5;
	s0 =	sor.u32 s2, s2  }
0x114: {  	s29 =	sor.u32 $0x380, s0  }
0x115: {  	v7 =	vld [tilespmem:s29+$0x8000]  }
0x116: {  	v8 =	vld [tilespmem:s29+$0x0];
	_ =	sdelay $0x2  }
0x117: {  	v6 =	vbroadcast v4, $0x7;
	v5 =	vbroadcast v3, $0x7;
	_ =	sdelay $0x1  }
0x118: {  	v8 =	vmul.f32 v8, v5;
	v7 =	vmul.f32 v7, v6  }
0x119: {  	s30 =	simm.s32 $0x80;
	s2 =	simm.s32 $0x10  }
0x11a: {  	s0 =	sor.u32 s30, s2;
	v7 =	vadd.f32 v7, v8  }
0x11b: {  	s31 =	simm.s32 $0x20;
	s0 =	sor.u32 $0x380, s0  }
.LBB2_16:
0x11c: {  	p0 =	seq.s32 s31, $0x3F0;
	v8 =	vld [tilespmem:s0+$0x8000];
	[tilespmem:s29+$0x0] =	vst v7;
	s29 =	smov.u32 s0  }
0x11d: {  	v7 =	vld [tilespmem:s29+$0x0];
	_ =	sdelay $0x3  }
.Ltmp7:
0x11e: {  	(pc) =	sbr.rel @!p0 .LBB2_16-.Ltmp7, $4  }
0x11f: {  	v8 =	vmul.f32 v8, v6;
	v7 =	vmul.f32 v7, v5  }
0x120: {  	s30 =	sadd.s32 $0x80, s30  }
0x121: {  	s0 =	sor.u32 s30, s31;
	v7 =	vadd.f32 v8, v7  }
0x122: {  	s31 =	sadd.s32 $0x10, s31;
	s0 =	sor.u32 $0x380, s0  }
0x123: {  	v8 =	vld [tilespmem:s0+$0x8000];
	[tilespmem:s29+$0x0] =	vst v7  }
0x124: {  	v7 =	vld [tilespmem:s0+$0x0];
	_ =	sdelay $0x4  }
0x125: {  	v6 =	vmul.f32 v8, v6;
	v5 =	vmul.f32 v7, v5;
	_ =	sdelay $0x1  }
0x126: {  	v5 =	vadd.f32 v6, v5;
	_ =	sdelay $0x1  }
0x127: {  	[tilespmem:s0+$0x0] =	vst v5;
	s0 =	simm.s32 $0x0  }
0x128: {  	s2 =	sand.u32 $0x70, s0;
	s0 =	sand.u32 $0x1C00, s0  }
0x129: {  	s29 =	sor.u32 s0, s2  }
0x12a: {  	v7 =	vld [tilespmem:s29+$0xA000]  }
0x12b: {  	v8 =	vld [tilespmem:s29+$0x2000];
	_ =	sdelay $0x2  }
0x12c: {  	v6 =	vbroadcast v4, $0x8;
	v5 =	vbroadcast v3, $0x8;
	_ =	sdelay $0x1  }
0x12d: {  	v8 =	vmul.f32 v8, v5;
	v7 =	vmul.f32 v7, v6  }
0x12e: {  	s30 =	simm.s32 $0x80;
	s2 =	simm.s32 $0x10  }
0x12f: {  	s0 =	sand.u32 $0x70, s2;
	s2 =	sand.u32 $0x1C00, s30;
	v7 =	vadd.f32 v7, v8  }
0x130: {  	s31 =	simm.s32 $0x20;
	s0 =	sor.u32 s2, s0  }
.LBB2_18:
0x131: {  	p0 =	seq.s32 s31, $0x3F0;
	v8 =	vld [tilespmem:s0+$0xA000];
	[tilespmem:s29+$0x2000] =	vst v7;
	s29 =	smov.u32 s0  }
0x132: {  	v7 =	vld [tilespmem:s29+$0x2000];
	_ =	sdelay $0x3  }
.Ltmp8:
0x133: {  	(pc) =	sbr.rel @!p0 .LBB2_18-.Ltmp8, $4  }
0x134: {  	v8 =	vmul.f32 v8, v6;
	v7 =	vmul.f32 v7, v5  }
0x135: {  	s30 =	sadd.s32 $0x80, s30  }
0x136: {  	s0 =	sand.u32 $0x70, s31;
	s2 =	sand.u32 $0x1C00, s30;
	v7 =	vadd.f32 v8, v7  }
0x137: {  	s31 =	sadd.s32 $0x10, s31;
	s0 =	sor.u32 s2, s0  }
0x138: {  	v8 =	vld [tilespmem:s0+$0xA000];
	[tilespmem:s29+$0x2000] =	vst v7  }
0x139: {  	v7 =	vld [tilespmem:s0+$0x2000];
	_ =	sdelay $0x4  }
0x13a: {  	v6 =	vmul.f32 v8, v6;
	v5 =	vmul.f32 v7, v5;
	_ =	sdelay $0x1  }
0x13b: {  	v5 =	vadd.f32 v6, v5;
	_ =	sdelay $0x1  }
0x13c: {  	[tilespmem:s0+$0x2000] =	vst v5;
	s0 =	simm.s32 $0x0  }
0x13d: {  	s2 =	sand.u32 $0x70, s0;
	s0 =	sand.u32 $0x1C00, s0  }
0x13e: {  	s29 =	sor.u32 s0, s2  }
0x13f: {  	v7 =	vld [tilespmem:s29+$0xA080]  }
0x140: {  	v8 =	vld [tilespmem:s29+$0x2080];
	_ =	sdelay $0x2  }
0x141: {  	v6 =	vbroadcast v4, $0x9;
	v5 =	vbroadcast v3, $0x9;
	_ =	sdelay $0x1  }
0x142: {  	v8 =	vmul.f32 v8, v5;
	v7 =	vmul.f32 v7, v6  }
0x143: {  	s30 =	simm.s32 $0x80;
	s2 =	simm.s32 $0x10  }
0x144: {  	s0 =	sand.u32 $0x70, s2;
	s2 =	sand.u32 $0x1C00, s30;
	v7 =	vadd.f32 v7, v8  }
0x145: {  	s31 =	simm.s32 $0x20;
	s0 =	sor.u32 s2, s0  }
.LBB2_20:
0x146: {  	p0 =	seq.s32 s31, $0x3F0;
	v8 =	vld [tilespmem:s0+$0xA080];
	[tilespmem:s29+$0x2080] =	vst v7;
	s29 =	smov.u32 s0  }
0x147: {  	v7 =	vld [tilespmem:s29+$0x2080];
	_ =	sdelay $0x3  }
.Ltmp9:
0x148: {  	(pc) =	sbr.rel @!p0 .LBB2_20-.Ltmp9, $4  }
0x149: {  	v8 =	vmul.f32 v8, v6;
	v7 =	vmul.f32 v7, v5  }
0x14a: {  	s30 =	sadd.s32 $0x80, s30  }
0x14b: {  	s0 =	sand.u32 $0x70, s31;
	s2 =	sand.u32 $0x1C00, s30;
	v7 =	vadd.f32 v8, v7  }
0x14c: {  	s31 =	sadd.s32 $0x10, s31;
	s0 =	sor.u32 s2, s0  }
0x14d: {  	v8 =	vld [tilespmem:s0+$0xA080];
	[tilespmem:s29+$0x2080] =	vst v7  }
0x14e: {  	v7 =	vld [tilespmem:s0+$0x2080];
	_ =	sdelay $0x4  }
0x14f: {  	v6 =	vmul.f32 v8, v6;
	v5 =	vmul.f32 v7, v5;
	_ =	sdelay $0x1  }
0x150: {  	v5 =	vadd.f32 v6, v5;
	_ =	sdelay $0x1  }
0x151: {  	[tilespmem:s0+$0x2080] =	vst v5;
	s0 =	simm.s32 $0x0  }
0x152: {  	s2 =	sand.u32 $0x70, s0;
	s0 =	sand.u32 $0x1C00, s0  }
0x153: {  	s29 =	sor.u32 s0, s2  }
0x154: {  	v7 =	vld [tilespmem:s29+$0xA100]  }
0x155: {  	v8 =	vld [tilespmem:s29+$0x2100];
	_ =	sdelay $0x2  }
0x156: {  	v6 =	vbroadcast v4, $0xA;
	v5 =	vbroadcast v3, $0xA;
	_ =	sdelay $0x1  }
0x157: {  	v8 =	vmul.f32 v8, v5;
	v7 =	vmul.f32 v7, v6  }
0x158: {  	s30 =	simm.s32 $0x80;
	s2 =	simm.s32 $0x10  }
0x159: {  	s0 =	sand.u32 $0x70, s2;
	s2 =	sand.u32 $0x1C00, s30;
	v7 =	vadd.f32 v7, v8  }
0x15a: {  	s31 =	simm.s32 $0x20;
	s0 =	sor.u32 s2, s0  }
.LBB2_22:
0x15b: {  	p0 =	seq.s32 s31, $0x3F0;
	v8 =	vld [tilespmem:s0+$0xA100];
	[tilespmem:s29+$0x2100] =	vst v7;
	s29 =	smov.u32 s0  }
0x15c: {  	v7 =	vld [tilespmem:s29+$0x2100];
	_ =	sdelay $0x3  }
.Ltmp10:
0x15d: {  	(pc) =	sbr.rel @!p0 .LBB2_22-.Ltmp10, $4  }
0x15e: {  	v8 =	vmul.f32 v8, v6;
	v7 =	vmul.f32 v7, v5  }
0x15f: {  	s30 =	sadd.s32 $0x80, s30  }
0x160: {  	s0 =	sand.u32 $0x70, s31;
	s2 =	sand.u32 $0x1C00, s30;
	v7 =	vadd.f32 v8, v7  }
0x161: {  	s31 =	sadd.s32 $0x10, s31;
	s0 =	sor.u32 s2, s0  }
0x162: {  	v8 =	vld [tilespmem:s0+$0xA100];
	[tilespmem:s29+$0x2100] =	vst v7  }
0x163: {  	v7 =	vld [tilespmem:s0+$0x2100];
	_ =	sdelay $0x4  }
0x164: {  	v6 =	vmul.f32 v8, v6;
	v5 =	vmul.f32 v7, v5;
	_ =	sdelay $0x1  }
0x165: {  	v5 =	vadd.f32 v6, v5;
	_ =	sdelay $0x1  }
0x166: {  	[tilespmem:s0+$0x2100] =	vst v5;
	s0 =	simm.s32 $0x0  }
0x167: {  	s2 =	sand.u32 $0x70, s0;
	s0 =	sand.u32 $0x1C00, s0  }
0x168: {  	s29 =	sor.u32 s0, s2  }
0x169: {  	v7 =	vld [tilespmem:s29+$0xA180]  }
0x16a: {  	v8 =	vld [tilespmem:s29+$0x2180];
	_ =	sdelay $0x2  }
0x16b: {  	v6 =	vbroadcast v4, $0xB;
	v5 =	vbroadcast v3, $0xB;
	_ =	sdelay $0x1  }
0x16c: {  	v8 =	vmul.f32 v8, v5;
	v7 =	vmul.f32 v7, v6  }
0x16d: {  	s30 =	simm.s32 $0x80;
	s2 =	simm.s32 $0x10  }
0x16e: {  	s0 =	sand.u32 $0x70, s2;
	s2 =	sand.u32 $0x1C00, s30;
	v7 =	vadd.f32 v7, v8  }
0x16f: {  	s31 =	simm.s32 $0x20;
	s0 =	sor.u32 s2, s0  }
.LBB2_24:
0x170: {  	p0 =	seq.s32 s31, $0x3F0;
	v8 =	vld [tilespmem:s0+$0xA180];
	[tilespmem:s29+$0x2180] =	vst v7;
	s29 =	smov.u32 s0  }
0x171: {  	v7 =	vld [tilespmem:s29+$0x2180];
	_ =	sdelay $0x3  }
.Ltmp11:
0x172: {  	(pc) =	sbr.rel @!p0 .LBB2_24-.Ltmp11, $4  }
0x173: {  	v8 =	vmul.f32 v8, v6;
	v7 =	vmul.f32 v7, v5  }
0x174: {  	s30 =	sadd.s32 $0x80, s30  }
0x175: {  	s0 =	sand.u32 $0x70, s31;
	s2 =	sand.u32 $0x1C00, s30;
	v7 =	vadd.f32 v8, v7  }
0x176: {  	s31 =	sadd.s32 $0x10, s31;
	s0 =	sor.u32 s2, s0  }
0x177: {  	v8 =	vld [tilespmem:s0+$0xA180];
	[tilespmem:s29+$0x2180] =	vst v7  }
0x178: {  	v7 =	vld [tilespmem:s0+$0x2180];
	_ =	sdelay $0x4  }
0x179: {  	v6 =	vmul.f32 v8, v6;
	v5 =	vmul.f32 v7, v5;
	_ =	sdelay $0x1  }
0x17a: {  	v5 =	vadd.f32 v6, v5;
	_ =	sdelay $0x1  }
0x17b: {  	[tilespmem:s0+$0x2180] =	vst v5;
	s0 =	simm.s32 $0x0  }
0x17c: {  	s2 =	sand.u32 $0x70, s0;
	s0 =	sand.u32 $0x1C00, s0  }
0x17d: {  	s29 =	sor.u32 s0, s2  }
0x17e: {  	v7 =	vld [tilespmem:s29+$0xA200]  }
0x17f: {  	v8 =	vld [tilespmem:s29+$0x2200];
	_ =	sdelay $0x2  }
0x180: {  	v6 =	vbroadcast v4, $0xC;
	v5 =	vbroadcast v3, $0xC;
	_ =	sdelay $0x1  }
0x181: {  	v8 =	vmul.f32 v8, v5;
	v7 =	vmul.f32 v7, v6  }
0x182: {  	s30 =	simm.s32 $0x80;
	s2 =	simm.s32 $0x10  }
0x183: {  	s0 =	sand.u32 $0x70, s2;
	s2 =	sand.u32 $0x1C00, s30;
	v7 =	vadd.f32 v7, v8  }
0x184: {  	s31 =	simm.s32 $0x20;
	s0 =	sor.u32 s2, s0  }
.LBB2_26:
0x185: {  	p0 =	seq.s32 s31, $0x3F0;
	v8 =	vld [tilespmem:s0+$0xA200];
	[tilespmem:s29+$0x2200] =	vst v7;
	s29 =	smov.u32 s0  }
0x186: {  	v7 =	vld [tilespmem:s29+$0x2200];
	_ =	sdelay $0x3  }
.Ltmp12:
0x187: {  	(pc) =	sbr.rel @!p0 .LBB2_26-.Ltmp12, $4  }
0x188: {  	v8 =	vmul.f32 v8, v6;
	v7 =	vmul.f32 v7, v5  }
0x189: {  	s30 =	sadd.s32 $0x80, s30  }
0x18a: {  	s0 =	sand.u32 $0x70, s31;
	s2 =	sand.u32 $0x1C00, s30;
	v7 =	vadd.f32 v8, v7  }
0x18b: {  	s31 =	sadd.s32 $0x10, s31;
	s0 =	sor.u32 s2, s0  }
0x18c: {  	v8 =	vld [tilespmem:s0+$0xA200];
	[tilespmem:s29+$0x2200] =	vst v7  }
0x18d: {  	v7 =	vld [tilespmem:s0+$0x2200];
	_ =	sdelay $0x4  }
0x18e: {  	v6 =	vmul.f32 v8, v6;
	v5 =	vmul.f32 v7, v5;
	_ =	sdelay $0x1  }
0x18f: {  	v5 =	vadd.f32 v6, v5;
	_ =	sdelay $0x1  }
0x190: {  	[tilespmem:s0+$0x2200] =	vst v5;
	s0 =	simm.s32 $0x0  }
0x191: {  	s2 =	sand.u32 $0x70, s0;
	s0 =	sand.u32 $0x1C00, s0  }
0x192: {  	s29 =	sor.u32 s0, s2  }
0x193: {  	v7 =	vld [tilespmem:s29+$0xA280]  }
0x194: {  	v8 =	vld [tilespmem:s29+$0x2280];
	_ =	sdelay $0x2  }
0x195: {  	v6 =	vbroadcast v4, $0xD;
	v5 =	vbroadcast v3, $0xD;
	_ =	sdelay $0x1  }
0x196: {  	v8 =	vmul.f32 v8, v5;
	v7 =	vmul.f32 v7, v6  }
0x197: {  	s30 =	simm.s32 $0x80;
	s2 =	simm.s32 $0x10  }
0x198: {  	s0 =	sand.u32 $0x70, s2;
	s2 =	sand.u32 $0x1C00, s30;
	v7 =	vadd.f32 v7, v8  }
0x199: {  	s31 =	simm.s32 $0x20;
	s0 =	sor.u32 s2, s0  }
.LBB2_28:
0x19a: {  	p0 =	seq.s32 s31, $0x3F0;
	v8 =	vld [tilespmem:s0+$0xA280];
	[tilespmem:s29+$0x2280] =	vst v7;
	s29 =	smov.u32 s0  }
0x19b: {  	v7 =	vld [tilespmem:s29+$0x2280];
	_ =	sdelay $0x3  }
.Ltmp13:
0x19c: {  	(pc) =	sbr.rel @!p0 .LBB2_28-.Ltmp13, $4  }
0x19d: {  	v8 =	vmul.f32 v8, v6;
	v7 =	vmul.f32 v7, v5  }
0x19e: {  	s30 =	sadd.s32 $0x80, s30  }
0x19f: {  	s0 =	sand.u32 $0x70, s31;
	s2 =	sand.u32 $0x1C00, s30;
	v7 =	vadd.f32 v8, v7  }
0x1a0: {  	s31 =	sadd.s32 $0x10, s31;
	s0 =	sor.u32 s2, s0  }
0x1a1: {  	v8 =	vld [tilespmem:s0+$0xA280];
	[tilespmem:s29+$0x2280] =	vst v7  }
0x1a2: {  	v7 =	vld [tilespmem:s0+$0x2280];
	_ =	sdelay $0x4  }
0x1a3: {  	v6 =	vmul.f32 v8, v6;
	v5 =	vmul.f32 v7, v5;
	_ =	sdelay $0x1  }
0x1a4: {  	v5 =	vadd.f32 v6, v5;
	_ =	sdelay $0x1  }
0x1a5: {  	[tilespmem:s0+$0x2280] =	vst v5;
	s0 =	simm.s32 $0x0  }
0x1a6: {  	s2 =	sand.u32 $0x70, s0;
	s0 =	sand.u32 $0x1C00, s0  }
0x1a7: {  	s29 =	sor.u32 s0, s2  }
0x1a8: {  	v7 =	vld [tilespmem:s29+$0xA300]  }
0x1a9: {  	v8 =	vld [tilespmem:s29+$0x2300];
	_ =	sdelay $0x2  }
0x1aa: {  	v6 =	vbroadcast v4, $0xE;
	v5 =	vbroadcast v3, $0xE;
	_ =	sdelay $0x1  }
0x1ab: {  	v8 =	vmul.f32 v8, v5;
	v7 =	vmul.f32 v7, v6  }
0x1ac: {  	s30 =	simm.s32 $0x80;
	s2 =	simm.s32 $0x10  }
0x1ad: {  	s0 =	sand.u32 $0x70, s2;
	s2 =	sand.u32 $0x1C00, s30;
	v7 =	vadd.f32 v7, v8  }
0x1ae: {  	s31 =	simm.s32 $0x20;
	s0 =	sor.u32 s2, s0  }
.LBB2_30:
0x1af: {  	p0 =	seq.s32 s31, $0x3F0;
	v8 =	vld [tilespmem:s0+$0xA300];
	[tilespmem:s29+$0x2300] =	vst v7;
	s29 =	smov.u32 s0  }
0x1b0: {  	v7 =	vld [tilespmem:s29+$0x2300];
	_ =	sdelay $0x3  }
.Ltmp14:
0x1b1: {  	(pc) =	sbr.rel @!p0 .LBB2_30-.Ltmp14, $4  }
0x1b2: {  	v8 =	vmul.f32 v8, v6;
	v7 =	vmul.f32 v7, v5  }
0x1b3: {  	s30 =	sadd.s32 $0x80, s30  }
0x1b4: {  	s0 =	sand.u32 $0x70, s31;
	s2 =	sand.u32 $0x1C00, s30;
	v7 =	vadd.f32 v8, v7  }
0x1b5: {  	s31 =	sadd.s32 $0x10, s31;
	s0 =	sor.u32 s2, s0  }
0x1b6: {  	v8 =	vld [tilespmem:s0+$0xA300];
	[tilespmem:s29+$0x2300] =	vst v7  }
0x1b7: {  	v7 =	vld [tilespmem:s0+$0x2300];
	_ =	sdelay $0x4  }
0x1b8: {  	v6 =	vmul.f32 v8, v6;
	v5 =	vmul.f32 v7, v5;
	_ =	sdelay $0x1  }
0x1b9: {  	v5 =	vadd.f32 v6, v5  }
0x1ba: {  	s2 =	simm.s32 $0x0  }
0x1bb: {  	[tilespmem:s0+$0x2300] =	vst v5;
	s0 =	sor.u32 s2, s2  }
0x1bc: {  	s29 =	sor.u32 $0x2380, s0  }
0x1bd: {  	v5 =	vld [tilespmem:s29+$0x8000]  }
0x1be: {  	v6 =	vld [tilespmem:s29+$0x0];
	_ =	sdelay $0x2  }
0x1bf: {  	v3 =	vbroadcast v3, $0xF;
	v4 =	vbroadcast v4, $0xF;
	_ =	sdelay $0x1  }
0x1c0: {  	v6 =	vmul.f32 v6, v3;
	v5 =	vmul.f32 v5, v4  }
0x1c1: {  	s30 =	simm.s32 $0x80;
	s2 =	simm.s32 $0x10  }
0x1c2: {  	s0 =	sor.u32 s30, s2;
	v5 =	vadd.f32 v5, v6  }
0x1c3: {  	s31 =	simm.s32 $0x20;
	s0 =	sor.u32 $0x2380, s0  }
.LBB2_32:
0x1c4: {  	p0 =	sne.s32 s31, $0x3F0;
	v6 =	vld [tilespmem:s0+$0x8000];
	[tilespmem:s29+$0x0] =	vst v5;
	s29 =	smov.u32 s0  }
0x1c5: {  	v5 =	vld [tilespmem:s29+$0x0];
	_ =	sdelay $0x3  }
.Ltmp15:
0x1c6: {  	(pc) =	sbr.rel @p0 .LBB2_32-.Ltmp15, $4  }
0x1c7: {  	v6 =	vmul.f32 v6, v4;
	v5 =	vmul.f32 v5, v3  }
0x1c8: {  	s30 =	sadd.s32 $0x80, s30  }
0x1c9: {  	s0 =	sor.u32 s30, s31;
	v5 =	vadd.f32 v6, v5  }
0x1ca: {  	s31 =	sadd.s32 $0x10, s31;
	s0 =	sor.u32 $0x2380, s0  }
0x1cb: {  	v6 =	vld [tilespmem:s0+$0x8000];
	[tilespmem:s29+$0x0] =	vst v5  }
0x1cc: {  	v5 =	vld [tilespmem:s0+$0x0];
	_ =	sdelay $0x4  }
0x1cd: {  	v4 =	vmul.f32 v6, v4;
	v3 =	vmul.f32 v5, v3;
	_ =	sdelay $0x1  }
0x1ce: {  	v3 =	vadd.f32 v4, v3;
	_ =	sdelay $0x1  }
0x1cf: {  	[tilespmem:s0+$0x0] =	vst v3;
	s0 =	simm.s32 $0x0  }
0x1d0: {  	v3 =	vld [tilespmem:$0x10110];
	s2 =	sand.u32 $0x70, s0;
	s0 =	sand.u32 $0x1C00, s0  }
0x1d1: {  	v4 =	vld [tilespmem:$0x10190];
	s29 =	sor.u32 s0, s2  }
0x1d2: {  	v7 =	vld [tilespmem:s29+$0xC000]  }
0x1d3: {  	v8 =	vld [tilespmem:s29+$0x4000];
	_ =	sdelay $0x2  }
0x1d4: {  	v5 =	vbroadcast v3, $0x0;
	v6 =	vbroadcast v4, $0x0;
	_ =	sdelay $0x1  }
0x1d5: {  	v8 =	vmul.f32 v8, v5;
	v7 =	vmul.f32 v7, v6  }
0x1d6: {  	s30 =	simm.s32 $0x80;
	s2 =	simm.s32 $0x10  }
0x1d7: {  	s0 =	sand.u32 $0x70, s2;
	s2 =	sand.u32 $0x1C00, s30;
	v7 =	vadd.f32 v7, v8  }
0x1d8: {  	s31 =	simm.s32 $0x20;
	s0 =	sor.u32 s2, s0  }
.LBB2_34:
0x1d9: {  	p0 =	seq.s32 s31, $0x3F0;
	v8 =	vld [tilespmem:s0+$0xC000];
	[tilespmem:s29+$0x4000] =	vst v7;
	s29 =	smov.u32 s0  }
0x1da: {  	v7 =	vld [tilespmem:s29+$0x4000];
	_ =	sdelay $0x3  }
.Ltmp16:
0x1db: {  	(pc) =	sbr.rel @!p0 .LBB2_34-.Ltmp16, $4  }
0x1dc: {  	v8 =	vmul.f32 v8, v6;
	v7 =	vmul.f32 v7, v5  }
0x1dd: {  	s30 =	sadd.s32 $0x80, s30  }
0x1de: {  	s0 =	sand.u32 $0x70, s31;
	s2 =	sand.u32 $0x1C00, s30;
	v7 =	vadd.f32 v8, v7  }
0x1df: {  	s31 =	sadd.s32 $0x10, s31;
	s0 =	sor.u32 s2, s0  }
0x1e0: {  	v8 =	vld [tilespmem:s0+$0xC000];
	[tilespmem:s29+$0x4000] =	vst v7  }
0x1e1: {  	v7 =	vld [tilespmem:s0+$0x4000];
	_ =	sdelay $0x4  }
0x1e2: {  	v6 =	vmul.f32 v8, v6;
	v5 =	vmul.f32 v7, v5;
	_ =	sdelay $0x1  }
0x1e3: {  	v5 =	vadd.f32 v6, v5;
	_ =	sdelay $0x1  }
0x1e4: {  	[tilespmem:s0+$0x4000] =	vst v5;
	s0 =	simm.s32 $0x0  }
0x1e5: {  	s2 =	sand.u32 $0x70, s0;
	s0 =	sand.u32 $0x1C00, s0  }
0x1e6: {  	s29 =	sor.u32 s0, s2  }
0x1e7: {  	v7 =	vld [tilespmem:s29+$0xC080]  }
0x1e8: {  	v8 =	vld [tilespmem:s29+$0x4080];
	_ =	sdelay $0x2  }
0x1e9: {  	v6 =	vbroadcast v4, $0x1;
	v5 =	vbroadcast v3, $0x1;
	_ =	sdelay $0x1  }
0x1ea: {  	v8 =	vmul.f32 v8, v5;
	v7 =	vmul.f32 v7, v6  }
0x1eb: {  	s30 =	simm.s32 $0x80;
	s2 =	simm.s32 $0x10  }
0x1ec: {  	s0 =	sand.u32 $0x70, s2;
	s2 =	sand.u32 $0x1C00, s30;
	v7 =	vadd.f32 v7, v8  }
0x1ed: {  	s31 =	simm.s32 $0x20;
	s0 =	sor.u32 s2, s0  }
.LBB2_36:
0x1ee: {  	p0 =	seq.s32 s31, $0x3F0;
	v8 =	vld [tilespmem:s0+$0xC080];
	[tilespmem:s29+$0x4080] =	vst v7;
	s29 =	smov.u32 s0  }
0x1ef: {  	v7 =	vld [tilespmem:s29+$0x4080];
	_ =	sdelay $0x3  }
.Ltmp17:
0x1f0: {  	(pc) =	sbr.rel @!p0 .LBB2_36-.Ltmp17, $4  }
0x1f1: {  	v8 =	vmul.f32 v8, v6;
	v7 =	vmul.f32 v7, v5  }
0x1f2: {  	s30 =	sadd.s32 $0x80, s30  }
0x1f3: {  	s0 =	sand.u32 $0x70, s31;
	s2 =	sand.u32 $0x1C00, s30;
	v7 =	vadd.f32 v8, v7  }
0x1f4: {  	s31 =	sadd.s32 $0x10, s31;
	s0 =	sor.u32 s2, s0  }
0x1f5: {  	v8 =	vld [tilespmem:s0+$0xC080];
	[tilespmem:s29+$0x4080] =	vst v7  }
0x1f6: {  	v7 =	vld [tilespmem:s0+$0x4080];
	_ =	sdelay $0x4  }
0x1f7: {  	v6 =	vmul.f32 v8, v6;
	v5 =	vmul.f32 v7, v5;
	_ =	sdelay $0x1  }
0x1f8: {  	v5 =	vadd.f32 v6, v5;
	_ =	sdelay $0x1  }
0x1f9: {  	[tilespmem:s0+$0x4080] =	vst v5;
	s0 =	simm.s32 $0x0  }
0x1fa: {  	s2 =	sand.u32 $0x70, s0;
	s0 =	sand.u32 $0x1C00, s0  }
0x1fb: {  	s29 =	sor.u32 s0, s2  }
0x1fc: {  	v7 =	vld [tilespmem:s29+$0xC100]  }
0x1fd: {  	v8 =	vld [tilespmem:s29+$0x4100];
	_ =	sdelay $0x2  }
0x1fe: {  	v6 =	vbroadcast v4, $0x2;
	v5 =	vbroadcast v3, $0x2;
	_ =	sdelay $0x1  }
0x1ff: {  	v8 =	vmul.f32 v8, v5;
	v7 =	vmul.f32 v7, v6  }
0x200: {  	s30 =	simm.s32 $0x80;
	s2 =	simm.s32 $0x10  }
0x201: {  	s0 =	sand.u32 $0x70, s2;
	s2 =	sand.u32 $0x1C00, s30;
	v7 =	vadd.f32 v7, v8  }
0x202: {  	s31 =	simm.s32 $0x20;
	s0 =	sor.u32 s2, s0  }
.LBB2_38:
0x203: {  	p0 =	seq.s32 s31, $0x3F0;
	v8 =	vld [tilespmem:s0+$0xC100];
	[tilespmem:s29+$0x4100] =	vst v7;
	s29 =	smov.u32 s0  }
0x204: {  	v7 =	vld [tilespmem:s29+$0x4100];
	_ =	sdelay $0x3  }
.Ltmp18:
0x205: {  	(pc) =	sbr.rel @!p0 .LBB2_38-.Ltmp18, $4  }
0x206: {  	v8 =	vmul.f32 v8, v6;
	v7 =	vmul.f32 v7, v5  }
0x207: {  	s30 =	sadd.s32 $0x80, s30  }
0x208: {  	s0 =	sand.u32 $0x70, s31;
	s2 =	sand.u32 $0x1C00, s30;
	v7 =	vadd.f32 v8, v7  }
0x209: {  	s31 =	sadd.s32 $0x10, s31;
	s0 =	sor.u32 s2, s0  }
0x20a: {  	v8 =	vld [tilespmem:s0+$0xC100];
	[tilespmem:s29+$0x4100] =	vst v7  }
0x20b: {  	v7 =	vld [tilespmem:s0+$0x4100];
	_ =	sdelay $0x4  }
0x20c: {  	v6 =	vmul.f32 v8, v6;
	v5 =	vmul.f32 v7, v5;
	_ =	sdelay $0x1  }
0x20d: {  	v5 =	vadd.f32 v6, v5;
	_ =	sdelay $0x1  }
0x20e: {  	[tilespmem:s0+$0x4100] =	vst v5;
	s0 =	simm.s32 $0x0  }
0x20f: {  	s2 =	sand.u32 $0x70, s0;
	s0 =	sand.u32 $0x1C00, s0  }
0x210: {  	s29 =	sor.u32 s0, s2  }
0x211: {  	v7 =	vld [tilespmem:s29+$0xC180]  }
0x212: {  	v8 =	vld [tilespmem:s29+$0x4180];
	_ =	sdelay $0x2  }
0x213: {  	v6 =	vbroadcast v4, $0x3;
	v5 =	vbroadcast v3, $0x3;
	_ =	sdelay $0x1  }
0x214: {  	v8 =	vmul.f32 v8, v5;
	v7 =	vmul.f32 v7, v6  }
0x215: {  	s30 =	simm.s32 $0x80;
	s2 =	simm.s32 $0x10  }
0x216: {  	s0 =	sand.u32 $0x70, s2;
	s2 =	sand.u32 $0x1C00, s30;
	v7 =	vadd.f32 v7, v8  }
0x217: {  	s31 =	simm.s32 $0x20;
	s0 =	sor.u32 s2, s0  }
.LBB2_40:
0x218: {  	p0 =	seq.s32 s31, $0x3F0;
	v8 =	vld [tilespmem:s0+$0xC180];
	[tilespmem:s29+$0x4180] =	vst v7;
	s29 =	smov.u32 s0  }
0x219: {  	v7 =	vld [tilespmem:s29+$0x4180];
	_ =	sdelay $0x3  }
.Ltmp19:
0x21a: {  	(pc) =	sbr.rel @!p0 .LBB2_40-.Ltmp19, $4  }
0x21b: {  	v8 =	vmul.f32 v8, v6;
	v7 =	vmul.f32 v7, v5  }
0x21c: {  	s30 =	sadd.s32 $0x80, s30  }
0x21d: {  	s0 =	sand.u32 $0x70, s31;
	s2 =	sand.u32 $0x1C00, s30;
	v7 =	vadd.f32 v8, v7  }
0x21e: {  	s31 =	sadd.s32 $0x10, s31;
	s0 =	sor.u32 s2, s0  }
0x21f: {  	v8 =	vld [tilespmem:s0+$0xC180];
	[tilespmem:s29+$0x4180] =	vst v7  }
0x220: {  	v7 =	vld [tilespmem:s0+$0x4180];
	_ =	sdelay $0x4  }
0x221: {  	v6 =	vmul.f32 v8, v6;
	v5 =	vmul.f32 v7, v5;
	_ =	sdelay $0x1  }
0x222: {  	v5 =	vadd.f32 v6, v5;
	_ =	sdelay $0x1  }
0x223: {  	[tilespmem:s0+$0x4180] =	vst v5;
	s0 =	simm.s32 $0x0  }
0x224: {  	s2 =	sand.u32 $0x70, s0;
	s0 =	sand.u32 $0x1C00, s0  }
0x225: {  	s29 =	sor.u32 s0, s2  }
0x226: {  	v7 =	vld [tilespmem:s29+$0xC200]  }
0x227: {  	v8 =	vld [tilespmem:s29+$0x4200];
	_ =	sdelay $0x2  }
0x228: {  	v6 =	vbroadcast v4, $0x4;
	v5 =	vbroadcast v3, $0x4;
	_ =	sdelay $0x1  }
0x229: {  	v8 =	vmul.f32 v8, v5;
	v7 =	vmul.f32 v7, v6  }
0x22a: {  	s30 =	simm.s32 $0x80;
	s2 =	simm.s32 $0x10  }
0x22b: {  	s0 =	sand.u32 $0x70, s2;
	s2 =	sand.u32 $0x1C00, s30;
	v7 =	vadd.f32 v7, v8  }
0x22c: {  	s31 =	simm.s32 $0x20;
	s0 =	sor.u32 s2, s0  }
.LBB2_42:
0x22d: {  	p0 =	seq.s32 s31, $0x3F0;
	v8 =	vld [tilespmem:s0+$0xC200];
	[tilespmem:s29+$0x4200] =	vst v7;
	s29 =	smov.u32 s0  }
0x22e: {  	v7 =	vld [tilespmem:s29+$0x4200];
	_ =	sdelay $0x3  }
.Ltmp20:
0x22f: {  	(pc) =	sbr.rel @!p0 .LBB2_42-.Ltmp20, $4  }
0x230: {  	v8 =	vmul.f32 v8, v6;
	v7 =	vmul.f32 v7, v5  }
0x231: {  	s30 =	sadd.s32 $0x80, s30  }
0x232: {  	s0 =	sand.u32 $0x70, s31;
	s2 =	sand.u32 $0x1C00, s30;
	v7 =	vadd.f32 v8, v7  }
0x233: {  	s31 =	sadd.s32 $0x10, s31;
	s0 =	sor.u32 s2, s0  }
0x234: {  	v8 =	vld [tilespmem:s0+$0xC200];
	[tilespmem:s29+$0x4200] =	vst v7  }
0x235: {  	v7 =	vld [tilespmem:s0+$0x4200];
	_ =	sdelay $0x4  }
0x236: {  	v6 =	vmul.f32 v8, v6;
	v5 =	vmul.f32 v7, v5;
	_ =	sdelay $0x1  }
0x237: {  	v5 =	vadd.f32 v6, v5;
	_ =	sdelay $0x1  }
0x238: {  	[tilespmem:s0+$0x4200] =	vst v5;
	s0 =	simm.s32 $0x0  }
0x239: {  	s2 =	sand.u32 $0x70, s0;
	s0 =	sand.u32 $0x1C00, s0  }
0x23a: {  	s29 =	sor.u32 s0, s2  }
0x23b: {  	v7 =	vld [tilespmem:s29+$0xC280]  }
0x23c: {  	v8 =	vld [tilespmem:s29+$0x4280];
	_ =	sdelay $0x2  }
0x23d: {  	v6 =	vbroadcast v4, $0x5;
	v5 =	vbroadcast v3, $0x5;
	_ =	sdelay $0x1  }
0x23e: {  	v8 =	vmul.f32 v8, v5;
	v7 =	vmul.f32 v7, v6  }
0x23f: {  	s30 =	simm.s32 $0x80;
	s2 =	simm.s32 $0x10  }
0x240: {  	s0 =	sand.u32 $0x70, s2;
	s2 =	sand.u32 $0x1C00, s30;
	v7 =	vadd.f32 v7, v8  }
0x241: {  	s31 =	simm.s32 $0x20;
	s0 =	sor.u32 s2, s0  }
.LBB2_44:
0x242: {  	p0 =	seq.s32 s31, $0x3F0;
	v8 =	vld [tilespmem:s0+$0xC280];
	[tilespmem:s29+$0x4280] =	vst v7;
	s29 =	smov.u32 s0  }
0x243: {  	v7 =	vld [tilespmem:s29+$0x4280];
	_ =	sdelay $0x3  }
.Ltmp21:
0x244: {  	(pc) =	sbr.rel @!p0 .LBB2_44-.Ltmp21, $4  }
0x245: {  	v8 =	vmul.f32 v8, v6;
	v7 =	vmul.f32 v7, v5  }
0x246: {  	s30 =	sadd.s32 $0x80, s30  }
0x247: {  	s0 =	sand.u32 $0x70, s31;
	s2 =	sand.u32 $0x1C00, s30;
	v7 =	vadd.f32 v8, v7  }
0x248: {  	s31 =	sadd.s32 $0x10, s31;
	s0 =	sor.u32 s2, s0  }
0x249: {  	v8 =	vld [tilespmem:s0+$0xC280];
	[tilespmem:s29+$0x4280] =	vst v7  }
0x24a: {  	v7 =	vld [tilespmem:s0+$0x4280];
	_ =	sdelay $0x4  }
0x24b: {  	v6 =	vmul.f32 v8, v6;
	v5 =	vmul.f32 v7, v5;
	_ =	sdelay $0x1  }
0x24c: {  	v5 =	vadd.f32 v6, v5;
	_ =	sdelay $0x1  }
0x24d: {  	[tilespmem:s0+$0x4280] =	vst v5;
	s0 =	simm.s32 $0x0  }
0x24e: {  	s2 =	sand.u32 $0x70, s0;
	s0 =	sand.u32 $0x1C00, s0  }
0x24f: {  	s29 =	sor.u32 s0, s2  }
0x250: {  	v7 =	vld [tilespmem:s29+$0xC300]  }
0x251: {  	v8 =	vld [tilespmem:s29+$0x4300];
	_ =	sdelay $0x2  }
0x252: {  	v6 =	vbroadcast v4, $0x6;
	v5 =	vbroadcast v3, $0x6;
	_ =	sdelay $0x1  }
0x253: {  	v8 =	vmul.f32 v8, v5;
	v7 =	vmul.f32 v7, v6  }
0x254: {  	s30 =	simm.s32 $0x80;
	s2 =	simm.s32 $0x10  }
0x255: {  	s0 =	sand.u32 $0x70, s2;
	s2 =	sand.u32 $0x1C00, s30;
	v7 =	vadd.f32 v7, v8  }
0x256: {  	s31 =	simm.s32 $0x20;
	s0 =	sor.u32 s2, s0  }
.LBB2_46:
0x257: {  	p0 =	seq.s32 s31, $0x3F0;
	v8 =	vld [tilespmem:s0+$0xC300];
	[tilespmem:s29+$0x4300] =	vst v7;
	s29 =	smov.u32 s0  }
0x258: {  	v7 =	vld [tilespmem:s29+$0x4300];
	_ =	sdelay $0x3  }
.Ltmp22:
0x259: {  	(pc) =	sbr.rel @!p0 .LBB2_46-.Ltmp22, $4  }
0x25a: {  	v8 =	vmul.f32 v8, v6;
	v7 =	vmul.f32 v7, v5  }
0x25b: {  	s30 =	sadd.s32 $0x80, s30  }
0x25c: {  	s0 =	sand.u32 $0x70, s31;
	s2 =	sand.u32 $0x1C00, s30;
	v7 =	vadd.f32 v8, v7  }
0x25d: {  	s31 =	sadd.s32 $0x10, s31;
	s0 =	sor.u32 s2, s0  }
0x25e: {  	v8 =	vld [tilespmem:s0+$0xC300];
	[tilespmem:s29+$0x4300] =	vst v7  }
0x25f: {  	v7 =	vld [tilespmem:s0+$0x4300];
	_ =	sdelay $0x4  }
0x260: {  	v6 =	vmul.f32 v8, v6;
	v5 =	vmul.f32 v7, v5;
	_ =	sdelay $0x1  }
0x261: {  	v5 =	vadd.f32 v6, v5  }
0x262: {  	s2 =	simm.s32 $0x0  }
0x263: {  	[tilespmem:s0+$0x4300] =	vst v5;
	s0 =	sor.u32 s2, s2  }
0x264: {  	s29 =	sor.u32 $0x4380, s0  }
0x265: {  	v7 =	vld [tilespmem:s29+$0x8000]  }
0x266: {  	v8 =	vld [tilespmem:s29+$0x0];
	_ =	sdelay $0x2  }
0x267: {  	v6 =	vbroadcast v4, $0x7;
	v5 =	vbroadcast v3, $0x7;
	_ =	sdelay $0x1  }
0x268: {  	v8 =	vmul.f32 v8, v5;
	v7 =	vmul.f32 v7, v6  }
0x269: {  	s30 =	simm.s32 $0x80;
	s2 =	simm.s32 $0x10  }
0x26a: {  	s0 =	sor.u32 s30, s2;
	v7 =	vadd.f32 v7, v8  }
0x26b: {  	s31 =	simm.s32 $0x20;
	s0 =	sor.u32 $0x4380, s0  }
.LBB2_48:
0x26c: {  	p0 =	seq.s32 s31, $0x3F0;
	v8 =	vld [tilespmem:s0+$0x8000];
	[tilespmem:s29+$0x0] =	vst v7;
	s29 =	smov.u32 s0  }
0x26d: {  	v7 =	vld [tilespmem:s29+$0x0];
	_ =	sdelay $0x3  }
.Ltmp23:
0x26e: {  	(pc) =	sbr.rel @!p0 .LBB2_48-.Ltmp23, $4  }
0x26f: {  	v8 =	vmul.f32 v8, v6;
	v7 =	vmul.f32 v7, v5  }
0x270: {  	s30 =	sadd.s32 $0x80, s30  }
0x271: {  	s0 =	sor.u32 s30, s31;
	v7 =	vadd.f32 v8, v7  }
0x272: {  	s31 =	sadd.s32 $0x10, s31;
	s0 =	sor.u32 $0x4380, s0  }
0x273: {  	v8 =	vld [tilespmem:s0+$0x8000];
	[tilespmem:s29+$0x0] =	vst v7  }
0x274: {  	v7 =	vld [tilespmem:s0+$0x0];
	_ =	sdelay $0x4  }
0x275: {  	v6 =	vmul.f32 v8, v6;
	v5 =	vmul.f32 v7, v5;
	_ =	sdelay $0x1  }
0x276: {  	v5 =	vadd.f32 v6, v5;
	_ =	sdelay $0x1  }
0x277: {  	[tilespmem:s0+$0x0] =	vst v5;
	s0 =	simm.s32 $0x0  }
0x278: {  	s2 =	sand.u32 $0x70, s0;
	s0 =	sand.u32 $0x1C00, s0  }
0x279: {  	s29 =	sor.u32 s0, s2  }
0x27a: {  	v7 =	vld [tilespmem:s29+$0xE000]  }
0x27b: {  	v8 =	vld [tilespmem:s29+$0x6000];
	_ =	sdelay $0x2  }
0x27c: {  	v6 =	vbroadcast v4, $0x8;
	v5 =	vbroadcast v3, $0x8;
	_ =	sdelay $0x1  }
0x27d: {  	v8 =	vmul.f32 v8, v5;
	v7 =	vmul.f32 v7, v6  }
0x27e: {  	s30 =	simm.s32 $0x80;
	s2 =	simm.s32 $0x10  }
0x27f: {  	s0 =	sand.u32 $0x70, s2;
	s2 =	sand.u32 $0x1C00, s30;
	v7 =	vadd.f32 v7, v8  }
0x280: {  	s31 =	simm.s32 $0x20;
	s0 =	sor.u32 s2, s0  }
.LBB2_50:
0x281: {  	p0 =	seq.s32 s31, $0x3F0;
	v8 =	vld [tilespmem:s0+$0xE000];
	[tilespmem:s29+$0x6000] =	vst v7;
	s29 =	smov.u32 s0  }
0x282: {  	v7 =	vld [tilespmem:s29+$0x6000];
	_ =	sdelay $0x3  }
.Ltmp24:
0x283: {  	(pc) =	sbr.rel @!p0 .LBB2_50-.Ltmp24, $4  }
0x284: {  	v8 =	vmul.f32 v8, v6;
	v7 =	vmul.f32 v7, v5  }
0x285: {  	s30 =	sadd.s32 $0x80, s30  }
0x286: {  	s0 =	sand.u32 $0x70, s31;
	s2 =	sand.u32 $0x1C00, s30;
	v7 =	vadd.f32 v8, v7  }
0x287: {  	s31 =	sadd.s32 $0x10, s31;
	s0 =	sor.u32 s2, s0  }
0x288: {  	v8 =	vld [tilespmem:s0+$0xE000];
	[tilespmem:s29+$0x6000] =	vst v7  }
0x289: {  	v7 =	vld [tilespmem:s0+$0x6000];
	_ =	sdelay $0x4  }
0x28a: {  	v6 =	vmul.f32 v8, v6;
	v5 =	vmul.f32 v7, v5;
	_ =	sdelay $0x1  }
0x28b: {  	v5 =	vadd.f32 v6, v5;
	_ =	sdelay $0x1  }
0x28c: {  	[tilespmem:s0+$0x6000] =	vst v5;
	s0 =	simm.s32 $0x0  }
0x28d: {  	s2 =	sand.u32 $0x70, s0;
	s0 =	sand.u32 $0x1C00, s0  }
0x28e: {  	s29 =	sor.u32 s0, s2  }
0x28f: {  	v7 =	vld [tilespmem:s29+$0xE080]  }
0x290: {  	v8 =	vld [tilespmem:s29+$0x6080];
	_ =	sdelay $0x2  }
0x291: {  	v6 =	vbroadcast v4, $0x9;
	v5 =	vbroadcast v3, $0x9;
	_ =	sdelay $0x1  }
0x292: {  	v8 =	vmul.f32 v8, v5;
	v7 =	vmul.f32 v7, v6  }
0x293: {  	s30 =	simm.s32 $0x80;
	s2 =	simm.s32 $0x10  }
0x294: {  	s0 =	sand.u32 $0x70, s2;
	s2 =	sand.u32 $0x1C00, s30;
	v7 =	vadd.f32 v7, v8  }
0x295: {  	s31 =	simm.s32 $0x20;
	s0 =	sor.u32 s2, s0  }
.LBB2_52:
0x296: {  	p0 =	seq.s32 s31, $0x3F0;
	v8 =	vld [tilespmem:s0+$0xE080];
	[tilespmem:s29+$0x6080] =	vst v7;
	s29 =	smov.u32 s0  }
0x297: {  	v7 =	vld [tilespmem:s29+$0x6080];
	_ =	sdelay $0x3  }
.Ltmp25:
0x298: {  	(pc) =	sbr.rel @!p0 .LBB2_52-.Ltmp25, $4  }
0x299: {  	v8 =	vmul.f32 v8, v6;
	v7 =	vmul.f32 v7, v5  }
0x29a: {  	s30 =	sadd.s32 $0x80, s30  }
0x29b: {  	s0 =	sand.u32 $0x70, s31;
	s2 =	sand.u32 $0x1C00, s30;
	v7 =	vadd.f32 v8, v7  }
0x29c: {  	s31 =	sadd.s32 $0x10, s31;
	s0 =	sor.u32 s2, s0  }
0x29d: {  	v8 =	vld [tilespmem:s0+$0xE080];
	[tilespmem:s29+$0x6080] =	vst v7  }
0x29e: {  	v7 =	vld [tilespmem:s0+$0x6080];
	_ =	sdelay $0x4  }
0x29f: {  	v6 =	vmul.f32 v8, v6;
	v5 =	vmul.f32 v7, v5;
	_ =	sdelay $0x1  }
0x2a0: {  	v5 =	vadd.f32 v6, v5;
	_ =	sdelay $0x1  }
0x2a1: {  	[tilespmem:s0+$0x6080] =	vst v5;
	s0 =	simm.s32 $0x0  }
0x2a2: {  	s2 =	sand.u32 $0x70, s0;
	s0 =	sand.u32 $0x1C00, s0  }
0x2a3: {  	s29 =	sor.u32 s0, s2  }
0x2a4: {  	v7 =	vld [tilespmem:s29+$0xE100]  }
0x2a5: {  	v8 =	vld [tilespmem:s29+$0x6100];
	_ =	sdelay $0x2  }
0x2a6: {  	v6 =	vbroadcast v4, $0xA;
	v5 =	vbroadcast v3, $0xA;
	_ =	sdelay $0x1  }
0x2a7: {  	v8 =	vmul.f32 v8, v5;
	v7 =	vmul.f32 v7, v6  }
0x2a8: {  	s30 =	simm.s32 $0x80;
	s2 =	simm.s32 $0x10  }
0x2a9: {  	s0 =	sand.u32 $0x70, s2;
	s2 =	sand.u32 $0x1C00, s30;
	v7 =	vadd.f32 v7, v8  }
0x2aa: {  	s31 =	simm.s32 $0x20;
	s0 =	sor.u32 s2, s0  }
.LBB2_54:
0x2ab: {  	p0 =	seq.s32 s31, $0x3F0;
	v8 =	vld [tilespmem:s0+$0xE100];
	[tilespmem:s29+$0x6100] =	vst v7;
	s29 =	smov.u32 s0  }
0x2ac: {  	v7 =	vld [tilespmem:s29+$0x6100];
	_ =	sdelay $0x3  }
.Ltmp26:
0x2ad: {  	(pc) =	sbr.rel @!p0 .LBB2_54-.Ltmp26, $4  }
0x2ae: {  	v8 =	vmul.f32 v8, v6;
	v7 =	vmul.f32 v7, v5  }
0x2af: {  	s30 =	sadd.s32 $0x80, s30  }
0x2b0: {  	s0 =	sand.u32 $0x70, s31;
	s2 =	sand.u32 $0x1C00, s30;
	v7 =	vadd.f32 v8, v7  }
0x2b1: {  	s31 =	sadd.s32 $0x10, s31;
	s0 =	sor.u32 s2, s0  }
0x2b2: {  	v8 =	vld [tilespmem:s0+$0xE100];
	[tilespmem:s29+$0x6100] =	vst v7  }
0x2b3: {  	v7 =	vld [tilespmem:s0+$0x6100];
	_ =	sdelay $0x4  }
0x2b4: {  	v6 =	vmul.f32 v8, v6;
	v5 =	vmul.f32 v7, v5;
	_ =	sdelay $0x1  }
0x2b5: {  	v5 =	vadd.f32 v6, v5;
	_ =	sdelay $0x1  }
0x2b6: {  	[tilespmem:s0+$0x6100] =	vst v5;
	s0 =	simm.s32 $0x0  }
0x2b7: {  	s2 =	sand.u32 $0x70, s0;
	s0 =	sand.u32 $0x1C00, s0  }
0x2b8: {  	s29 =	sor.u32 s0, s2  }
0x2b9: {  	v7 =	vld [tilespmem:s29+$0xE180]  }
0x2ba: {  	v8 =	vld [tilespmem:s29+$0x6180];
	_ =	sdelay $0x2  }
0x2bb: {  	v6 =	vbroadcast v4, $0xB;
	v5 =	vbroadcast v3, $0xB;
	_ =	sdelay $0x1  }
0x2bc: {  	v8 =	vmul.f32 v8, v5;
	v7 =	vmul.f32 v7, v6  }
0x2bd: {  	s30 =	simm.s32 $0x80;
	s2 =	simm.s32 $0x10  }
0x2be: {  	s0 =	sand.u32 $0x70, s2;
	s2 =	sand.u32 $0x1C00, s30;
	v7 =	vadd.f32 v7, v8  }
0x2bf: {  	s31 =	simm.s32 $0x20;
	s0 =	sor.u32 s2, s0  }
.LBB2_56:
0x2c0: {  	p0 =	seq.s32 s31, $0x3F0;
	v8 =	vld [tilespmem:s0+$0xE180];
	[tilespmem:s29+$0x6180] =	vst v7;
	s29 =	smov.u32 s0  }
0x2c1: {  	v7 =	vld [tilespmem:s29+$0x6180];
	_ =	sdelay $0x3  }
.Ltmp27:
0x2c2: {  	(pc) =	sbr.rel @!p0 .LBB2_56-.Ltmp27, $4  }
0x2c3: {  	v8 =	vmul.f32 v8, v6;
	v7 =	vmul.f32 v7, v5  }
0x2c4: {  	s30 =	sadd.s32 $0x80, s30  }
0x2c5: {  	s0 =	sand.u32 $0x70, s31;
	s2 =	sand.u32 $0x1C00, s30;
	v7 =	vadd.f32 v8, v7  }
0x2c6: {  	s31 =	sadd.s32 $0x10, s31;
	s0 =	sor.u32 s2, s0  }
0x2c7: {  	v8 =	vld [tilespmem:s0+$0xE180];
	[tilespmem:s29+$0x6180] =	vst v7  }
0x2c8: {  	v7 =	vld [tilespmem:s0+$0x6180];
	_ =	sdelay $0x4  }
0x2c9: {  	v6 =	vmul.f32 v8, v6;
	v5 =	vmul.f32 v7, v5;
	_ =	sdelay $0x1  }
0x2ca: {  	v5 =	vadd.f32 v6, v5;
	_ =	sdelay $0x1  }
0x2cb: {  	[tilespmem:s0+$0x6180] =	vst v5;
	s0 =	simm.s32 $0x0  }
0x2cc: {  	s2 =	sand.u32 $0x70, s0;
	s0 =	sand.u32 $0x1C00, s0  }
0x2cd: {  	s29 =	sor.u32 s0, s2  }
0x2ce: {  	v7 =	vld [tilespmem:s29+$0xE200]  }
0x2cf: {  	v8 =	vld [tilespmem:s29+$0x6200];
	_ =	sdelay $0x2  }
0x2d0: {  	v6 =	vbroadcast v4, $0xC;
	v5 =	vbroadcast v3, $0xC;
	_ =	sdelay $0x1  }
0x2d1: {  	v8 =	vmul.f32 v8, v5;
	v7 =	vmul.f32 v7, v6  }
0x2d2: {  	s30 =	simm.s32 $0x80;
	s2 =	simm.s32 $0x10  }
0x2d3: {  	s0 =	sand.u32 $0x70, s2;
	s2 =	sand.u32 $0x1C00, s30;
	v7 =	vadd.f32 v7, v8  }
0x2d4: {  	s31 =	simm.s32 $0x20;
	s0 =	sor.u32 s2, s0  }
.LBB2_58:
0x2d5: {  	p0 =	seq.s32 s31, $0x3F0;
	v8 =	vld [tilespmem:s0+$0xE200];
	[tilespmem:s29+$0x6200] =	vst v7;
	s29 =	smov.u32 s0  }
0x2d6: {  	v7 =	vld [tilespmem:s29+$0x6200];
	_ =	sdelay $0x3  }
.Ltmp28:
0x2d7: {  	(pc) =	sbr.rel @!p0 .LBB2_58-.Ltmp28, $4  }
0x2d8: {  	v8 =	vmul.f32 v8, v6;
	v7 =	vmul.f32 v7, v5  }
0x2d9: {  	s30 =	sadd.s32 $0x80, s30  }
0x2da: {  	s0 =	sand.u32 $0x70, s31;
	s2 =	sand.u32 $0x1C00, s30;
	v7 =	vadd.f32 v8, v7  }
0x2db: {  	s31 =	sadd.s32 $0x10, s31;
	s0 =	sor.u32 s2, s0  }
0x2dc: {  	v8 =	vld [tilespmem:s0+$0xE200];
	[tilespmem:s29+$0x6200] =	vst v7  }
0x2dd: {  	v7 =	vld [tilespmem:s0+$0x6200];
	_ =	sdelay $0x4  }
0x2de: {  	v6 =	vmul.f32 v8, v6;
	v5 =	vmul.f32 v7, v5;
	_ =	sdelay $0x1  }
0x2df: {  	v5 =	vadd.f32 v6, v5;
	_ =	sdelay $0x1  }
0x2e0: {  	[tilespmem:s0+$0x6200] =	vst v5;
	s0 =	simm.s32 $0x0  }
0x2e1: {  	s2 =	sand.u32 $0x70, s0;
	s0 =	sand.u32 $0x1C00, s0  }
0x2e2: {  	s29 =	sor.u32 s0, s2  }
0x2e3: {  	v7 =	vld [tilespmem:s29+$0xE280]  }
0x2e4: {  	v8 =	vld [tilespmem:s29+$0x6280];
	_ =	sdelay $0x2  }
0x2e5: {  	v6 =	vbroadcast v4, $0xD;
	v5 =	vbroadcast v3, $0xD;
	_ =	sdelay $0x1  }
0x2e6: {  	v8 =	vmul.f32 v8, v5;
	v7 =	vmul.f32 v7, v6  }
0x2e7: {  	s30 =	simm.s32 $0x80;
	s2 =	simm.s32 $0x10  }
0x2e8: {  	s0 =	sand.u32 $0x70, s2;
	s2 =	sand.u32 $0x1C00, s30;
	v7 =	vadd.f32 v7, v8  }
0x2e9: {  	s31 =	simm.s32 $0x20;
	s0 =	sor.u32 s2, s0  }
.LBB2_60:
0x2ea: {  	p0 =	seq.s32 s31, $0x3F0;
	v8 =	vld [tilespmem:s0+$0xE280];
	[tilespmem:s29+$0x6280] =	vst v7;
	s29 =	smov.u32 s0  }
0x2eb: {  	v7 =	vld [tilespmem:s29+$0x6280];
	_ =	sdelay $0x3  }
.Ltmp29:
0x2ec: {  	(pc) =	sbr.rel @!p0 .LBB2_60-.Ltmp29, $4  }
0x2ed: {  	v8 =	vmul.f32 v8, v6;
	v7 =	vmul.f32 v7, v5  }
0x2ee: {  	s30 =	sadd.s32 $0x80, s30  }
0x2ef: {  	s0 =	sand.u32 $0x70, s31;
	s2 =	sand.u32 $0x1C00, s30;
	v7 =	vadd.f32 v8, v7  }
0x2f0: {  	s31 =	sadd.s32 $0x10, s31;
	s0 =	sor.u32 s2, s0  }
0x2f1: {  	v8 =	vld [tilespmem:s0+$0xE280];
	[tilespmem:s29+$0x6280] =	vst v7  }
0x2f2: {  	v7 =	vld [tilespmem:s0+$0x6280];
	_ =	sdelay $0x4  }
0x2f3: {  	v6 =	vmul.f32 v8, v6;
	v5 =	vmul.f32 v7, v5;
	_ =	sdelay $0x1  }
0x2f4: {  	v5 =	vadd.f32 v6, v5;
	_ =	sdelay $0x1  }
0x2f5: {  	[tilespmem:s0+$0x6280] =	vst v5;
	s0 =	simm.s32 $0x0  }
0x2f6: {  	s2 =	sand.u32 $0x70, s0;
	s0 =	sand.u32 $0x1C00, s0  }
0x2f7: {  	s29 =	sor.u32 s0, s2  }
0x2f8: {  	v7 =	vld [tilespmem:s29+$0xE300]  }
0x2f9: {  	v8 =	vld [tilespmem:s29+$0x6300];
	_ =	sdelay $0x2  }
0x2fa: {  	v6 =	vbroadcast v4, $0xE;
	v5 =	vbroadcast v3, $0xE;
	_ =	sdelay $0x1  }
0x2fb: {  	v8 =	vmul.f32 v8, v5;
	v7 =	vmul.f32 v7, v6  }
0x2fc: {  	s30 =	simm.s32 $0x80;
	s2 =	simm.s32 $0x10  }
0x2fd: {  	s0 =	sand.u32 $0x70, s2;
	s2 =	sand.u32 $0x1C00, s30;
	v7 =	vadd.f32 v7, v8  }
0x2fe: {  	s31 =	simm.s32 $0x20;
	s0 =	sor.u32 s2, s0  }
.LBB2_62:
0x2ff: {  	p0 =	seq.s32 s31, $0x3F0;
	v8 =	vld [tilespmem:s0+$0xE300];
	[tilespmem:s29+$0x6300] =	vst v7;
	s29 =	smov.u32 s0  }
0x300: {  	v7 =	vld [tilespmem:s29+$0x6300];
	_ =	sdelay $0x3  }
.Ltmp30:
0x301: {  	(pc) =	sbr.rel @!p0 .LBB2_62-.Ltmp30, $4  }
0x302: {  	v8 =	vmul.f32 v8, v6;
	v7 =	vmul.f32 v7, v5  }
0x303: {  	s30 =	sadd.s32 $0x80, s30  }
0x304: {  	s0 =	sand.u32 $0x70, s31;
	s2 =	sand.u32 $0x1C00, s30;
	v7 =	vadd.f32 v8, v7  }
0x305: {  	s31 =	sadd.s32 $0x10, s31;
	s0 =	sor.u32 s2, s0  }
0x306: {  	v8 =	vld [tilespmem:s0+$0xE300];
	[tilespmem:s29+$0x6300] =	vst v7  }
0x307: {  	v7 =	vld [tilespmem:s0+$0x6300];
	_ =	sdelay $0x4  }
0x308: {  	v6 =	vmul.f32 v8, v6;
	v5 =	vmul.f32 v7, v5;
	_ =	sdelay $0x1  }
0x309: {  	v5 =	vadd.f32 v6, v5  }
0x30a: {  	s2 =	simm.s32 $0x0  }
0x30b: {  	[tilespmem:s0+$0x6300] =	vst v5;
	s0 =	sor.u32 s2, s2  }
0x30c: {  	s29 =	sor.u32 $0x6380, s0  }
0x30d: {  	v5 =	vld [tilespmem:s29+$0x8000]  }
0x30e: {  	v6 =	vld [tilespmem:s29+$0x0];
	_ =	sdelay $0x2  }
0x30f: {  	v3 =	vbroadcast v3, $0xF;
	v4 =	vbroadcast v4, $0xF;
	_ =	sdelay $0x1  }
0x310: {  	v6 =	vmul.f32 v6, v3;
	v5 =	vmul.f32 v5, v4  }
0x311: {  	s30 =	simm.s32 $0x80;
	s2 =	simm.s32 $0x10  }
0x312: {  	s0 =	sor.u32 s30, s2;
	v5 =	vadd.f32 v5, v6  }
0x313: {  	s31 =	simm.s32 $0x20;
	s0 =	sor.u32 $0x6380, s0  }
.LBB2_64:
0x314: {  	p0 =	sne.s32 s31, $0x3F0;
	v6 =	vld [tilespmem:s0+$0x8000];
	[tilespmem:s29+$0x0] =	vst v5;
	s29 =	smov.u32 s0  }
0x315: {  	v5 =	vld [tilespmem:s29+$0x0];
	_ =	sdelay $0x3  }
.Ltmp31:
0x316: {  	(pc) =	sbr.rel @p0 .LBB2_64-.Ltmp31, $4  }
0x317: {  	v6 =	vmul.f32 v6, v4;
	v5 =	vmul.f32 v5, v3  }
0x318: {  	s30 =	sadd.s32 $0x80, s30  }
0x319: {  	s0 =	sor.u32 s30, s31;
	v5 =	vadd.f32 v6, v5  }
0x31a: {  	s31 =	sadd.s32 $0x10, s31;
	s0 =	sor.u32 $0x6380, s0  }
0x31b: {  	v6 =	vld [tilespmem:s0+$0x8000];
	[tilespmem:s29+$0x0] =	vst v5  }
0x31c: {  	v5 =	vld [tilespmem:s0+$0x0];
	_ =	sdelay $0x4  }
0x31d: {  	v4 =	vmul.f32 v6, v4;
	v3 =	vmul.f32 v5, v3;
	_ =	sdelay $0x1  }
0x31e: {  	v3 =	vadd.f32 v4, v3;
	_ =	sdelay $0x1  }
0x31f: {  	s29 =	simm.s32 $0x0;
	[tilespmem:s0+$0x0] =	vst v3  }
0x320: {  	[hbm4b:s11+s29] =	stream.linear.scatter [tilespmem:s29], [sflag:$0x2], $0x8000, $0x38;
	[tilespmem:$0x10200] =	vst v63  }
0x321: {  	_ =	swait.ge [sflag:s19], $0x8000  }
0x322: {  	[sflag:s19] =	ssyncset.done $0x0  }
0x323: {  	s2 =	simm.s32 $0x10000;
	[sflag:s19] =	ssyncadd.s32 $0xFFFF8000  }
0x324: {  	[tilespmem:s2], [sflag:$0x2] =	stream.linear.gather [hbm4b:s12+s29], $0x20, $0x38;
	[tilespmem:$0x10200] =	vst v63  }
0x325: {  	_ =	swait.ge [sflag:s19], $0x20  }
0x326: {  	[sflag:s19] =	ssyncset.done $0x0  }
0x327: {  	s2 =	simm.s32 $0x10080;
	[sflag:s19] =	ssyncadd.s32 $0xFFFFFFE0  }
0x328: {  	[tilespmem:s2], [sflag:$0x2] =	stream.linear.gather [hbm4b:s13+s29], $0x20, $0x38;
	[tilespmem:$0x10200] =	vst v63  }
0x329: {  	_ =	swait.ge [sflag:s19], $0x20  }
0x32a: {  	[sflag:s19] =	ssyncset.done $0x0  }
0x32b: {  	s2 =	simm.s32 $0x10100;
	[sflag:s19] =	ssyncadd.s32 $0xFFFFFFE0  }
0x32c: {  	[tilespmem:s2], [sflag:$0x2] =	stream.linear.gather [hbm4b:s14+s29], $0x20, $0x38;
	[tilespmem:$0x10200] =	vst v63  }
0x32d: {  	_ =	swait.ge [sflag:s19], $0x20  }
0x32e: {  	[sflag:s19] =	ssyncset.done $0x0  }
0x32f: {  	s2 =	simm.s32 $0x10180;
	[sflag:s19] =	ssyncadd.s32 $0xFFFFFFE0  }
0x330: {  	[tilespmem:s2], [sflag:$0x2] =	stream.linear.gather [hbm4b:s15+s29], $0x20, $0x38;
	[tilespmem:$0x10200] =	vst v63  }
0x331: {  	_ =	swait.ge [sflag:s19], $0x20  }
0x332: {  	[sflag:s19] =	ssyncset.done $0x0  }
0x333: {  	[sflag:s19] =	ssyncadd.s32 $0xFFFFFFE0  }
0x334: {  	v3 =	vld [tilespmem:$0x10000];
	_ =	sdelay $0x4  }
0x335: {  	v4 =	vshll.u32 v3, $0x3  }
0x336: {  	v3 =	vand.u32 $0x7, v3;
	v4 =	vand.u32 $0xFFFFFFC0, v4  }
0x337: {  	v3 =	vor.u32 v3, v4  }
0x338: {  	v4 =	vperm.xlane v3, v0;
	_ =	sdelay $0x1  }
0x339: {  	v4 =	vadd.s32 v1, v4;
	_ =	sdelay $0x4  }
0x33a: {  	[tilespmem:s29], [sflag:$0x1] =	stream.indirect_vreg.gather [hbm4b:s3+s29], $0x80, v4, vm0, $0xb8;
	[tilespmem:$0x10200] =	vst v63  }
0x33b: {  	s2 =	simm.s32 $0x800;
	v3 =	vperm.xlane v3, v2  }
0x33c: {  	[tilespmem:s2], [sflag:$0x1] =	stream.indirect_vreg.gather [hbm4b:s8+s29], $0x80, v4, vm0, $0xb8;
	[tilespmem:$0x10200] =	vst v63  }
0x33d: {  	v3 =	vadd.s32 v1, v3;
	s2 =	simm.s32 $0x1000  }
0x33e: {  	[tilespmem:s2], [sflag:$0x1] =	stream.indirect_vreg.gather [hbm4b:s9+s29], $0x80, v4, vm0, $0xb8;
	[tilespmem:$0x10200] =	vst v63  }
0x33f: {  	s2 =	simm.s32 $0x1800  }
0x340: {  	[tilespmem:s2], [sflag:$0x1] =	stream.indirect_vreg.gather [hbm4b:s10+s29], $0x80, v4, vm0, $0xb8;
	[tilespmem:$0x10200] =	vst v63  }
0x341: {  	s2 =	simm.s32 $0x2000  }
0x342: {  	[tilespmem:s2], [sflag:$0x1] =	stream.indirect_vreg.gather [hbm4b:s3+s29], $0x80, v3, vm0, $0xb8;
	[tilespmem:$0x10200] =	vst v63  }
0x343: {  	s2 =	simm.s32 $0x2800  }
0x344: {  	[tilespmem:s2], [sflag:$0x1] =	stream.indirect_vreg.gather [hbm4b:s8+s29], $0x80, v3, vm0, $0xb8;
	[tilespmem:$0x10200] =	vst v63  }
0x345: {  	s2 =	simm.s32 $0x3000  }
0x346: {  	[tilespmem:s2], [sflag:$0x1] =	stream.indirect_vreg.gather [hbm4b:s9+s29], $0x80, v3, vm0, $0xb8;
	[tilespmem:$0x10200] =	vst v63  }
0x347: {  	s2 =	simm.s32 $0x3800  }
0x348: {  	[tilespmem:s2], [sflag:$0x1] =	stream.indirect_vreg.gather [hbm4b:s10+s29], $0x80, v3, vm0, $0xb8;
	[tilespmem:$0x10200] =	vst v63  }
0x349: {  	v3 =	vld [tilespmem:$0x10010];
	_ =	sdelay $0x4  }
0x34a: {  	v4 =	vshll.u32 v3, $0x3  }
0x34b: {  	v3 =	vand.u32 $0x7, v3;
	v4 =	vand.u32 $0xFFFFFFC0, v4  }
0x34c: {  	v3 =	vor.u32 v3, v4  }
0x34d: {  	v4 =	vperm.xlane v3, v0;
	_ =	sdelay $0x1  }
0x34e: {  	v4 =	vadd.s32 v1, v4;
	_ =	sdelay $0x3  }
0x34f: {  	s2 =	simm.s32 $0x4000  }
0x350: {  	[tilespmem:s2], [sflag:$0x1] =	stream.indirect_vreg.gather [hbm4b:s3+s29], $0x80, v4, vm0, $0xb8;
	[tilespmem:$0x10200] =	vst v63  }
0x351: {  	v3 =	vperm.xlane v3, v2;
	s2 =	simm.s32 $0x4800  }
0x352: {  	[tilespmem:s2], [sflag:$0x1] =	stream.indirect_vreg.gather [hbm4b:s8+s29], $0x80, v4, vm0, $0xb8;
	[tilespmem:$0x10200] =	vst v63  }
0x353: {  	v3 =	vadd.s32 v1, v3;
	s2 =	simm.s32 $0x5000  }
0x354: {  	[tilespmem:s2], [sflag:$0x1] =	stream.indirect_vreg.gather [hbm4b:s9+s29], $0x80, v4, vm0, $0xb8;
	[tilespmem:$0x10200] =	vst v63  }
0x355: {  	s2 =	simm.s32 $0x5800  }
0x356: {  	[tilespmem:s2], [sflag:$0x1] =	stream.indirect_vreg.gather [hbm4b:s10+s29], $0x80, v4, vm0, $0xb8;
	[tilespmem:$0x10200] =	vst v63  }
0x357: {  	s2 =	simm.s32 $0x6000  }
0x358: {  	[tilespmem:s2], [sflag:$0x1] =	stream.indirect_vreg.gather [hbm4b:s3+s29], $0x80, v3, vm0, $0xb8;
	[tilespmem:$0x10200] =	vst v63  }
0x359: {  	s2 =	simm.s32 $0x6800  }
0x35a: {  	[tilespmem:s2], [sflag:$0x1] =	stream.indirect_vreg.gather [hbm4b:s8+s29], $0x80, v3, vm0, $0xb8;
	[tilespmem:$0x10200] =	vst v63  }
0x35b: {  	s2 =	simm.s32 $0x7000  }
0x35c: {  	[tilespmem:s2], [sflag:$0x1] =	stream.indirect_vreg.gather [hbm4b:s9+s29], $0x80, v3, vm0, $0xb8;
	[tilespmem:$0x10200] =	vst v63  }
0x35d: {  	s2 =	simm.s32 $0x7800  }
0x35e: {  	[tilespmem:s2], [sflag:$0x1] =	stream.indirect_vreg.gather [hbm4b:s10+s29], $0x80, v3, vm0, $0xb8;
	[tilespmem:$0x10200] =	vst v63  }
0x35f: {  	v3 =	vld [tilespmem:$0x10080];
	_ =	sdelay $0x4  }
0x360: {  	v4 =	vshll.u32 v3, $0x3  }
0x361: {  	v3 =	vand.u32 $0x7, v3;
	v4 =	vand.u32 $0xFFFFFFC0, v4  }
0x362: {  	v3 =	vor.u32 v3, v4  }
0x363: {  	v4 =	vperm.xlane v3, v0;
	_ =	sdelay $0x1  }
0x364: {  	v4 =	vadd.s32 v1, v4;
	_ =	sdelay $0x3  }
0x365: {  	s2 =	simm.s32 $0x8000  }
0x366: {  	[tilespmem:s2], [sflag:$0x1] =	stream.indirect_vreg.gather [hbm4b:s3+s29], $0x80, v4, vm0, $0xb8;
	[tilespmem:$0x10200] =	vst v63  }
0x367: {  	v3 =	vperm.xlane v3, v2;
	s2 =	simm.s32 $0x8800  }
0x368: {  	[tilespmem:s2], [sflag:$0x1] =	stream.indirect_vreg.gather [hbm4b:s8+s29], $0x80, v4, vm0, $0xb8;
	[tilespmem:$0x10200] =	vst v63  }
0x369: {  	v3 =	vadd.s32 v1, v3;
	s2 =	simm.s32 $0x9000  }
0x36a: {  	[tilespmem:s2], [sflag:$0x1] =	stream.indirect_vreg.gather [hbm4b:s9+s29], $0x80, v4, vm0, $0xb8;
	[tilespmem:$0x10200] =	vst v63  }
0x36b: {  	s2 =	simm.s32 $0x9800  }
0x36c: {  	[tilespmem:s2], [sflag:$0x1] =	stream.indirect_vreg.gather [hbm4b:s10+s29], $0x80, v4, vm0, $0xb8;
	[tilespmem:$0x10200] =	vst v63  }
0x36d: {  	s2 =	simm.s32 $0xA000  }
0x36e: {  	[tilespmem:s2], [sflag:$0x1] =	stream.indirect_vreg.gather [hbm4b:s3+s29], $0x80, v3, vm0, $0xb8;
	[tilespmem:$0x10200] =	vst v63  }
0x36f: {  	s2 =	simm.s32 $0xA800  }
0x370: {  	[tilespmem:s2], [sflag:$0x1] =	stream.indirect_vreg.gather [hbm4b:s8+s29], $0x80, v3, vm0, $0xb8;
	[tilespmem:$0x10200] =	vst v63  }
0x371: {  	s2 =	simm.s32 $0xB000  }
0x372: {  	[tilespmem:s2], [sflag:$0x1] =	stream.indirect_vreg.gather [hbm4b:s9+s29], $0x80, v3, vm0, $0xb8;
	[tilespmem:$0x10200] =	vst v63  }
0x373: {  	s2 =	simm.s32 $0xB800  }
0x374: {  	[tilespmem:s2], [sflag:$0x1] =	stream.indirect_vreg.gather [hbm4b:s10+s29], $0x80, v3, vm0, $0xb8;
	[tilespmem:$0x10200] =	vst v63  }
0x375: {  	v3 =	vld [tilespmem:$0x10090];
	_ =	sdelay $0x4  }
0x376: {  	v4 =	vshll.u32 v3, $0x3  }
0x377: {  	v3 =	vand.u32 $0x7, v3;
	v4 =	vand.u32 $0xFFFFFFC0, v4  }
0x378: {  	v3 =	vor.u32 v3, v4  }
0x379: {  	v4 =	vperm.xlane v3, v0;
	_ =	sdelay $0x1  }
0x37a: {  	v4 =	vadd.s32 v1, v4;
	_ =	sdelay $0x3  }
0x37b: {  	s2 =	simm.s32 $0xC000  }
0x37c: {  	[tilespmem:s2], [sflag:$0x1] =	stream.indirect_vreg.gather [hbm4b:s3+s29], $0x80, v4, vm0, $0xb8;
	[tilespmem:$0x10200] =	vst v63  }
0x37d: {  	v3 =	vperm.xlane v3, v2  }
0x37e: {  	[tilespmem:s18], [sflag:$0x1] =	stream.indirect_vreg.gather [hbm4b:s8+s29], $0x80, v4, vm0, $0xb8;
	[tilespmem:$0x10200] =	vst v63  }
0x37f: {  	v3 =	vadd.s32 v1, v3  }
0x380: {  	[tilespmem:s20], [sflag:$0x1] =	stream.indirect_vreg.gather [hbm4b:s9+s29], $0x80, v4, vm0, $0xb8;
	[tilespmem:$0x10200] =	vst v63  }
0x381: {  	_ = 	snop  }
0x382: {  	[tilespmem:s21], [sflag:$0x1] =	stream.indirect_vreg.gather [hbm4b:s10+s29], $0x80, v4, vm0, $0xb8;
	[tilespmem:$0x10200] =	vst v63  }
0x383: {  	_ = 	snop  }
0x384: {  	[tilespmem:s22], [sflag:$0x1] =	stream.indirect_vreg.gather [hbm4b:s3+s29], $0x80, v3, vm0, $0xb8;
	[tilespmem:$0x10200] =	vst v63  }
0x385: {  	_ = 	snop  }
0x386: {  	[tilespmem:s23], [sflag:$0x1] =	stream.indirect_vreg.gather [hbm4b:s8+s29], $0x80, v3, vm0, $0xb8;
	[tilespmem:$0x10200] =	vst v63  }
0x387: {  	_ = 	snop  }
0x388: {  	[tilespmem:s24], [sflag:$0x1] =	stream.indirect_vreg.gather [hbm4b:s9+s29], $0x80, v3, vm0, $0xb8;
	[tilespmem:$0x10200] =	vst v63  }
0x389: {  	_ = 	snop  }
0x38a: {  	[tilespmem:s25], [sflag:$0x1] =	stream.indirect_vreg.gather [hbm4b:s10+s29], $0x80, v3, vm0, $0xb8;
	[tilespmem:$0x10200] =	vst v63  }
0x38b: {  	_ =	swait.ge [sflag:s26], $0x8000  }
0x38c: {  	[sflag:s26] =	ssyncset.done $0x0  }
0x38d: {  	[sflag:s26] =	ssyncadd.s32 $0xFFFF8000  }
0x38e: {  	_ =	swait.ge [sflag:s26], $0x8000  }
0x38f: {  	[sflag:s26] =	ssyncset.done $0x0  }
0x390: {  	[sflag:s26] =	ssyncadd.s32 $0xFFFF8000  }
0x391: {  	s0 =	sand.u32 $0x70, s29;
	s2 =	sand.u32 $0x1C00, s29;
	v3 =	vld [tilespmem:$0x10100]  }
0x392: {  	s29 =	sor.u32 s0, s2;
	v4 =	vld [tilespmem:$0x10180]  }
0x393: {  	v7 =	vld [tilespmem:s29+$0x8000]  }
0x394: {  	v8 =	vld [tilespmem:s29+$0x0];
	_ =	sdelay $0x2  }
0x395: {  	v5 =	vbroadcast v3, $0x0;
	v6 =	vbroadcast v4, $0x0;
	_ =	sdelay $0x1  }
0x396: {  	v8 =	vmul.f32 v8, v5;
	v7 =	vmul.f32 v7, v6  }
0x397: {  	s30 =	simm.s32 $0x80;
	s2 =	simm.s32 $0x10  }
0x398: {  	s0 =	sand.u32 $0x70, s2;
	s2 =	sand.u32 $0x1C00, s30;
	v7 =	vadd.f32 v7, v8  }
0x399: {  	s31 =	simm.s32 $0x20;
	s0 =	sor.u32 s0, s2  }
.LBB2_66:
0x39a: {  	p0 =	seq.s32 s31, $0x3F0;
	v8 =	vld [tilespmem:s0+$0x8000];
	[tilespmem:s29+$0x0] =	vst v7;
	s29 =	smov.u32 s0  }
0x39b: {  	v7 =	vld [tilespmem:s29+$0x0];
	_ =	sdelay $0x3  }
.Ltmp32:
0x39c: {  	(pc) =	sbr.rel @!p0 .LBB2_66-.Ltmp32, $4  }
0x39d: {  	v8 =	vmul.f32 v8, v6;
	v7 =	vmul.f32 v7, v5  }
0x39e: {  	s30 =	sadd.s32 $0x80, s30  }
0x39f: {  	s0 =	sand.u32 $0x70, s31;
	s2 =	sand.u32 $0x1C00, s30;
	v7 =	vadd.f32 v8, v7  }
0x3a0: {  	s31 =	sadd.s32 $0x10, s31;
	s0 =	sor.u32 s0, s2  }
0x3a1: {  	v8 =	vld [tilespmem:s0+$0x8000];
	[tilespmem:s29+$0x0] =	vst v7  }
0x3a2: {  	v7 =	vld [tilespmem:s0+$0x0];
	_ =	sdelay $0x4  }
0x3a3: {  	v6 =	vmul.f32 v8, v6;
	v5 =	vmul.f32 v7, v5;
	_ =	sdelay $0x1  }
0x3a4: {  	v5 =	vadd.f32 v6, v5;
	_ =	sdelay $0x1  }
0x3a5: {  	[tilespmem:s0+$0x0] =	vst v5;
	s0 =	simm.s32 $0x0  }
0x3a6: {  	s2 =	sand.u32 $0x70, s0;
	s0 =	sand.u32 $0x1C00, s0  }
0x3a7: {  	s29 =	sor.u32 s0, s2  }
0x3a8: {  	v7 =	vld [tilespmem:s29+$0x8080]  }
0x3a9: {  	v8 =	vld [tilespmem:s29+$0x80];
	_ =	sdelay $0x2  }
0x3aa: {  	v6 =	vbroadcast v4, $0x1;
	v5 =	vbroadcast v3, $0x1;
	_ =	sdelay $0x1  }
0x3ab: {  	v8 =	vmul.f32 v8, v5;
	v7 =	vmul.f32 v7, v6  }
0x3ac: {  	s30 =	simm.s32 $0x80;
	s2 =	simm.s32 $0x10  }
0x3ad: {  	s0 =	sand.u32 $0x70, s2;
	s2 =	sand.u32 $0x1C00, s30;
	v7 =	vadd.f32 v7, v8  }
0x3ae: {  	s31 =	simm.s32 $0x20;
	s0 =	sor.u32 s2, s0  }
.LBB2_68:
0x3af: {  	p0 =	seq.s32 s31, $0x3F0;
	v8 =	vld [tilespmem:s0+$0x8080];
	[tilespmem:s29+$0x80] =	vst v7;
	s29 =	smov.u32 s0  }
0x3b0: {  	v7 =	vld [tilespmem:s29+$0x80];
	_ =	sdelay $0x3  }
.Ltmp33:
0x3b1: {  	(pc) =	sbr.rel @!p0 .LBB2_68-.Ltmp33, $4  }
0x3b2: {  	v8 =	vmul.f32 v8, v6;
	v7 =	vmul.f32 v7, v5  }
0x3b3: {  	s30 =	sadd.s32 $0x80, s30  }
0x3b4: {  	s0 =	sand.u32 $0x70, s31;
	s2 =	sand.u32 $0x1C00, s30;
	v7 =	vadd.f32 v8, v7  }
0x3b5: {  	s31 =	sadd.s32 $0x10, s31;
	s0 =	sor.u32 s2, s0  }
0x3b6: {  	v8 =	vld [tilespmem:s0+$0x8080];
	[tilespmem:s29+$0x80] =	vst v7  }
0x3b7: {  	v7 =	vld [tilespmem:s0+$0x80];
	_ =	sdelay $0x4  }
0x3b8: {  	v6 =	vmul.f32 v8, v6;
	v5 =	vmul.f32 v7, v5;
	_ =	sdelay $0x1  }
0x3b9: {  	v5 =	vadd.f32 v6, v5;
	_ =	sdelay $0x1  }
0x3ba: {  	[tilespmem:s0+$0x80] =	vst v5;
	s0 =	simm.s32 $0x0  }
0x3bb: {  	s2 =	sand.u32 $0x70, s0;
	s0 =	sand.u32 $0x1C00, s0  }
0x3bc: {  	s29 =	sor.u32 s0, s2  }
0x3bd: {  	v7 =	vld [tilespmem:s29+$0x8100]  }
0x3be: {  	v8 =	vld [tilespmem:s29+$0x100];
	_ =	sdelay $0x2  }
0x3bf: {  	v6 =	vbroadcast v4, $0x2;
	v5 =	vbroadcast v3, $0x2;
	_ =	sdelay $0x1  }
0x3c0: {  	v8 =	vmul.f32 v8, v5;
	v7 =	vmul.f32 v7, v6  }
0x3c1: {  	s30 =	simm.s32 $0x80;
	s2 =	simm.s32 $0x10  }
0x3c2: {  	s0 =	sand.u32 $0x70, s2;
	s2 =	sand.u32 $0x1C00, s30;
	v7 =	vadd.f32 v7, v8  }
0x3c3: {  	s31 =	simm.s32 $0x20;
	s0 =	sor.u32 s2, s0  }
.LBB2_70:
0x3c4: {  	p0 =	seq.s32 s31, $0x3F0;
	v8 =	vld [tilespmem:s0+$0x8100];
	[tilespmem:s29+$0x100] =	vst v7;
	s29 =	smov.u32 s0  }
0x3c5: {  	v7 =	vld [tilespmem:s29+$0x100];
	_ =	sdelay $0x3  }
.Ltmp34:
0x3c6: {  	(pc) =	sbr.rel @!p0 .LBB2_70-.Ltmp34, $4  }
0x3c7: {  	v8 =	vmul.f32 v8, v6;
	v7 =	vmul.f32 v7, v5  }
0x3c8: {  	s30 =	sadd.s32 $0x80, s30  }
0x3c9: {  	s0 =	sand.u32 $0x70, s31;
	s2 =	sand.u32 $0x1C00, s30;
	v7 =	vadd.f32 v8, v7  }
0x3ca: {  	s31 =	sadd.s32 $0x10, s31;
	s0 =	sor.u32 s2, s0  }
0x3cb: {  	v8 =	vld [tilespmem:s0+$0x8100];
	[tilespmem:s29+$0x100] =	vst v7  }
0x3cc: {  	v7 =	vld [tilespmem:s0+$0x100];
	_ =	sdelay $0x4  }
0x3cd: {  	v6 =	vmul.f32 v8, v6;
	v5 =	vmul.f32 v7, v5;
	_ =	sdelay $0x1  }
0x3ce: {  	v5 =	vadd.f32 v6, v5;
	_ =	sdelay $0x1  }
0x3cf: {  	[tilespmem:s0+$0x100] =	vst v5;
	s0 =	simm.s32 $0x0  }
0x3d0: {  	s2 =	sand.u32 $0x70, s0;
	s0 =	sand.u32 $0x1C00, s0  }
0x3d1: {  	s29 =	sor.u32 s0, s2  }
0x3d2: {  	v7 =	vld [tilespmem:s29+$0x8180]  }
0x3d3: {  	v8 =	vld [tilespmem:s29+$0x180];
	_ =	sdelay $0x2  }
0x3d4: {  	v6 =	vbroadcast v4, $0x3;
	v5 =	vbroadcast v3, $0x3;
	_ =	sdelay $0x1  }
0x3d5: {  	v8 =	vmul.f32 v8, v5;
	v7 =	vmul.f32 v7, v6  }
0x3d6: {  	s30 =	simm.s32 $0x80;
	s2 =	simm.s32 $0x10  }
0x3d7: {  	s0 =	sand.u32 $0x70, s2;
	s2 =	sand.u32 $0x1C00, s30;
	v7 =	vadd.f32 v7, v8  }
0x3d8: {  	s31 =	simm.s32 $0x20;
	s0 =	sor.u32 s2, s0  }
.LBB2_72:
0x3d9: {  	p0 =	seq.s32 s31, $0x3F0;
	v8 =	vld [tilespmem:s0+$0x8180];
	[tilespmem:s29+$0x180] =	vst v7;
	s29 =	smov.u32 s0  }
0x3da: {  	v7 =	vld [tilespmem:s29+$0x180];
	_ =	sdelay $0x3  }
.Ltmp35:
0x3db: {  	(pc) =	sbr.rel @!p0 .LBB2_72-.Ltmp35, $4  }
0x3dc: {  	v8 =	vmul.f32 v8, v6;
	v7 =	vmul.f32 v7, v5  }
0x3dd: {  	s30 =	sadd.s32 $0x80, s30  }
0x3de: {  	s0 =	sand.u32 $0x70, s31;
	s2 =	sand.u32 $0x1C00, s30;
	v7 =	vadd.f32 v8, v7  }
0x3df: {  	s31 =	sadd.s32 $0x10, s31;
	s0 =	sor.u32 s2, s0  }
0x3e0: {  	v8 =	vld [tilespmem:s0+$0x8180];
	[tilespmem:s29+$0x180] =	vst v7  }
0x3e1: {  	v7 =	vld [tilespmem:s0+$0x180];
	_ =	sdelay $0x4  }
0x3e2: {  	v6 =	vmul.f32 v8, v6;
	v5 =	vmul.f32 v7, v5;
	_ =	sdelay $0x1  }
0x3e3: {  	v5 =	vadd.f32 v6, v5;
	_ =	sdelay $0x1  }
0x3e4: {  	[tilespmem:s0+$0x180] =	vst v5;
	s0 =	simm.s32 $0x0  }
0x3e5: {  	s2 =	sand.u32 $0x70, s0;
	s0 =	sand.u32 $0x1C00, s0  }
0x3e6: {  	s29 =	sor.u32 s0, s2  }
0x3e7: {  	v7 =	vld [tilespmem:s29+$0x8200]  }
0x3e8: {  	v8 =	vld [tilespmem:s29+$0x200];
	_ =	sdelay $0x2  }
0x3e9: {  	v6 =	vbroadcast v4, $0x4;
	v5 =	vbroadcast v3, $0x4;
	_ =	sdelay $0x1  }
0x3ea: {  	v8 =	vmul.f32 v8, v5;
	v7 =	vmul.f32 v7, v6  }
0x3eb: {  	s30 =	simm.s32 $0x80;
	s2 =	simm.s32 $0x10  }
0x3ec: {  	s0 =	sand.u32 $0x70, s2;
	s2 =	sand.u32 $0x1C00, s30;
	v7 =	vadd.f32 v7, v8  }
0x3ed: {  	s31 =	simm.s32 $0x20;
	s0 =	sor.u32 s2, s0  }
.LBB2_74:
0x3ee: {  	p0 =	seq.s32 s31, $0x3F0;
	v8 =	vld [tilespmem:s0+$0x8200];
	[tilespmem:s29+$0x200] =	vst v7;
	s29 =	smov.u32 s0  }
0x3ef: {  	v7 =	vld [tilespmem:s29+$0x200];
	_ =	sdelay $0x3  }
.Ltmp36:
0x3f0: {  	(pc) =	sbr.rel @!p0 .LBB2_74-.Ltmp36, $4  }
0x3f1: {  	v8 =	vmul.f32 v8, v6;
	v7 =	vmul.f32 v7, v5  }
0x3f2: {  	s30 =	sadd.s32 $0x80, s30  }
0x3f3: {  	s0 =	sand.u32 $0x70, s31;
	s2 =	sand.u32 $0x1C00, s30;
	v7 =	vadd.f32 v8, v7  }
0x3f4: {  	s31 =	sadd.s32 $0x10, s31;
	s0 =	sor.u32 s2, s0  }
0x3f5: {  	v8 =	vld [tilespmem:s0+$0x8200];
	[tilespmem:s29+$0x200] =	vst v7  }
0x3f6: {  	v7 =	vld [tilespmem:s0+$0x200];
	_ =	sdelay $0x4  }
0x3f7: {  	v6 =	vmul.f32 v8, v6;
	v5 =	vmul.f32 v7, v5;
	_ =	sdelay $0x1  }
0x3f8: {  	v5 =	vadd.f32 v6, v5;
	_ =	sdelay $0x1  }
0x3f9: {  	[tilespmem:s0+$0x200] =	vst v5;
	s0 =	simm.s32 $0x0  }
0x3fa: {  	s2 =	sand.u32 $0x70, s0;
	s0 =	sand.u32 $0x1C00, s0  }
0x3fb: {  	s29 =	sor.u32 s0, s2  }
0x3fc: {  	v7 =	vld [tilespmem:s29+$0x8280]  }
0x3fd: {  	v8 =	vld [tilespmem:s29+$0x280];
	_ =	sdelay $0x2  }
0x3fe: {  	v6 =	vbroadcast v4, $0x5;
	v5 =	vbroadcast v3, $0x5;
	_ =	sdelay $0x1  }
0x3ff: {  	v8 =	vmul.f32 v8, v5;
	v7 =	vmul.f32 v7, v6  }
0x400: {  	s30 =	simm.s32 $0x80;
	s2 =	simm.s32 $0x10  }
0x401: {  	s0 =	sand.u32 $0x70, s2;
	s2 =	sand.u32 $0x1C00, s30;
	v7 =	vadd.f32 v7, v8  }
0x402: {  	s31 =	simm.s32 $0x20;
	s0 =	sor.u32 s2, s0  }
.LBB2_76:
0x403: {  	p0 =	seq.s32 s31, $0x3F0;
	v8 =	vld [tilespmem:s0+$0x8280];
	[tilespmem:s29+$0x280] =	vst v7;
	s29 =	smov.u32 s0  }
0x404: {  	v7 =	vld [tilespmem:s29+$0x280];
	_ =	sdelay $0x3  }
.Ltmp37:
0x405: {  	(pc) =	sbr.rel @!p0 .LBB2_76-.Ltmp37, $4  }
0x406: {  	v8 =	vmul.f32 v8, v6;
	v7 =	vmul.f32 v7, v5  }
0x407: {  	s30 =	sadd.s32 $0x80, s30  }
0x408: {  	s0 =	sand.u32 $0x70, s31;
	s2 =	sand.u32 $0x1C00, s30;
	v7 =	vadd.f32 v8, v7  }
0x409: {  	s31 =	sadd.s32 $0x10, s31;
	s0 =	sor.u32 s2, s0  }
0x40a: {  	v8 =	vld [tilespmem:s0+$0x8280];
	[tilespmem:s29+$0x280] =	vst v7  }
0x40b: {  	v7 =	vld [tilespmem:s0+$0x280];
	_ =	sdelay $0x4  }
0x40c: {  	v6 =	vmul.f32 v8, v6;
	v5 =	vmul.f32 v7, v5;
	_ =	sdelay $0x1  }
0x40d: {  	v5 =	vadd.f32 v6, v5;
	_ =	sdelay $0x1  }
0x40e: {  	[tilespmem:s0+$0x280] =	vst v5;
	s0 =	simm.s32 $0x0  }
0x40f: {  	s2 =	sand.u32 $0x70, s0;
	s0 =	sand.u32 $0x1C00, s0  }
0x410: {  	s29 =	sor.u32 s0, s2  }
0x411: {  	v7 =	vld [tilespmem:s29+$0x8300]  }
0x412: {  	v8 =	vld [tilespmem:s29+$0x300];
	_ =	sdelay $0x2  }
0x413: {  	v6 =	vbroadcast v4, $0x6;
	v5 =	vbroadcast v3, $0x6;
	_ =	sdelay $0x1  }
0x414: {  	v8 =	vmul.f32 v8, v5;
	v7 =	vmul.f32 v7, v6  }
0x415: {  	s30 =	simm.s32 $0x80;
	s2 =	simm.s32 $0x10  }
0x416: {  	s0 =	sand.u32 $0x70, s2;
	s2 =	sand.u32 $0x1C00, s30;
	v7 =	vadd.f32 v7, v8  }
0x417: {  	s31 =	simm.s32 $0x20;
	s0 =	sor.u32 s2, s0  }
.LBB2_78:
0x418: {  	p0 =	seq.s32 s31, $0x3F0;
	v8 =	vld [tilespmem:s0+$0x8300];
	[tilespmem:s29+$0x300] =	vst v7;
	s29 =	smov.u32 s0  }
0x419: {  	v7 =	vld [tilespmem:s29+$0x300];
	_ =	sdelay $0x3  }
.Ltmp38:
0x41a: {  	(pc) =	sbr.rel @!p0 .LBB2_78-.Ltmp38, $4  }
0x41b: {  	v8 =	vmul.f32 v8, v6;
	v7 =	vmul.f32 v7, v5  }
0x41c: {  	s30 =	sadd.s32 $0x80, s30  }
0x41d: {  	s0 =	sand.u32 $0x70, s31;
	s2 =	sand.u32 $0x1C00, s30;
	v7 =	vadd.f32 v8, v7  }
0x41e: {  	s31 =	sadd.s32 $0x10, s31;
	s0 =	sor.u32 s2, s0  }
0x41f: {  	v8 =	vld [tilespmem:s0+$0x8300];
	[tilespmem:s29+$0x300] =	vst v7  }
0x420: {  	v7 =	vld [tilespmem:s0+$0x300];
	_ =	sdelay $0x4  }
0x421: {  	v6 =	vmul.f32 v8, v6;
	v5 =	vmul.f32 v7, v5;
	_ =	sdelay $0x1  }
0x422: {  	v5 =	vadd.f32 v6, v5  }
0x423: {  	s2 =	simm.s32 $0x0  }
0x424: {  	[tilespmem:s0+$0x300] =	vst v5;
	s0 =	sor.u32 s2, s2  }
0x425: {  	s29 =	sor.u32 $0x380, s0  }
0x426: {  	v7 =	vld [tilespmem:s29+$0x8000]  }
0x427: {  	v8 =	vld [tilespmem:s29+$0x0];
	_ =	sdelay $0x2  }
0x428: {  	v6 =	vbroadcast v4, $0x7;
	v5 =	vbroadcast v3, $0x7;
	_ =	sdelay $0x1  }
0x429: {  	v8 =	vmul.f32 v8, v5;
	v7 =	vmul.f32 v7, v6  }
0x42a: {  	s30 =	simm.s32 $0x80;
	s2 =	simm.s32 $0x10  }
0x42b: {  	s0 =	sor.u32 s30, s2;
	v7 =	vadd.f32 v7, v8  }
0x42c: {  	s31 =	simm.s32 $0x20;
	s0 =	sor.u32 $0x380, s0  }
.LBB2_80:
0x42d: {  	p0 =	seq.s32 s31, $0x3F0;
	v8 =	vld [tilespmem:s0+$0x8000];
	[tilespmem:s29+$0x0] =	vst v7;
	s29 =	smov.u32 s0  }
0x42e: {  	v7 =	vld [tilespmem:s29+$0x0];
	_ =	sdelay $0x3  }
.Ltmp39:
0x42f: {  	(pc) =	sbr.rel @!p0 .LBB2_80-.Ltmp39, $4  }
0x430: {  	v8 =	vmul.f32 v8, v6;
	v7 =	vmul.f32 v7, v5  }
0x431: {  	s30 =	sadd.s32 $0x80, s30  }
0x432: {  	s0 =	sor.u32 s30, s31;
	v7 =	vadd.f32 v8, v7  }
0x433: {  	s31 =	sadd.s32 $0x10, s31;
	s0 =	sor.u32 $0x380, s0  }
0x434: {  	v8 =	vld [tilespmem:s0+$0x8000];
	[tilespmem:s29+$0x0] =	vst v7  }
0x435: {  	v7 =	vld [tilespmem:s0+$0x0];
	_ =	sdelay $0x4  }
0x436: {  	v6 =	vmul.f32 v8, v6;
	v5 =	vmul.f32 v7, v5;
	_ =	sdelay $0x1  }
0x437: {  	v5 =	vadd.f32 v6, v5;
	_ =	sdelay $0x1  }
0x438: {  	[tilespmem:s0+$0x0] =	vst v5;
	s0 =	simm.s32 $0x0  }
0x439: {  	s2 =	sand.u32 $0x70, s0;
	s0 =	sand.u32 $0x1C00, s0  }
0x43a: {  	s29 =	sor.u32 s0, s2  }
0x43b: {  	v7 =	vld [tilespmem:s29+$0xA000]  }
0x43c: {  	v8 =	vld [tilespmem:s29+$0x2000];
	_ =	sdelay $0x2  }
0x43d: {  	v6 =	vbroadcast v4, $0x8;
	v5 =	vbroadcast v3, $0x8;
	_ =	sdelay $0x1  }
0x43e: {  	v8 =	vmul.f32 v8, v5;
	v7 =	vmul.f32 v7, v6  }
0x43f: {  	s30 =	simm.s32 $0x80;
	s2 =	simm.s32 $0x10  }
0x440: {  	s0 =	sand.u32 $0x70, s2;
	s2 =	sand.u32 $0x1C00, s30;
	v7 =	vadd.f32 v7, v8  }
0x441: {  	s31 =	simm.s32 $0x20;
	s0 =	sor.u32 s2, s0  }
.LBB2_82:
0x442: {  	p0 =	seq.s32 s31, $0x3F0;
	v8 =	vld [tilespmem:s0+$0xA000];
	[tilespmem:s29+$0x2000] =	vst v7;
	s29 =	smov.u32 s0  }
0x443: {  	v7 =	vld [tilespmem:s29+$0x2000];
	_ =	sdelay $0x3  }
.Ltmp40:
0x444: {  	(pc) =	sbr.rel @!p0 .LBB2_82-.Ltmp40, $4  }
0x445: {  	v8 =	vmul.f32 v8, v6;
	v7 =	vmul.f32 v7, v5  }
0x446: {  	s30 =	sadd.s32 $0x80, s30  }
0x447: {  	s0 =	sand.u32 $0x70, s31;
	s2 =	sand.u32 $0x1C00, s30;
	v7 =	vadd.f32 v8, v7  }
0x448: {  	s31 =	sadd.s32 $0x10, s31;
	s0 =	sor.u32 s2, s0  }
0x449: {  	v8 =	vld [tilespmem:s0+$0xA000];
	[tilespmem:s29+$0x2000] =	vst v7  }
0x44a: {  	v7 =	vld [tilespmem:s0+$0x2000];
	_ =	sdelay $0x4  }
0x44b: {  	v6 =	vmul.f32 v8, v6;
	v5 =	vmul.f32 v7, v5;
	_ =	sdelay $0x1  }
0x44c: {  	v5 =	vadd.f32 v6, v5;
	_ =	sdelay $0x1  }
0x44d: {  	[tilespmem:s0+$0x2000] =	vst v5;
	s0 =	simm.s32 $0x0  }
0x44e: {  	s2 =	sand.u32 $0x70, s0;
	s0 =	sand.u32 $0x1C00, s0  }
0x44f: {  	s29 =	sor.u32 s0, s2  }
0x450: {  	v7 =	vld [tilespmem:s29+$0xA080]  }
0x451: {  	v8 =	vld [tilespmem:s29+$0x2080];
	_ =	sdelay $0x2  }
0x452: {  	v6 =	vbroadcast v4, $0x9;
	v5 =	vbroadcast v3, $0x9;
	_ =	sdelay $0x1  }
0x453: {  	v8 =	vmul.f32 v8, v5;
	v7 =	vmul.f32 v7, v6  }
0x454: {  	s30 =	simm.s32 $0x80;
	s2 =	simm.s32 $0x10  }
0x455: {  	s0 =	sand.u32 $0x70, s2;
	s2 =	sand.u32 $0x1C00, s30;
	v7 =	vadd.f32 v7, v8  }
0x456: {  	s31 =	simm.s32 $0x20;
	s0 =	sor.u32 s2, s0  }
.LBB2_84:
0x457: {  	p0 =	seq.s32 s31, $0x3F0;
	v8 =	vld [tilespmem:s0+$0xA080];
	[tilespmem:s29+$0x2080] =	vst v7;
	s29 =	smov.u32 s0  }
0x458: {  	v7 =	vld [tilespmem:s29+$0x2080];
	_ =	sdelay $0x3  }
.Ltmp41:
0x459: {  	(pc) =	sbr.rel @!p0 .LBB2_84-.Ltmp41, $4  }
0x45a: {  	v8 =	vmul.f32 v8, v6;
	v7 =	vmul.f32 v7, v5  }
0x45b: {  	s30 =	sadd.s32 $0x80, s30  }
0x45c: {  	s0 =	sand.u32 $0x70, s31;
	s2 =	sand.u32 $0x1C00, s30;
	v7 =	vadd.f32 v8, v7  }
0x45d: {  	s31 =	sadd.s32 $0x10, s31;
	s0 =	sor.u32 s2, s0  }
0x45e: {  	v8 =	vld [tilespmem:s0+$0xA080];
	[tilespmem:s29+$0x2080] =	vst v7  }
0x45f: {  	v7 =	vld [tilespmem:s0+$0x2080];
	_ =	sdelay $0x4  }
0x460: {  	v6 =	vmul.f32 v8, v6;
	v5 =	vmul.f32 v7, v5;
	_ =	sdelay $0x1  }
0x461: {  	v5 =	vadd.f32 v6, v5;
	_ =	sdelay $0x1  }
0x462: {  	[tilespmem:s0+$0x2080] =	vst v5;
	s0 =	simm.s32 $0x0  }
0x463: {  	s2 =	sand.u32 $0x70, s0;
	s0 =	sand.u32 $0x1C00, s0  }
0x464: {  	s29 =	sor.u32 s0, s2  }
0x465: {  	v7 =	vld [tilespmem:s29+$0xA100]  }
0x466: {  	v8 =	vld [tilespmem:s29+$0x2100];
	_ =	sdelay $0x2  }
0x467: {  	v6 =	vbroadcast v4, $0xA;
	v5 =	vbroadcast v3, $0xA;
	_ =	sdelay $0x1  }
0x468: {  	v8 =	vmul.f32 v8, v5;
	v7 =	vmul.f32 v7, v6  }
0x469: {  	s30 =	simm.s32 $0x80;
	s2 =	simm.s32 $0x10  }
0x46a: {  	s0 =	sand.u32 $0x70, s2;
	s2 =	sand.u32 $0x1C00, s30;
	v7 =	vadd.f32 v7, v8  }
0x46b: {  	s31 =	simm.s32 $0x20;
	s0 =	sor.u32 s2, s0  }
.LBB2_86:
0x46c: {  	p0 =	seq.s32 s31, $0x3F0;
	v8 =	vld [tilespmem:s0+$0xA100];
	[tilespmem:s29+$0x2100] =	vst v7;
	s29 =	smov.u32 s0  }
0x46d: {  	v7 =	vld [tilespmem:s29+$0x2100];
	_ =	sdelay $0x3  }
.Ltmp42:
0x46e: {  	(pc) =	sbr.rel @!p0 .LBB2_86-.Ltmp42, $4  }
0x46f: {  	v8 =	vmul.f32 v8, v6;
	v7 =	vmul.f32 v7, v5  }
0x470: {  	s30 =	sadd.s32 $0x80, s30  }
0x471: {  	s0 =	sand.u32 $0x70, s31;
	s2 =	sand.u32 $0x1C00, s30;
	v7 =	vadd.f32 v8, v7  }
0x472: {  	s31 =	sadd.s32 $0x10, s31;
	s0 =	sor.u32 s2, s0  }
0x473: {  	v8 =	vld [tilespmem:s0+$0xA100];
	[tilespmem:s29+$0x2100] =	vst v7  }
0x474: {  	v7 =	vld [tilespmem:s0+$0x2100];
	_ =	sdelay $0x4  }
0x475: {  	v6 =	vmul.f32 v8, v6;
	v5 =	vmul.f32 v7, v5;
	_ =	sdelay $0x1  }
0x476: {  	v5 =	vadd.f32 v6, v5;
	_ =	sdelay $0x1  }
0x477: {  	[tilespmem:s0+$0x2100] =	vst v5;
	s0 =	simm.s32 $0x0  }
0x478: {  	s2 =	sand.u32 $0x70, s0;
	s0 =	sand.u32 $0x1C00, s0  }
0x479: {  	s29 =	sor.u32 s0, s2  }
0x47a: {  	v7 =	vld [tilespmem:s29+$0xA180]  }
0x47b: {  	v8 =	vld [tilespmem:s29+$0x2180];
	_ =	sdelay $0x2  }
0x47c: {  	v6 =	vbroadcast v4, $0xB;
	v5 =	vbroadcast v3, $0xB;
	_ =	sdelay $0x1  }
0x47d: {  	v8 =	vmul.f32 v8, v5;
	v7 =	vmul.f32 v7, v6  }
0x47e: {  	s30 =	simm.s32 $0x80;
	s2 =	simm.s32 $0x10  }
0x47f: {  	s0 =	sand.u32 $0x70, s2;
	s2 =	sand.u32 $0x1C00, s30;
	v7 =	vadd.f32 v7, v8  }
0x480: {  	s31 =	simm.s32 $0x20;
	s0 =	sor.u32 s2, s0  }
.LBB2_88:
0x481: {  	p0 =	seq.s32 s31, $0x3F0;
	v8 =	vld [tilespmem:s0+$0xA180];
	[tilespmem:s29+$0x2180] =	vst v7;
	s29 =	smov.u32 s0  }
0x482: {  	v7 =	vld [tilespmem:s29+$0x2180];
	_ =	sdelay $0x3  }
.Ltmp43:
0x483: {  	(pc) =	sbr.rel @!p0 .LBB2_88-.Ltmp43, $4  }
0x484: {  	v8 =	vmul.f32 v8, v6;
	v7 =	vmul.f32 v7, v5  }
0x485: {  	s30 =	sadd.s32 $0x80, s30  }
0x486: {  	s0 =	sand.u32 $0x70, s31;
	s2 =	sand.u32 $0x1C00, s30;
	v7 =	vadd.f32 v8, v7  }
0x487: {  	s31 =	sadd.s32 $0x10, s31;
	s0 =	sor.u32 s2, s0  }
0x488: {  	v8 =	vld [tilespmem:s0+$0xA180];
	[tilespmem:s29+$0x2180] =	vst v7  }
0x489: {  	v7 =	vld [tilespmem:s0+$0x2180];
	_ =	sdelay $0x4  }
0x48a: {  	v6 =	vmul.f32 v8, v6;
	v5 =	vmul.f32 v7, v5;
	_ =	sdelay $0x1  }
0x48b: {  	v5 =	vadd.f32 v6, v5;
	_ =	sdelay $0x1  }
0x48c: {  	[tilespmem:s0+$0x2180] =	vst v5;
	s0 =	simm.s32 $0x0  }
0x48d: {  	s2 =	sand.u32 $0x70, s0;
	s0 =	sand.u32 $0x1C00, s0  }
0x48e: {  	s29 =	sor.u32 s0, s2  }
0x48f: {  	v7 =	vld [tilespmem:s29+$0xA200]  }
0x490: {  	v8 =	vld [tilespmem:s29+$0x2200];
	_ =	sdelay $0x2  }
0x491: {  	v6 =	vbroadcast v4, $0xC;
	v5 =	vbroadcast v3, $0xC;
	_ =	sdelay $0x1  }
0x492: {  	v8 =	vmul.f32 v8, v5;
	v7 =	vmul.f32 v7, v6  }
0x493: {  	s30 =	simm.s32 $0x80;
	s2 =	simm.s32 $0x10  }
0x494: {  	s0 =	sand.u32 $0x70, s2;
	s2 =	sand.u32 $0x1C00, s30;
	v7 =	vadd.f32 v7, v8  }
0x495: {  	s31 =	simm.s32 $0x20;
	s0 =	sor.u32 s2, s0  }
.LBB2_90:
0x496: {  	p0 =	seq.s32 s31, $0x3F0;
	v8 =	vld [tilespmem:s0+$0xA200];
	[tilespmem:s29+$0x2200] =	vst v7;
	s29 =	smov.u32 s0  }
0x497: {  	v7 =	vld [tilespmem:s29+$0x2200];
	_ =	sdelay $0x3  }
.Ltmp44:
0x498: {  	(pc) =	sbr.rel @!p0 .LBB2_90-.Ltmp44, $4  }
0x499: {  	v8 =	vmul.f32 v8, v6;
	v7 =	vmul.f32 v7, v5  }
0x49a: {  	s30 =	sadd.s32 $0x80, s30  }
0x49b: {  	s0 =	sand.u32 $0x70, s31;
	s2 =	sand.u32 $0x1C00, s30;
	v7 =	vadd.f32 v8, v7  }
0x49c: {  	s31 =	sadd.s32 $0x10, s31;
	s0 =	sor.u32 s2, s0  }
0x49d: {  	v8 =	vld [tilespmem:s0+$0xA200];
	[tilespmem:s29+$0x2200] =	vst v7  }
0x49e: {  	v7 =	vld [tilespmem:s0+$0x2200];
	_ =	sdelay $0x4  }
0x49f: {  	v6 =	vmul.f32 v8, v6;
	v5 =	vmul.f32 v7, v5;
	_ =	sdelay $0x1  }
0x4a0: {  	v5 =	vadd.f32 v6, v5;
	_ =	sdelay $0x1  }
0x4a1: {  	[tilespmem:s0+$0x2200] =	vst v5;
	s0 =	simm.s32 $0x0  }
0x4a2: {  	s2 =	sand.u32 $0x70, s0;
	s0 =	sand.u32 $0x1C00, s0  }
0x4a3: {  	s29 =	sor.u32 s0, s2  }
0x4a4: {  	v7 =	vld [tilespmem:s29+$0xA280]  }
0x4a5: {  	v8 =	vld [tilespmem:s29+$0x2280];
	_ =	sdelay $0x2  }
0x4a6: {  	v6 =	vbroadcast v4, $0xD;
	v5 =	vbroadcast v3, $0xD;
	_ =	sdelay $0x1  }
0x4a7: {  	v8 =	vmul.f32 v8, v5;
	v7 =	vmul.f32 v7, v6  }
0x4a8: {  	s30 =	simm.s32 $0x80;
	s2 =	simm.s32 $0x10  }
0x4a9: {  	s0 =	sand.u32 $0x70, s2;
	s2 =	sand.u32 $0x1C00, s30;
	v7 =	vadd.f32 v7, v8  }
0x4aa: {  	s31 =	simm.s32 $0x20;
	s0 =	sor.u32 s2, s0  }
.LBB2_92:
0x4ab: {  	p0 =	seq.s32 s31, $0x3F0;
	v8 =	vld [tilespmem:s0+$0xA280];
	[tilespmem:s29+$0x2280] =	vst v7;
	s29 =	smov.u32 s0  }
0x4ac: {  	v7 =	vld [tilespmem:s29+$0x2280];
	_ =	sdelay $0x3  }
.Ltmp45:
0x4ad: {  	(pc) =	sbr.rel @!p0 .LBB2_92-.Ltmp45, $4  }
0x4ae: {  	v8 =	vmul.f32 v8, v6;
	v7 =	vmul.f32 v7, v5  }
0x4af: {  	s30 =	sadd.s32 $0x80, s30  }
0x4b0: {  	s0 =	sand.u32 $0x70, s31;
	s2 =	sand.u32 $0x1C00, s30;
	v7 =	vadd.f32 v8, v7  }
0x4b1: {  	s31 =	sadd.s32 $0x10, s31;
	s0 =	sor.u32 s2, s0  }
0x4b2: {  	v8 =	vld [tilespmem:s0+$0xA280];
	[tilespmem:s29+$0x2280] =	vst v7  }
0x4b3: {  	v7 =	vld [tilespmem:s0+$0x2280];
	_ =	sdelay $0x4  }
0x4b4: {  	v6 =	vmul.f32 v8, v6;
	v5 =	vmul.f32 v7, v5;
	_ =	sdelay $0x1  }
0x4b5: {  	v5 =	vadd.f32 v6, v5;
	_ =	sdelay $0x1  }
0x4b6: {  	[tilespmem:s0+$0x2280] =	vst v5;
	s0 =	simm.s32 $0x0  }
0x4b7: {  	s2 =	sand.u32 $0x70, s0;
	s0 =	sand.u32 $0x1C00, s0  }
0x4b8: {  	s29 =	sor.u32 s0, s2  }
0x4b9: {  	v7 =	vld [tilespmem:s29+$0xA300]  }
0x4ba: {  	v8 =	vld [tilespmem:s29+$0x2300];
	_ =	sdelay $0x2  }
0x4bb: {  	v6 =	vbroadcast v4, $0xE;
	v5 =	vbroadcast v3, $0xE;
	_ =	sdelay $0x1  }
0x4bc: {  	v8 =	vmul.f32 v8, v5;
	v7 =	vmul.f32 v7, v6  }
0x4bd: {  	s30 =	simm.s32 $0x80;
	s2 =	simm.s32 $0x10  }
0x4be: {  	s0 =	sand.u32 $0x70, s2;
	s2 =	sand.u32 $0x1C00, s30;
	v7 =	vadd.f32 v7, v8  }
0x4bf: {  	s31 =	simm.s32 $0x20;
	s0 =	sor.u32 s2, s0  }
.LBB2_94:
0x4c0: {  	p0 =	seq.s32 s31, $0x3F0;
	v8 =	vld [tilespmem:s0+$0xA300];
	[tilespmem:s29+$0x2300] =	vst v7;
	s29 =	smov.u32 s0  }
0x4c1: {  	v7 =	vld [tilespmem:s29+$0x2300];
	_ =	sdelay $0x3  }
.Ltmp46:
0x4c2: {  	(pc) =	sbr.rel @!p0 .LBB2_94-.Ltmp46, $4  }
0x4c3: {  	v8 =	vmul.f32 v8, v6;
	v7 =	vmul.f32 v7, v5  }
0x4c4: {  	s30 =	sadd.s32 $0x80, s30  }
0x4c5: {  	s0 =	sand.u32 $0x70, s31;
	s2 =	sand.u32 $0x1C00, s30;
	v7 =	vadd.f32 v8, v7  }
0x4c6: {  	s31 =	sadd.s32 $0x10, s31;
	s0 =	sor.u32 s2, s0  }
0x4c7: {  	v8 =	vld [tilespmem:s0+$0xA300];
	[tilespmem:s29+$0x2300] =	vst v7  }
0x4c8: {  	v7 =	vld [tilespmem:s0+$0x2300];
	_ =	sdelay $0x4  }
0x4c9: {  	v6 =	vmul.f32 v8, v6;
	v5 =	vmul.f32 v7, v5;
	_ =	sdelay $0x1  }
0x4ca: {  	v5 =	vadd.f32 v6, v5  }
0x4cb: {  	s2 =	simm.s32 $0x0  }
0x4cc: {  	[tilespmem:s0+$0x2300] =	vst v5;
	s0 =	sor.u32 s2, s2  }
0x4cd: {  	s29 =	sor.u32 $0x2380, s0  }
0x4ce: {  	v5 =	vld [tilespmem:s29+$0x8000]  }
0x4cf: {  	v6 =	vld [tilespmem:s29+$0x0];
	_ =	sdelay $0x2  }
0x4d0: {  	v3 =	vbroadcast v3, $0xF;
	v4 =	vbroadcast v4, $0xF;
	_ =	sdelay $0x1  }
0x4d1: {  	v6 =	vmul.f32 v6, v3;
	v5 =	vmul.f32 v5, v4  }
0x4d2: {  	s30 =	simm.s32 $0x80;
	s2 =	simm.s32 $0x10  }
0x4d3: {  	s0 =	sor.u32 s30, s2;
	v5 =	vadd.f32 v5, v6  }
0x4d4: {  	s31 =	simm.s32 $0x20;
	s0 =	sor.u32 $0x2380, s0  }
.LBB2_96:
0x4d5: {  	p0 =	sne.s32 s31, $0x3F0;
	v6 =	vld [tilespmem:s0+$0x8000];
	[tilespmem:s29+$0x0] =	vst v5;
	s29 =	smov.u32 s0  }
0x4d6: {  	v5 =	vld [tilespmem:s29+$0x0];
	_ =	sdelay $0x3  }
.Ltmp47:
0x4d7: {  	(pc) =	sbr.rel @p0 .LBB2_96-.Ltmp47, $4  }
0x4d8: {  	v6 =	vmul.f32 v6, v4;
	v5 =	vmul.f32 v5, v3  }
0x4d9: {  	s30 =	sadd.s32 $0x80, s30  }
0x4da: {  	s0 =	sor.u32 s30, s31;
	v5 =	vadd.f32 v6, v5  }
0x4db: {  	s31 =	sadd.s32 $0x10, s31;
	s0 =	sor.u32 $0x2380, s0  }
0x4dc: {  	v6 =	vld [tilespmem:s0+$0x8000];
	[tilespmem:s29+$0x0] =	vst v5  }
0x4dd: {  	v5 =	vld [tilespmem:s0+$0x0];
	_ =	sdelay $0x4  }
0x4de: {  	v4 =	vmul.f32 v6, v4;
	v3 =	vmul.f32 v5, v3;
	_ =	sdelay $0x1  }
0x4df: {  	v3 =	vadd.f32 v4, v3;
	_ =	sdelay $0x1  }
0x4e0: {  	[tilespmem:s0+$0x0] =	vst v3;
	s0 =	simm.s32 $0x0  }
0x4e1: {  	v3 =	vld [tilespmem:$0x10110];
	s2 =	sand.u32 $0x70, s0;
	s0 =	sand.u32 $0x1C00, s0  }
0x4e2: {  	v4 =	vld [tilespmem:$0x10190];
	s29 =	sor.u32 s0, s2  }
0x4e3: {  	v7 =	vld [tilespmem:s29+$0xC000]  }
0x4e4: {  	v8 =	vld [tilespmem:s29+$0x4000];
	_ =	sdelay $0x2  }
0x4e5: {  	v5 =	vbroadcast v3, $0x0;
	v6 =	vbroadcast v4, $0x0;
	_ =	sdelay $0x1  }
0x4e6: {  	v8 =	vmul.f32 v8, v5;
	v7 =	vmul.f32 v7, v6  }
0x4e7: {  	s30 =	simm.s32 $0x80;
	s2 =	simm.s32 $0x10  }
0x4e8: {  	s0 =	sand.u32 $0x70, s2;
	s2 =	sand.u32 $0x1C00, s30;
	v7 =	vadd.f32 v7, v8  }
0x4e9: {  	s31 =	simm.s32 $0x20;
	s0 =	sor.u32 s2, s0  }
.LBB2_98:
0x4ea: {  	p0 =	seq.s32 s31, $0x3F0;
	v8 =	vld [tilespmem:s0+$0xC000];
	[tilespmem:s29+$0x4000] =	vst v7;
	s29 =	smov.u32 s0  }
0x4eb: {  	v7 =	vld [tilespmem:s29+$0x4000];
	_ =	sdelay $0x3  }
.Ltmp48:
0x4ec: {  	(pc) =	sbr.rel @!p0 .LBB2_98-.Ltmp48, $4  }
0x4ed: {  	v8 =	vmul.f32 v8, v6;
	v7 =	vmul.f32 v7, v5  }
0x4ee: {  	s30 =	sadd.s32 $0x80, s30  }
0x4ef: {  	s0 =	sand.u32 $0x70, s31;
	s2 =	sand.u32 $0x1C00, s30;
	v7 =	vadd.f32 v8, v7  }
0x4f0: {  	s31 =	sadd.s32 $0x10, s31;
	s0 =	sor.u32 s2, s0  }
0x4f1: {  	v8 =	vld [tilespmem:s0+$0xC000];
	[tilespmem:s29+$0x4000] =	vst v7  }
0x4f2: {  	v7 =	vld [tilespmem:s0+$0x4000];
	_ =	sdelay $0x4  }
0x4f3: {  	v6 =	vmul.f32 v8, v6;
	v5 =	vmul.f32 v7, v5;
	_ =	sdelay $0x1  }
0x4f4: {  	v5 =	vadd.f32 v6, v5;
	_ =	sdelay $0x1  }
0x4f5: {  	[tilespmem:s0+$0x4000] =	vst v5;
	s0 =	simm.s32 $0x0  }
0x4f6: {  	s2 =	sand.u32 $0x70, s0;
	s0 =	sand.u32 $0x1C00, s0  }
0x4f7: {  	s29 =	sor.u32 s0, s2  }
0x4f8: {  	v7 =	vld [tilespmem:s29+$0xC080]  }
0x4f9: {  	v8 =	vld [tilespmem:s29+$0x4080];
	_ =	sdelay $0x2  }
0x4fa: {  	v6 =	vbroadcast v4, $0x1;
	v5 =	vbroadcast v3, $0x1;
	_ =	sdelay $0x1  }
0x4fb: {  	v8 =	vmul.f32 v8, v5;
	v7 =	vmul.f32 v7, v6  }
0x4fc: {  	s30 =	simm.s32 $0x80;
	s2 =	simm.s32 $0x10  }
0x4fd: {  	s0 =	sand.u32 $0x70, s2;
	s2 =	sand.u32 $0x1C00, s30;
	v7 =	vadd.f32 v7, v8  }
0x4fe: {  	s31 =	simm.s32 $0x20;
	s0 =	sor.u32 s2, s0  }
.LBB2_100:
0x4ff: {  	p0 =	seq.s32 s31, $0x3F0;
	v8 =	vld [tilespmem:s0+$0xC080];
	[tilespmem:s29+$0x4080] =	vst v7;
	s29 =	smov.u32 s0  }
0x500: {  	v7 =	vld [tilespmem:s29+$0x4080];
	_ =	sdelay $0x3  }
.Ltmp49:
0x501: {  	(pc) =	sbr.rel @!p0 .LBB2_100-.Ltmp49, $4  }
0x502: {  	v8 =	vmul.f32 v8, v6;
	v7 =	vmul.f32 v7, v5  }
0x503: {  	s30 =	sadd.s32 $0x80, s30  }
0x504: {  	s0 =	sand.u32 $0x70, s31;
	s2 =	sand.u32 $0x1C00, s30;
	v7 =	vadd.f32 v8, v7  }
0x505: {  	s31 =	sadd.s32 $0x10, s31;
	s0 =	sor.u32 s2, s0  }
0x506: {  	v8 =	vld [tilespmem:s0+$0xC080];
	[tilespmem:s29+$0x4080] =	vst v7  }
0x507: {  	v7 =	vld [tilespmem:s0+$0x4080];
	_ =	sdelay $0x4  }
0x508: {  	v6 =	vmul.f32 v8, v6;
	v5 =	vmul.f32 v7, v5;
	_ =	sdelay $0x1  }
0x509: {  	v5 =	vadd.f32 v6, v5;
	_ =	sdelay $0x1  }
0x50a: {  	[tilespmem:s0+$0x4080] =	vst v5;
	s0 =	simm.s32 $0x0  }
0x50b: {  	s2 =	sand.u32 $0x70, s0;
	s0 =	sand.u32 $0x1C00, s0  }
0x50c: {  	s29 =	sor.u32 s0, s2  }
0x50d: {  	v7 =	vld [tilespmem:s29+$0xC100]  }
0x50e: {  	v8 =	vld [tilespmem:s29+$0x4100];
	_ =	sdelay $0x2  }
0x50f: {  	v6 =	vbroadcast v4, $0x2;
	v5 =	vbroadcast v3, $0x2;
	_ =	sdelay $0x1  }
0x510: {  	v8 =	vmul.f32 v8, v5;
	v7 =	vmul.f32 v7, v6  }
0x511: {  	s30 =	simm.s32 $0x80;
	s2 =	simm.s32 $0x10  }
0x512: {  	s0 =	sand.u32 $0x70, s2;
	s2 =	sand.u32 $0x1C00, s30;
	v7 =	vadd.f32 v7, v8  }
0x513: {  	s31 =	simm.s32 $0x20;
	s0 =	sor.u32 s2, s0  }
.LBB2_102:
0x514: {  	p0 =	seq.s32 s31, $0x3F0;
	v8 =	vld [tilespmem:s0+$0xC100];
	[tilespmem:s29+$0x4100] =	vst v7;
	s29 =	smov.u32 s0  }
0x515: {  	v7 =	vld [tilespmem:s29+$0x4100];
	_ =	sdelay $0x3  }
.Ltmp50:
0x516: {  	(pc) =	sbr.rel @!p0 .LBB2_102-.Ltmp50, $4  }
0x517: {  	v8 =	vmul.f32 v8, v6;
	v7 =	vmul.f32 v7, v5  }
0x518: {  	s30 =	sadd.s32 $0x80, s30  }
0x519: {  	s0 =	sand.u32 $0x70, s31;
	s2 =	sand.u32 $0x1C00, s30;
	v7 =	vadd.f32 v8, v7  }
0x51a: {  	s31 =	sadd.s32 $0x10, s31;
	s0 =	sor.u32 s2, s0  }
0x51b: {  	v8 =	vld [tilespmem:s0+$0xC100];
	[tilespmem:s29+$0x4100] =	vst v7  }
0x51c: {  	v7 =	vld [tilespmem:s0+$0x4100];
	_ =	sdelay $0x4  }
0x51d: {  	v6 =	vmul.f32 v8, v6;
	v5 =	vmul.f32 v7, v5;
	_ =	sdelay $0x1  }
0x51e: {  	v5 =	vadd.f32 v6, v5;
	_ =	sdelay $0x1  }
0x51f: {  	[tilespmem:s0+$0x4100] =	vst v5;
	s0 =	simm.s32 $0x0  }
0x520: {  	s2 =	sand.u32 $0x70, s0;
	s0 =	sand.u32 $0x1C00, s0  }
0x521: {  	s29 =	sor.u32 s0, s2  }
0x522: {  	v7 =	vld [tilespmem:s29+$0xC180]  }
0x523: {  	v8 =	vld [tilespmem:s29+$0x4180];
	_ =	sdelay $0x2  }
0x524: {  	v6 =	vbroadcast v4, $0x3;
	v5 =	vbroadcast v3, $0x3;
	_ =	sdelay $0x1  }
0x525: {  	v8 =	vmul.f32 v8, v5;
	v7 =	vmul.f32 v7, v6  }
0x526: {  	s30 =	simm.s32 $0x80;
	s2 =	simm.s32 $0x10  }
0x527: {  	s0 =	sand.u32 $0x70, s2;
	s2 =	sand.u32 $0x1C00, s30;
	v7 =	vadd.f32 v7, v8  }
0x528: {  	s31 =	simm.s32 $0x20;
	s0 =	sor.u32 s2, s0  }
.LBB2_104:
0x529: {  	p0 =	seq.s32 s31, $0x3F0;
	v8 =	vld [tilespmem:s0+$0xC180];
	[tilespmem:s29+$0x4180] =	vst v7;
	s29 =	smov.u32 s0  }
0x52a: {  	v7 =	vld [tilespmem:s29+$0x4180];
	_ =	sdelay $0x3  }
.Ltmp51:
0x52b: {  	(pc) =	sbr.rel @!p0 .LBB2_104-.Ltmp51, $4  }
0x52c: {  	v8 =	vmul.f32 v8, v6;
	v7 =	vmul.f32 v7, v5  }
0x52d: {  	s30 =	sadd.s32 $0x80, s30  }
0x52e: {  	s0 =	sand.u32 $0x70, s31;
	s2 =	sand.u32 $0x1C00, s30;
	v7 =	vadd.f32 v8, v7  }
0x52f: {  	s31 =	sadd.s32 $0x10, s31;
	s0 =	sor.u32 s2, s0  }
0x530: {  	v8 =	vld [tilespmem:s0+$0xC180];
	[tilespmem:s29+$0x4180] =	vst v7  }
0x531: {  	v7 =	vld [tilespmem:s0+$0x4180];
	_ =	sdelay $0x4  }
0x532: {  	v6 =	vmul.f32 v8, v6;
	v5 =	vmul.f32 v7, v5;
	_ =	sdelay $0x1  }
0x533: {  	v5 =	vadd.f32 v6, v5;
	_ =	sdelay $0x1  }
0x534: {  	[tilespmem:s0+$0x4180] =	vst v5;
	s0 =	simm.s32 $0x0  }
0x535: {  	s2 =	sand.u32 $0x70, s0;
	s0 =	sand.u32 $0x1C00, s0  }
0x536: {  	s29 =	sor.u32 s0, s2  }
0x537: {  	v7 =	vld [tilespmem:s29+$0xC200]  }
0x538: {  	v8 =	vld [tilespmem:s29+$0x4200];
	_ =	sdelay $0x2  }
0x539: {  	v6 =	vbroadcast v4, $0x4;
	v5 =	vbroadcast v3, $0x4;
	_ =	sdelay $0x1  }
0x53a: {  	v8 =	vmul.f32 v8, v5;
	v7 =	vmul.f32 v7, v6  }
0x53b: {  	s30 =	simm.s32 $0x80;
	s2 =	simm.s32 $0x10  }
0x53c: {  	s0 =	sand.u32 $0x70, s2;
	s2 =	sand.u32 $0x1C00, s30;
	v7 =	vadd.f32 v7, v8  }
0x53d: {  	s31 =	simm.s32 $0x20;
	s0 =	sor.u32 s2, s0  }
.LBB2_106:
0x53e: {  	p0 =	seq.s32 s31, $0x3F0;
	v8 =	vld [tilespmem:s0+$0xC200];
	[tilespmem:s29+$0x4200] =	vst v7;
	s29 =	smov.u32 s0  }
0x53f: {  	v7 =	vld [tilespmem:s29+$0x4200];
	_ =	sdelay $0x3  }
.Ltmp52:
0x540: {  	(pc) =	sbr.rel @!p0 .LBB2_106-.Ltmp52, $4  }
0x541: {  	v8 =	vmul.f32 v8, v6;
	v7 =	vmul.f32 v7, v5  }
0x542: {  	s30 =	sadd.s32 $0x80, s30  }
0x543: {  	s0 =	sand.u32 $0x70, s31;
	s2 =	sand.u32 $0x1C00, s30;
	v7 =	vadd.f32 v8, v7  }
0x544: {  	s31 =	sadd.s32 $0x10, s31;
	s0 =	sor.u32 s2, s0  }
0x545: {  	v8 =	vld [tilespmem:s0+$0xC200];
	[tilespmem:s29+$0x4200] =	vst v7  }
0x546: {  	v7 =	vld [tilespmem:s0+$0x4200];
	_ =	sdelay $0x4  }
0x547: {  	v6 =	vmul.f32 v8, v6;
	v5 =	vmul.f32 v7, v5;
	_ =	sdelay $0x1  }
0x548: {  	v5 =	vadd.f32 v6, v5;
	_ =	sdelay $0x1  }
0x549: {  	[tilespmem:s0+$0x4200] =	vst v5;
	s0 =	simm.s32 $0x0  }
0x54a: {  	s2 =	sand.u32 $0x70, s0;
	s0 =	sand.u32 $0x1C00, s0  }
0x54b: {  	s29 =	sor.u32 s0, s2  }
0x54c: {  	v7 =	vld [tilespmem:s29+$0xC280]  }
0x54d: {  	v8 =	vld [tilespmem:s29+$0x4280];
	_ =	sdelay $0x2  }
0x54e: {  	v6 =	vbroadcast v4, $0x5;
	v5 =	vbroadcast v3, $0x5;
	_ =	sdelay $0x1  }
0x54f: {  	v8 =	vmul.f32 v8, v5;
	v7 =	vmul.f32 v7, v6  }
0x550: {  	s30 =	simm.s32 $0x80;
	s2 =	simm.s32 $0x10  }
0x551: {  	s0 =	sand.u32 $0x70, s2;
	s2 =	sand.u32 $0x1C00, s30;
	v7 =	vadd.f32 v7, v8  }
0x552: {  	s31 =	simm.s32 $0x20;
	s0 =	sor.u32 s2, s0  }
.LBB2_108:
0x553: {  	p0 =	seq.s32 s31, $0x3F0;
	v8 =	vld [tilespmem:s0+$0xC280];
	[tilespmem:s29+$0x4280] =	vst v7;
	s29 =	smov.u32 s0  }
0x554: {  	v7 =	vld [tilespmem:s29+$0x4280];
	_ =	sdelay $0x3  }
.Ltmp53:
0x555: {  	(pc) =	sbr.rel @!p0 .LBB2_108-.Ltmp53, $4  }
0x556: {  	v8 =	vmul.f32 v8, v6;
	v7 =	vmul.f32 v7, v5  }
0x557: {  	s30 =	sadd.s32 $0x80, s30  }
0x558: {  	s0 =	sand.u32 $0x70, s31;
	s2 =	sand.u32 $0x1C00, s30;
	v7 =	vadd.f32 v8, v7  }
0x559: {  	s31 =	sadd.s32 $0x10, s31;
	s0 =	sor.u32 s2, s0  }
0x55a: {  	v8 =	vld [tilespmem:s0+$0xC280];
	[tilespmem:s29+$0x4280] =	vst v7  }
0x55b: {  	v7 =	vld [tilespmem:s0+$0x4280];
	_ =	sdelay $0x4  }
0x55c: {  	v6 =	vmul.f32 v8, v6;
	v5 =	vmul.f32 v7, v5;
	_ =	sdelay $0x1  }
0x55d: {  	v5 =	vadd.f32 v6, v5;
	_ =	sdelay $0x1  }
0x55e: {  	[tilespmem:s0+$0x4280] =	vst v5;
	s0 =	simm.s32 $0x0  }
0x55f: {  	s2 =	sand.u32 $0x70, s0;
	s0 =	sand.u32 $0x1C00, s0  }
0x560: {  	s29 =	sor.u32 s0, s2  }
0x561: {  	v7 =	vld [tilespmem:s29+$0xC300]  }
0x562: {  	v8 =	vld [tilespmem:s29+$0x4300];
	_ =	sdelay $0x2  }
0x563: {  	v6 =	vbroadcast v4, $0x6;
	v5 =	vbroadcast v3, $0x6;
	_ =	sdelay $0x1  }
0x564: {  	v8 =	vmul.f32 v8, v5;
	v7 =	vmul.f32 v7, v6  }
0x565: {  	s30 =	simm.s32 $0x80;
	s2 =	simm.s32 $0x10  }
0x566: {  	s0 =	sand.u32 $0x70, s2;
	s2 =	sand.u32 $0x1C00, s30;
	v7 =	vadd.f32 v7, v8  }
0x567: {  	s31 =	simm.s32 $0x20;
	s0 =	sor.u32 s2, s0  }
.LBB2_110:
0x568: {  	p0 =	seq.s32 s31, $0x3F0;
	v8 =	vld [tilespmem:s0+$0xC300];
	[tilespmem:s29+$0x4300] =	vst v7;
	s29 =	smov.u32 s0  }
0x569: {  	v7 =	vld [tilespmem:s29+$0x4300];
	_ =	sdelay $0x3  }
.Ltmp54:
0x56a: {  	(pc) =	sbr.rel @!p0 .LBB2_110-.Ltmp54, $4  }
0x56b: {  	v8 =	vmul.f32 v8, v6;
	v7 =	vmul.f32 v7, v5  }
0x56c: {  	s30 =	sadd.s32 $0x80, s30  }
0x56d: {  	s0 =	sand.u32 $0x70, s31;
	s2 =	sand.u32 $0x1C00, s30;
	v7 =	vadd.f32 v8, v7  }
0x56e: {  	s31 =	sadd.s32 $0x10, s31;
	s0 =	sor.u32 s2, s0  }
0x56f: {  	v8 =	vld [tilespmem:s0+$0xC300];
	[tilespmem:s29+$0x4300] =	vst v7  }
0x570: {  	v7 =	vld [tilespmem:s0+$0x4300];
	_ =	sdelay $0x4  }
0x571: {  	v6 =	vmul.f32 v8, v6;
	v5 =	vmul.f32 v7, v5;
	_ =	sdelay $0x1  }
0x572: {  	v5 =	vadd.f32 v6, v5  }
0x573: {  	s2 =	simm.s32 $0x0  }
0x574: {  	[tilespmem:s0+$0x4300] =	vst v5;
	s0 =	sor.u32 s2, s2  }
0x575: {  	s29 =	sor.u32 $0x4380, s0  }
0x576: {  	v7 =	vld [tilespmem:s29+$0x8000]  }
0x577: {  	v8 =	vld [tilespmem:s29+$0x0];
	_ =	sdelay $0x2  }
0x578: {  	v6 =	vbroadcast v4, $0x7;
	v5 =	vbroadcast v3, $0x7;
	_ =	sdelay $0x1  }
0x579: {  	v8 =	vmul.f32 v8, v5;
	v7 =	vmul.f32 v7, v6  }
0x57a: {  	s30 =	simm.s32 $0x80;
	s2 =	simm.s32 $0x10  }
0x57b: {  	s0 =	sor.u32 s30, s2;
	v7 =	vadd.f32 v7, v8  }
0x57c: {  	s31 =	simm.s32 $0x20;
	s0 =	sor.u32 $0x4380, s0  }
.LBB2_112:
0x57d: {  	p0 =	seq.s32 s31, $0x3F0;
	v8 =	vld [tilespmem:s0+$0x8000];
	[tilespmem:s29+$0x0] =	vst v7;
	s29 =	smov.u32 s0  }
0x57e: {  	v7 =	vld [tilespmem:s29+$0x0];
	_ =	sdelay $0x3  }
.Ltmp55:
0x57f: {  	(pc) =	sbr.rel @!p0 .LBB2_112-.Ltmp55, $4  }
0x580: {  	v8 =	vmul.f32 v8, v6;
	v7 =	vmul.f32 v7, v5  }
0x581: {  	s30 =	sadd.s32 $0x80, s30  }
0x582: {  	s0 =	sor.u32 s30, s31;
	v7 =	vadd.f32 v8, v7  }
0x583: {  	s31 =	sadd.s32 $0x10, s31;
	s0 =	sor.u32 $0x4380, s0  }
0x584: {  	v8 =	vld [tilespmem:s0+$0x8000];
	[tilespmem:s29+$0x0] =	vst v7  }
0x585: {  	v7 =	vld [tilespmem:s0+$0x0];
	_ =	sdelay $0x4  }
0x586: {  	v6 =	vmul.f32 v8, v6;
	v5 =	vmul.f32 v7, v5;
	_ =	sdelay $0x1  }
0x587: {  	v5 =	vadd.f32 v6, v5;
	_ =	sdelay $0x1  }
0x588: {  	[tilespmem:s0+$0x0] =	vst v5;
	s0 =	simm.s32 $0x0  }
0x589: {  	s2 =	sand.u32 $0x70, s0;
	s0 =	sand.u32 $0x1C00, s0  }
0x58a: {  	s29 =	sor.u32 s0, s2  }
0x58b: {  	v7 =	vld [tilespmem:s29+$0xE000]  }
0x58c: {  	v8 =	vld [tilespmem:s29+$0x6000];
	_ =	sdelay $0x2  }
0x58d: {  	v6 =	vbroadcast v4, $0x8;
	v5 =	vbroadcast v3, $0x8;
	_ =	sdelay $0x1  }
0x58e: {  	v8 =	vmul.f32 v8, v5;
	v7 =	vmul.f32 v7, v6  }
0x58f: {  	s30 =	simm.s32 $0x80;
	s2 =	simm.s32 $0x10  }
0x590: {  	s0 =	sand.u32 $0x70, s2;
	s2 =	sand.u32 $0x1C00, s30;
	v7 =	vadd.f32 v7, v8  }
0x591: {  	s31 =	simm.s32 $0x20;
	s0 =	sor.u32 s2, s0  }
.LBB2_114:
0x592: {  	p0 =	seq.s32 s31, $0x3F0;
	v8 =	vld [tilespmem:s0+$0xE000];
	[tilespmem:s29+$0x6000] =	vst v7;
	s29 =	smov.u32 s0  }
0x593: {  	v7 =	vld [tilespmem:s29+$0x6000];
	_ =	sdelay $0x3  }
.Ltmp56:
0x594: {  	(pc) =	sbr.rel @!p0 .LBB2_114-.Ltmp56, $4  }
0x595: {  	v8 =	vmul.f32 v8, v6;
	v7 =	vmul.f32 v7, v5  }
0x596: {  	s30 =	sadd.s32 $0x80, s30  }
0x597: {  	s0 =	sand.u32 $0x70, s31;
	s2 =	sand.u32 $0x1C00, s30;
	v7 =	vadd.f32 v8, v7  }
0x598: {  	s31 =	sadd.s32 $0x10, s31;
	s0 =	sor.u32 s2, s0  }
0x599: {  	v8 =	vld [tilespmem:s0+$0xE000];
	[tilespmem:s29+$0x6000] =	vst v7  }
0x59a: {  	v7 =	vld [tilespmem:s0+$0x6000];
	_ =	sdelay $0x4  }
0x59b: {  	v6 =	vmul.f32 v8, v6;
	v5 =	vmul.f32 v7, v5;
	_ =	sdelay $0x1  }
0x59c: {  	v5 =	vadd.f32 v6, v5;
	_ =	sdelay $0x1  }
0x59d: {  	[tilespmem:s0+$0x6000] =	vst v5;
	s0 =	simm.s32 $0x0  }
0x59e: {  	s2 =	sand.u32 $0x70, s0;
	s0 =	sand.u32 $0x1C00, s0  }
0x59f: {  	s29 =	sor.u32 s0, s2  }
0x5a0: {  	v7 =	vld [tilespmem:s29+$0xE080]  }
0x5a1: {  	v8 =	vld [tilespmem:s29+$0x6080];
	_ =	sdelay $0x2  }
0x5a2: {  	v6 =	vbroadcast v4, $0x9;
	v5 =	vbroadcast v3, $0x9;
	_ =	sdelay $0x1  }
0x5a3: {  	v8 =	vmul.f32 v8, v5;
	v7 =	vmul.f32 v7, v6  }
0x5a4: {  	s30 =	simm.s32 $0x80;
	s2 =	simm.s32 $0x10  }
0x5a5: {  	s0 =	sand.u32 $0x70, s2;
	s2 =	sand.u32 $0x1C00, s30;
	v7 =	vadd.f32 v7, v8  }
0x5a6: {  	s31 =	simm.s32 $0x20;
	s0 =	sor.u32 s2, s0  }
.LBB2_116:
0x5a7: {  	p0 =	seq.s32 s31, $0x3F0;
	v8 =	vld [tilespmem:s0+$0xE080];
	[tilespmem:s29+$0x6080] =	vst v7;
	s29 =	smov.u32 s0  }
0x5a8: {  	v7 =	vld [tilespmem:s29+$0x6080];
	_ =	sdelay $0x3  }
.Ltmp57:
0x5a9: {  	(pc) =	sbr.rel @!p0 .LBB2_116-.Ltmp57, $4  }
0x5aa: {  	v8 =	vmul.f32 v8, v6;
	v7 =	vmul.f32 v7, v5  }
0x5ab: {  	s30 =	sadd.s32 $0x80, s30  }
0x5ac: {  	s0 =	sand.u32 $0x70, s31;
	s2 =	sand.u32 $0x1C00, s30;
	v7 =	vadd.f32 v8, v7  }
0x5ad: {  	s31 =	sadd.s32 $0x10, s31;
	s0 =	sor.u32 s2, s0  }
0x5ae: {  	v8 =	vld [tilespmem:s0+$0xE080];
	[tilespmem:s29+$0x6080] =	vst v7  }
0x5af: {  	v7 =	vld [tilespmem:s0+$0x6080];
	_ =	sdelay $0x4  }
0x5b0: {  	v6 =	vmul.f32 v8, v6;
	v5 =	vmul.f32 v7, v5;
	_ =	sdelay $0x1  }
0x5b1: {  	v5 =	vadd.f32 v6, v5;
	_ =	sdelay $0x1  }
0x5b2: {  	[tilespmem:s0+$0x6080] =	vst v5;
	s0 =	simm.s32 $0x0  }
0x5b3: {  	s2 =	sand.u32 $0x70, s0;
	s0 =	sand.u32 $0x1C00, s0  }
0x5b4: {  	s29 =	sor.u32 s0, s2  }
0x5b5: {  	v7 =	vld [tilespmem:s29+$0xE100]  }
0x5b6: {  	v8 =	vld [tilespmem:s29+$0x6100];
	_ =	sdelay $0x2  }
0x5b7: {  	v6 =	vbroadcast v4, $0xA;
	v5 =	vbroadcast v3, $0xA;
	_ =	sdelay $0x1  }
0x5b8: {  	v8 =	vmul.f32 v8, v5;
	v7 =	vmul.f32 v7, v6  }
0x5b9: {  	s30 =	simm.s32 $0x80;
	s2 =	simm.s32 $0x10  }
0x5ba: {  	s0 =	sand.u32 $0x70, s2;
	s2 =	sand.u32 $0x1C00, s30;
	v7 =	vadd.f32 v7, v8  }
0x5bb: {  	s31 =	simm.s32 $0x20;
	s0 =	sor.u32 s2, s0  }
.LBB2_118:
0x5bc: {  	p0 =	seq.s32 s31, $0x3F0;
	v8 =	vld [tilespmem:s0+$0xE100];
	[tilespmem:s29+$0x6100] =	vst v7;
	s29 =	smov.u32 s0  }
0x5bd: {  	v7 =	vld [tilespmem:s29+$0x6100];
	_ =	sdelay $0x3  }
.Ltmp58:
0x5be: {  	(pc) =	sbr.rel @!p0 .LBB2_118-.Ltmp58, $4  }
0x5bf: {  	v8 =	vmul.f32 v8, v6;
	v7 =	vmul.f32 v7, v5  }
0x5c0: {  	s30 =	sadd.s32 $0x80, s30  }
0x5c1: {  	s0 =	sand.u32 $0x70, s31;
	s2 =	sand.u32 $0x1C00, s30;
	v7 =	vadd.f32 v8, v7  }
0x5c2: {  	s31 =	sadd.s32 $0x10, s31;
	s0 =	sor.u32 s2, s0  }
0x5c3: {  	v8 =	vld [tilespmem:s0+$0xE100];
	[tilespmem:s29+$0x6100] =	vst v7  }
0x5c4: {  	v7 =	vld [tilespmem:s0+$0x6100];
	_ =	sdelay $0x4  }
0x5c5: {  	v6 =	vmul.f32 v8, v6;
	v5 =	vmul.f32 v7, v5;
	_ =	sdelay $0x1  }
0x5c6: {  	v5 =	vadd.f32 v6, v5;
	_ =	sdelay $0x1  }
0x5c7: {  	[tilespmem:s0+$0x6100] =	vst v5;
	s0 =	simm.s32 $0x0  }
0x5c8: {  	s2 =	sand.u32 $0x70, s0;
	s0 =	sand.u32 $0x1C00, s0  }
0x5c9: {  	s29 =	sor.u32 s0, s2  }
0x5ca: {  	v7 =	vld [tilespmem:s29+$0xE180]  }
0x5cb: {  	v8 =	vld [tilespmem:s29+$0x6180];
	_ =	sdelay $0x2  }
0x5cc: {  	v6 =	vbroadcast v4, $0xB;
	v5 =	vbroadcast v3, $0xB;
	_ =	sdelay $0x1  }
0x5cd: {  	v8 =	vmul.f32 v8, v5;
	v7 =	vmul.f32 v7, v6  }
0x5ce: {  	s30 =	simm.s32 $0x80;
	s2 =	simm.s32 $0x10  }
0x5cf: {  	s0 =	sand.u32 $0x70, s2;
	s2 =	sand.u32 $0x1C00, s30;
	v7 =	vadd.f32 v7, v8  }
0x5d0: {  	s31 =	simm.s32 $0x20;
	s0 =	sor.u32 s2, s0  }
.LBB2_120:
0x5d1: {  	p0 =	seq.s32 s31, $0x3F0;
	v8 =	vld [tilespmem:s0+$0xE180];
	[tilespmem:s29+$0x6180] =	vst v7;
	s29 =	smov.u32 s0  }
0x5d2: {  	v7 =	vld [tilespmem:s29+$0x6180];
	_ =	sdelay $0x3  }
.Ltmp59:
0x5d3: {  	(pc) =	sbr.rel @!p0 .LBB2_120-.Ltmp59, $4  }
0x5d4: {  	v8 =	vmul.f32 v8, v6;
	v7 =	vmul.f32 v7, v5  }
0x5d5: {  	s30 =	sadd.s32 $0x80, s30  }
0x5d6: {  	s0 =	sand.u32 $0x70, s31;
	s2 =	sand.u32 $0x1C00, s30;
	v7 =	vadd.f32 v8, v7  }
0x5d7: {  	s31 =	sadd.s32 $0x10, s31;
	s0 =	sor.u32 s2, s0  }
0x5d8: {  	v8 =	vld [tilespmem:s0+$0xE180];
	[tilespmem:s29+$0x6180] =	vst v7  }
0x5d9: {  	v7 =	vld [tilespmem:s0+$0x6180];
	_ =	sdelay $0x4  }
0x5da: {  	v6 =	vmul.f32 v8, v6;
	v5 =	vmul.f32 v7, v5;
	_ =	sdelay $0x1  }
0x5db: {  	v5 =	vadd.f32 v6, v5;
	_ =	sdelay $0x1  }
0x5dc: {  	[tilespmem:s0+$0x6180] =	vst v5;
	s0 =	simm.s32 $0x0  }
0x5dd: {  	s2 =	sand.u32 $0x70, s0;
	s0 =	sand.u32 $0x1C00, s0  }
0x5de: {  	s29 =	sor.u32 s0, s2  }
0x5df: {  	v7 =	vld [tilespmem:s29+$0xE200]  }
0x5e0: {  	v8 =	vld [tilespmem:s29+$0x6200];
	_ =	sdelay $0x2  }
0x5e1: {  	v6 =	vbroadcast v4, $0xC;
	v5 =	vbroadcast v3, $0xC;
	_ =	sdelay $0x1  }
0x5e2: {  	v8 =	vmul.f32 v8, v5;
	v7 =	vmul.f32 v7, v6  }
0x5e3: {  	s30 =	simm.s32 $0x80;
	s2 =	simm.s32 $0x10  }
0x5e4: {  	s0 =	sand.u32 $0x70, s2;
	s2 =	sand.u32 $0x1C00, s30;
	v7 =	vadd.f32 v7, v8  }
0x5e5: {  	s31 =	simm.s32 $0x20;
	s0 =	sor.u32 s2, s0  }
.LBB2_122:
0x5e6: {  	p0 =	seq.s32 s31, $0x3F0;
	v8 =	vld [tilespmem:s0+$0xE200];
	[tilespmem:s29+$0x6200] =	vst v7;
	s29 =	smov.u32 s0  }
0x5e7: {  	v7 =	vld [tilespmem:s29+$0x6200];
	_ =	sdelay $0x3  }
.Ltmp60:
0x5e8: {  	(pc) =	sbr.rel @!p0 .LBB2_122-.Ltmp60, $4  }
0x5e9: {  	v8 =	vmul.f32 v8, v6;
	v7 =	vmul.f32 v7, v5  }
0x5ea: {  	s30 =	sadd.s32 $0x80, s30  }
0x5eb: {  	s0 =	sand.u32 $0x70, s31;
	s2 =	sand.u32 $0x1C00, s30;
	v7 =	vadd.f32 v8, v7  }
0x5ec: {  	s31 =	sadd.s32 $0x10, s31;
	s0 =	sor.u32 s2, s0  }
0x5ed: {  	v8 =	vld [tilespmem:s0+$0xE200];
	[tilespmem:s29+$0x6200] =	vst v7  }
0x5ee: {  	v7 =	vld [tilespmem:s0+$0x6200];
	_ =	sdelay $0x4  }
0x5ef: {  	v6 =	vmul.f32 v8, v6;
	v5 =	vmul.f32 v7, v5;
	_ =	sdelay $0x1  }
0x5f0: {  	v5 =	vadd.f32 v6, v5;
	_ =	sdelay $0x1  }
0x5f1: {  	[tilespmem:s0+$0x6200] =	vst v5;
	s0 =	simm.s32 $0x0  }
0x5f2: {  	s2 =	sand.u32 $0x70, s0;
	s0 =	sand.u32 $0x1C00, s0  }
0x5f3: {  	s29 =	sor.u32 s0, s2  }
0x5f4: {  	v7 =	vld [tilespmem:s29+$0xE280]  }
0x5f5: {  	v8 =	vld [tilespmem:s29+$0x6280];
	_ =	sdelay $0x2  }
0x5f6: {  	v6 =	vbroadcast v4, $0xD;
	v5 =	vbroadcast v3, $0xD;
	_ =	sdelay $0x1  }
0x5f7: {  	v8 =	vmul.f32 v8, v5;
	v7 =	vmul.f32 v7, v6  }
0x5f8: {  	s30 =	simm.s32 $0x80;
	s2 =	simm.s32 $0x10  }
0x5f9: {  	s0 =	sand.u32 $0x70, s2;
	s2 =	sand.u32 $0x1C00, s30;
	v7 =	vadd.f32 v7, v8  }
0x5fa: {  	s31 =	simm.s32 $0x20;
	s0 =	sor.u32 s2, s0  }
.LBB2_124:
0x5fb: {  	p0 =	seq.s32 s31, $0x3F0;
	v8 =	vld [tilespmem:s0+$0xE280];
	[tilespmem:s29+$0x6280] =	vst v7;
	s29 =	smov.u32 s0  }
0x5fc: {  	v7 =	vld [tilespmem:s29+$0x6280];
	_ =	sdelay $0x3  }
.Ltmp61:
0x5fd: {  	(pc) =	sbr.rel @!p0 .LBB2_124-.Ltmp61, $4  }
0x5fe: {  	v8 =	vmul.f32 v8, v6;
	v7 =	vmul.f32 v7, v5  }
0x5ff: {  	s30 =	sadd.s32 $0x80, s30  }
0x600: {  	s0 =	sand.u32 $0x70, s31;
	s2 =	sand.u32 $0x1C00, s30;
	v7 =	vadd.f32 v8, v7  }
0x601: {  	s31 =	sadd.s32 $0x10, s31;
	s0 =	sor.u32 s2, s0  }
0x602: {  	v8 =	vld [tilespmem:s0+$0xE280];
	[tilespmem:s29+$0x6280] =	vst v7  }
0x603: {  	v7 =	vld [tilespmem:s0+$0x6280];
	_ =	sdelay $0x4  }
0x604: {  	v6 =	vmul.f32 v8, v6;
	v5 =	vmul.f32 v7, v5;
	_ =	sdelay $0x1  }
0x605: {  	v5 =	vadd.f32 v6, v5;
	_ =	sdelay $0x1  }
0x606: {  	[tilespmem:s0+$0x6280] =	vst v5;
	s0 =	simm.s32 $0x0  }
0x607: {  	s2 =	sand.u32 $0x70, s0;
	s0 =	sand.u32 $0x1C00, s0  }
0x608: {  	s29 =	sor.u32 s0, s2  }
0x609: {  	v7 =	vld [tilespmem:s29+$0xE300]  }
0x60a: {  	v8 =	vld [tilespmem:s29+$0x6300];
	_ =	sdelay $0x2  }
0x60b: {  	v6 =	vbroadcast v4, $0xE;
	v5 =	vbroadcast v3, $0xE;
	_ =	sdelay $0x1  }
0x60c: {  	v8 =	vmul.f32 v8, v5;
	v7 =	vmul.f32 v7, v6  }
0x60d: {  	s30 =	simm.s32 $0x80;
	s2 =	simm.s32 $0x10  }
0x60e: {  	s0 =	sand.u32 $0x70, s2;
	s2 =	sand.u32 $0x1C00, s30;
	v7 =	vadd.f32 v7, v8  }
0x60f: {  	s31 =	simm.s32 $0x20;
	s0 =	sor.u32 s2, s0  }
.LBB2_126:
0x610: {  	p0 =	seq.s32 s31, $0x3F0;
	v8 =	vld [tilespmem:s0+$0xE300];
	[tilespmem:s29+$0x6300] =	vst v7;
	s29 =	smov.u32 s0  }
0x611: {  	v7 =	vld [tilespmem:s29+$0x6300];
	_ =	sdelay $0x3  }
.Ltmp62:
0x612: {  	(pc) =	sbr.rel @!p0 .LBB2_126-.Ltmp62, $4  }
0x613: {  	v8 =	vmul.f32 v8, v6;
	v7 =	vmul.f32 v7, v5  }
0x614: {  	s30 =	sadd.s32 $0x80, s30  }
0x615: {  	s0 =	sand.u32 $0x70, s31;
	s2 =	sand.u32 $0x1C00, s30;
	v7 =	vadd.f32 v8, v7  }
0x616: {  	s31 =	sadd.s32 $0x10, s31;
	s0 =	sor.u32 s2, s0  }
0x617: {  	v8 =	vld [tilespmem:s0+$0xE300];
	[tilespmem:s29+$0x6300] =	vst v7  }
0x618: {  	v7 =	vld [tilespmem:s0+$0x6300];
	_ =	sdelay $0x4  }
0x619: {  	v6 =	vmul.f32 v8, v6;
	v5 =	vmul.f32 v7, v5;
	_ =	sdelay $0x1  }
0x61a: {  	v5 =	vadd.f32 v6, v5  }
0x61b: {  	s2 =	simm.s32 $0x0  }
0x61c: {  	[tilespmem:s0+$0x6300] =	vst v5;
	s0 =	sor.u32 s2, s2  }
0x61d: {  	s29 =	sor.u32 $0x6380, s0  }
0x61e: {  	v5 =	vld [tilespmem:s29+$0x8000]  }
0x61f: {  	v6 =	vld [tilespmem:s29+$0x0];
	_ =	sdelay $0x2  }
0x620: {  	v3 =	vbroadcast v3, $0xF;
	v4 =	vbroadcast v4, $0xF;
	_ =	sdelay $0x1  }
0x621: {  	v6 =	vmul.f32 v6, v3;
	v5 =	vmul.f32 v5, v4  }
0x622: {  	s30 =	simm.s32 $0x80;
	s2 =	simm.s32 $0x10  }
0x623: {  	s0 =	sor.u32 s30, s2;
	v5 =	vadd.f32 v5, v6  }
0x624: {  	s31 =	simm.s32 $0x20;
	s0 =	sor.u32 $0x6380, s0  }
.LBB2_128:
0x625: {  	p0 =	sne.s32 s31, $0x3F0;
	v6 =	vld [tilespmem:s0+$0x8000];
	[tilespmem:s29+$0x0] =	vst v5;
	s29 =	smov.u32 s0  }
0x626: {  	v5 =	vld [tilespmem:s29+$0x0];
	_ =	sdelay $0x3  }
.Ltmp63:
0x627: {  	(pc) =	sbr.rel @p0 .LBB2_128-.Ltmp63, $4  }
0x628: {  	v6 =	vmul.f32 v6, v4;
	v5 =	vmul.f32 v5, v3  }
0x629: {  	s30 =	sadd.s32 $0x80, s30  }
0x62a: {  	s0 =	sor.u32 s30, s31;
	v5 =	vadd.f32 v6, v5  }
0x62b: {  	s31 =	sadd.s32 $0x10, s31;
	s0 =	sor.u32 $0x6380, s0  }
0x62c: {  	v6 =	vld [tilespmem:s0+$0x8000];
	[tilespmem:s29+$0x0] =	vst v5  }
0x62d: {  	v5 =	vld [tilespmem:s0+$0x0];
	_ =	sdelay $0x4  }
0x62e: {  	v4 =	vmul.f32 v6, v4;
	v3 =	vmul.f32 v5, v3;
	_ =	sdelay $0x1  }
0x62f: {  	s28 =	sadd.s32 $0x1, s28;
	v3 =	vadd.f32 v4, v3  }
0x630: {  	p0 =	sne.s32 s28, s17  }
.Ltmp64:
0x631: {  	[tilespmem:s0+$0x0] =	vst v3;
	(pc) =	sbr.rel @p0 .LBB2_1-.Ltmp64, $4  }
0x632: {  	[hbm4b:s16+s1] =	stream.linear.scatter [tilespmem:s1], [sflag:$0x2], $0x8000, $0x38;
	[tilespmem:$0x10200] =	vst v63  }
0x633: {  	_ =	swait.ge [sflag:s19], $0x8000  }
0x634: {  	[sflag:s19] =	ssyncset.done $0x0  }
0x635: {  	[sflag:s19] =	ssyncadd.s32 $0xFFFF8000  }
0x636: {  	_ =	sfence.sel $0x180000  }
0x637: {  	[bflag:$0x0] =	sbarrier.arrive $0xFFFF  }
0x638: {  	_ =	strace $0x9000004A  }
0x639: {  	s0 =	stileid.u32;
	[bflag:$0x2] =	sbarrier.arrive $0xFFFF  }
0x63a: {  	p0 =	sne.s32 s0, $0x0;
	s0 =	rddreg [dreg:$0x2]  }
0x63b: {  	s0 =	sadd.s32 @!p0 $0x100000, s0  }
0x63c: {  	[sflag:s0] =	ssyncadd.tile.s32 @!p0 $0x1;
	_ =	shalt  }
.Lfunc_end2:
_tile_overlayer_lowered:
.L_overlay_start_2:
0x63d: {  	(tag) =	ssettag $0x2  }
0x63e: {  	s0 =	rddreg [dreg:$0x0];
	s2 =	stileid.u32  }
0x63f: {  	s1 =	rddreg [dreg:$0x1];
	p0 =	sne.s32 s2, $0x0  }
0x640: {  	s3 =	rddreg [dreg:$0x2];
	[bflag:$0x3] =	sbarrier.arrive $0xFFFF;
	s2 =	simm.s32 @!p0 $0x1C02  }
0x641: {  	[timem:s3], [sflag:s2] =	dma.local @!p0 [hbm:s0], s1  }
0x642: {  	s0 =	simm.s32 @!p0 $0x2  }
0x643: {  	_ =	swait.ge @!p0 [sflag:s0], s1  }
0x644: {  	s1 =	ssub.s32 @!p0 $0x0, s1;
	[sflag:s0] =	ssyncset.done @!p0 $0x0  }
0x645: {  	[sflag:s0] =	ssyncadd.s32 @!p0 s1  }
0x646: {  	[bflag:$0x3] =	sbarrier.arrive $0xFFFF  }
0x647: {  	_ =	shalt  }

</sc_bundles>
